<compile_context>
chip_gen: v7x
topology: tpu7x:2x2x1
jax: 0.10.2.dev20260603
libtpu: 0.0.44.dev20260713+nightly
codegen_flags: <defaults>
</compile_context>

<pallas_src>
import functools

import jax
import jax.numpy as jnp
from jax import lax
from jax.experimental import pallas as pl
from jax.experimental.pallas import tpu as pltpu
from jax.experimental.pallas import tpu_sc as plsc

N = 10000
E = 320000
D = 128
H = 16
C = 40

NC = 2
NS = 16
NW = NC * NS
LANES = 16

B = 128
CH = 80
EP = NW * CH * B
DUMMY = N

NG = 8
GC = CH // NG

NPAD = 10240
ZR = NPAD // NS

PR = N * LANES // 128
PRP = NPAD * LANES // 128

_mesh = plsc.VectorSubcoreMesh(
    core_axis_name="c", subcore_axis_name="s", num_cores=NC, num_subcores=NS
)

_sc_params = pltpu.CompilerParams(use_tc_tiling_on_sc=False)



@functools.partial(
    pl.kernel,
    out_type=jax.ShapeDtypeStruct((NC, NPAD, LANES), jnp.float32),
    mesh=_mesh,
    compiler_params=_sc_params,
    scratch_types=[
        pltpu.VMEM((CH, B), jnp.int32),
        pltpu.VMEM((B, LANES), jnp.float32),
        pltpu.VMEM((ZR, LANES), jnp.float32),
        pltpu.VMEM_SHARED((NPAD, LANES), jnp.float32),
        pltpu.SemaphoreType.DMA,
    ],
)
def _deg_sc(dst_hbm, out_hbm, didx_v, ones_v, zer_v, acc_sh, sem):
    c = lax.axis_index("c")
    s = lax.axis_index("s")
    w = c * NS + s

    @pl.loop(0, B)
    def _(i):
        ones_v[i, :] = jnp.full((LANES,), 1.0, jnp.float32)

    @pl.loop(0, ZR)
    def _(i):
        zer_v[i, :] = jnp.zeros((LANES,), jnp.float32)

    pltpu.sync_copy(zer_v, acc_sh.at[pl.ds(s * ZR, ZR)])
    pltpu.sync_copy(dst_hbm.at[pl.ds(w * CH, CH)], didx_v)
    plsc.subcore_barrier()

    @pl.loop(0, CH)
    def _(j):
        pltpu.async_copy(ones_v, acc_sh.at[didx_v.at[j]], sem, add=True)

    @pl.loop(0, CH)
    def _(j):
        pltpu.make_async_copy(ones_v, acc_sh.at[didx_v.at[j]], sem).wait()

    plsc.subcore_barrier()
    pltpu.sync_copy(acc_sh.at[pl.ds(s * ZR, ZR)], out_hbm.at[c, pl.ds(s * ZR, ZR)])


@functools.partial(
    pl.kernel,
    out_type=jax.ShapeDtypeStruct((NC, NPAD, LANES), jnp.float32),
    mesh=_mesh,
    compiler_params=_sc_params,
    scratch_types=[
        pltpu.VMEM((CH, B), jnp.int32),
        pltpu.VMEM((CH, B), jnp.int32),
        pltpu.VMEM((2, GC, B, LANES), jnp.float32),
        pltpu.VMEM((ZR, LANES), jnp.float32),
        pltpu.VMEM_SHARED((NPAD, LANES), jnp.float32),
        pltpu.VMEM_SHARED((NPAD, LANES), jnp.float32),
        pltpu.SemaphoreType.DMA,
        pltpu.SemaphoreType.DMA,
    ],
)
def _agg_sc(tab_hbm, src_hbm, dst_hbm, out_hbm, sidx_v, didx_v, rows_v, zer_v,
            acc_sh, tab_sh, gsem, ssem):
    c = lax.axis_index("c")
    s = lax.axis_index("s")
    w = c * NS + s

    @pl.loop(0, ZR)
    def _(i):
        zer_v[i, :] = jnp.zeros((LANES,), jnp.float32)

    pltpu.sync_copy(zer_v, acc_sh.at[pl.ds(s * ZR, ZR)])
    pltpu.sync_copy(src_hbm.at[pl.ds(w * CH, CH)], sidx_v)
    pltpu.sync_copy(dst_hbm.at[pl.ds(w * CH, CH)], didx_v)
    pltpu.sync_copy(tab_hbm.at[pl.ds(s * ZR, ZR)], tab_sh.at[pl.ds(s * ZR, ZR)])
    plsc.subcore_barrier()

    def fire_gathers(g, b):
        @pl.loop(0, GC)
        def _(k):
            pltpu.async_copy(tab_sh.at[sidx_v.at[g * GC + k]], rows_v.at[b, k],
                             gsem)

    def drain_gathers():
        @pl.loop(0, GC)
        def _(k):
            pltpu.make_async_copy(tab_sh.at[sidx_v.at[0]], rows_v.at[0, 0],
                                  gsem).wait()

    def fire_scatters(g, b):
        @pl.loop(0, GC)
        def _(k):
            pltpu.async_copy(rows_v.at[b, k], acc_sh.at[didx_v.at[g * GC + k]],
                             ssem, add=True)

    def drain_scatters():
        @pl.loop(0, GC)
        def _(k):
            pltpu.make_async_copy(rows_v.at[0, 0], acc_sh.at[didx_v.at[0]],
                                  ssem).wait()

    fire_gathers(0, 0)
    for g in range(NG):
        b = g % 2
        drain_gathers()
        if g >= 1:
            drain_scatters()
        if g + 1 < NG:
            fire_gathers(g + 1, 1 - b)
        fire_scatters(g, b)
    drain_scatters()

    plsc.subcore_barrier()
    pltpu.sync_copy(acc_sh.at[pl.ds(s * ZR, ZR)], out_hbm.at[c, pl.ds(s * ZR, ZR)])



def _mm1_body(x_ref, wbig_ref, degp_ref, h1p_ref, dis_ref):
    deg = degp_ref[0] + degp_ref[1] + 1.0
    dis = lax.rsqrt(deg)
    dis_ref[...] = dis
    h = jnp.dot(x_ref[...], wbig_ref[...], preferred_element_type=jnp.float32)
    h1p_ref[...] = h * dis


def _relu_body(aggp_ref, h1p_ref, dis_ref, b1_ref, zp_ref):
    dis = dis_ref[...]
    pre = dis * (aggp_ref[0] + aggp_ref[1] + h1p_ref[...]) + b1_ref[...]
    zp_ref[...] = dis * jnp.maximum(pre, 0.0)


def _final_body(aggp_ref, zp_ref, dis_ref, w2big_ref, b2_ref, out_ref):
    t = dis_ref[...] * (aggp_ref[0] + aggp_ref[1] + zp_ref[...])
    out_ref[...] = jnp.dot(t, w2big_ref[...],
                           preferred_element_type=jnp.float32) + b2_ref[...]


def _blk(shape):
    return pl.BlockSpec(shape, lambda: tuple(0 for _ in shape))



@jax.jit
def kernel(x, edge_index, W1, b1, W2, b2):
    pad = jnp.full((EP - E,), DUMMY, jnp.int32)
    srcp = jnp.concatenate([edge_index[0], pad]).reshape(NW * CH, B)
    dstp = jnp.concatenate([edge_index[1], pad]).reshape(NW * CH, B)

    eye8 = jnp.eye(8, dtype=jnp.float32)
    wbig = jnp.kron(eye8, W1)
    w2big = jnp.kron(eye8, W2)
    b1t = jnp.tile(b1, 8).reshape(1, 128)
    b2t = jnp.tile(b2, 8).reshape(1, 320)

    degp = _deg_sc(dstp)

    x_pad = jnp.pad(x.reshape(PR, 1024), ((0, PRP - PR), (0, 0)))
    h1pp, disp = pl.pallas_call(
        _mm1_body,
        in_specs=[_blk((PRP, 1024)), _blk((1024, 128)), _blk((NC, PRP, 128))],
        out_specs=[_blk((PRP, 128)), _blk((PRP, 128))],
        out_shape=[
            jax.ShapeDtypeStruct((PRP, 128), jnp.float32),
            jax.ShapeDtypeStruct((PRP, 128), jnp.float32),
        ],
    )(x_pad, wbig, degp.reshape(NC, PRP, 128))

    agg1p = _agg_sc(h1pp.reshape(NPAD, LANES), srcp, dstp)

    zpp = pl.pallas_call(
        _relu_body,
        in_specs=[_blk((NC, PRP, 128)), _blk((PRP, 128)), _blk((PRP, 128)),
                  _blk((1, 128))],
        out_specs=_blk((PRP, 128)),
        out_shape=jax.ShapeDtypeStruct((PRP, 128), jnp.float32),
    )(agg1p.reshape(NC, PRP, 128), h1pp, disp, b1t)

    agg2p = _agg_sc(zpp.reshape(NPAD, LANES), srcp, dstp)

    outg = pl.pallas_call(
        _final_body,
        in_specs=[
            _blk((NC, PRP, 128)), _blk((PRP, 128)), _blk((PRP, 128)),
            _blk((128, 320)), _blk((1, 320)),
        ],
        out_specs=_blk((PRP, 320)),
        out_shape=jax.ShapeDtypeStruct((PRP, 320), jnp.float32),
    )(agg2p.reshape(NC, PRP, 128), zpp, disp, w2big, b2t)

    return outg.reshape(NPAD, C)[:N]

# --- scband reference (transcript-rebuilt; emitter-appended) ---
"""Pipeline reference for scband-gcn-28398323761180 (READ-ONLY COPY).

The authoritative reference and input builder live on the scoring server;
editing this copy changes nothing except your own understanding.
"""

import jax, jax.numpy as jnp
import numpy as np

N = 10000
E = 320000
D = 128
H = 16
C = 40


def gcn_conv(x, edge_index, W, b):
    # PyG GCNConv (improved=False, add_self_loops=True):
    # 1) linear transform, 2) add self loops, 3) symmetric normalization,
    # 4) scatter-add aggregation to destination nodes, 5) bias.
    num_nodes = x.shape[0]
    src = edge_index[0]
    dst = edge_index[1]
    loop = jnp.arange(num_nodes, dtype=src.dtype)
    src = jnp.concatenate([src, loop])
    dst = jnp.concatenate([dst, loop])
    deg = jnp.zeros((num_nodes,), dtype=x.dtype).at[dst].add(1.0)
    deg_inv_sqrt = jnp.where(deg > 0, deg ** -0.5, 0.0)
    norm = deg_inv_sqrt[src] * deg_inv_sqrt[dst]
    h = x @ W
    msg = h[src] * norm[:, None]
    out = jnp.zeros((num_nodes, h.shape[1]), dtype=x.dtype).at[dst].add(msg)
    return out + b


def setup_inputs(seed: int = 0):
    key = jax.random.key(seed)
    k1, k2, k3, k4 = jax.random.split(key, 4)
    x = jax.random.normal(k1, (N, D), dtype=jnp.float32)
    edge_index = jax.random.randint(k2, (2, E), 0, N, dtype=jnp.int32)
    W1 = jax.random.normal(k3, (D, H), dtype=jnp.float32) * (1.0 / np.sqrt(D))
    b1 = jnp.zeros((H,), dtype=jnp.float32)
    W2 = jax.random.normal(k4, (H, C), dtype=jnp.float32) * (1.0 / np.sqrt(H))
    b2 = jnp.zeros((C,), dtype=jnp.float32)
    return {"x": x, "edge_index": edge_index, "W1": W1, "b1": b1, "W2": W2, "b2": b2}


def reference(x, edge_index, W1, b1, W2, b2):
    h = gcn_conv(x, edge_index, W1, b1)
    h = jax.nn.relu(h)
    # F.dropout(training=self.training) is identity in eval mode
    out = gcn_conv(h, edge_index, W2, b2)
    return out

if __name__ == "__main__":
    import jax
    _d = setup_inputs()
    print(jax.jit(kernel)(*tuple(_d.values())))

</pallas_src>

<mosaic_0001>
#map = affine_map<(d0, d1) -> (0, 0)>
#map1 = affine_map<(d0, d1) -> (0, 0, 0)>
module attributes {stable_mosaic.version = 14 : i64} {
  func.func @_deg_sc(%arg0: i32, %arg1: i32, %arg2: memref<2560x128xi32, #tpu.memory_space<hbm>>, %arg3: memref<2x10240x16xf32, #tpu.memory_space<hbm>>, %arg4: memref<80x128xi32, #tpu.memory_space<vmem>>, %arg5: memref<128x16xf32, #tpu.memory_space<vmem>>, %arg6: memref<640x16xf32, #tpu.memory_space<vmem>>, %arg7: memref<10240x16xf32, #tpu.memory_space<vmem_shared>>, %arg8: memref<!tpu.dma_semaphore, #tpu.memory_space<semaphore_mem>>) attributes {dimension_semantics = [#tpu.dimension_semantics<core_parallel>, #tpu.dimension_semantics<subcore_parallel>], iteration_bounds = array<i64: 2, 16>, scalar_prefetch = 0 : i64, scratch_operands = 5 : i64, tpu.core_type = #tpu.core_type<sc_vector_subcore>, window_params = [{transform_indices = #map}, {transform_indices = #map1}]} {
    %mul3A = arith.constant 16 : i32
    %mul3A_0 = arith.muli %arg0, %mul3A : i32
    %add3A = arith.addi %mul3A_0, %arg1 : i32
    %scan3A = arith.constant 0 : i32
    %scan3A_1 = arith.constant 128 : i32
    %scan3A_2 = arith.addi %scan3A, %scan3A_1 : i32
    %scan3A_3 = arith.constant 1 : i32
    scf.for %scan3A_29 = %scan3A to %scan3A_2 step %scan3A_3  : i32 {
      %mul3A_30 = arith.constant 1 : i32
      %mul3A_31 = arith.muli %scan3A_29, %mul3A_30 : i32
      %add3A_32 = arith.constant 0 : i32
      %add3A_33 = arith.addi %add3A_32, %mul3A_31 : i32
      %broadcast_in_dim3A = arith.constant 1.000000e+00 : f32
      %broadcast_in_dim3A_34 = vector.broadcast %broadcast_in_dim3A : f32 to vector<16xf32>
      %swap3A = arith.index_cast %add3A_33 : i32 to index
      %swap3A_35 = arith.constant 0 : index
      %swap3A_36 = tpu.vector_load %arg5[%swap3A, %swap3A_35] {strides = array<i32>} : memref<128x16xf32, #tpu.memory_space<vmem>>, vector<1x16xf32>,
      %swap3A_37 = vector.shape_cast %swap3A_36 : vector<1x16xf32> to vector<16xf32>
      %swap3A_38 = vector.shape_cast %broadcast_in_dim3A_34 : vector<16xf32> to vector<1x16xf32>
      tpu.vector_store %arg5[%swap3A, %swap3A_35], %swap3A_38 {strides = array<i32>} : memref<128x16xf32, #tpu.memory_space<vmem>>, vector<1x16xf32>,
    }
    %scan3A_4 = arith.constant 128 : i32
    %scan3A_5 = arith.constant 0 : i32
    %scan3A_6 = arith.constant 640 : i32
    %scan3A_7 = arith.addi %scan3A_5, %scan3A_6 : i32
    %scan3A_8 = arith.constant 1 : i32
    scf.for %scan3A_29 = %scan3A_5 to %scan3A_7 step %scan3A_8  : i32 {
      %mul3A_30 = arith.constant 1 : i32
      %mul3A_31 = arith.muli %scan3A_29, %mul3A_30 : i32
      %add3A_32 = arith.constant 0 : i32
      %add3A_33 = arith.addi %add3A_32, %mul3A_31 : i32
      %broadcast_in_dim3A = arith.constant 0.000000e+00 : f32
      %broadcast_in_dim3A_34 = vector.broadcast %broadcast_in_dim3A : f32 to vector<16xf32>
      %swap3A = arith.index_cast %add3A_33 : i32 to index
      %swap3A_35 = arith.constant 0 : index
      %swap3A_36 = tpu.vector_load %arg6[%swap3A, %swap3A_35] {strides = array<i32>} : memref<640x16xf32, #tpu.memory_space<vmem>>, vector<1x16xf32>,
      %swap3A_37 = vector.shape_cast %swap3A_36 : vector<1x16xf32> to vector<16xf32>
      %swap3A_38 = vector.shape_cast %broadcast_in_dim3A_34 : vector<16xf32> to vector<1x16xf32>
      tpu.vector_store %arg6[%swap3A, %swap3A_35], %swap3A_38 {strides = array<i32>} : memref<640x16xf32, #tpu.memory_space<vmem>>, vector<1x16xf32>,
    }
    %scan3A_9 = arith.constant 640 : i32
    %mul3A_10 = arith.constant 640 : i32
    %mul3A_11 = arith.muli %arg1, %mul3A_10 : i32
    "tpu.region"() ({
      %run_scoped3A = tpu.sem_alloc : memref<!tpu.dma_semaphore, #tpu.memory_space<semaphore_mem>>
      %dma_start3A = arith.constant 0 : i32
      %dma_start3A_29 = tpu.memref_slice %arg7[%mul3A_11, %dma_start3A] : memref<10240x16xf32, #tpu.memory_space<vmem_shared>> -> memref<640x16xf32, #tpu.memory_space<vmem_shared>>
      %dma_start3A_30 = arith.constant 0 : i32
      %dma_start3A_31 = tpu.memref_slice %arg7[%mul3A_11, %dma_start3A_30] : memref<10240x16xf32, #tpu.memory_space<vmem_shared>> -> memref<640x16xf32, #tpu.memory_space<vmem_shared>>
      tpu.enqueue_dma source(%arg6 : memref<640x16xf32, #tpu.memory_space<vmem>>) target(%dma_start3A_31 : memref<640x16xf32, #tpu.memory_space<vmem_shared>>) target_semaphore(%run_scoped3A : memref<!tpu.dma_semaphore, #tpu.memory_space<semaphore_mem>>)
      %dma_wait3A = arith.constant 0 : i32
      %dma_wait3A_32 = tpu.memref_slice %arg7[%mul3A_11, %dma_wait3A] : memref<10240x16xf32, #tpu.memory_space<vmem_shared>> -> memref<640x16xf32, #tpu.memory_space<vmem_shared>>
      %dma_wait3A_33 = arith.constant 0 : i32
      %dma_wait3A_34 = tpu.memref_slice %arg7[%mul3A_11, %dma_wait3A_33] : memref<10240x16xf32, #tpu.memory_space<vmem_shared>> -> memref<640x16xf32, #tpu.memory_space<vmem_shared>>
      tpu.wait_dma2 semaphore(%run_scoped3A : memref<!tpu.dma_semaphore, #tpu.memory_space<semaphore_mem>>) src(%arg6 : memref<640x16xf32, #tpu.memory_space<vmem>>) dst(%dma_wait3A_34 : memref<640x16xf32, #tpu.memory_space<vmem_shared>>)
      tpu.yield
    }) : () -> ()
    %mul3A_12 = arith.constant 80 : i32
    %mul3A_13 = arith.muli %add3A, %mul3A_12 : i32
    "tpu.region"() ({
      %run_scoped3A = tpu.sem_alloc : memref<!tpu.dma_semaphore, #tpu.memory_space<semaphore_mem>>
      %dma_start3A = arith.constant 0 : i32
      %dma_start3A_29 = tpu.memref_slice %arg2[%mul3A_13, %dma_start3A] : memref<2560x128xi32, #tpu.memory_space<hbm>> -> memref<80x128xi32, #tpu.memory_space<hbm>>
      %dma_start3A_30 = arith.constant 0 : i32
      %dma_start3A_31 = tpu.memref_slice %arg2[%mul3A_13, %dma_start3A_30] : memref<2560x128xi32, #tpu.memory_space<hbm>> -> memref<80x128xi32, #tpu.memory_space<hbm>>
      tpu.enqueue_dma source(%dma_start3A_31 : memref<80x128xi32, #tpu.memory_space<hbm>>) target(%arg4 : memref<80x128xi32, #tpu.memory_space<vmem>>) target_semaphore(%run_scoped3A : memref<!tpu.dma_semaphore, #tpu.memory_space<semaphore_mem>>)
      %dma_wait3A = arith.constant 0 : i32
      %dma_wait3A_32 = tpu.memref_slice %arg2[%mul3A_13, %dma_wait3A] : memref<2560x128xi32, #tpu.memory_space<hbm>> -> memref<80x128xi32, #tpu.memory_space<hbm>>
      %dma_wait3A_33 = arith.constant 0 : i32
      %dma_wait3A_34 = tpu.memref_slice %arg2[%mul3A_13, %dma_wait3A_33] : memref<2560x128xi32, #tpu.memory_space<hbm>> -> memref<80x128xi32, #tpu.memory_space<hbm>>
      tpu.wait_dma2 semaphore(%run_scoped3A : memref<!tpu.dma_semaphore, #tpu.memory_space<semaphore_mem>>) src(%dma_wait3A_34 : memref<80x128xi32, #tpu.memory_space<hbm>>) dst(%arg4 : memref<80x128xi32, #tpu.memory_space<vmem>>)
      tpu.yield
    }) : () -> ()
    %barrier3A = arith.constant 0 : index
    tpu.barrier barrier_id(%barrier3A)
    %scan3A_14 = arith.constant 0 : i32
    %scan3A_15 = arith.constant 80 : i32
    %scan3A_16 = arith.addi %scan3A_14, %scan3A_15 : i32
    %scan3A_17 = arith.constant 1 : i32
    scf.for %scan3A_29 = %scan3A_14 to %scan3A_16 step %scan3A_17  : i32 {
      %mul3A_30 = arith.constant 1 : i32
      %mul3A_31 = arith.muli %scan3A_29, %mul3A_30 : i32
      %add3A_32 = arith.constant 0 : i32
      %add3A_33 = arith.addi %add3A_32, %mul3A_31 : i32
      %dma_start3A = arith.constant 0 : i32
      %dma_start3A_34 = tpu.memref_slice %arg4[%add3A_33, %dma_start3A] : memref<80x128xi32, #tpu.memory_space<vmem>> -> memref<1x128xi32, #tpu.memory_space<vmem>>
      %dma_start3A_35 = tpu.memref_squeeze %dma_start3A_34 : memref<1x128xi32, #tpu.memory_space<vmem>> -> memref<128xi32, #tpu.memory_space<vmem>>
      %dma_start3A_36 = arith.constant 0 : i32
      %dma_start3A_37 = arith.constant 0 : i32
      %dma_start3A_38 = tpu.memref_slice %arg7[%dma_start3A_36, %dma_start3A_37] : memref<10240x16xf32, #tpu.memory_space<vmem_shared>> -> memref<10240x16xf32, #tpu.memory_space<vmem_shared>>
      tpu.enqueue_indirect_dma source(%arg5 : memref<128x16xf32, #tpu.memory_space<vmem>>) target(%dma_start3A_38 : memref<10240x16xf32, #tpu.memory_space<vmem_shared>>) offsets(%dma_start3A_35 : memref<128xi32, #tpu.memory_space<vmem>>) semaphore(%arg8 : memref<!tpu.dma_semaphore, #tpu.memory_space<semaphore_mem>>) {add = true}
    }
    %scan3A_18 = arith.constant 80 : i32
    %scan3A_19 = arith.constant 0 : i32
    %scan3A_20 = arith.constant 80 : i32
    %scan3A_21 = arith.addi %scan3A_19, %scan3A_20 : i32
    %scan3A_22 = arith.constant 1 : i32
    scf.for %scan3A_29 = %scan3A_19 to %scan3A_21 step %scan3A_22  : i32 {
      %mul3A_30 = arith.constant 1 : i32
      %mul3A_31 = arith.muli %scan3A_29, %mul3A_30 : i32
      %add3A_32 = arith.constant 0 : i32
      %add3A_33 = arith.addi %add3A_32, %mul3A_31 : i32
      %dma_wait3A = arith.constant 0 : i32
      %dma_wait3A_34 = tpu.memref_slice %arg4[%add3A_33, %dma_wait3A] : memref<80x128xi32, #tpu.memory_space<vmem>> -> memref<1x128xi32, #tpu.memory_space<vmem>>
      %dma_wait3A_35 = tpu.memref_squeeze %dma_wait3A_34 : memref<1x128xi32, #tpu.memory_space<vmem>> -> memref<128xi32, #tpu.memory_space<vmem>>
      %dma_wait3A_36 = arith.constant 0 : i32
      %dma_wait3A_37 = arith.constant 0 : i32
      %dma_wait3A_38 = tpu.memref_slice %arg7[%dma_wait3A_36, %dma_wait3A_37] : memref<10240x16xf32, #tpu.memory_space<vmem_shared>> -> memref<10240x16xf32, #tpu.memory_space<vmem_shared>>
      tpu.wait_indirect_dma semaphore(%arg8 : memref<!tpu.dma_semaphore, #tpu.memory_space<semaphore_mem>>) src(%arg5 : memref<128x16xf32, #tpu.memory_space<vmem>>) dst(%dma_wait3A_38 : memref<10240x16xf32, #tpu.memory_space<vmem_shared>>)
    }
    %scan3A_23 = arith.constant 80 : i32
    %barrier3A_24 = arith.constant 0 : index
    tpu.barrier barrier_id(%barrier3A_24)
    %mul3A_25 = arith.constant 640 : i32
    %mul3A_26 = arith.muli %arg1, %mul3A_25 : i32
    %mul3A_27 = arith.constant 640 : i32
    %mul3A_28 = arith.muli %arg1, %mul3A_27 : i32
    "tpu.region"() ({
      %run_scoped3A = tpu.sem_alloc : memref<!tpu.dma_semaphore, #tpu.memory_space<semaphore_mem>>
      %dma_start3A = arith.constant 0 : i32
      %dma_start3A_29 = tpu.memref_slice %arg3[%arg0, %mul3A_28, %dma_start3A] : memref<2x10240x16xf32, #tpu.memory_space<hbm>> -> memref<1x640x16xf32, #tpu.memory_space<hbm>>
      %dma_start3A_30 = tpu.memref_squeeze %dma_start3A_29 : memref<1x640x16xf32, #tpu.memory_space<hbm>> -> memref<640x16xf32, #tpu.memory_space<hbm>>
      %dma_start3A_31 = arith.constant 0 : i32
      %dma_start3A_32 = tpu.memref_slice %arg7[%mul3A_26, %dma_start3A_31] : memref<10240x16xf32, #tpu.memory_space<vmem_shared>> -> memref<640x16xf32, #tpu.memory_space<vmem_shared>>
      tpu.enqueue_dma source(%dma_start3A_32 : memref<640x16xf32, #tpu.memory_space<vmem_shared>>) target(%dma_start3A_30 : memref<640x16xf32, #tpu.memory_space<hbm>>) target_semaphore(%run_scoped3A : memref<!tpu.dma_semaphore, #tpu.memory_space<semaphore_mem>>)
      %dma_wait3A = arith.constant 0 : i32
      %dma_wait3A_33 = tpu.memref_slice %arg3[%arg0, %mul3A_28, %dma_wait3A] : memref<2x10240x16xf32, #tpu.memory_space<hbm>> -> memref<1x640x16xf32, #tpu.memory_space<hbm>>
      %dma_wait3A_34 = tpu.memref_squeeze %dma_wait3A_33 : memref<1x640x16xf32, #tpu.memory_space<hbm>> -> memref<640x16xf32, #tpu.memory_space<hbm>>
      %dma_wait3A_35 = arith.constant 0 : i32
      %dma_wait3A_36 = tpu.memref_slice %arg7[%mul3A_26, %dma_wait3A_35] : memref<10240x16xf32, #tpu.memory_space<vmem_shared>> -> memref<640x16xf32, #tpu.memory_space<vmem_shared>>
      tpu.wait_dma2 semaphore(%run_scoped3A : memref<!tpu.dma_semaphore, #tpu.memory_space<semaphore_mem>>) src(%dma_wait3A_36 : memref<640x16xf32, #tpu.memory_space<vmem_shared>>) dst(%dma_wait3A_34 : memref<640x16xf32, #tpu.memory_space<hbm>>)
      tpu.yield
    }) : () -> ()
    return
  }
}

#map = affine_map<(d0, d1) -> (0, 0)>
#map1 = affine_map<(d0, d1) -> (0, 0, 0)>
module attributes {stable_mosaic.version = 14 : i64} {
  func.func @_agg_sc(%arg0: i32, %arg1: i32, %arg2: memref<10240x16xf32, #tpu.memory_space<hbm>>, %arg3: memref<2560x128xi32, #tpu.memory_space<hbm>>, %arg4: memref<2560x128xi32, #tpu.memory_space<hbm>>, %arg5: memref<2x10240x16xf32, #tpu.memory_space<hbm>>, %arg6: memref<80x128xi32, #tpu.memory_space<vmem>>, %arg7: memref<80x128xi32, #tpu.memory_space<vmem>>, %arg8: memref<2x10x128x16xf32, #tpu.memory_space<vmem>>, %arg9: memref<640x16xf32, #tpu.memory_space<vmem>>, %arg10: memref<10240x16xf32, #tpu.memory_space<vmem_shared>>, %arg11: memref<10240x16xf32, #tpu.memory_space<vmem_shared>>, %arg12: memref<!tpu.dma_semaphore, #tpu.memory_space<semaphore_mem>>, %arg13: memref<!tpu.dma_semaphore, #tpu.memory_space<semaphore_mem>>) attributes {dimension_semantics = [#tpu.dimension_semantics<core_parallel>, #tpu.dimension_semantics<subcore_parallel>], iteration_bounds = array<i64: 2, 16>, scalar_prefetch = 0 : i64, scratch_operands = 8 : i64, tpu.core_type = #tpu.core_type<sc_vector_subcore>, window_params = [{transform_indices = #map}, {transform_indices = #map}, {transform_indices = #map}, {transform_indices = #map1}]} {
    %mul3A = arith.constant 16 : i32
    %mul3A_0 = arith.muli %arg0, %mul3A : i32
    %add3A = arith.addi %mul3A_0, %arg1 : i32
    %scan3A = arith.constant 0 : i32
    %scan3A_1 = arith.constant 640 : i32
    %scan3A_2 = arith.addi %scan3A, %scan3A_1 : i32
    %scan3A_3 = arith.constant 1 : i32
    scf.for %scan3A_180 = %scan3A to %scan3A_2 step %scan3A_3  : i32 {
      %mul3A_181 = arith.constant 1 : i32
      %mul3A_182 = arith.muli %scan3A_180, %mul3A_181 : i32
      %add3A_183 = arith.constant 0 : i32
      %add3A_184 = arith.addi %add3A_183, %mul3A_182 : i32
      %broadcast_in_dim3A = arith.constant 0.000000e+00 : f32
      %broadcast_in_dim3A_185 = vector.broadcast %broadcast_in_dim3A : f32 to vector<16xf32>
      %swap3A = arith.index_cast %add3A_184 : i32 to index
      %swap3A_186 = arith.constant 0 : index
      %swap3A_187 = tpu.vector_load %arg9[%swap3A, %swap3A_186] {strides = array<i32>} : memref<640x16xf32, #tpu.memory_space<vmem>>, vector<1x16xf32>,
      %swap3A_188 = vector.shape_cast %swap3A_187 : vector<1x16xf32> to vector<16xf32>
      %swap3A_189 = vector.shape_cast %broadcast_in_dim3A_185 : vector<16xf32> to vector<1x16xf32>
      tpu.vector_store %arg9[%swap3A, %swap3A_186], %swap3A_189 {strides = array<i32>} : memref<640x16xf32, #tpu.memory_space<vmem>>, vector<1x16xf32>,
    }
    %scan3A_4 = arith.constant 640 : i32
    %mul3A_5 = arith.constant 640 : i32
    %mul3A_6 = arith.muli %arg1, %mul3A_5 : i32
    "tpu.region"() ({
      %run_scoped3A = tpu.sem_alloc : memref<!tpu.dma_semaphore, #tpu.memory_space<semaphore_mem>>
      %dma_start3A = arith.constant 0 : i32
      %dma_start3A_180 = tpu.memref_slice %arg10[%mul3A_6, %dma_start3A] : memref<10240x16xf32, #tpu.memory_space<vmem_shared>> -> memref<640x16xf32, #tpu.memory_space<vmem_shared>>
      %dma_start3A_181 = arith.constant 0 : i32
      %dma_start3A_182 = tpu.memref_slice %arg10[%mul3A_6, %dma_start3A_181] : memref<10240x16xf32, #tpu.memory_space<vmem_shared>> -> memref<640x16xf32, #tpu.memory_space<vmem_shared>>
      tpu.enqueue_dma source(%arg9 : memref<640x16xf32, #tpu.memory_space<vmem>>) target(%dma_start3A_182 : memref<640x16xf32, #tpu.memory_space<vmem_shared>>) target_semaphore(%run_scoped3A : memref<!tpu.dma_semaphore, #tpu.memory_space<semaphore_mem>>)
      %dma_wait3A = arith.constant 0 : i32
      %dma_wait3A_183 = tpu.memref_slice %arg10[%mul3A_6, %dma_wait3A] : memref<10240x16xf32, #tpu.memory_space<vmem_shared>> -> memref<640x16xf32, #tpu.memory_space<vmem_shared>>
      %dma_wait3A_184 = arith.constant 0 : i32
      %dma_wait3A_185 = tpu.memref_slice %arg10[%mul3A_6, %dma_wait3A_184] : memref<10240x16xf32, #tpu.memory_space<vmem_shared>> -> memref<640x16xf32, #tpu.memory_space<vmem_shared>>
      tpu.wait_dma2 semaphore(%run_scoped3A : memref<!tpu.dma_semaphore, #tpu.memory_space<semaphore_mem>>) src(%arg9 : memref<640x16xf32, #tpu.memory_space<vmem>>) dst(%dma_wait3A_185 : memref<640x16xf32, #tpu.memory_space<vmem_shared>>)
      tpu.yield
    }) : () -> ()
    %mul3A_7 = arith.constant 80 : i32
    %mul3A_8 = arith.muli %add3A, %mul3A_7 : i32
    "tpu.region"() ({
      %run_scoped3A = tpu.sem_alloc : memref<!tpu.dma_semaphore, #tpu.memory_space<semaphore_mem>>
      %dma_start3A = arith.constant 0 : i32
      %dma_start3A_180 = tpu.memref_slice %arg3[%mul3A_8, %dma_start3A] : memref<2560x128xi32, #tpu.memory_space<hbm>> -> memref<80x128xi32, #tpu.memory_space<hbm>>
      %dma_start3A_181 = arith.constant 0 : i32
      %dma_start3A_182 = tpu.memref_slice %arg3[%mul3A_8, %dma_start3A_181] : memref<2560x128xi32, #tpu.memory_space<hbm>> -> memref<80x128xi32, #tpu.memory_space<hbm>>
      tpu.enqueue_dma source(%dma_start3A_182 : memref<80x128xi32, #tpu.memory_space<hbm>>) target(%arg6 : memref<80x128xi32, #tpu.memory_space<vmem>>) target_semaphore(%run_scoped3A : memref<!tpu.dma_semaphore, #tpu.memory_space<semaphore_mem>>)
      %dma_wait3A = arith.constant 0 : i32
      %dma_wait3A_183 = tpu.memref_slice %arg3[%mul3A_8, %dma_wait3A] : memref<2560x128xi32, #tpu.memory_space<hbm>> -> memref<80x128xi32, #tpu.memory_space<hbm>>
      %dma_wait3A_184 = arith.constant 0 : i32
      %dma_wait3A_185 = tpu.memref_slice %arg3[%mul3A_8, %dma_wait3A_184] : memref<2560x128xi32, #tpu.memory_space<hbm>> -> memref<80x128xi32, #tpu.memory_space<hbm>>
      tpu.wait_dma2 semaphore(%run_scoped3A : memref<!tpu.dma_semaphore, #tpu.memory_space<semaphore_mem>>) src(%dma_wait3A_185 : memref<80x128xi32, #tpu.memory_space<hbm>>) dst(%arg6 : memref<80x128xi32, #tpu.memory_space<vmem>>)
      tpu.yield
    }) : () -> ()
    %mul3A_9 = arith.constant 80 : i32
    %mul3A_10 = arith.muli %add3A, %mul3A_9 : i32
    "tpu.region"() ({
      %run_scoped3A = tpu.sem_alloc : memref<!tpu.dma_semaphore, #tpu.memory_space<semaphore_mem>>
      %dma_start3A = arith.constant 0 : i32
      %dma_start3A_180 = tpu.memref_slice %arg4[%mul3A_10, %dma_start3A] : memref<2560x128xi32, #tpu.memory_space<hbm>> -> memref<80x128xi32, #tpu.memory_space<hbm>>
      %dma_start3A_181 = arith.constant 0 : i32
      %dma_start3A_182 = tpu.memref_slice %arg4[%mul3A_10, %dma_start3A_181] : memref<2560x128xi32, #tpu.memory_space<hbm>> -> memref<80x128xi32, #tpu.memory_space<hbm>>
      tpu.enqueue_dma source(%dma_start3A_182 : memref<80x128xi32, #tpu.memory_space<hbm>>) target(%arg7 : memref<80x128xi32, #tpu.memory_space<vmem>>) target_semaphore(%run_scoped3A : memref<!tpu.dma_semaphore, #tpu.memory_space<semaphore_mem>>)
      %dma_wait3A = arith.constant 0 : i32
      %dma_wait3A_183 = tpu.memref_slice %arg4[%mul3A_10, %dma_wait3A] : memref<2560x128xi32, #tpu.memory_space<hbm>> -> memref<80x128xi32, #tpu.memory_space<hbm>>
      %dma_wait3A_184 = arith.constant 0 : i32
      %dma_wait3A_185 = tpu.memref_slice %arg4[%mul3A_10, %dma_wait3A_184] : memref<2560x128xi32, #tpu.memory_space<hbm>> -> memref<80x128xi32, #tpu.memory_space<hbm>>
      tpu.wait_dma2 semaphore(%run_scoped3A : memref<!tpu.dma_semaphore, #tpu.memory_space<semaphore_mem>>) src(%dma_wait3A_185 : memref<80x128xi32, #tpu.memory_space<hbm>>) dst(%arg7 : memref<80x128xi32, #tpu.memory_space<vmem>>)
      tpu.yield
    }) : () -> ()
    %mul3A_11 = arith.constant 640 : i32
    %mul3A_12 = arith.muli %arg1, %mul3A_11 : i32
    %mul3A_13 = arith.constant 640 : i32
    %mul3A_14 = arith.muli %arg1, %mul3A_13 : i32
    "tpu.region"() ({
      %run_scoped3A = tpu.sem_alloc : memref<!tpu.dma_semaphore, #tpu.memory_space<semaphore_mem>>
      %dma_start3A = arith.constant 0 : i32
      %dma_start3A_180 = tpu.memref_slice %arg11[%mul3A_14, %dma_start3A] : memref<10240x16xf32, #tpu.memory_space<vmem_shared>> -> memref<640x16xf32, #tpu.memory_space<vmem_shared>>
      %dma_start3A_181 = arith.constant 0 : i32
      %dma_start3A_182 = tpu.memref_slice %arg2[%mul3A_12, %dma_start3A_181] : memref<10240x16xf32, #tpu.memory_space<hbm>> -> memref<640x16xf32, #tpu.memory_space<hbm>>
      tpu.enqueue_dma source(%dma_start3A_182 : memref<640x16xf32, #tpu.memory_space<hbm>>) target(%dma_start3A_180 : memref<640x16xf32, #tpu.memory_space<vmem_shared>>) target_semaphore(%run_scoped3A : memref<!tpu.dma_semaphore, #tpu.memory_space<semaphore_mem>>)
      %dma_wait3A = arith.constant 0 : i32
      %dma_wait3A_183 = tpu.memref_slice %arg11[%mul3A_14, %dma_wait3A] : memref<10240x16xf32, #tpu.memory_space<vmem_shared>> -> memref<640x16xf32, #tpu.memory_space<vmem_shared>>
      %dma_wait3A_184 = arith.constant 0 : i32
      %dma_wait3A_185 = tpu.memref_slice %arg2[%mul3A_12, %dma_wait3A_184] : memref<10240x16xf32, #tpu.memory_space<hbm>> -> memref<640x16xf32, #tpu.memory_space<hbm>>
      tpu.wait_dma2 semaphore(%run_scoped3A : memref<!tpu.dma_semaphore, #tpu.memory_space<semaphore_mem>>) src(%dma_wait3A_185 : memref<640x16xf32, #tpu.memory_space<hbm>>) dst(%dma_wait3A_183 : memref<640x16xf32, #tpu.memory_space<vmem_shared>>)
      tpu.yield
    }) : () -> ()
    %barrier3A = arith.constant 0 : index
    tpu.barrier barrier_id(%barrier3A)
    %scan3A_15 = arith.constant 0 : i32
    %scan3A_16 = arith.constant 10 : i32
    %scan3A_17 = arith.addi %scan3A_15, %scan3A_16 : i32
    %scan3A_18 = arith.constant 1 : i32
    scf.for %scan3A_180 = %scan3A_15 to %scan3A_17 step %scan3A_18  : i32 {
      %mul3A_181 = arith.constant 1 : i32
      %mul3A_182 = arith.muli %scan3A_180, %mul3A_181 : i32
      %add3A_183 = arith.constant 0 : i32
      %add3A_184 = arith.addi %add3A_183, %mul3A_182 : i32
      %add3A_185 = arith.constant 0 : i32
      %add3A_186 = arith.addi %add3A_185, %add3A_184 : i32
      %dma_start3A = arith.constant 0 : i32
      %dma_start3A_187 = arith.constant 0 : i32
      %dma_start3A_188 = arith.constant 0 : i32
      %dma_start3A_189 = tpu.memref_slice %arg8[%dma_start3A, %add3A_184, %dma_start3A_187, %dma_start3A_188] : memref<2x10x128x16xf32, #tpu.memory_space<vmem>> -> memref<1x1x128x16xf32, #tpu.memory_space<vmem>>
      %dma_start3A_190 = tpu.memref_squeeze %dma_start3A_189 : memref<1x1x128x16xf32, #tpu.memory_space<vmem>> -> memref<128x16xf32, #tpu.memory_space<vmem>>
      %dma_start3A_191 = arith.constant 0 : i32
      %dma_start3A_192 = tpu.memref_slice %arg6[%add3A_186, %dma_start3A_191] : memref<80x128xi32, #tpu.memory_space<vmem>> -> memref<1x128xi32, #tpu.memory_space<vmem>>
      %dma_start3A_193 = tpu.memref_squeeze %dma_start3A_192 : memref<1x128xi32, #tpu.memory_space<vmem>> -> memref<128xi32, #tpu.memory_space<vmem>>
      %dma_start3A_194 = arith.constant 0 : i32
      %dma_start3A_195 = arith.constant 0 : i32
      %dma_start3A_196 = tpu.memref_slice %arg11[%dma_start3A_194, %dma_start3A_195] : memref<10240x16xf32, #tpu.memory_space<vmem_shared>> -> memref<10240x16xf32, #tpu.memory_space<vmem_shared>>
      tpu.enqueue_indirect_dma source(%dma_start3A_196 : memref<10240x16xf32, #tpu.memory_space<vmem_shared>>) target(%dma_start3A_190 : memref<128x16xf32, #tpu.memory_space<vmem>>) offsets(%dma_start3A_193 : memref<128xi32, #tpu.memory_space<vmem>>) semaphore(%arg12 : memref<!tpu.dma_semaphore, #tpu.memory_space<semaphore_mem>>)
    }
    %scan3A_19 = arith.constant 10 : i32
    %scan3A_20 = arith.constant 0 : i32
    %scan3A_21 = arith.constant 10 : i32
    %scan3A_22 = arith.addi %scan3A_20, %scan3A_21 : i32
    %scan3A_23 = arith.constant 1 : i32
    scf.for %scan3A_180 = %scan3A_20 to %scan3A_22 step %scan3A_23  : i32 {
      %mul3A_181 = arith.constant 1 : i32
      %mul3A_182 = arith.muli %scan3A_180, %mul3A_181 : i32
      %add3A_183 = arith.constant 0 : i32
      %add3A_184 = arith.addi %add3A_183, %mul3A_182 : i32
      %dma_wait3A = arith.constant 0 : i32
      %dma_wait3A_185 = arith.constant 0 : i32
      %dma_wait3A_186 = arith.constant 0 : i32
      %dma_wait3A_187 = arith.constant 0 : i32
      %dma_wait3A_188 = arith.constant 0 : i32
      %dma_wait3A_189 = tpu.memref_slice %arg8[%dma_wait3A_185, %dma_wait3A_186, %dma_wait3A_187, %dma_wait3A_188] : memref<2x10x128x16xf32, #tpu.memory_space<vmem>> -> memref<1x1x128x16xf32, #tpu.memory_space<vmem>>
      %dma_wait3A_190 = tpu.memref_squeeze %dma_wait3A_189 : memref<1x1x128x16xf32, #tpu.memory_space<vmem>> -> memref<128x16xf32, #tpu.memory_space<vmem>>
      %dma_wait3A_191 = arith.constant 0 : i32
      %dma_wait3A_192 = tpu.memref_slice %arg6[%dma_wait3A, %dma_wait3A_191] : memref<80x128xi32, #tpu.memory_space<vmem>> -> memref<1x128xi32, #tpu.memory_space<vmem>>
      %dma_wait3A_193 = tpu.memref_squeeze %dma_wait3A_192 : memref<1x128xi32, #tpu.memory_space<vmem>> -> memref<128xi32, #tpu.memory_space<vmem>>
      %dma_wait3A_194 = arith.constant 0 : i32
      %dma_wait3A_195 = arith.constant 0 : i32
      %dma_wait3A_196 = tpu.memref_slice %arg11[%dma_wait3A_194, %dma_wait3A_195] : memref<10240x16xf32, #tpu.memory_space<vmem_shared>> -> memref<10240x16xf32, #tpu.memory_space<vmem_shared>>
      tpu.wait_indirect_dma semaphore(%arg12 : memref<!tpu.dma_semaphore, #tpu.memory_space<semaphore_mem>>) src(%dma_wait3A_196 : memref<10240x16xf32, #tpu.memory_space<vmem_shared>>) dst(%dma_wait3A_190 : memref<128x16xf32, #tpu.memory_space<vmem>>)
    }
    %scan3A_24 = arith.constant 10 : i32
    %scan3A_25 = arith.constant 0 : i32
    %scan3A_26 = arith.constant 10 : i32
    %scan3A_27 = arith.addi %scan3A_25, %scan3A_26 : i32
    %scan3A_28 = arith.constant 1 : i32
    scf.for %scan3A_180 = %scan3A_25 to %scan3A_27 step %scan3A_28  : i32 {
      %mul3A_181 = arith.constant 1 : i32
      %mul3A_182 = arith.muli %scan3A_180, %mul3A_181 : i32
      %add3A_183 = arith.constant 0 : i32
      %add3A_184 = arith.addi %add3A_183, %mul3A_182 : i32
      %add3A_185 = arith.constant 10 : i32
      %add3A_186 = arith.addi %add3A_185, %add3A_184 : i32
      %dma_start3A = arith.constant 1 : i32
      %dma_start3A_187 = arith.constant 0 : i32
      %dma_start3A_188 = arith.constant 0 : i32
      %dma_start3A_189 = tpu.memref_slice %arg8[%dma_start3A, %add3A_184, %dma_start3A_187, %dma_start3A_188] : memref<2x10x128x16xf32, #tpu.memory_space<vmem>> -> memref<1x1x128x16xf32, #tpu.memory_space<vmem>>
      %dma_start3A_190 = tpu.memref_squeeze %dma_start3A_189 : memref<1x1x128x16xf32, #tpu.memory_space<vmem>> -> memref<128x16xf32, #tpu.memory_space<vmem>>
      %dma_start3A_191 = arith.constant 0 : i32
      %dma_start3A_192 = tpu.memref_slice %arg6[%add3A_186, %dma_start3A_191] : memref<80x128xi32, #tpu.memory_space<vmem>> -> memref<1x128xi32, #tpu.memory_space<vmem>>
      %dma_start3A_193 = tpu.memref_squeeze %dma_start3A_192 : memref<1x128xi32, #tpu.memory_space<vmem>> -> memref<128xi32, #tpu.memory_space<vmem>>
      %dma_start3A_194 = arith.constant 0 : i32
      %dma_start3A_195 = arith.constant 0 : i32
      %dma_start3A_196 = tpu.memref_slice %arg11[%dma_start3A_194, %dma_start3A_195] : memref<10240x16xf32, #tpu.memory_space<vmem_shared>> -> memref<10240x16xf32, #tpu.memory_space<vmem_shared>>
      tpu.enqueue_indirect_dma source(%dma_start3A_196 : memref<10240x16xf32, #tpu.memory_space<vmem_shared>>) target(%dma_start3A_190 : memref<128x16xf32, #tpu.memory_space<vmem>>) offsets(%dma_start3A_193 : memref<128xi32, #tpu.memory_space<vmem>>) semaphore(%arg12 : memref<!tpu.dma_semaphore, #tpu.memory_space<semaphore_mem>>)
    }
    %scan3A_29 = arith.constant 10 : i32
    %scan3A_30 = arith.constant 0 : i32
    %scan3A_31 = arith.constant 10 : i32
    %scan3A_32 = arith.addi %scan3A_30, %scan3A_31 : i32
    %scan3A_33 = arith.constant 1 : i32
    scf.for %scan3A_180 = %scan3A_30 to %scan3A_32 step %scan3A_33  : i32 {
      %mul3A_181 = arith.constant 1 : i32
      %mul3A_182 = arith.muli %scan3A_180, %mul3A_181 : i32
      %add3A_183 = arith.constant 0 : i32
      %add3A_184 = arith.addi %add3A_183, %mul3A_182 : i32
      %add3A_185 = arith.constant 0 : i32
      %add3A_186 = arith.addi %add3A_185, %add3A_184 : i32
      %dma_start3A = arith.constant 0 : i32
      %dma_start3A_187 = arith.constant 0 : i32
      %dma_start3A_188 = arith.constant 0 : i32
      %dma_start3A_189 = tpu.memref_slice %arg8[%dma_start3A, %add3A_184, %dma_start3A_187, %dma_start3A_188] : memref<2x10x128x16xf32, #tpu.memory_space<vmem>> -> memref<1x1x128x16xf32, #tpu.memory_space<vmem>>
      %dma_start3A_190 = tpu.memref_squeeze %dma_start3A_189 : memref<1x1x128x16xf32, #tpu.memory_space<vmem>> -> memref<128x16xf32, #tpu.memory_space<vmem>>
      %dma_start3A_191 = arith.constant 0 : i32
      %dma_start3A_192 = tpu.memref_slice %arg7[%add3A_186, %dma_start3A_191] : memref<80x128xi32, #tpu.memory_space<vmem>> -> memref<1x128xi32, #tpu.memory_space<vmem>>
      %dma_start3A_193 = tpu.memref_squeeze %dma_start3A_192 : memref<1x128xi32, #tpu.memory_space<vmem>> -> memref<128xi32, #tpu.memory_space<vmem>>
      %dma_start3A_194 = arith.constant 0 : i32
      %dma_start3A_195 = arith.constant 0 : i32
      %dma_start3A_196 = tpu.memref_slice %arg10[%dma_start3A_194, %dma_start3A_195] : memref<10240x16xf32, #tpu.memory_space<vmem_shared>> -> memref<10240x16xf32, #tpu.memory_space<vmem_shared>>
      tpu.enqueue_indirect_dma source(%dma_start3A_190 : memref<128x16xf32, #tpu.memory_space<vmem>>) target(%dma_start3A_196 : memref<10240x16xf32, #tpu.memory_space<vmem_shared>>) offsets(%dma_start3A_193 : memref<128xi32, #tpu.memory_space<vmem>>) semaphore(%arg13 : memref<!tpu.dma_semaphore, #tpu.memory_space<semaphore_mem>>) {add = true}
    }
    %scan3A_34 = arith.constant 10 : i32
    %scan3A_35 = arith.constant 0 : i32
    %scan3A_36 = arith.constant 10 : i32
    %scan3A_37 = arith.addi %scan3A_35, %scan3A_36 : i32
    %scan3A_38 = arith.constant 1 : i32
    scf.for %scan3A_180 = %scan3A_35 to %scan3A_37 step %scan3A_38  : i32 {
      %mul3A_181 = arith.constant 1 : i32
      %mul3A_182 = arith.muli %scan3A_180, %mul3A_181 : i32
      %add3A_183 = arith.constant 0 : i32
      %add3A_184 = arith.addi %add3A_183, %mul3A_182 : i32
      %dma_wait3A = arith.constant 0 : i32
      %dma_wait3A_185 = arith.constant 0 : i32
      %dma_wait3A_186 = arith.constant 0 : i32
      %dma_wait3A_187 = arith.constant 0 : i32
      %dma_wait3A_188 = arith.constant 0 : i32
      %dma_wait3A_189 = tpu.memref_slice %arg8[%dma_wait3A_185, %dma_wait3A_186, %dma_wait3A_187, %dma_wait3A_188] : memref<2x10x128x16xf32, #tpu.memory_space<vmem>> -> memref<1x1x128x16xf32, #tpu.memory_space<vmem>>
      %dma_wait3A_190 = tpu.memref_squeeze %dma_wait3A_189 : memref<1x1x128x16xf32, #tpu.memory_space<vmem>> -> memref<128x16xf32, #tpu.memory_space<vmem>>
      %dma_wait3A_191 = arith.constant 0 : i32
      %dma_wait3A_192 = tpu.memref_slice %arg6[%dma_wait3A, %dma_wait3A_191] : memref<80x128xi32, #tpu.memory_space<vmem>> -> memref<1x128xi32, #tpu.memory_space<vmem>>
      %dma_wait3A_193 = tpu.memref_squeeze %dma_wait3A_192 : memref<1x128xi32, #tpu.memory_space<vmem>> -> memref<128xi32, #tpu.memory_space<vmem>>
      %dma_wait3A_194 = arith.constant 0 : i32
      %dma_wait3A_195 = arith.constant 0 : i32
      %dma_wait3A_196 = tpu.memref_slice %arg11[%dma_wait3A_194, %dma_wait3A_195] : memref<10240x16xf32, #tpu.memory_space<vmem_shared>> -> memref<10240x16xf32, #tpu.memory_space<vmem_shared>>
      tpu.wait_indirect_dma semaphore(%arg12 : memref<!tpu.dma_semaphore, #tpu.memory_space<semaphore_mem>>) src(%dma_wait3A_196 : memref<10240x16xf32, #tpu.memory_space<vmem_shared>>) dst(%dma_wait3A_190 : memref<128x16xf32, #tpu.memory_space<vmem>>)
    }
    %scan3A_39 = arith.constant 10 : i32
    %scan3A_40 = arith.constant 0 : i32
    %scan3A_41 = arith.constant 10 : i32
    %scan3A_42 = arith.addi %scan3A_40, %scan3A_41 : i32
    %scan3A_43 = arith.constant 1 : i32
    scf.for %scan3A_180 = %scan3A_40 to %scan3A_42 step %scan3A_43  : i32 {
      %mul3A_181 = arith.constant 1 : i32
      %mul3A_182 = arith.muli %scan3A_180, %mul3A_181 : i32
      %add3A_183 = arith.constant 0 : i32
      %add3A_184 = arith.addi %add3A_183, %mul3A_182 : i32
      %dma_wait3A = arith.constant 0 : i32
      %dma_wait3A_185 = arith.constant 0 : i32
      %dma_wait3A_186 = arith.constant 0 : i32
      %dma_wait3A_187 = arith.constant 0 : i32
      %dma_wait3A_188 = arith.constant 0 : i32
      %dma_wait3A_189 = tpu.memref_slice %arg8[%dma_wait3A, %dma_wait3A_185, %dma_wait3A_187, %dma_wait3A_188] : memref<2x10x128x16xf32, #tpu.memory_space<vmem>> -> memref<1x1x128x16xf32, #tpu.memory_space<vmem>>
      %dma_wait3A_190 = tpu.memref_squeeze %dma_wait3A_189 : memref<1x1x128x16xf32, #tpu.memory_space<vmem>> -> memref<128x16xf32, #tpu.memory_space<vmem>>
      %dma_wait3A_191 = arith.constant 0 : i32
      %dma_wait3A_192 = tpu.memref_slice %arg7[%dma_wait3A_186, %dma_wait3A_191] : memref<80x128xi32, #tpu.memory_space<vmem>> -> memref<1x128xi32, #tpu.memory_space<vmem>>
      %dma_wait3A_193 = tpu.memref_squeeze %dma_wait3A_192 : memref<1x128xi32, #tpu.memory_space<vmem>> -> memref<128xi32, #tpu.memory_space<vmem>>
      %dma_wait3A_194 = arith.constant 0 : i32
      %dma_wait3A_195 = arith.constant 0 : i32
      %dma_wait3A_196 = tpu.memref_slice %arg10[%dma_wait3A_194, %dma_wait3A_195] : memref<10240x16xf32, #tpu.memory_space<vmem_shared>> -> memref<10240x16xf32, #tpu.memory_space<vmem_shared>>
      tpu.wait_indirect_dma semaphore(%arg13 : memref<!tpu.dma_semaphore, #tpu.memory_space<semaphore_mem>>) src(%dma_wait3A_190 : memref<128x16xf32, #tpu.memory_space<vmem>>) dst(%dma_wait3A_196 : memref<10240x16xf32, #tpu.memory_space<vmem_shared>>)
    }
    %scan3A_44 = arith.constant 10 : i32
    %scan3A_45 = arith.constant 0 : i32
    %scan3A_46 = arith.constant 10 : i32
    %scan3A_47 = arith.addi %scan3A_45, %scan3A_46 : i32
    %scan3A_48 = arith.constant 1 : i32
    scf.for %scan3A_180 = %scan3A_45 to %scan3A_47 step %scan3A_48  : i32 {
      %mul3A_181 = arith.constant 1 : i32
      %mul3A_182 = arith.muli %scan3A_180, %mul3A_181 : i32
      %add3A_183 = arith.constant 0 : i32
      %add3A_184 = arith.addi %add3A_183, %mul3A_182 : i32
      %add3A_185 = arith.constant 20 : i32
      %add3A_186 = arith.addi %add3A_185, %add3A_184 : i32
      %dma_start3A = arith.constant 0 : i32
      %dma_start3A_187 = arith.constant 0 : i32
      %dma_start3A_188 = arith.constant 0 : i32
      %dma_start3A_189 = tpu.memref_slice %arg8[%dma_start3A, %add3A_184, %dma_start3A_187, %dma_start3A_188] : memref<2x10x128x16xf32, #tpu.memory_space<vmem>> -> memref<1x1x128x16xf32, #tpu.memory_space<vmem>>
      %dma_start3A_190 = tpu.memref_squeeze %dma_start3A_189 : memref<1x1x128x16xf32, #tpu.memory_space<vmem>> -> memref<128x16xf32, #tpu.memory_space<vmem>>
      %dma_start3A_191 = arith.constant 0 : i32
      %dma_start3A_192 = tpu.memref_slice %arg6[%add3A_186, %dma_start3A_191] : memref<80x128xi32, #tpu.memory_space<vmem>> -> memref<1x128xi32, #tpu.memory_space<vmem>>
      %dma_start3A_193 = tpu.memref_squeeze %dma_start3A_192 : memref<1x128xi32, #tpu.memory_space<vmem>> -> memref<128xi32, #tpu.memory_space<vmem>>
      %dma_start3A_194 = arith.constant 0 : i32
      %dma_start3A_195 = arith.constant 0 : i32
      %dma_start3A_196 = tpu.memref_slice %arg11[%dma_start3A_194, %dma_start3A_195] : memref<10240x16xf32, #tpu.memory_space<vmem_shared>> -> memref<10240x16xf32, #tpu.memory_space<vmem_shared>>
      tpu.enqueue_indirect_dma source(%dma_start3A_196 : memref<10240x16xf32, #tpu.memory_space<vmem_shared>>) target(%dma_start3A_190 : memref<128x16xf32, #tpu.memory_space<vmem>>) offsets(%dma_start3A_193 : memref<128xi32, #tpu.memory_space<vmem>>) semaphore(%arg12 : memref<!tpu.dma_semaphore, #tpu.memory_space<semaphore_mem>>)
    }
    %scan3A_49 = arith.constant 10 : i32
    %scan3A_50 = arith.constant 0 : i32
    %scan3A_51 = arith.constant 10 : i32
    %scan3A_52 = arith.addi %scan3A_50, %scan3A_51 : i32
    %scan3A_53 = arith.constant 1 : i32
    scf.for %scan3A_180 = %scan3A_50 to %scan3A_52 step %scan3A_53  : i32 {
      %mul3A_181 = arith.constant 1 : i32
      %mul3A_182 = arith.muli %scan3A_180, %mul3A_181 : i32
      %add3A_183 = arith.constant 0 : i32
      %add3A_184 = arith.addi %add3A_183, %mul3A_182 : i32
      %add3A_185 = arith.constant 10 : i32
      %add3A_186 = arith.addi %add3A_185, %add3A_184 : i32
      %dma_start3A = arith.constant 1 : i32
      %dma_start3A_187 = arith.constant 0 : i32
      %dma_start3A_188 = arith.constant 0 : i32
      %dma_start3A_189 = tpu.memref_slice %arg8[%dma_start3A, %add3A_184, %dma_start3A_187, %dma_start3A_188] : memref<2x10x128x16xf32, #tpu.memory_space<vmem>> -> memref<1x1x128x16xf32, #tpu.memory_space<vmem>>
      %dma_start3A_190 = tpu.memref_squeeze %dma_start3A_189 : memref<1x1x128x16xf32, #tpu.memory_space<vmem>> -> memref<128x16xf32, #tpu.memory_space<vmem>>
      %dma_start3A_191 = arith.constant 0 : i32
      %dma_start3A_192 = tpu.memref_slice %arg7[%add3A_186, %dma_start3A_191] : memref<80x128xi32, #tpu.memory_space<vmem>> -> memref<1x128xi32, #tpu.memory_space<vmem>>
      %dma_start3A_193 = tpu.memref_squeeze %dma_start3A_192 : memref<1x128xi32, #tpu.memory_space<vmem>> -> memref<128xi32, #tpu.memory_space<vmem>>
      %dma_start3A_194 = arith.constant 0 : i32
      %dma_start3A_195 = arith.constant 0 : i32
      %dma_start3A_196 = tpu.memref_slice %arg10[%dma_start3A_194, %dma_start3A_195] : memref<10240x16xf32, #tpu.memory_space<vmem_shared>> -> memref<10240x16xf32, #tpu.memory_space<vmem_shared>>
      tpu.enqueue_indirect_dma source(%dma_start3A_190 : memref<128x16xf32, #tpu.memory_space<vmem>>) target(%dma_start3A_196 : memref<10240x16xf32, #tpu.memory_space<vmem_shared>>) offsets(%dma_start3A_193 : memref<128xi32, #tpu.memory_space<vmem>>) semaphore(%arg13 : memref<!tpu.dma_semaphore, #tpu.memory_space<semaphore_mem>>) {add = true}
    }
    %scan3A_54 = arith.constant 10 : i32
    %scan3A_55 = arith.constant 0 : i32
    %scan3A_56 = arith.constant 10 : i32
    %scan3A_57 = arith.addi %scan3A_55, %scan3A_56 : i32
    %scan3A_58 = arith.constant 1 : i32
    scf.for %scan3A_180 = %scan3A_55 to %scan3A_57 step %scan3A_58  : i32 {
      %mul3A_181 = arith.constant 1 : i32
      %mul3A_182 = arith.muli %scan3A_180, %mul3A_181 : i32
      %add3A_183 = arith.constant 0 : i32
      %add3A_184 = arith.addi %add3A_183, %mul3A_182 : i32
      %dma_wait3A = arith.constant 0 : i32
      %dma_wait3A_185 = arith.constant 0 : i32
      %dma_wait3A_186 = arith.constant 0 : i32
      %dma_wait3A_187 = arith.constant 0 : i32
      %dma_wait3A_188 = arith.constant 0 : i32
      %dma_wait3A_189 = tpu.memref_slice %arg8[%dma_wait3A_185, %dma_wait3A_186, %dma_wait3A_187, %dma_wait3A_188] : memref<2x10x128x16xf32, #tpu.memory_space<vmem>> -> memref<1x1x128x16xf32, #tpu.memory_space<vmem>>
      %dma_wait3A_190 = tpu.memref_squeeze %dma_wait3A_189 : memref<1x1x128x16xf32, #tpu.memory_space<vmem>> -> memref<128x16xf32, #tpu.memory_space<vmem>>
      %dma_wait3A_191 = arith.constant 0 : i32
      %dma_wait3A_192 = tpu.memref_slice %arg6[%dma_wait3A, %dma_wait3A_191] : memref<80x128xi32, #tpu.memory_space<vmem>> -> memref<1x128xi32, #tpu.memory_space<vmem>>
      %dma_wait3A_193 = tpu.memref_squeeze %dma_wait3A_192 : memref<1x128xi32, #tpu.memory_space<vmem>> -> memref<128xi32, #tpu.memory_space<vmem>>
      %dma_wait3A_194 = arith.constant 0 : i32
      %dma_wait3A_195 = arith.constant 0 : i32
      %dma_wait3A_196 = tpu.memref_slice %arg11[%dma_wait3A_194, %dma_wait3A_195] : memref<10240x16xf32, #tpu.memory_space<vmem_shared>> -> memref<10240x16xf32, #tpu.memory_space<vmem_shared>>
      tpu.wait_indirect_dma semaphore(%arg12 : memref<!tpu.dma_semaphore, #tpu.memory_space<semaphore_mem>>) src(%dma_wait3A_196 : memref<10240x16xf32, #tpu.memory_space<vmem_shared>>) dst(%dma_wait3A_190 : memref<128x16xf32, #tpu.memory_space<vmem>>)
    }
    %scan3A_59 = arith.constant 10 : i32
    %scan3A_60 = arith.constant 0 : i32
    %scan3A_61 = arith.constant 10 : i32
    %scan3A_62 = arith.addi %scan3A_60, %scan3A_61 : i32
    %scan3A_63 = arith.constant 1 : i32
    scf.for %scan3A_180 = %scan3A_60 to %scan3A_62 step %scan3A_63  : i32 {
      %mul3A_181 = arith.constant 1 : i32
      %mul3A_182 = arith.muli %scan3A_180, %mul3A_181 : i32
      %add3A_183 = arith.constant 0 : i32
      %add3A_184 = arith.addi %add3A_183, %mul3A_182 : i32
      %dma_wait3A = arith.constant 0 : i32
      %dma_wait3A_185 = arith.constant 0 : i32
      %dma_wait3A_186 = arith.constant 0 : i32
      %dma_wait3A_187 = arith.constant 0 : i32
      %dma_wait3A_188 = arith.constant 0 : i32
      %dma_wait3A_189 = tpu.memref_slice %arg8[%dma_wait3A, %dma_wait3A_185, %dma_wait3A_187, %dma_wait3A_188] : memref<2x10x128x16xf32, #tpu.memory_space<vmem>> -> memref<1x1x128x16xf32, #tpu.memory_space<vmem>>
      %dma_wait3A_190 = tpu.memref_squeeze %dma_wait3A_189 : memref<1x1x128x16xf32, #tpu.memory_space<vmem>> -> memref<128x16xf32, #tpu.memory_space<vmem>>
      %dma_wait3A_191 = arith.constant 0 : i32
      %dma_wait3A_192 = tpu.memref_slice %arg7[%dma_wait3A_186, %dma_wait3A_191] : memref<80x128xi32, #tpu.memory_space<vmem>> -> memref<1x128xi32, #tpu.memory_space<vmem>>
      %dma_wait3A_193 = tpu.memref_squeeze %dma_wait3A_192 : memref<1x128xi32, #tpu.memory_space<vmem>> -> memref<128xi32, #tpu.memory_space<vmem>>
      %dma_wait3A_194 = arith.constant 0 : i32
      %dma_wait3A_195 = arith.constant 0 : i32
      %dma_wait3A_196 = tpu.memref_slice %arg10[%dma_wait3A_194, %dma_wait3A_195] : memref<10240x16xf32, #tpu.memory_space<vmem_shared>> -> memref<10240x16xf32, #tpu.memory_space<vmem_shared>>
      tpu.wait_indirect_dma semaphore(%arg13 : memref<!tpu.dma_semaphore, #tpu.memory_space<semaphore_mem>>) src(%dma_wait3A_190 : memref<128x16xf32, #tpu.memory_space<vmem>>) dst(%dma_wait3A_196 : memref<10240x16xf32, #tpu.memory_space<vmem_shared>>)
    }
    %scan3A_64 = arith.constant 10 : i32
    %scan3A_65 = arith.constant 0 : i32
    %scan3A_66 = arith.constant 10 : i32
    %scan3A_67 = arith.addi %scan3A_65, %scan3A_66 : i32
    %scan3A_68 = arith.constant 1 : i32
    scf.for %scan3A_180 = %scan3A_65 to %scan3A_67 step %scan3A_68  : i32 {
      %mul3A_181 = arith.constant 1 : i32
      %mul3A_182 = arith.muli %scan3A_180, %mul3A_181 : i32
      %add3A_183 = arith.constant 0 : i32
      %add3A_184 = arith.addi %add3A_183, %mul3A_182 : i32
      %add3A_185 = arith.constant 30 : i32
      %add3A_186 = arith.addi %add3A_185, %add3A_184 : i32
      %dma_start3A = arith.constant 1 : i32
      %dma_start3A_187 = arith.constant 0 : i32
      %dma_start3A_188 = arith.constant 0 : i32
      %dma_start3A_189 = tpu.memref_slice %arg8[%dma_start3A, %add3A_184, %dma_start3A_187, %dma_start3A_188] : memref<2x10x128x16xf32, #tpu.memory_space<vmem>> -> memref<1x1x128x16xf32, #tpu.memory_space<vmem>>
      %dma_start3A_190 = tpu.memref_squeeze %dma_start3A_189 : memref<1x1x128x16xf32, #tpu.memory_space<vmem>> -> memref<128x16xf32, #tpu.memory_space<vmem>>
      %dma_start3A_191 = arith.constant 0 : i32
      %dma_start3A_192 = tpu.memref_slice %arg6[%add3A_186, %dma_start3A_191] : memref<80x128xi32, #tpu.memory_space<vmem>> -> memref<1x128xi32, #tpu.memory_space<vmem>>
      %dma_start3A_193 = tpu.memref_squeeze %dma_start3A_192 : memref<1x128xi32, #tpu.memory_space<vmem>> -> memref<128xi32, #tpu.memory_space<vmem>>
      %dma_start3A_194 = arith.constant 0 : i32
      %dma_start3A_195 = arith.constant 0 : i32
      %dma_start3A_196 = tpu.memref_slice %arg11[%dma_start3A_194, %dma_start3A_195] : memref<10240x16xf32, #tpu.memory_space<vmem_shared>> -> memref<10240x16xf32, #tpu.memory_space<vmem_shared>>
      tpu.enqueue_indirect_dma source(%dma_start3A_196 : memref<10240x16xf32, #tpu.memory_space<vmem_shared>>) target(%dma_start3A_190 : memref<128x16xf32, #tpu.memory_space<vmem>>) offsets(%dma_start3A_193 : memref<128xi32, #tpu.memory_space<vmem>>) semaphore(%arg12 : memref<!tpu.dma_semaphore, #tpu.memory_space<semaphore_mem>>)
    }
    %scan3A_69 = arith.constant 10 : i32
    %scan3A_70 = arith.constant 0 : i32
    %scan3A_71 = arith.constant 10 : i32
    %scan3A_72 = arith.addi %scan3A_70, %scan3A_71 : i32
    %scan3A_73 = arith.constant 1 : i32
    scf.for %scan3A_180 = %scan3A_70 to %scan3A_72 step %scan3A_73  : i32 {
      %mul3A_181 = arith.constant 1 : i32
      %mul3A_182 = arith.muli %scan3A_180, %mul3A_181 : i32
      %add3A_183 = arith.constant 0 : i32
      %add3A_184 = arith.addi %add3A_183, %mul3A_182 : i32
      %add3A_185 = arith.constant 20 : i32
      %add3A_186 = arith.addi %add3A_185, %add3A_184 : i32
      %dma_start3A = arith.constant 0 : i32
      %dma_start3A_187 = arith.constant 0 : i32
      %dma_start3A_188 = arith.constant 0 : i32
      %dma_start3A_189 = tpu.memref_slice %arg8[%dma_start3A, %add3A_184, %dma_start3A_187, %dma_start3A_188] : memref<2x10x128x16xf32, #tpu.memory_space<vmem>> -> memref<1x1x128x16xf32, #tpu.memory_space<vmem>>
      %dma_start3A_190 = tpu.memref_squeeze %dma_start3A_189 : memref<1x1x128x16xf32, #tpu.memory_space<vmem>> -> memref<128x16xf32, #tpu.memory_space<vmem>>
      %dma_start3A_191 = arith.constant 0 : i32
      %dma_start3A_192 = tpu.memref_slice %arg7[%add3A_186, %dma_start3A_191] : memref<80x128xi32, #tpu.memory_space<vmem>> -> memref<1x128xi32, #tpu.memory_space<vmem>>
      %dma_start3A_193 = tpu.memref_squeeze %dma_start3A_192 : memref<1x128xi32, #tpu.memory_space<vmem>> -> memref<128xi32, #tpu.memory_space<vmem>>
      %dma_start3A_194 = arith.constant 0 : i32
      %dma_start3A_195 = arith.constant 0 : i32
      %dma_start3A_196 = tpu.memref_slice %arg10[%dma_start3A_194, %dma_start3A_195] : memref<10240x16xf32, #tpu.memory_space<vmem_shared>> -> memref<10240x16xf32, #tpu.memory_space<vmem_shared>>
      tpu.enqueue_indirect_dma source(%dma_start3A_190 : memref<128x16xf32, #tpu.memory_space<vmem>>) target(%dma_start3A_196 : memref<10240x16xf32, #tpu.memory_space<vmem_shared>>) offsets(%dma_start3A_193 : memref<128xi32, #tpu.memory_space<vmem>>) semaphore(%arg13 : memref<!tpu.dma_semaphore, #tpu.memory_space<semaphore_mem>>) {add = true}
    }
    %scan3A_74 = arith.constant 10 : i32
    %scan3A_75 = arith.constant 0 : i32
    %scan3A_76 = arith.constant 10 : i32
    %scan3A_77 = arith.addi %scan3A_75, %scan3A_76 : i32
    %scan3A_78 = arith.constant 1 : i32
    scf.for %scan3A_180 = %scan3A_75 to %scan3A_77 step %scan3A_78  : i32 {
      %mul3A_181 = arith.constant 1 : i32
      %mul3A_182 = arith.muli %scan3A_180, %mul3A_181 : i32
      %add3A_183 = arith.constant 0 : i32
      %add3A_184 = arith.addi %add3A_183, %mul3A_182 : i32
      %dma_wait3A = arith.constant 0 : i32
      %dma_wait3A_185 = arith.constant 0 : i32
      %dma_wait3A_186 = arith.constant 0 : i32
      %dma_wait3A_187 = arith.constant 0 : i32
      %dma_wait3A_188 = arith.constant 0 : i32
      %dma_wait3A_189 = tpu.memref_slice %arg8[%dma_wait3A_185, %dma_wait3A_186, %dma_wait3A_187, %dma_wait3A_188] : memref<2x10x128x16xf32, #tpu.memory_space<vmem>> -> memref<1x1x128x16xf32, #tpu.memory_space<vmem>>
      %dma_wait3A_190 = tpu.memref_squeeze %dma_wait3A_189 : memref<1x1x128x16xf32, #tpu.memory_space<vmem>> -> memref<128x16xf32, #tpu.memory_space<vmem>>
      %dma_wait3A_191 = arith.constant 0 : i32
      %dma_wait3A_192 = tpu.memref_slice %arg6[%dma_wait3A, %dma_wait3A_191] : memref<80x128xi32, #tpu.memory_space<vmem>> -> memref<1x128xi32, #tpu.memory_space<vmem>>
      %dma_wait3A_193 = tpu.memref_squeeze %dma_wait3A_192 : memref<1x128xi32, #tpu.memory_space<vmem>> -> memref<128xi32, #tpu.memory_space<vmem>>
      %dma_wait3A_194 = arith.constant 0 : i32
      %dma_wait3A_195 = arith.constant 0 : i32
      %dma_wait3A_196 = tpu.memref_slice %arg11[%dma_wait3A_194, %dma_wait3A_195] : memref<10240x16xf32, #tpu.memory_space<vmem_shared>> -> memref<10240x16xf32, #tpu.memory_space<vmem_shared>>
      tpu.wait_indirect_dma semaphore(%arg12 : memref<!tpu.dma_semaphore, #tpu.memory_space<semaphore_mem>>) src(%dma_wait3A_196 : memref<10240x16xf32, #tpu.memory_space<vmem_shared>>) dst(%dma_wait3A_190 : memref<128x16xf32, #tpu.memory_space<vmem>>)
    }
    %scan3A_79 = arith.constant 10 : i32
    %scan3A_80 = arith.constant 0 : i32
    %scan3A_81 = arith.constant 10 : i32
    %scan3A_82 = arith.addi %scan3A_80, %scan3A_81 : i32
    %scan3A_83 = arith.constant 1 : i32
    scf.for %scan3A_180 = %scan3A_80 to %scan3A_82 step %scan3A_83  : i32 {
      %mul3A_181 = arith.constant 1 : i32
      %mul3A_182 = arith.muli %scan3A_180, %mul3A_181 : i32
      %add3A_183 = arith.constant 0 : i32
      %add3A_184 = arith.addi %add3A_183, %mul3A_182 : i32
      %dma_wait3A = arith.constant 0 : i32
      %dma_wait3A_185 = arith.constant 0 : i32
      %dma_wait3A_186 = arith.constant 0 : i32
      %dma_wait3A_187 = arith.constant 0 : i32
      %dma_wait3A_188 = arith.constant 0 : i32
      %dma_wait3A_189 = tpu.memref_slice %arg8[%dma_wait3A, %dma_wait3A_185, %dma_wait3A_187, %dma_wait3A_188] : memref<2x10x128x16xf32, #tpu.memory_space<vmem>> -> memref<1x1x128x16xf32, #tpu.memory_space<vmem>>
      %dma_wait3A_190 = tpu.memref_squeeze %dma_wait3A_189 : memref<1x1x128x16xf32, #tpu.memory_space<vmem>> -> memref<128x16xf32, #tpu.memory_space<vmem>>
      %dma_wait3A_191 = arith.constant 0 : i32
      %dma_wait3A_192 = tpu.memref_slice %arg7[%dma_wait3A_186, %dma_wait3A_191] : memref<80x128xi32, #tpu.memory_space<vmem>> -> memref<1x128xi32, #tpu.memory_space<vmem>>
      %dma_wait3A_193 = tpu.memref_squeeze %dma_wait3A_192 : memref<1x128xi32, #tpu.memory_space<vmem>> -> memref<128xi32, #tpu.memory_space<vmem>>
      %dma_wait3A_194 = arith.constant 0 : i32
      %dma_wait3A_195 = arith.constant 0 : i32
      %dma_wait3A_196 = tpu.memref_slice %arg10[%dma_wait3A_194, %dma_wait3A_195] : memref<10240x16xf32, #tpu.memory_space<vmem_shared>> -> memref<10240x16xf32, #tpu.memory_space<vmem_shared>>
      tpu.wait_indirect_dma semaphore(%arg13 : memref<!tpu.dma_semaphore, #tpu.memory_space<semaphore_mem>>) src(%dma_wait3A_190 : memref<128x16xf32, #tpu.memory_space<vmem>>) dst(%dma_wait3A_196 : memref<10240x16xf32, #tpu.memory_space<vmem_shared>>)
    }
    %scan3A_84 = arith.constant 10 : i32
    %scan3A_85 = arith.constant 0 : i32
    %scan3A_86 = arith.constant 10 : i32
    %scan3A_87 = arith.addi %scan3A_85, %scan3A_86 : i32
    %scan3A_88 = arith.constant 1 : i32
    scf.for %scan3A_180 = %scan3A_85 to %scan3A_87 step %scan3A_88  : i32 {
      %mul3A_181 = arith.constant 1 : i32
      %mul3A_182 = arith.muli %scan3A_180, %mul3A_181 : i32
      %add3A_183 = arith.constant 0 : i32
      %add3A_184 = arith.addi %add3A_183, %mul3A_182 : i32
      %add3A_185 = arith.constant 40 : i32
      %add3A_186 = arith.addi %add3A_185, %add3A_184 : i32
      %dma_start3A = arith.constant 0 : i32
      %dma_start3A_187 = arith.constant 0 : i32
      %dma_start3A_188 = arith.constant 0 : i32
      %dma_start3A_189 = tpu.memref_slice %arg8[%dma_start3A, %add3A_184, %dma_start3A_187, %dma_start3A_188] : memref<2x10x128x16xf32, #tpu.memory_space<vmem>> -> memref<1x1x128x16xf32, #tpu.memory_space<vmem>>
      %dma_start3A_190 = tpu.memref_squeeze %dma_start3A_189 : memref<1x1x128x16xf32, #tpu.memory_space<vmem>> -> memref<128x16xf32, #tpu.memory_space<vmem>>
      %dma_start3A_191 = arith.constant 0 : i32
      %dma_start3A_192 = tpu.memref_slice %arg6[%add3A_186, %dma_start3A_191] : memref<80x128xi32, #tpu.memory_space<vmem>> -> memref<1x128xi32, #tpu.memory_space<vmem>>
      %dma_start3A_193 = tpu.memref_squeeze %dma_start3A_192 : memref<1x128xi32, #tpu.memory_space<vmem>> -> memref<128xi32, #tpu.memory_space<vmem>>
      %dma_start3A_194 = arith.constant 0 : i32
      %dma_start3A_195 = arith.constant 0 : i32
      %dma_start3A_196 = tpu.memref_slice %arg11[%dma_start3A_194, %dma_start3A_195] : memref<10240x16xf32, #tpu.memory_space<vmem_shared>> -> memref<10240x16xf32, #tpu.memory_space<vmem_shared>>
      tpu.enqueue_indirect_dma source(%dma_start3A_196 : memref<10240x16xf32, #tpu.memory_space<vmem_shared>>) target(%dma_start3A_190 : memref<128x16xf32, #tpu.memory_space<vmem>>) offsets(%dma_start3A_193 : memref<128xi32, #tpu.memory_space<vmem>>) semaphore(%arg12 : memref<!tpu.dma_semaphore, #tpu.memory_space<semaphore_mem>>)
    }
    %scan3A_89 = arith.constant 10 : i32
    %scan3A_90 = arith.constant 0 : i32
    %scan3A_91 = arith.constant 10 : i32
    %scan3A_92 = arith.addi %scan3A_90, %scan3A_91 : i32
    %scan3A_93 = arith.constant 1 : i32
    scf.for %scan3A_180 = %scan3A_90 to %scan3A_92 step %scan3A_93  : i32 {
      %mul3A_181 = arith.constant 1 : i32
      %mul3A_182 = arith.muli %scan3A_180, %mul3A_181 : i32
      %add3A_183 = arith.constant 0 : i32
      %add3A_184 = arith.addi %add3A_183, %mul3A_182 : i32
      %add3A_185 = arith.constant 30 : i32
      %add3A_186 = arith.addi %add3A_185, %add3A_184 : i32
      %dma_start3A = arith.constant 1 : i32
      %dma_start3A_187 = arith.constant 0 : i32
      %dma_start3A_188 = arith.constant 0 : i32
      %dma_start3A_189 = tpu.memref_slice %arg8[%dma_start3A, %add3A_184, %dma_start3A_187, %dma_start3A_188] : memref<2x10x128x16xf32, #tpu.memory_space<vmem>> -> memref<1x1x128x16xf32, #tpu.memory_space<vmem>>
      %dma_start3A_190 = tpu.memref_squeeze %dma_start3A_189 : memref<1x1x128x16xf32, #tpu.memory_space<vmem>> -> memref<128x16xf32, #tpu.memory_space<vmem>>
      %dma_start3A_191 = arith.constant 0 : i32
      %dma_start3A_192 = tpu.memref_slice %arg7[%add3A_186, %dma_start3A_191] : memref<80x128xi32, #tpu.memory_space<vmem>> -> memref<1x128xi32, #tpu.memory_space<vmem>>
      %dma_start3A_193 = tpu.memref_squeeze %dma_start3A_192 : memref<1x128xi32, #tpu.memory_space<vmem>> -> memref<128xi32, #tpu.memory_space<vmem>>
      %dma_start3A_194 = arith.constant 0 : i32
      %dma_start3A_195 = arith.constant 0 : i32
      %dma_start3A_196 = tpu.memref_slice %arg10[%dma_start3A_194, %dma_start3A_195] : memref<10240x16xf32, #tpu.memory_space<vmem_shared>> -> memref<10240x16xf32, #tpu.memory_space<vmem_shared>>
      tpu.enqueue_indirect_dma source(%dma_start3A_190 : memref<128x16xf32, #tpu.memory_space<vmem>>) target(%dma_start3A_196 : memref<10240x16xf32, #tpu.memory_space<vmem_shared>>) offsets(%dma_start3A_193 : memref<128xi32, #tpu.memory_space<vmem>>) semaphore(%arg13 : memref<!tpu.dma_semaphore, #tpu.memory_space<semaphore_mem>>) {add = true}
    }
    %scan3A_94 = arith.constant 10 : i32
    %scan3A_95 = arith.constant 0 : i32
    %scan3A_96 = arith.constant 10 : i32
    %scan3A_97 = arith.addi %scan3A_95, %scan3A_96 : i32
    %scan3A_98 = arith.constant 1 : i32
    scf.for %scan3A_180 = %scan3A_95 to %scan3A_97 step %scan3A_98  : i32 {
      %mul3A_181 = arith.constant 1 : i32
      %mul3A_182 = arith.muli %scan3A_180, %mul3A_181 : i32
      %add3A_183 = arith.constant 0 : i32
      %add3A_184 = arith.addi %add3A_183, %mul3A_182 : i32
      %dma_wait3A = arith.constant 0 : i32
      %dma_wait3A_185 = arith.constant 0 : i32
      %dma_wait3A_186 = arith.constant 0 : i32
      %dma_wait3A_187 = arith.constant 0 : i32
      %dma_wait3A_188 = arith.constant 0 : i32
      %dma_wait3A_189 = tpu.memref_slice %arg8[%dma_wait3A_185, %dma_wait3A_186, %dma_wait3A_187, %dma_wait3A_188] : memref<2x10x128x16xf32, #tpu.memory_space<vmem>> -> memref<1x1x128x16xf32, #tpu.memory_space<vmem>>
      %dma_wait3A_190 = tpu.memref_squeeze %dma_wait3A_189 : memref<1x1x128x16xf32, #tpu.memory_space<vmem>> -> memref<128x16xf32, #tpu.memory_space<vmem>>
      %dma_wait3A_191 = arith.constant 0 : i32
      %dma_wait3A_192 = tpu.memref_slice %arg6[%dma_wait3A, %dma_wait3A_191] : memref<80x128xi32, #tpu.memory_space<vmem>> -> memref<1x128xi32, #tpu.memory_space<vmem>>
      %dma_wait3A_193 = tpu.memref_squeeze %dma_wait3A_192 : memref<1x128xi32, #tpu.memory_space<vmem>> -> memref<128xi32, #tpu.memory_space<vmem>>
      %dma_wait3A_194 = arith.constant 0 : i32
      %dma_wait3A_195 = arith.constant 0 : i32
      %dma_wait3A_196 = tpu.memref_slice %arg11[%dma_wait3A_194, %dma_wait3A_195] : memref<10240x16xf32, #tpu.memory_space<vmem_shared>> -> memref<10240x16xf32, #tpu.memory_space<vmem_shared>>
      tpu.wait_indirect_dma semaphore(%arg12 : memref<!tpu.dma_semaphore, #tpu.memory_space<semaphore_mem>>) src(%dma_wait3A_196 : memref<10240x16xf32, #tpu.memory_space<vmem_shared>>) dst(%dma_wait3A_190 : memref<128x16xf32, #tpu.memory_space<vmem>>)
    }
    %scan3A_99 = arith.constant 10 : i32
    %scan3A_100 = arith.constant 0 : i32
    %scan3A_101 = arith.constant 10 : i32
    %scan3A_102 = arith.addi %scan3A_100, %scan3A_101 : i32
    %scan3A_103 = arith.constant 1 : i32
    scf.for %scan3A_180 = %scan3A_100 to %scan3A_102 step %scan3A_103  : i32 {
      %mul3A_181 = arith.constant 1 : i32
      %mul3A_182 = arith.muli %scan3A_180, %mul3A_181 : i32
      %add3A_183 = arith.constant 0 : i32
      %add3A_184 = arith.addi %add3A_183, %mul3A_182 : i32
      %dma_wait3A = arith.constant 0 : i32
      %dma_wait3A_185 = arith.constant 0 : i32
      %dma_wait3A_186 = arith.constant 0 : i32
      %dma_wait3A_187 = arith.constant 0 : i32
      %dma_wait3A_188 = arith.constant 0 : i32
      %dma_wait3A_189 = tpu.memref_slice %arg8[%dma_wait3A, %dma_wait3A_185, %dma_wait3A_187, %dma_wait3A_188] : memref<2x10x128x16xf32, #tpu.memory_space<vmem>> -> memref<1x1x128x16xf32, #tpu.memory_space<vmem>>
      %dma_wait3A_190 = tpu.memref_squeeze %dma_wait3A_189 : memref<1x1x128x16xf32, #tpu.memory_space<vmem>> -> memref<128x16xf32, #tpu.memory_space<vmem>>
      %dma_wait3A_191 = arith.constant 0 : i32
      %dma_wait3A_192 = tpu.memref_slice %arg7[%dma_wait3A_186, %dma_wait3A_191] : memref<80x128xi32, #tpu.memory_space<vmem>> -> memref<1x128xi32, #tpu.memory_space<vmem>>
      %dma_wait3A_193 = tpu.memref_squeeze %dma_wait3A_192 : memref<1x128xi32, #tpu.memory_space<vmem>> -> memref<128xi32, #tpu.memory_space<vmem>>
      %dma_wait3A_194 = arith.constant 0 : i32
      %dma_wait3A_195 = arith.constant 0 : i32
      %dma_wait3A_196 = tpu.memref_slice %arg10[%dma_wait3A_194, %dma_wait3A_195] : memref<10240x16xf32, #tpu.memory_space<vmem_shared>> -> memref<10240x16xf32, #tpu.memory_space<vmem_shared>>
      tpu.wait_indirect_dma semaphore(%arg13 : memref<!tpu.dma_semaphore, #tpu.memory_space<semaphore_mem>>) src(%dma_wait3A_190 : memref<128x16xf32, #tpu.memory_space<vmem>>) dst(%dma_wait3A_196 : memref<10240x16xf32, #tpu.memory_space<vmem_shared>>)
    }
    %scan3A_104 = arith.constant 10 : i32
    %scan3A_105 = arith.constant 0 : i32
    %scan3A_106 = arith.constant 10 : i32
    %scan3A_107 = arith.addi %scan3A_105, %scan3A_106 : i32
    %scan3A_108 = arith.constant 1 : i32
    scf.for %scan3A_180 = %scan3A_105 to %scan3A_107 step %scan3A_108  : i32 {
      %mul3A_181 = arith.constant 1 : i32
      %mul3A_182 = arith.muli %scan3A_180, %mul3A_181 : i32
      %add3A_183 = arith.constant 0 : i32
      %add3A_184 = arith.addi %add3A_183, %mul3A_182 : i32
      %add3A_185 = arith.constant 50 : i32
      %add3A_186 = arith.addi %add3A_185, %add3A_184 : i32
      %dma_start3A = arith.constant 1 : i32
      %dma_start3A_187 = arith.constant 0 : i32
      %dma_start3A_188 = arith.constant 0 : i32
      %dma_start3A_189 = tpu.memref_slice %arg8[%dma_start3A, %add3A_184, %dma_start3A_187, %dma_start3A_188] : memref<2x10x128x16xf32, #tpu.memory_space<vmem>> -> memref<1x1x128x16xf32, #tpu.memory_space<vmem>>
      %dma_start3A_190 = tpu.memref_squeeze %dma_start3A_189 : memref<1x1x128x16xf32, #tpu.memory_space<vmem>> -> memref<128x16xf32, #tpu.memory_space<vmem>>
      %dma_start3A_191 = arith.constant 0 : i32
      %dma_start3A_192 = tpu.memref_slice %arg6[%add3A_186, %dma_start3A_191] : memref<80x128xi32, #tpu.memory_space<vmem>> -> memref<1x128xi32, #tpu.memory_space<vmem>>
      %dma_start3A_193 = tpu.memref_squeeze %dma_start3A_192 : memref<1x128xi32, #tpu.memory_space<vmem>> -> memref<128xi32, #tpu.memory_space<vmem>>
      %dma_start3A_194 = arith.constant 0 : i32
      %dma_start3A_195 = arith.constant 0 : i32
      %dma_start3A_196 = tpu.memref_slice %arg11[%dma_start3A_194, %dma_start3A_195] : memref<10240x16xf32, #tpu.memory_space<vmem_shared>> -> memref<10240x16xf32, #tpu.memory_space<vmem_shared>>
      tpu.enqueue_indirect_dma source(%dma_start3A_196 : memref<10240x16xf32, #tpu.memory_space<vmem_shared>>) target(%dma_start3A_190 : memref<128x16xf32, #tpu.memory_space<vmem>>) offsets(%dma_start3A_193 : memref<128xi32, #tpu.memory_space<vmem>>) semaphore(%arg12 : memref<!tpu.dma_semaphore, #tpu.memory_space<semaphore_mem>>)
    }
    %scan3A_109 = arith.constant 10 : i32
    %scan3A_110 = arith.constant 0 : i32
    %scan3A_111 = arith.constant 10 : i32
    %scan3A_112 = arith.addi %scan3A_110, %scan3A_111 : i32
    %scan3A_113 = arith.constant 1 : i32
    scf.for %scan3A_180 = %scan3A_110 to %scan3A_112 step %scan3A_113  : i32 {
      %mul3A_181 = arith.constant 1 : i32
      %mul3A_182 = arith.muli %scan3A_180, %mul3A_181 : i32
      %add3A_183 = arith.constant 0 : i32
      %add3A_184 = arith.addi %add3A_183, %mul3A_182 : i32
      %add3A_185 = arith.constant 40 : i32
      %add3A_186 = arith.addi %add3A_185, %add3A_184 : i32
      %dma_start3A = arith.constant 0 : i32
      %dma_start3A_187 = arith.constant 0 : i32
      %dma_start3A_188 = arith.constant 0 : i32
      %dma_start3A_189 = tpu.memref_slice %arg8[%dma_start3A, %add3A_184, %dma_start3A_187, %dma_start3A_188] : memref<2x10x128x16xf32, #tpu.memory_space<vmem>> -> memref<1x1x128x16xf32, #tpu.memory_space<vmem>>
      %dma_start3A_190 = tpu.memref_squeeze %dma_start3A_189 : memref<1x1x128x16xf32, #tpu.memory_space<vmem>> -> memref<128x16xf32, #tpu.memory_space<vmem>>
      %dma_start3A_191 = arith.constant 0 : i32
      %dma_start3A_192 = tpu.memref_slice %arg7[%add3A_186, %dma_start3A_191] : memref<80x128xi32, #tpu.memory_space<vmem>> -> memref<1x128xi32, #tpu.memory_space<vmem>>
      %dma_start3A_193 = tpu.memref_squeeze %dma_start3A_192 : memref<1x128xi32, #tpu.memory_space<vmem>> -> memref<128xi32, #tpu.memory_space<vmem>>
      %dma_start3A_194 = arith.constant 0 : i32
      %dma_start3A_195 = arith.constant 0 : i32
      %dma_start3A_196 = tpu.memref_slice %arg10[%dma_start3A_194, %dma_start3A_195] : memref<10240x16xf32, #tpu.memory_space<vmem_shared>> -> memref<10240x16xf32, #tpu.memory_space<vmem_shared>>
      tpu.enqueue_indirect_dma source(%dma_start3A_190 : memref<128x16xf32, #tpu.memory_space<vmem>>) target(%dma_start3A_196 : memref<10240x16xf32, #tpu.memory_space<vmem_shared>>) offsets(%dma_start3A_193 : memref<128xi32, #tpu.memory_space<vmem>>) semaphore(%arg13 : memref<!tpu.dma_semaphore, #tpu.memory_space<semaphore_mem>>) {add = true}
    }
    %scan3A_114 = arith.constant 10 : i32
    %scan3A_115 = arith.constant 0 : i32
    %scan3A_116 = arith.constant 10 : i32
    %scan3A_117 = arith.addi %scan3A_115, %scan3A_116 : i32
    %scan3A_118 = arith.constant 1 : i32
    scf.for %scan3A_180 = %scan3A_115 to %scan3A_117 step %scan3A_118  : i32 {
      %mul3A_181 = arith.constant 1 : i32
      %mul3A_182 = arith.muli %scan3A_180, %mul3A_181 : i32
      %add3A_183 = arith.constant 0 : i32
      %add3A_184 = arith.addi %add3A_183, %mul3A_182 : i32
      %dma_wait3A = arith.constant 0 : i32
      %dma_wait3A_185 = arith.constant 0 : i32
      %dma_wait3A_186 = arith.constant 0 : i32
      %dma_wait3A_187 = arith.constant 0 : i32
      %dma_wait3A_188 = arith.constant 0 : i32
      %dma_wait3A_189 = tpu.memref_slice %arg8[%dma_wait3A_185, %dma_wait3A_186, %dma_wait3A_187, %dma_wait3A_188] : memref<2x10x128x16xf32, #tpu.memory_space<vmem>> -> memref<1x1x128x16xf32, #tpu.memory_space<vmem>>
      %dma_wait3A_190 = tpu.memref_squeeze %dma_wait3A_189 : memref<1x1x128x16xf32, #tpu.memory_space<vmem>> -> memref<128x16xf32, #tpu.memory_space<vmem>>
      %dma_wait3A_191 = arith.constant 0 : i32
      %dma_wait3A_192 = tpu.memref_slice %arg6[%dma_wait3A, %dma_wait3A_191] : memref<80x128xi32, #tpu.memory_space<vmem>> -> memref<1x128xi32, #tpu.memory_space<vmem>>
      %dma_wait3A_193 = tpu.memref_squeeze %dma_wait3A_192 : memref<1x128xi32, #tpu.memory_space<vmem>> -> memref<128xi32, #tpu.memory_space<vmem>>
      %dma_wait3A_194 = arith.constant 0 : i32
      %dma_wait3A_195 = arith.constant 0 : i32
      %dma_wait3A_196 = tpu.memref_slice %arg11[%dma_wait3A_194, %dma_wait3A_195] : memref<10240x16xf32, #tpu.memory_space<vmem_shared>> -> memref<10240x16xf32, #tpu.memory_space<vmem_shared>>
      tpu.wait_indirect_dma semaphore(%arg12 : memref<!tpu.dma_semaphore, #tpu.memory_space<semaphore_mem>>) src(%dma_wait3A_196 : memref<10240x16xf32, #tpu.memory_space<vmem_shared>>) dst(%dma_wait3A_190 : memref<128x16xf32, #tpu.memory_space<vmem>>)
    }
    %scan3A_119 = arith.constant 10 : i32
    %scan3A_120 = arith.constant 0 : i32
    %scan3A_121 = arith.constant 10 : i32
    %scan3A_122 = arith.addi %scan3A_120, %scan3A_121 : i32
    %scan3A_123 = arith.constant 1 : i32
    scf.for %scan3A_180 = %scan3A_120 to %scan3A_122 step %scan3A_123  : i32 {
      %mul3A_181 = arith.constant 1 : i32
      %mul3A_182 = arith.muli %scan3A_180, %mul3A_181 : i32
      %add3A_183 = arith.constant 0 : i32
      %add3A_184 = arith.addi %add3A_183, %mul3A_182 : i32
      %dma_wait3A = arith.constant 0 : i32
      %dma_wait3A_185 = arith.constant 0 : i32
      %dma_wait3A_186 = arith.constant 0 : i32
      %dma_wait3A_187 = arith.constant 0 : i32
      %dma_wait3A_188 = arith.constant 0 : i32
      %dma_wait3A_189 = tpu.memref_slice %arg8[%dma_wait3A, %dma_wait3A_185, %dma_wait3A_187, %dma_wait3A_188] : memref<2x10x128x16xf32, #tpu.memory_space<vmem>> -> memref<1x1x128x16xf32, #tpu.memory_space<vmem>>
      %dma_wait3A_190 = tpu.memref_squeeze %dma_wait3A_189 : memref<1x1x128x16xf32, #tpu.memory_space<vmem>> -> memref<128x16xf32, #tpu.memory_space<vmem>>
      %dma_wait3A_191 = arith.constant 0 : i32
      %dma_wait3A_192 = tpu.memref_slice %arg7[%dma_wait3A_186, %dma_wait3A_191] : memref<80x128xi32, #tpu.memory_space<vmem>> -> memref<1x128xi32, #tpu.memory_space<vmem>>
      %dma_wait3A_193 = tpu.memref_squeeze %dma_wait3A_192 : memref<1x128xi32, #tpu.memory_space<vmem>> -> memref<128xi32, #tpu.memory_space<vmem>>
      %dma_wait3A_194 = arith.constant 0 : i32
      %dma_wait3A_195 = arith.constant 0 : i32
      %dma_wait3A_196 = tpu.memref_slice %arg10[%dma_wait3A_194, %dma_wait3A_195] : memref<10240x16xf32, #tpu.memory_space<vmem_shared>> -> memref<10240x16xf32, #tpu.memory_space<vmem_shared>>
      tpu.wait_indirect_dma semaphore(%arg13 : memref<!tpu.dma_semaphore, #tpu.memory_space<semaphore_mem>>) src(%dma_wait3A_190 : memref<128x16xf32, #tpu.memory_space<vmem>>) dst(%dma_wait3A_196 : memref<10240x16xf32, #tpu.memory_space<vmem_shared>>)
    }
    %scan3A_124 = arith.constant 10 : i32
    %scan3A_125 = arith.constant 0 : i32
    %scan3A_126 = arith.constant 10 : i32
    %scan3A_127 = arith.addi %scan3A_125, %scan3A_126 : i32
    %scan3A_128 = arith.constant 1 : i32
    scf.for %scan3A_180 = %scan3A_125 to %scan3A_127 step %scan3A_128  : i32 {
      %mul3A_181 = arith.constant 1 : i32
      %mul3A_182 = arith.muli %scan3A_180, %mul3A_181 : i32
      %add3A_183 = arith.constant 0 : i32
      %add3A_184 = arith.addi %add3A_183, %mul3A_182 : i32
      %add3A_185 = arith.constant 60 : i32
      %add3A_186 = arith.addi %add3A_185, %add3A_184 : i32
      %dma_start3A = arith.constant 0 : i32
      %dma_start3A_187 = arith.constant 0 : i32
      %dma_start3A_188 = arith.constant 0 : i32
      %dma_start3A_189 = tpu.memref_slice %arg8[%dma_start3A, %add3A_184, %dma_start3A_187, %dma_start3A_188] : memref<2x10x128x16xf32, #tpu.memory_space<vmem>> -> memref<1x1x128x16xf32, #tpu.memory_space<vmem>>
      %dma_start3A_190 = tpu.memref_squeeze %dma_start3A_189 : memref<1x1x128x16xf32, #tpu.memory_space<vmem>> -> memref<128x16xf32, #tpu.memory_space<vmem>>
      %dma_start3A_191 = arith.constant 0 : i32
      %dma_start3A_192 = tpu.memref_slice %arg6[%add3A_186, %dma_start3A_191] : memref<80x128xi32, #tpu.memory_space<vmem>> -> memref<1x128xi32, #tpu.memory_space<vmem>>
      %dma_start3A_193 = tpu.memref_squeeze %dma_start3A_192 : memref<1x128xi32, #tpu.memory_space<vmem>> -> memref<128xi32, #tpu.memory_space<vmem>>
      %dma_start3A_194 = arith.constant 0 : i32
      %dma_start3A_195 = arith.constant 0 : i32
      %dma_start3A_196 = tpu.memref_slice %arg11[%dma_start3A_194, %dma_start3A_195] : memref<10240x16xf32, #tpu.memory_space<vmem_shared>> -> memref<10240x16xf32, #tpu.memory_space<vmem_shared>>
      tpu.enqueue_indirect_dma source(%dma_start3A_196 : memref<10240x16xf32, #tpu.memory_space<vmem_shared>>) target(%dma_start3A_190 : memref<128x16xf32, #tpu.memory_space<vmem>>) offsets(%dma_start3A_193 : memref<128xi32, #tpu.memory_space<vmem>>) semaphore(%arg12 : memref<!tpu.dma_semaphore, #tpu.memory_space<semaphore_mem>>)
    }
    %scan3A_129 = arith.constant 10 : i32
    %scan3A_130 = arith.constant 0 : i32
    %scan3A_131 = arith.constant 10 : i32
    %scan3A_132 = arith.addi %scan3A_130, %scan3A_131 : i32
    %scan3A_133 = arith.constant 1 : i32
    scf.for %scan3A_180 = %scan3A_130 to %scan3A_132 step %scan3A_133  : i32 {
      %mul3A_181 = arith.constant 1 : i32
      %mul3A_182 = arith.muli %scan3A_180, %mul3A_181 : i32
      %add3A_183 = arith.constant 0 : i32
      %add3A_184 = arith.addi %add3A_183, %mul3A_182 : i32
      %add3A_185 = arith.constant 50 : i32
      %add3A_186 = arith.addi %add3A_185, %add3A_184 : i32
      %dma_start3A = arith.constant 1 : i32
      %dma_start3A_187 = arith.constant 0 : i32
      %dma_start3A_188 = arith.constant 0 : i32
      %dma_start3A_189 = tpu.memref_slice %arg8[%dma_start3A, %add3A_184, %dma_start3A_187, %dma_start3A_188] : memref<2x10x128x16xf32, #tpu.memory_space<vmem>> -> memref<1x1x128x16xf32, #tpu.memory_space<vmem>>
      %dma_start3A_190 = tpu.memref_squeeze %dma_start3A_189 : memref<1x1x128x16xf32, #tpu.memory_space<vmem>> -> memref<128x16xf32, #tpu.memory_space<vmem>>
      %dma_start3A_191 = arith.constant 0 : i32
      %dma_start3A_192 = tpu.memref_slice %arg7[%add3A_186, %dma_start3A_191] : memref<80x128xi32, #tpu.memory_space<vmem>> -> memref<1x128xi32, #tpu.memory_space<vmem>>
      %dma_start3A_193 = tpu.memref_squeeze %dma_start3A_192 : memref<1x128xi32, #tpu.memory_space<vmem>> -> memref<128xi32, #tpu.memory_space<vmem>>
      %dma_start3A_194 = arith.constant 0 : i32
      %dma_start3A_195 = arith.constant 0 : i32
      %dma_start3A_196 = tpu.memref_slice %arg10[%dma_start3A_194, %dma_start3A_195] : memref<10240x16xf32, #tpu.memory_space<vmem_shared>> -> memref<10240x16xf32, #tpu.memory_space<vmem_shared>>
      tpu.enqueue_indirect_dma source(%dma_start3A_190 : memref<128x16xf32, #tpu.memory_space<vmem>>) target(%dma_start3A_196 : memref<10240x16xf32, #tpu.memory_space<vmem_shared>>) offsets(%dma_start3A_193 : memref<128xi32, #tpu.memory_space<vmem>>) semaphore(%arg13 : memref<!tpu.dma_semaphore, #tpu.memory_space<semaphore_mem>>) {add = true}
    }
    %scan3A_134 = arith.constant 10 : i32
    %scan3A_135 = arith.constant 0 : i32
    %scan3A_136 = arith.constant 10 : i32
    %scan3A_137 = arith.addi %scan3A_135, %scan3A_136 : i32
    %scan3A_138 = arith.constant 1 : i32
    scf.for %scan3A_180 = %scan3A_135 to %scan3A_137 step %scan3A_138  : i32 {
      %mul3A_181 = arith.constant 1 : i32
      %mul3A_182 = arith.muli %scan3A_180, %mul3A_181 : i32
      %add3A_183 = arith.constant 0 : i32
      %add3A_184 = arith.addi %add3A_183, %mul3A_182 : i32
      %dma_wait3A = arith.constant 0 : i32
      %dma_wait3A_185 = arith.constant 0 : i32
      %dma_wait3A_186 = arith.constant 0 : i32
      %dma_wait3A_187 = arith.constant 0 : i32
      %dma_wait3A_188 = arith.constant 0 : i32
      %dma_wait3A_189 = tpu.memref_slice %arg8[%dma_wait3A_185, %dma_wait3A_186, %dma_wait3A_187, %dma_wait3A_188] : memref<2x10x128x16xf32, #tpu.memory_space<vmem>> -> memref<1x1x128x16xf32, #tpu.memory_space<vmem>>
      %dma_wait3A_190 = tpu.memref_squeeze %dma_wait3A_189 : memref<1x1x128x16xf32, #tpu.memory_space<vmem>> -> memref<128x16xf32, #tpu.memory_space<vmem>>
      %dma_wait3A_191 = arith.constant 0 : i32
      %dma_wait3A_192 = tpu.memref_slice %arg6[%dma_wait3A, %dma_wait3A_191] : memref<80x128xi32, #tpu.memory_space<vmem>> -> memref<1x128xi32, #tpu.memory_space<vmem>>
      %dma_wait3A_193 = tpu.memref_squeeze %dma_wait3A_192 : memref<1x128xi32, #tpu.memory_space<vmem>> -> memref<128xi32, #tpu.memory_space<vmem>>
      %dma_wait3A_194 = arith.constant 0 : i32
      %dma_wait3A_195 = arith.constant 0 : i32
      %dma_wait3A_196 = tpu.memref_slice %arg11[%dma_wait3A_194, %dma_wait3A_195] : memref<10240x16xf32, #tpu.memory_space<vmem_shared>> -> memref<10240x16xf32, #tpu.memory_space<vmem_shared>>
      tpu.wait_indirect_dma semaphore(%arg12 : memref<!tpu.dma_semaphore, #tpu.memory_space<semaphore_mem>>) src(%dma_wait3A_196 : memref<10240x16xf32, #tpu.memory_space<vmem_shared>>) dst(%dma_wait3A_190 : memref<128x16xf32, #tpu.memory_space<vmem>>)
    }
    %scan3A_139 = arith.constant 10 : i32
    %scan3A_140 = arith.constant 0 : i32
    %scan3A_141 = arith.constant 10 : i32
    %scan3A_142 = arith.addi %scan3A_140, %scan3A_141 : i32
    %scan3A_143 = arith.constant 1 : i32
    scf.for %scan3A_180 = %scan3A_140 to %scan3A_142 step %scan3A_143  : i32 {
      %mul3A_181 = arith.constant 1 : i32
      %mul3A_182 = arith.muli %scan3A_180, %mul3A_181 : i32
      %add3A_183 = arith.constant 0 : i32
      %add3A_184 = arith.addi %add3A_183, %mul3A_182 : i32
      %dma_wait3A = arith.constant 0 : i32
      %dma_wait3A_185 = arith.constant 0 : i32
      %dma_wait3A_186 = arith.constant 0 : i32
      %dma_wait3A_187 = arith.constant 0 : i32
      %dma_wait3A_188 = arith.constant 0 : i32
      %dma_wait3A_189 = tpu.memref_slice %arg8[%dma_wait3A, %dma_wait3A_185, %dma_wait3A_187, %dma_wait3A_188] : memref<2x10x128x16xf32, #tpu.memory_space<vmem>> -> memref<1x1x128x16xf32, #tpu.memory_space<vmem>>
      %dma_wait3A_190 = tpu.memref_squeeze %dma_wait3A_189 : memref<1x1x128x16xf32, #tpu.memory_space<vmem>> -> memref<128x16xf32, #tpu.memory_space<vmem>>
      %dma_wait3A_191 = arith.constant 0 : i32
      %dma_wait3A_192 = tpu.memref_slice %arg7[%dma_wait3A_186, %dma_wait3A_191] : memref<80x128xi32, #tpu.memory_space<vmem>> -> memref<1x128xi32, #tpu.memory_space<vmem>>
      %dma_wait3A_193 = tpu.memref_squeeze %dma_wait3A_192 : memref<1x128xi32, #tpu.memory_space<vmem>> -> memref<128xi32, #tpu.memory_space<vmem>>
      %dma_wait3A_194 = arith.constant 0 : i32
      %dma_wait3A_195 = arith.constant 0 : i32
      %dma_wait3A_196 = tpu.memref_slice %arg10[%dma_wait3A_194, %dma_wait3A_195] : memref<10240x16xf32, #tpu.memory_space<vmem_shared>> -> memref<10240x16xf32, #tpu.memory_space<vmem_shared>>
      tpu.wait_indirect_dma semaphore(%arg13 : memref<!tpu.dma_semaphore, #tpu.memory_space<semaphore_mem>>) src(%dma_wait3A_190 : memref<128x16xf32, #tpu.memory_space<vmem>>) dst(%dma_wait3A_196 : memref<10240x16xf32, #tpu.memory_space<vmem_shared>>)
    }
    %scan3A_144 = arith.constant 10 : i32
    %scan3A_145 = arith.constant 0 : i32
    %scan3A_146 = arith.constant 10 : i32
    %scan3A_147 = arith.addi %scan3A_145, %scan3A_146 : i32
    %scan3A_148 = arith.constant 1 : i32
    scf.for %scan3A_180 = %scan3A_145 to %scan3A_147 step %scan3A_148  : i32 {
      %mul3A_181 = arith.constant 1 : i32
      %mul3A_182 = arith.muli %scan3A_180, %mul3A_181 : i32
      %add3A_183 = arith.constant 0 : i32
      %add3A_184 = arith.addi %add3A_183, %mul3A_182 : i32
      %add3A_185 = arith.constant 70 : i32
      %add3A_186 = arith.addi %add3A_185, %add3A_184 : i32
      %dma_start3A = arith.constant 1 : i32
      %dma_start3A_187 = arith.constant 0 : i32
      %dma_start3A_188 = arith.constant 0 : i32
      %dma_start3A_189 = tpu.memref_slice %arg8[%dma_start3A, %add3A_184, %dma_start3A_187, %dma_start3A_188] : memref<2x10x128x16xf32, #tpu.memory_space<vmem>> -> memref<1x1x128x16xf32, #tpu.memory_space<vmem>>
      %dma_start3A_190 = tpu.memref_squeeze %dma_start3A_189 : memref<1x1x128x16xf32, #tpu.memory_space<vmem>> -> memref<128x16xf32, #tpu.memory_space<vmem>>
      %dma_start3A_191 = arith.constant 0 : i32
      %dma_start3A_192 = tpu.memref_slice %arg6[%add3A_186, %dma_start3A_191] : memref<80x128xi32, #tpu.memory_space<vmem>> -> memref<1x128xi32, #tpu.memory_space<vmem>>
      %dma_start3A_193 = tpu.memref_squeeze %dma_start3A_192 : memref<1x128xi32, #tpu.memory_space<vmem>> -> memref<128xi32, #tpu.memory_space<vmem>>
      %dma_start3A_194 = arith.constant 0 : i32
      %dma_start3A_195 = arith.constant 0 : i32
      %dma_start3A_196 = tpu.memref_slice %arg11[%dma_start3A_194, %dma_start3A_195] : memref<10240x16xf32, #tpu.memory_space<vmem_shared>> -> memref<10240x16xf32, #tpu.memory_space<vmem_shared>>
      tpu.enqueue_indirect_dma source(%dma_start3A_196 : memref<10240x16xf32, #tpu.memory_space<vmem_shared>>) target(%dma_start3A_190 : memref<128x16xf32, #tpu.memory_space<vmem>>) offsets(%dma_start3A_193 : memref<128xi32, #tpu.memory_space<vmem>>) semaphore(%arg12 : memref<!tpu.dma_semaphore, #tpu.memory_space<semaphore_mem>>)
    }
    %scan3A_149 = arith.constant 10 : i32
    %scan3A_150 = arith.constant 0 : i32
    %scan3A_151 = arith.constant 10 : i32
    %scan3A_152 = arith.addi %scan3A_150, %scan3A_151 : i32
    %scan3A_153 = arith.constant 1 : i32
    scf.for %scan3A_180 = %scan3A_150 to %scan3A_152 step %scan3A_153  : i32 {
      %mul3A_181 = arith.constant 1 : i32
      %mul3A_182 = arith.muli %scan3A_180, %mul3A_181 : i32
      %add3A_183 = arith.constant 0 : i32
      %add3A_184 = arith.addi %add3A_183, %mul3A_182 : i32
      %add3A_185 = arith.constant 60 : i32
      %add3A_186 = arith.addi %add3A_185, %add3A_184 : i32
      %dma_start3A = arith.constant 0 : i32
      %dma_start3A_187 = arith.constant 0 : i32
      %dma_start3A_188 = arith.constant 0 : i32
      %dma_start3A_189 = tpu.memref_slice %arg8[%dma_start3A, %add3A_184, %dma_start3A_187, %dma_start3A_188] : memref<2x10x128x16xf32, #tpu.memory_space<vmem>> -> memref<1x1x128x16xf32, #tpu.memory_space<vmem>>
      %dma_start3A_190 = tpu.memref_squeeze %dma_start3A_189 : memref<1x1x128x16xf32, #tpu.memory_space<vmem>> -> memref<128x16xf32, #tpu.memory_space<vmem>>
      %dma_start3A_191 = arith.constant 0 : i32
      %dma_start3A_192 = tpu.memref_slice %arg7[%add3A_186, %dma_start3A_191] : memref<80x128xi32, #tpu.memory_space<vmem>> -> memref<1x128xi32, #tpu.memory_space<vmem>>
      %dma_start3A_193 = tpu.memref_squeeze %dma_start3A_192 : memref<1x128xi32, #tpu.memory_space<vmem>> -> memref<128xi32, #tpu.memory_space<vmem>>
      %dma_start3A_194 = arith.constant 0 : i32
      %dma_start3A_195 = arith.constant 0 : i32
      %dma_start3A_196 = tpu.memref_slice %arg10[%dma_start3A_194, %dma_start3A_195] : memref<10240x16xf32, #tpu.memory_space<vmem_shared>> -> memref<10240x16xf32, #tpu.memory_space<vmem_shared>>
      tpu.enqueue_indirect_dma source(%dma_start3A_190 : memref<128x16xf32, #tpu.memory_space<vmem>>) target(%dma_start3A_196 : memref<10240x16xf32, #tpu.memory_space<vmem_shared>>) offsets(%dma_start3A_193 : memref<128xi32, #tpu.memory_space<vmem>>) semaphore(%arg13 : memref<!tpu.dma_semaphore, #tpu.memory_space<semaphore_mem>>) {add = true}
    }
    %scan3A_154 = arith.constant 10 : i32
    %scan3A_155 = arith.constant 0 : i32
    %scan3A_156 = arith.constant 10 : i32
    %scan3A_157 = arith.addi %scan3A_155, %scan3A_156 : i32
    %scan3A_158 = arith.constant 1 : i32
    scf.for %scan3A_180 = %scan3A_155 to %scan3A_157 step %scan3A_158  : i32 {
      %mul3A_181 = arith.constant 1 : i32
      %mul3A_182 = arith.muli %scan3A_180, %mul3A_181 : i32
      %add3A_183 = arith.constant 0 : i32
      %add3A_184 = arith.addi %add3A_183, %mul3A_182 : i32
      %dma_wait3A = arith.constant 0 : i32
      %dma_wait3A_185 = arith.constant 0 : i32
      %dma_wait3A_186 = arith.constant 0 : i32
      %dma_wait3A_187 = arith.constant 0 : i32
      %dma_wait3A_188 = arith.constant 0 : i32
      %dma_wait3A_189 = tpu.memref_slice %arg8[%dma_wait3A_185, %dma_wait3A_186, %dma_wait3A_187, %dma_wait3A_188] : memref<2x10x128x16xf32, #tpu.memory_space<vmem>> -> memref<1x1x128x16xf32, #tpu.memory_space<vmem>>
      %dma_wait3A_190 = tpu.memref_squeeze %dma_wait3A_189 : memref<1x1x128x16xf32, #tpu.memory_space<vmem>> -> memref<128x16xf32, #tpu.memory_space<vmem>>
      %dma_wait3A_191 = arith.constant 0 : i32
      %dma_wait3A_192 = tpu.memref_slice %arg6[%dma_wait3A, %dma_wait3A_191] : memref<80x128xi32, #tpu.memory_space<vmem>> -> memref<1x128xi32, #tpu.memory_space<vmem>>
      %dma_wait3A_193 = tpu.memref_squeeze %dma_wait3A_192 : memref<1x128xi32, #tpu.memory_space<vmem>> -> memref<128xi32, #tpu.memory_space<vmem>>
      %dma_wait3A_194 = arith.constant 0 : i32
      %dma_wait3A_195 = arith.constant 0 : i32
      %dma_wait3A_196 = tpu.memref_slice %arg11[%dma_wait3A_194, %dma_wait3A_195] : memref<10240x16xf32, #tpu.memory_space<vmem_shared>> -> memref<10240x16xf32, #tpu.memory_space<vmem_shared>>
      tpu.wait_indirect_dma semaphore(%arg12 : memref<!tpu.dma_semaphore, #tpu.memory_space<semaphore_mem>>) src(%dma_wait3A_196 : memref<10240x16xf32, #tpu.memory_space<vmem_shared>>) dst(%dma_wait3A_190 : memref<128x16xf32, #tpu.memory_space<vmem>>)
    }
    %scan3A_159 = arith.constant 10 : i32
    %scan3A_160 = arith.constant 0 : i32
    %scan3A_161 = arith.constant 10 : i32
    %scan3A_162 = arith.addi %scan3A_160, %scan3A_161 : i32
    %scan3A_163 = arith.constant 1 : i32
    scf.for %scan3A_180 = %scan3A_160 to %scan3A_162 step %scan3A_163  : i32 {
      %mul3A_181 = arith.constant 1 : i32
      %mul3A_182 = arith.muli %scan3A_180, %mul3A_181 : i32
      %add3A_183 = arith.constant 0 : i32
      %add3A_184 = arith.addi %add3A_183, %mul3A_182 : i32
      %dma_wait3A = arith.constant 0 : i32
      %dma_wait3A_185 = arith.constant 0 : i32
      %dma_wait3A_186 = arith.constant 0 : i32
      %dma_wait3A_187 = arith.constant 0 : i32
      %dma_wait3A_188 = arith.constant 0 : i32
      %dma_wait3A_189 = tpu.memref_slice %arg8[%dma_wait3A, %dma_wait3A_185, %dma_wait3A_187, %dma_wait3A_188] : memref<2x10x128x16xf32, #tpu.memory_space<vmem>> -> memref<1x1x128x16xf32, #tpu.memory_space<vmem>>
      %dma_wait3A_190 = tpu.memref_squeeze %dma_wait3A_189 : memref<1x1x128x16xf32, #tpu.memory_space<vmem>> -> memref<128x16xf32, #tpu.memory_space<vmem>>
      %dma_wait3A_191 = arith.constant 0 : i32
      %dma_wait3A_192 = tpu.memref_slice %arg7[%dma_wait3A_186, %dma_wait3A_191] : memref<80x128xi32, #tpu.memory_space<vmem>> -> memref<1x128xi32, #tpu.memory_space<vmem>>
      %dma_wait3A_193 = tpu.memref_squeeze %dma_wait3A_192 : memref<1x128xi32, #tpu.memory_space<vmem>> -> memref<128xi32, #tpu.memory_space<vmem>>
      %dma_wait3A_194 = arith.constant 0 : i32
      %dma_wait3A_195 = arith.constant 0 : i32
      %dma_wait3A_196 = tpu.memref_slice %arg10[%dma_wait3A_194, %dma_wait3A_195] : memref<10240x16xf32, #tpu.memory_space<vmem_shared>> -> memref<10240x16xf32, #tpu.memory_space<vmem_shared>>
      tpu.wait_indirect_dma semaphore(%arg13 : memref<!tpu.dma_semaphore, #tpu.memory_space<semaphore_mem>>) src(%dma_wait3A_190 : memref<128x16xf32, #tpu.memory_space<vmem>>) dst(%dma_wait3A_196 : memref<10240x16xf32, #tpu.memory_space<vmem_shared>>)
    }
    %scan3A_164 = arith.constant 10 : i32
    %scan3A_165 = arith.constant 0 : i32
    %scan3A_166 = arith.constant 10 : i32
    %scan3A_167 = arith.addi %scan3A_165, %scan3A_166 : i32
    %scan3A_168 = arith.constant 1 : i32
    scf.for %scan3A_180 = %scan3A_165 to %scan3A_167 step %scan3A_168  : i32 {
      %mul3A_181 = arith.constant 1 : i32
      %mul3A_182 = arith.muli %scan3A_180, %mul3A_181 : i32
      %add3A_183 = arith.constant 0 : i32
      %add3A_184 = arith.addi %add3A_183, %mul3A_182 : i32
      %add3A_185 = arith.constant 70 : i32
      %add3A_186 = arith.addi %add3A_185, %add3A_184 : i32
      %dma_start3A = arith.constant 1 : i32
      %dma_start3A_187 = arith.constant 0 : i32
      %dma_start3A_188 = arith.constant 0 : i32
      %dma_start3A_189 = tpu.memref_slice %arg8[%dma_start3A, %add3A_184, %dma_start3A_187, %dma_start3A_188] : memref<2x10x128x16xf32, #tpu.memory_space<vmem>> -> memref<1x1x128x16xf32, #tpu.memory_space<vmem>>
      %dma_start3A_190 = tpu.memref_squeeze %dma_start3A_189 : memref<1x1x128x16xf32, #tpu.memory_space<vmem>> -> memref<128x16xf32, #tpu.memory_space<vmem>>
      %dma_start3A_191 = arith.constant 0 : i32
      %dma_start3A_192 = tpu.memref_slice %arg7[%add3A_186, %dma_start3A_191] : memref<80x128xi32, #tpu.memory_space<vmem>> -> memref<1x128xi32, #tpu.memory_space<vmem>>
      %dma_start3A_193 = tpu.memref_squeeze %dma_start3A_192 : memref<1x128xi32, #tpu.memory_space<vmem>> -> memref<128xi32, #tpu.memory_space<vmem>>
      %dma_start3A_194 = arith.constant 0 : i32
      %dma_start3A_195 = arith.constant 0 : i32
      %dma_start3A_196 = tpu.memref_slice %arg10[%dma_start3A_194, %dma_start3A_195] : memref<10240x16xf32, #tpu.memory_space<vmem_shared>> -> memref<10240x16xf32, #tpu.memory_space<vmem_shared>>
      tpu.enqueue_indirect_dma source(%dma_start3A_190 : memref<128x16xf32, #tpu.memory_space<vmem>>) target(%dma_start3A_196 : memref<10240x16xf32, #tpu.memory_space<vmem_shared>>) offsets(%dma_start3A_193 : memref<128xi32, #tpu.memory_space<vmem>>) semaphore(%arg13 : memref<!tpu.dma_semaphore, #tpu.memory_space<semaphore_mem>>) {add = true}
    }
    %scan3A_169 = arith.constant 10 : i32
    %scan3A_170 = arith.constant 0 : i32
    %scan3A_171 = arith.constant 10 : i32
    %scan3A_172 = arith.addi %scan3A_170, %scan3A_171 : i32
    %scan3A_173 = arith.constant 1 : i32
    scf.for %scan3A_180 = %scan3A_170 to %scan3A_172 step %scan3A_173  : i32 {
      %mul3A_181 = arith.constant 1 : i32
      %mul3A_182 = arith.muli %scan3A_180, %mul3A_181 : i32
      %add3A_183 = arith.constant 0 : i32
      %add3A_184 = arith.addi %add3A_183, %mul3A_182 : i32
      %dma_wait3A = arith.constant 0 : i32
      %dma_wait3A_185 = arith.constant 0 : i32
      %dma_wait3A_186 = arith.constant 0 : i32
      %dma_wait3A_187 = arith.constant 0 : i32
      %dma_wait3A_188 = arith.constant 0 : i32
      %dma_wait3A_189 = tpu.memref_slice %arg8[%dma_wait3A, %dma_wait3A_185, %dma_wait3A_187, %dma_wait3A_188] : memref<2x10x128x16xf32, #tpu.memory_space<vmem>> -> memref<1x1x128x16xf32, #tpu.memory_space<vmem>>
      %dma_wait3A_190 = tpu.memref_squeeze %dma_wait3A_189 : memref<1x1x128x16xf32, #tpu.memory_space<vmem>> -> memref<128x16xf32, #tpu.memory_space<vmem>>
      %dma_wait3A_191 = arith.constant 0 : i32
      %dma_wait3A_192 = tpu.memref_slice %arg7[%dma_wait3A_186, %dma_wait3A_191] : memref<80x128xi32, #tpu.memory_space<vmem>> -> memref<1x128xi32, #tpu.memory_space<vmem>>
      %dma_wait3A_193 = tpu.memref_squeeze %dma_wait3A_192 : memref<1x128xi32, #tpu.memory_space<vmem>> -> memref<128xi32, #tpu.memory_space<vmem>>
      %dma_wait3A_194 = arith.constant 0 : i32
      %dma_wait3A_195 = arith.constant 0 : i32
      %dma_wait3A_196 = tpu.memref_slice %arg10[%dma_wait3A_194, %dma_wait3A_195] : memref<10240x16xf32, #tpu.memory_space<vmem_shared>> -> memref<10240x16xf32, #tpu.memory_space<vmem_shared>>
      tpu.wait_indirect_dma semaphore(%arg13 : memref<!tpu.dma_semaphore, #tpu.memory_space<semaphore_mem>>) src(%dma_wait3A_190 : memref<128x16xf32, #tpu.memory_space<vmem>>) dst(%dma_wait3A_196 : memref<10240x16xf32, #tpu.memory_space<vmem_shared>>)
    }
    %scan3A_174 = arith.constant 10 : i32
    %barrier3A_175 = arith.constant 0 : index
    tpu.barrier barrier_id(%barrier3A_175)
    %mul3A_176 = arith.constant 640 : i32
    %mul3A_177 = arith.muli %arg1, %mul3A_176 : i32
    %mul3A_178 = arith.constant 640 : i32
    %mul3A_179 = arith.muli %arg1, %mul3A_178 : i32
    "tpu.region"() ({
      %run_scoped3A = tpu.sem_alloc : memref<!tpu.dma_semaphore, #tpu.memory_space<semaphore_mem>>
      %dma_start3A = arith.constant 0 : i32
      %dma_start3A_180 = tpu.memref_slice %arg5[%arg0, %mul3A_179, %dma_start3A] : memref<2x10240x16xf32, #tpu.memory_space<hbm>> -> memref<1x640x16xf32, #tpu.memory_space<hbm>>
      %dma_start3A_181 = tpu.memref_squeeze %dma_start3A_180 : memref<1x640x16xf32, #tpu.memory_space<hbm>> -> memref<640x16xf32, #tpu.memory_space<hbm>>
      %dma_start3A_182 = arith.constant 0 : i32
      %dma_start3A_183 = tpu.memref_slice %arg10[%mul3A_177, %dma_start3A_182] : memref<10240x16xf32, #tpu.memory_space<vmem_shared>> -> memref<640x16xf32, #tpu.memory_space<vmem_shared>>
      tpu.enqueue_dma source(%dma_start3A_183 : memref<640x16xf32, #tpu.memory_space<vmem_shared>>) target(%dma_start3A_181 : memref<640x16xf32, #tpu.memory_space<hbm>>) target_semaphore(%run_scoped3A : memref<!tpu.dma_semaphore, #tpu.memory_space<semaphore_mem>>)
      %dma_wait3A = arith.constant 0 : i32
      %dma_wait3A_184 = tpu.memref_slice %arg5[%arg0, %mul3A_179, %dma_wait3A] : memref<2x10240x16xf32, #tpu.memory_space<hbm>> -> memref<1x640x16xf32, #tpu.memory_space<hbm>>
      %dma_wait3A_185 = tpu.memref_squeeze %dma_wait3A_184 : memref<1x640x16xf32, #tpu.memory_space<hbm>> -> memref<640x16xf32, #tpu.memory_space<hbm>>
      %dma_wait3A_186 = arith.constant 0 : i32
      %dma_wait3A_187 = tpu.memref_slice %arg10[%mul3A_177, %dma_wait3A_186] : memref<10240x16xf32, #tpu.memory_space<vmem_shared>> -> memref<640x16xf32, #tpu.memory_space<vmem_shared>>
      tpu.wait_dma2 semaphore(%run_scoped3A : memref<!tpu.dma_semaphore, #tpu.memory_space<semaphore_mem>>) src(%dma_wait3A_187 : memref<640x16xf32, #tpu.memory_space<vmem_shared>>) dst(%dma_wait3A_185 : memref<640x16xf32, #tpu.memory_space<hbm>>)
      tpu.yield
    }) : () -> ()
    return
  }
}

#map = affine_map<(d0, d1) -> (0, 0)>
#map1 = affine_map<(d0, d1) -> (0, 0, 0)>
module attributes {stable_mosaic.version = 14 : i64} {
  func.func @_agg_sc(%arg0: i32, %arg1: i32, %arg2: memref<10240x16xf32, #tpu.memory_space<hbm>>, %arg3: memref<2560x128xi32, #tpu.memory_space<hbm>>, %arg4: memref<2560x128xi32, #tpu.memory_space<hbm>>, %arg5: memref<2x10240x16xf32, #tpu.memory_space<hbm>>, %arg6: memref<80x128xi32, #tpu.memory_space<vmem>>, %arg7: memref<80x128xi32, #tpu.memory_space<vmem>>, %arg8: memref<2x10x128x16xf32, #tpu.memory_space<vmem>>, %arg9: memref<640x16xf32, #tpu.memory_space<vmem>>, %arg10: memref<10240x16xf32, #tpu.memory_space<vmem_shared>>, %arg11: memref<10240x16xf32, #tpu.memory_space<vmem_shared>>, %arg12: memref<!tpu.dma_semaphore, #tpu.memory_space<semaphore_mem>>, %arg13: memref<!tpu.dma_semaphore, #tpu.memory_space<semaphore_mem>>) attributes {dimension_semantics = [#tpu.dimension_semantics<core_parallel>, #tpu.dimension_semantics<subcore_parallel>], iteration_bounds = array<i64: 2, 16>, scalar_prefetch = 0 : i64, scratch_operands = 8 : i64, tpu.core_type = #tpu.core_type<sc_vector_subcore>, window_params = [{transform_indices = #map}, {transform_indices = #map}, {transform_indices = #map}, {transform_indices = #map1}]} {
    %mul3A = arith.constant 16 : i32
    %mul3A_0 = arith.muli %arg0, %mul3A : i32
    %add3A = arith.addi %mul3A_0, %arg1 : i32
    %scan3A = arith.constant 0 : i32
    %scan3A_1 = arith.constant 640 : i32
    %scan3A_2 = arith.addi %scan3A, %scan3A_1 : i32
    %scan3A_3 = arith.constant 1 : i32
    scf.for %scan3A_180 = %scan3A to %scan3A_2 step %scan3A_3  : i32 {
      %mul3A_181 = arith.constant 1 : i32
      %mul3A_182 = arith.muli %scan3A_180, %mul3A_181 : i32
      %add3A_183 = arith.constant 0 : i32
      %add3A_184 = arith.addi %add3A_183, %mul3A_182 : i32
      %broadcast_in_dim3A = arith.constant 0.000000e+00 : f32
      %broadcast_in_dim3A_185 = vector.broadcast %broadcast_in_dim3A : f32 to vector<16xf32>
      %swap3A = arith.index_cast %add3A_184 : i32 to index
      %swap3A_186 = arith.constant 0 : index
      %swap3A_187 = tpu.vector_load %arg9[%swap3A, %swap3A_186] {strides = array<i32>} : memref<640x16xf32, #tpu.memory_space<vmem>>, vector<1x16xf32>,
      %swap3A_188 = vector.shape_cast %swap3A_187 : vector<1x16xf32> to vector<16xf32>
      %swap3A_189 = vector.shape_cast %broadcast_in_dim3A_185 : vector<16xf32> to vector<1x16xf32>
      tpu.vector_store %arg9[%swap3A, %swap3A_186], %swap3A_189 {strides = array<i32>} : memref<640x16xf32, #tpu.memory_space<vmem>>, vector<1x16xf32>,
    }
    %scan3A_4 = arith.constant 640 : i32
    %mul3A_5 = arith.constant 640 : i32
    %mul3A_6 = arith.muli %arg1, %mul3A_5 : i32
    "tpu.region"() ({
      %run_scoped3A = tpu.sem_alloc : memref<!tpu.dma_semaphore, #tpu.memory_space<semaphore_mem>>
      %dma_start3A = arith.constant 0 : i32
      %dma_start3A_180 = tpu.memref_slice %arg10[%mul3A_6, %dma_start3A] : memref<10240x16xf32, #tpu.memory_space<vmem_shared>> -> memref<640x16xf32, #tpu.memory_space<vmem_shared>>
      %dma_start3A_181 = arith.constant 0 : i32
      %dma_start3A_182 = tpu.memref_slice %arg10[%mul3A_6, %dma_start3A_181] : memref<10240x16xf32, #tpu.memory_space<vmem_shared>> -> memref<640x16xf32, #tpu.memory_space<vmem_shared>>
      tpu.enqueue_dma source(%arg9 : memref<640x16xf32, #tpu.memory_space<vmem>>) target(%dma_start3A_182 : memref<640x16xf32, #tpu.memory_space<vmem_shared>>) target_semaphore(%run_scoped3A : memref<!tpu.dma_semaphore, #tpu.memory_space<semaphore_mem>>)
      %dma_wait3A = arith.constant 0 : i32
      %dma_wait3A_183 = tpu.memref_slice %arg10[%mul3A_6, %dma_wait3A] : memref<10240x16xf32, #tpu.memory_space<vmem_shared>> -> memref<640x16xf32, #tpu.memory_space<vmem_shared>>
      %dma_wait3A_184 = arith.constant 0 : i32
      %dma_wait3A_185 = tpu.memref_slice %arg10[%mul3A_6, %dma_wait3A_184] : memref<10240x16xf32, #tpu.memory_space<vmem_shared>> -> memref<640x16xf32, #tpu.memory_space<vmem_shared>>
      tpu.wait_dma2 semaphore(%run_scoped3A : memref<!tpu.dma_semaphore, #tpu.memory_space<semaphore_mem>>) src(%arg9 : memref<640x16xf32, #tpu.memory_space<vmem>>) dst(%dma_wait3A_185 : memref<640x16xf32, #tpu.memory_space<vmem_shared>>)
      tpu.yield
    }) : () -> ()
    %mul3A_7 = arith.constant 80 : i32
    %mul3A_8 = arith.muli %add3A, %mul3A_7 : i32
    "tpu.region"() ({
      %run_scoped3A = tpu.sem_alloc : memref<!tpu.dma_semaphore, #tpu.memory_space<semaphore_mem>>
      %dma_start3A = arith.constant 0 : i32
      %dma_start3A_180 = tpu.memref_slice %arg3[%mul3A_8, %dma_start3A] : memref<2560x128xi32, #tpu.memory_space<hbm>> -> memref<80x128xi32, #tpu.memory_space<hbm>>
      %dma_start3A_181 = arith.constant 0 : i32
      %dma_start3A_182 = tpu.memref_slice %arg3[%mul3A_8, %dma_start3A_181] : memref<2560x128xi32, #tpu.memory_space<hbm>> -> memref<80x128xi32, #tpu.memory_space<hbm>>
      tpu.enqueue_dma source(%dma_start3A_182 : memref<80x128xi32, #tpu.memory_space<hbm>>) target(%arg6 : memref<80x128xi32, #tpu.memory_space<vmem>>) target_semaphore(%run_scoped3A : memref<!tpu.dma_semaphore, #tpu.memory_space<semaphore_mem>>)
      %dma_wait3A = arith.constant 0 : i32
      %dma_wait3A_183 = tpu.memref_slice %arg3[%mul3A_8, %dma_wait3A] : memref<2560x128xi32, #tpu.memory_space<hbm>> -> memref<80x128xi32, #tpu.memory_space<hbm>>
      %dma_wait3A_184 = arith.constant 0 : i32
      %dma_wait3A_185 = tpu.memref_slice %arg3[%mul3A_8, %dma_wait3A_184] : memref<2560x128xi32, #tpu.memory_space<hbm>> -> memref<80x128xi32, #tpu.memory_space<hbm>>
      tpu.wait_dma2 semaphore(%run_scoped3A : memref<!tpu.dma_semaphore, #tpu.memory_space<semaphore_mem>>) src(%dma_wait3A_185 : memref<80x128xi32, #tpu.memory_space<hbm>>) dst(%arg6 : memref<80x128xi32, #tpu.memory_space<vmem>>)
      tpu.yield
    }) : () -> ()
    %mul3A_9 = arith.constant 80 : i32
    %mul3A_10 = arith.muli %add3A, %mul3A_9 : i32
    "tpu.region"() ({
      %run_scoped3A = tpu.sem_alloc : memref<!tpu.dma_semaphore, #tpu.memory_space<semaphore_mem>>
      %dma_start3A = arith.constant 0 : i32
      %dma_start3A_180 = tpu.memref_slice %arg4[%mul3A_10, %dma_start3A] : memref<2560x128xi32, #tpu.memory_space<hbm>> -> memref<80x128xi32, #tpu.memory_space<hbm>>
      %dma_start3A_181 = arith.constant 0 : i32
      %dma_start3A_182 = tpu.memref_slice %arg4[%mul3A_10, %dma_start3A_181] : memref<2560x128xi32, #tpu.memory_space<hbm>> -> memref<80x128xi32, #tpu.memory_space<hbm>>
      tpu.enqueue_dma source(%dma_start3A_182 : memref<80x128xi32, #tpu.memory_space<hbm>>) target(%arg7 : memref<80x128xi32, #tpu.memory_space<vmem>>) target_semaphore(%run_scoped3A : memref<!tpu.dma_semaphore, #tpu.memory_space<semaphore_mem>>)
      %dma_wait3A = arith.constant 0 : i32
      %dma_wait3A_183 = tpu.memref_slice %arg4[%mul3A_10, %dma_wait3A] : memref<2560x128xi32, #tpu.memory_space<hbm>> -> memref<80x128xi32, #tpu.memory_space<hbm>>
      %dma_wait3A_184 = arith.constant 0 : i32
      %dma_wait3A_185 = tpu.memref_slice %arg4[%mul3A_10, %dma_wait3A_184] : memref<2560x128xi32, #tpu.memory_space<hbm>> -> memref<80x128xi32, #tpu.memory_space<hbm>>
      tpu.wait_dma2 semaphore(%run_scoped3A : memref<!tpu.dma_semaphore, #tpu.memory_space<semaphore_mem>>) src(%dma_wait3A_185 : memref<80x128xi32, #tpu.memory_space<hbm>>) dst(%arg7 : memref<80x128xi32, #tpu.memory_space<vmem>>)
      tpu.yield
    }) : () -> ()
    %mul3A_11 = arith.constant 640 : i32
    %mul3A_12 = arith.muli %arg1, %mul3A_11 : i32
    %mul3A_13 = arith.constant 640 : i32
    %mul3A_14 = arith.muli %arg1, %mul3A_13 : i32
    "tpu.region"() ({
      %run_scoped3A = tpu.sem_alloc : memref<!tpu.dma_semaphore, #tpu.memory_space<semaphore_mem>>
      %dma_start3A = arith.constant 0 : i32
      %dma_start3A_180 = tpu.memref_slice %arg11[%mul3A_14, %dma_start3A] : memref<10240x16xf32, #tpu.memory_space<vmem_shared>> -> memref<640x16xf32, #tpu.memory_space<vmem_shared>>
      %dma_start3A_181 = arith.constant 0 : i32
      %dma_start3A_182 = tpu.memref_slice %arg2[%mul3A_12, %dma_start3A_181] : memref<10240x16xf32, #tpu.memory_space<hbm>> -> memref<640x16xf32, #tpu.memory_space<hbm>>
      tpu.enqueue_dma source(%dma_start3A_182 : memref<640x16xf32, #tpu.memory_space<hbm>>) target(%dma_start3A_180 : memref<640x16xf32, #tpu.memory_space<vmem_shared>>) target_semaphore(%run_scoped3A : memref<!tpu.dma_semaphore, #tpu.memory_space<semaphore_mem>>)
      %dma_wait3A = arith.constant 0 : i32
      %dma_wait3A_183 = tpu.memref_slice %arg11[%mul3A_14, %dma_wait3A] : memref<10240x16xf32, #tpu.memory_space<vmem_shared>> -> memref<640x16xf32, #tpu.memory_space<vmem_shared>>
      %dma_wait3A_184 = arith.constant 0 : i32
      %dma_wait3A_185 = tpu.memref_slice %arg2[%mul3A_12, %dma_wait3A_184] : memref<10240x16xf32, #tpu.memory_space<hbm>> -> memref<640x16xf32, #tpu.memory_space<hbm>>
      tpu.wait_dma2 semaphore(%run_scoped3A : memref<!tpu.dma_semaphore, #tpu.memory_space<semaphore_mem>>) src(%dma_wait3A_185 : memref<640x16xf32, #tpu.memory_space<hbm>>) dst(%dma_wait3A_183 : memref<640x16xf32, #tpu.memory_space<vmem_shared>>)
      tpu.yield
    }) : () -> ()
    %barrier3A = arith.constant 0 : index
    tpu.barrier barrier_id(%barrier3A)
    %scan3A_15 = arith.constant 0 : i32
    %scan3A_16 = arith.constant 10 : i32
    %scan3A_17 = arith.addi %scan3A_15, %scan3A_16 : i32
    %scan3A_18 = arith.constant 1 : i32
    scf.for %scan3A_180 = %scan3A_15 to %scan3A_17 step %scan3A_18  : i32 {
      %mul3A_181 = arith.constant 1 : i32
      %mul3A_182 = arith.muli %scan3A_180, %mul3A_181 : i32
      %add3A_183 = arith.constant 0 : i32
      %add3A_184 = arith.addi %add3A_183, %mul3A_182 : i32
      %add3A_185 = arith.constant 0 : i32
      %add3A_186 = arith.addi %add3A_185, %add3A_184 : i32
      %dma_start3A = arith.constant 0 : i32
      %dma_start3A_187 = arith.constant 0 : i32
      %dma_start3A_188 = arith.constant 0 : i32
      %dma_start3A_189 = tpu.memref_slice %arg8[%dma_start3A, %add3A_184, %dma_start3A_187, %dma_start3A_188] : memref<2x10x128x16xf32, #tpu.memory_space<vmem>> -> memref<1x1x128x16xf32, #tpu.memory_space<vmem>>
      %dma_start3A_190 = tpu.memref_squeeze %dma_start3A_189 : memref<1x1x128x16xf32, #tpu.memory_space<vmem>> -> memref<128x16xf32, #tpu.memory_space<vmem>>
      %dma_start3A_191 = arith.constant 0 : i32
      %dma_start3A_192 = tpu.memref_slice %arg6[%add3A_186, %dma_start3A_191] : memref<80x128xi32, #tpu.memory_space<vmem>> -> memref<1x128xi32, #tpu.memory_space<vmem>>
      %dma_start3A_193 = tpu.memref_squeeze %dma_start3A_192 : memref<1x128xi32, #tpu.memory_space<vmem>> -> memref<128xi32, #tpu.memory_space<vmem>>
      %dma_start3A_194 = arith.constant 0 : i32
      %dma_start3A_195 = arith.constant 0 : i32
      %dma_start3A_196 = tpu.memref_slice %arg11[%dma_start3A_194, %dma_start3A_195] : memref<10240x16xf32, #tpu.memory_space<vmem_shared>> -> memref<10240x16xf32, #tpu.memory_space<vmem_shared>>
      tpu.enqueue_indirect_dma source(%dma_start3A_196 : memref<10240x16xf32, #tpu.memory_space<vmem_shared>>) target(%dma_start3A_190 : memref<128x16xf32, #tpu.memory_space<vmem>>) offsets(%dma_start3A_193 : memref<128xi32, #tpu.memory_space<vmem>>) semaphore(%arg12 : memref<!tpu.dma_semaphore, #tpu.memory_space<semaphore_mem>>)
    }
    %scan3A_19 = arith.constant 10 : i32
    %scan3A_20 = arith.constant 0 : i32
    %scan3A_21 = arith.constant 10 : i32
    %scan3A_22 = arith.addi %scan3A_20, %scan3A_21 : i32
    %scan3A_23 = arith.constant 1 : i32
    scf.for %scan3A_180 = %scan3A_20 to %scan3A_22 step %scan3A_23  : i32 {
      %mul3A_181 = arith.constant 1 : i32
      %mul3A_182 = arith.muli %scan3A_180, %mul3A_181 : i32
      %add3A_183 = arith.constant 0 : i32
      %add3A_184 = arith.addi %add3A_183, %mul3A_182 : i32
      %dma_wait3A = arith.constant 0 : i32
      %dma_wait3A_185 = arith.constant 0 : i32
      %dma_wait3A_186 = arith.constant 0 : i32
      %dma_wait3A_187 = arith.constant 0 : i32
      %dma_wait3A_188 = arith.constant 0 : i32
      %dma_wait3A_189 = tpu.memref_slice %arg8[%dma_wait3A_185, %dma_wait3A_186, %dma_wait3A_187, %dma_wait3A_188] : memref<2x10x128x16xf32, #tpu.memory_space<vmem>> -> memref<1x1x128x16xf32, #tpu.memory_space<vmem>>
      %dma_wait3A_190 = tpu.memref_squeeze %dma_wait3A_189 : memref<1x1x128x16xf32, #tpu.memory_space<vmem>> -> memref<128x16xf32, #tpu.memory_space<vmem>>
      %dma_wait3A_191 = arith.constant 0 : i32
      %dma_wait3A_192 = tpu.memref_slice %arg6[%dma_wait3A, %dma_wait3A_191] : memref<80x128xi32, #tpu.memory_space<vmem>> -> memref<1x128xi32, #tpu.memory_space<vmem>>
      %dma_wait3A_193 = tpu.memref_squeeze %dma_wait3A_192 : memref<1x128xi32, #tpu.memory_space<vmem>> -> memref<128xi32, #tpu.memory_space<vmem>>
      %dma_wait3A_194 = arith.constant 0 : i32
      %dma_wait3A_195 = arith.constant 0 : i32
      %dma_wait3A_196 = tpu.memref_slice %arg11[%dma_wait3A_194, %dma_wait3A_195] : memref<10240x16xf32, #tpu.memory_space<vmem_shared>> -> memref<10240x16xf32, #tpu.memory_space<vmem_shared>>
      tpu.wait_indirect_dma semaphore(%arg12 : memref<!tpu.dma_semaphore, #tpu.memory_space<semaphore_mem>>) src(%dma_wait3A_196 : memref<10240x16xf32, #tpu.memory_space<vmem_shared>>) dst(%dma_wait3A_190 : memref<128x16xf32, #tpu.memory_space<vmem>>)
    }
    %scan3A_24 = arith.constant 10 : i32
    %scan3A_25 = arith.constant 0 : i32
    %scan3A_26 = arith.constant 10 : i32
    %scan3A_27 = arith.addi %scan3A_25, %scan3A_26 : i32
    %scan3A_28 = arith.constant 1 : i32
    scf.for %scan3A_180 = %scan3A_25 to %scan3A_27 step %scan3A_28  : i32 {
      %mul3A_181 = arith.constant 1 : i32
      %mul3A_182 = arith.muli %scan3A_180, %mul3A_181 : i32
      %add3A_183 = arith.constant 0 : i32
      %add3A_184 = arith.addi %add3A_183, %mul3A_182 : i32
      %add3A_185 = arith.constant 10 : i32
      %add3A_186 = arith.addi %add3A_185, %add3A_184 : i32
      %dma_start3A = arith.constant 1 : i32
      %dma_start3A_187 = arith.constant 0 : i32
      %dma_start3A_188 = arith.constant 0 : i32
      %dma_start3A_189 = tpu.memref_slice %arg8[%dma_start3A, %add3A_184, %dma_start3A_187, %dma_start3A_188] : memref<2x10x128x16xf32, #tpu.memory_space<vmem>> -> memref<1x1x128x16xf32, #tpu.memory_space<vmem>>
      %dma_start3A_190 = tpu.memref_squeeze %dma_start3A_189 : memref<1x1x128x16xf32, #tpu.memory_space<vmem>> -> memref<128x16xf32, #tpu.memory_space<vmem>>
      %dma_start3A_191 = arith.constant 0 : i32
      %dma_start3A_192 = tpu.memref_slice %arg6[%add3A_186, %dma_start3A_191] : memref<80x128xi32, #tpu.memory_space<vmem>> -> memref<1x128xi32, #tpu.memory_space<vmem>>
      %dma_start3A_193 = tpu.memref_squeeze %dma_start3A_192 : memref<1x128xi32, #tpu.memory_space<vmem>> -> memref<128xi32, #tpu.memory_space<vmem>>
      %dma_start3A_194 = arith.constant 0 : i32
      %dma_start3A_195 = arith.constant 0 : i32
      %dma_start3A_196 = tpu.memref_slice %arg11[%dma_start3A_194, %dma_start3A_195] : memref<10240x16xf32, #tpu.memory_space<vmem_shared>> -> memref<10240x16xf32, #tpu.memory_space<vmem_shared>>
      tpu.enqueue_indirect_dma source(%dma_start3A_196 : memref<10240x16xf32, #tpu.memory_space<vmem_shared>>) target(%dma_start3A_190 : memref<128x16xf32, #tpu.memory_space<vmem>>) offsets(%dma_start3A_193 : memref<128xi32, #tpu.memory_space<vmem>>) semaphore(%arg12 : memref<!tpu.dma_semaphore, #tpu.memory_space<semaphore_mem>>)
    }
    %scan3A_29 = arith.constant 10 : i32
    %scan3A_30 = arith.constant 0 : i32
    %scan3A_31 = arith.constant 10 : i32
    %scan3A_32 = arith.addi %scan3A_30, %scan3A_31 : i32
    %scan3A_33 = arith.constant 1 : i32
    scf.for %scan3A_180 = %scan3A_30 to %scan3A_32 step %scan3A_33  : i32 {
      %mul3A_181 = arith.constant 1 : i32
      %mul3A_182 = arith.muli %scan3A_180, %mul3A_181 : i32
      %add3A_183 = arith.constant 0 : i32
      %add3A_184 = arith.addi %add3A_183, %mul3A_182 : i32
      %add3A_185 = arith.constant 0 : i32
      %add3A_186 = arith.addi %add3A_185, %add3A_184 : i32
      %dma_start3A = arith.constant 0 : i32
      %dma_start3A_187 = arith.constant 0 : i32
      %dma_start3A_188 = arith.constant 0 : i32
      %dma_start3A_189 = tpu.memref_slice %arg8[%dma_start3A, %add3A_184, %dma_start3A_187, %dma_start3A_188] : memref<2x10x128x16xf32, #tpu.memory_space<vmem>> -> memref<1x1x128x16xf32, #tpu.memory_space<vmem>>
      %dma_start3A_190 = tpu.memref_squeeze %dma_start3A_189 : memref<1x1x128x16xf32, #tpu.memory_space<vmem>> -> memref<128x16xf32, #tpu.memory_space<vmem>>
      %dma_start3A_191 = arith.constant 0 : i32
      %dma_start3A_192 = tpu.memref_slice %arg7[%add3A_186, %dma_start3A_191] : memref<80x128xi32, #tpu.memory_space<vmem>> -> memref<1x128xi32, #tpu.memory_space<vmem>>
      %dma_start3A_193 = tpu.memref_squeeze %dma_start3A_192 : memref<1x128xi32, #tpu.memory_space<vmem>> -> memref<128xi32, #tpu.memory_space<vmem>>
      %dma_start3A_194 = arith.constant 0 : i32
      %dma_start3A_195 = arith.constant 0 : i32
      %dma_start3A_196 = tpu.memref_slice %arg10[%dma_start3A_194, %dma_start3A_195] : memref<10240x16xf32, #tpu.memory_space<vmem_shared>> -> memref<10240x16xf32, #tpu.memory_space<vmem_shared>>
      tpu.enqueue_indirect_dma source(%dma_start3A_190 : memref<128x16xf32, #tpu.memory_space<vmem>>) target(%dma_start3A_196 : memref<10240x16xf32, #tpu.memory_space<vmem_shared>>) offsets(%dma_start3A_193 : memref<128xi32, #tpu.memory_space<vmem>>) semaphore(%arg13 : memref<!tpu.dma_semaphore, #tpu.memory_space<semaphore_mem>>) {add = true}
    }
    %scan3A_34 = arith.constant 10 : i32
    %scan3A_35 = arith.constant 0 : i32
    %scan3A_36 = arith.constant 10 : i32
    %scan3A_37 = arith.addi %scan3A_35, %scan3A_36 : i32
    %scan3A_38 = arith.constant 1 : i32
    scf.for %scan3A_180 = %scan3A_35 to %scan3A_37 step %scan3A_38  : i32 {
      %mul3A_181 = arith.constant 1 : i32
      %mul3A_182 = arith.muli %scan3A_180, %mul3A_181 : i32
      %add3A_183 = arith.constant 0 : i32
      %add3A_184 = arith.addi %add3A_183, %mul3A_182 : i32
      %dma_wait3A = arith.constant 0 : i32
      %dma_wait3A_185 = arith.constant 0 : i32
      %dma_wait3A_186 = arith.constant 0 : i32
      %dma_wait3A_187 = arith.constant 0 : i32
      %dma_wait3A_188 = arith.constant 0 : i32
      %dma_wait3A_189 = tpu.memref_slice %arg8[%dma_wait3A_185, %dma_wait3A_186, %dma_wait3A_187, %dma_wait3A_188] : memref<2x10x128x16xf32, #tpu.memory_space<vmem>> -> memref<1x1x128x16xf32, #tpu.memory_space<vmem>>
      %dma_wait3A_190 = tpu.memref_squeeze %dma_wait3A_189 : memref<1x1x128x16xf32, #tpu.memory_space<vmem>> -> memref<128x16xf32, #tpu.memory_space<vmem>>
      %dma_wait3A_191 = arith.constant 0 : i32
      %dma_wait3A_192 = tpu.memref_slice %arg6[%dma_wait3A, %dma_wait3A_191] : memref<80x128xi32, #tpu.memory_space<vmem>> -> memref<1x128xi32, #tpu.memory_space<vmem>>
      %dma_wait3A_193 = tpu.memref_squeeze %dma_wait3A_192 : memref<1x128xi32, #tpu.memory_space<vmem>> -> memref<128xi32, #tpu.memory_space<vmem>>
      %dma_wait3A_194 = arith.constant 0 : i32
      %dma_wait3A_195 = arith.constant 0 : i32
      %dma_wait3A_196 = tpu.memref_slice %arg11[%dma_wait3A_194, %dma_wait3A_195] : memref<10240x16xf32, #tpu.memory_space<vmem_shared>> -> memref<10240x16xf32, #tpu.memory_space<vmem_shared>>
      tpu.wait_indirect_dma semaphore(%arg12 : memref<!tpu.dma_semaphore, #tpu.memory_space<semaphore_mem>>) src(%dma_wait3A_196 : memref<10240x16xf32, #tpu.memory_space<vmem_shared>>) dst(%dma_wait3A_190 : memref<128x16xf32, #tpu.memory_space<vmem>>)
    }
    %scan3A_39 = arith.constant 10 : i32
    %scan3A_40 = arith.constant 0 : i32
    %scan3A_41 = arith.constant 10 : i32
    %scan3A_42 = arith.addi %scan3A_40, %scan3A_41 : i32
    %scan3A_43 = arith.constant 1 : i32
    scf.for %scan3A_180 = %scan3A_40 to %scan3A_42 step %scan3A_43  : i32 {
      %mul3A_181 = arith.constant 1 : i32
      %mul3A_182 = arith.muli %scan3A_180, %mul3A_181 : i32
      %add3A_183 = arith.constant 0 : i32
      %add3A_184 = arith.addi %add3A_183, %mul3A_182 : i32
      %dma_wait3A = arith.constant 0 : i32
      %dma_wait3A_185 = arith.constant 0 : i32
      %dma_wait3A_186 = arith.constant 0 : i32
      %dma_wait3A_187 = arith.constant 0 : i32
      %dma_wait3A_188 = arith.constant 0 : i32
      %dma_wait3A_189 = tpu.memref_slice %arg8[%dma_wait3A, %dma_wait3A_185, %dma_wait3A_187, %dma_wait3A_188] : memref<2x10x128x16xf32, #tpu.memory_space<vmem>> -> memref<1x1x128x16xf32, #tpu.memory_space<vmem>>
      %dma_wait3A_190 = tpu.memref_squeeze %dma_wait3A_189 : memref<1x1x128x16xf32, #tpu.memory_space<vmem>> -> memref<128x16xf32, #tpu.memory_space<vmem>>
      %dma_wait3A_191 = arith.constant 0 : i32
      %dma_wait3A_192 = tpu.memref_slice %arg7[%dma_wait3A_186, %dma_wait3A_191] : memref<80x128xi32, #tpu.memory_space<vmem>> -> memref<1x128xi32, #tpu.memory_space<vmem>>
      %dma_wait3A_193 = tpu.memref_squeeze %dma_wait3A_192 : memref<1x128xi32, #tpu.memory_space<vmem>> -> memref<128xi32, #tpu.memory_space<vmem>>
      %dma_wait3A_194 = arith.constant 0 : i32
      %dma_wait3A_195 = arith.constant 0 : i32
      %dma_wait3A_196 = tpu.memref_slice %arg10[%dma_wait3A_194, %dma_wait3A_195] : memref<10240x16xf32, #tpu.memory_space<vmem_shared>> -> memref<10240x16xf32, #tpu.memory_space<vmem_shared>>
      tpu.wait_indirect_dma semaphore(%arg13 : memref<!tpu.dma_semaphore, #tpu.memory_space<semaphore_mem>>) src(%dma_wait3A_190 : memref<128x16xf32, #tpu.memory_space<vmem>>) dst(%dma_wait3A_196 : memref<10240x16xf32, #tpu.memory_space<vmem_shared>>)
    }
    %scan3A_44 = arith.constant 10 : i32
    %scan3A_45 = arith.constant 0 : i32
    %scan3A_46 = arith.constant 10 : i32
    %scan3A_47 = arith.addi %scan3A_45, %scan3A_46 : i32
    %scan3A_48 = arith.constant 1 : i32
    scf.for %scan3A_180 = %scan3A_45 to %scan3A_47 step %scan3A_48  : i32 {
      %mul3A_181 = arith.constant 1 : i32
      %mul3A_182 = arith.muli %scan3A_180, %mul3A_181 : i32
      %add3A_183 = arith.constant 0 : i32
      %add3A_184 = arith.addi %add3A_183, %mul3A_182 : i32
      %add3A_185 = arith.constant 20 : i32
      %add3A_186 = arith.addi %add3A_185, %add3A_184 : i32
      %dma_start3A = arith.constant 0 : i32
      %dma_start3A_187 = arith.constant 0 : i32
      %dma_start3A_188 = arith.constant 0 : i32
      %dma_start3A_189 = tpu.memref_slice %arg8[%dma_start3A, %add3A_184, %dma_start3A_187, %dma_start3A_188] : memref<2x10x128x16xf32, #tpu.memory_space<vmem>> -> memref<1x1x128x16xf32, #tpu.memory_space<vmem>>
      %dma_start3A_190 = tpu.memref_squeeze %dma_start3A_189 : memref<1x1x128x16xf32, #tpu.memory_space<vmem>> -> memref<128x16xf32, #tpu.memory_space<vmem>>
      %dma_start3A_191 = arith.constant 0 : i32
      %dma_start3A_192 = tpu.memref_slice %arg6[%add3A_186, %dma_start3A_191] : memref<80x128xi32, #tpu.memory_space<vmem>> -> memref<1x128xi32, #tpu.memory_space<vmem>>
      %dma_start3A_193 = tpu.memref_squeeze %dma_start3A_192 : memref<1x128xi32, #tpu.memory_space<vmem>> -> memref<128xi32, #tpu.memory_space<vmem>>
      %dma_start3A_194 = arith.constant 0 : i32
      %dma_start3A_195 = arith.constant 0 : i32
      %dma_start3A_196 = tpu.memref_slice %arg11[%dma_start3A_194, %dma_start3A_195] : memref<10240x16xf32, #tpu.memory_space<vmem_shared>> -> memref<10240x16xf32, #tpu.memory_space<vmem_shared>>
      tpu.enqueue_indirect_dma source(%dma_start3A_196 : memref<10240x16xf32, #tpu.memory_space<vmem_shared>>) target(%dma_start3A_190 : memref<128x16xf32, #tpu.memory_space<vmem>>) offsets(%dma_start3A_193 : memref<128xi32, #tpu.memory_space<vmem>>) semaphore(%arg12 : memref<!tpu.dma_semaphore, #tpu.memory_space<semaphore_mem>>)
    }
    %scan3A_49 = arith.constant 10 : i32
    %scan3A_50 = arith.constant 0 : i32
    %scan3A_51 = arith.constant 10 : i32
    %scan3A_52 = arith.addi %scan3A_50, %scan3A_51 : i32
    %scan3A_53 = arith.constant 1 : i32
    scf.for %scan3A_180 = %scan3A_50 to %scan3A_52 step %scan3A_53  : i32 {
      %mul3A_181 = arith.constant 1 : i32
      %mul3A_182 = arith.muli %scan3A_180, %mul3A_181 : i32
      %add3A_183 = arith.constant 0 : i32
      %add3A_184 = arith.addi %add3A_183, %mul3A_182 : i32
      %add3A_185 = arith.constant 10 : i32
      %add3A_186 = arith.addi %add3A_185, %add3A_184 : i32
      %dma_start3A = arith.constant 1 : i32
      %dma_start3A_187 = arith.constant 0 : i32
      %dma_start3A_188 = arith.constant 0 : i32
      %dma_start3A_189 = tpu.memref_slice %arg8[%dma_start3A, %add3A_184, %dma_start3A_187, %dma_start3A_188] : memref<2x10x128x16xf32, #tpu.memory_space<vmem>> -> memref<1x1x128x16xf32, #tpu.memory_space<vmem>>
      %dma_start3A_190 = tpu.memref_squeeze %dma_start3A_189 : memref<1x1x128x16xf32, #tpu.memory_space<vmem>> -> memref<128x16xf32, #tpu.memory_space<vmem>>
      %dma_start3A_191 = arith.constant 0 : i32
      %dma_start3A_192 = tpu.memref_slice %arg7[%add3A_186, %dma_start3A_191] : memref<80x128xi32, #tpu.memory_space<vmem>> -> memref<1x128xi32, #tpu.memory_space<vmem>>
      %dma_start3A_193 = tpu.memref_squeeze %dma_start3A_192 : memref<1x128xi32, #tpu.memory_space<vmem>> -> memref<128xi32, #tpu.memory_space<vmem>>
      %dma_start3A_194 = arith.constant 0 : i32
      %dma_start3A_195 = arith.constant 0 : i32
      %dma_start3A_196 = tpu.memref_slice %arg10[%dma_start3A_194, %dma_start3A_195] : memref<10240x16xf32, #tpu.memory_space<vmem_shared>> -> memref<10240x16xf32, #tpu.memory_space<vmem_shared>>
      tpu.enqueue_indirect_dma source(%dma_start3A_190 : memref<128x16xf32, #tpu.memory_space<vmem>>) target(%dma_start3A_196 : memref<10240x16xf32, #tpu.memory_space<vmem_shared>>) offsets(%dma_start3A_193 : memref<128xi32, #tpu.memory_space<vmem>>) semaphore(%arg13 : memref<!tpu.dma_semaphore, #tpu.memory_space<semaphore_mem>>) {add = true}
    }
    %scan3A_54 = arith.constant 10 : i32
    %scan3A_55 = arith.constant 0 : i32
    %scan3A_56 = arith.constant 10 : i32
    %scan3A_57 = arith.addi %scan3A_55, %scan3A_56 : i32
    %scan3A_58 = arith.constant 1 : i32
    scf.for %scan3A_180 = %scan3A_55 to %scan3A_57 step %scan3A_58  : i32 {
      %mul3A_181 = arith.constant 1 : i32
      %mul3A_182 = arith.muli %scan3A_180, %mul3A_181 : i32
      %add3A_183 = arith.constant 0 : i32
      %add3A_184 = arith.addi %add3A_183, %mul3A_182 : i32
      %dma_wait3A = arith.constant 0 : i32
      %dma_wait3A_185 = arith.constant 0 : i32
      %dma_wait3A_186 = arith.constant 0 : i32
      %dma_wait3A_187 = arith.constant 0 : i32
      %dma_wait3A_188 = arith.constant 0 : i32
      %dma_wait3A_189 = tpu.memref_slice %arg8[%dma_wait3A_185, %dma_wait3A_186, %dma_wait3A_187, %dma_wait3A_188] : memref<2x10x128x16xf32, #tpu.memory_space<vmem>> -> memref<1x1x128x16xf32, #tpu.memory_space<vmem>>
      %dma_wait3A_190 = tpu.memref_squeeze %dma_wait3A_189 : memref<1x1x128x16xf32, #tpu.memory_space<vmem>> -> memref<128x16xf32, #tpu.memory_space<vmem>>
      %dma_wait3A_191 = arith.constant 0 : i32
      %dma_wait3A_192 = tpu.memref_slice %arg6[%dma_wait3A, %dma_wait3A_191] : memref<80x128xi32, #tpu.memory_space<vmem>> -> memref<1x128xi32, #tpu.memory_space<vmem>>
      %dma_wait3A_193 = tpu.memref_squeeze %dma_wait3A_192 : memref<1x128xi32, #tpu.memory_space<vmem>> -> memref<128xi32, #tpu.memory_space<vmem>>
      %dma_wait3A_194 = arith.constant 0 : i32
      %dma_wait3A_195 = arith.constant 0 : i32
      %dma_wait3A_196 = tpu.memref_slice %arg11[%dma_wait3A_194, %dma_wait3A_195] : memref<10240x16xf32, #tpu.memory_space<vmem_shared>> -> memref<10240x16xf32, #tpu.memory_space<vmem_shared>>
      tpu.wait_indirect_dma semaphore(%arg12 : memref<!tpu.dma_semaphore, #tpu.memory_space<semaphore_mem>>) src(%dma_wait3A_196 : memref<10240x16xf32, #tpu.memory_space<vmem_shared>>) dst(%dma_wait3A_190 : memref<128x16xf32, #tpu.memory_space<vmem>>)
    }
    %scan3A_59 = arith.constant 10 : i32
    %scan3A_60 = arith.constant 0 : i32
    %scan3A_61 = arith.constant 10 : i32
    %scan3A_62 = arith.addi %scan3A_60, %scan3A_61 : i32
    %scan3A_63 = arith.constant 1 : i32
    scf.for %scan3A_180 = %scan3A_60 to %scan3A_62 step %scan3A_63  : i32 {
      %mul3A_181 = arith.constant 1 : i32
      %mul3A_182 = arith.muli %scan3A_180, %mul3A_181 : i32
      %add3A_183 = arith.constant 0 : i32
      %add3A_184 = arith.addi %add3A_183, %mul3A_182 : i32
      %dma_wait3A = arith.constant 0 : i32
      %dma_wait3A_185 = arith.constant 0 : i32
      %dma_wait3A_186 = arith.constant 0 : i32
      %dma_wait3A_187 = arith.constant 0 : i32
      %dma_wait3A_188 = arith.constant 0 : i32
      %dma_wait3A_189 = tpu.memref_slice %arg8[%dma_wait3A, %dma_wait3A_185, %dma_wait3A_187, %dma_wait3A_188] : memref<2x10x128x16xf32, #tpu.memory_space<vmem>> -> memref<1x1x128x16xf32, #tpu.memory_space<vmem>>
      %dma_wait3A_190 = tpu.memref_squeeze %dma_wait3A_189 : memref<1x1x128x16xf32, #tpu.memory_space<vmem>> -> memref<128x16xf32, #tpu.memory_space<vmem>>
      %dma_wait3A_191 = arith.constant 0 : i32
      %dma_wait3A_192 = tpu.memref_slice %arg7[%dma_wait3A_186, %dma_wait3A_191] : memref<80x128xi32, #tpu.memory_space<vmem>> -> memref<1x128xi32, #tpu.memory_space<vmem>>
      %dma_wait3A_193 = tpu.memref_squeeze %dma_wait3A_192 : memref<1x128xi32, #tpu.memory_space<vmem>> -> memref<128xi32, #tpu.memory_space<vmem>>
      %dma_wait3A_194 = arith.constant 0 : i32
      %dma_wait3A_195 = arith.constant 0 : i32
      %dma_wait3A_196 = tpu.memref_slice %arg10[%dma_wait3A_194, %dma_wait3A_195] : memref<10240x16xf32, #tpu.memory_space<vmem_shared>> -> memref<10240x16xf32, #tpu.memory_space<vmem_shared>>
      tpu.wait_indirect_dma semaphore(%arg13 : memref<!tpu.dma_semaphore, #tpu.memory_space<semaphore_mem>>) src(%dma_wait3A_190 : memref<128x16xf32, #tpu.memory_space<vmem>>) dst(%dma_wait3A_196 : memref<10240x16xf32, #tpu.memory_space<vmem_shared>>)
    }
    %scan3A_64 = arith.constant 10 : i32
    %scan3A_65 = arith.constant 0 : i32
    %scan3A_66 = arith.constant 10 : i32
    %scan3A_67 = arith.addi %scan3A_65, %scan3A_66 : i32
    %scan3A_68 = arith.constant 1 : i32
    scf.for %scan3A_180 = %scan3A_65 to %scan3A_67 step %scan3A_68  : i32 {
      %mul3A_181 = arith.constant 1 : i32
      %mul3A_182 = arith.muli %scan3A_180, %mul3A_181 : i32
      %add3A_183 = arith.constant 0 : i32
      %add3A_184 = arith.addi %add3A_183, %mul3A_182 : i32
      %add3A_185 = arith.constant 30 : i32
      %add3A_186 = arith.addi %add3A_185, %add3A_184 : i32
      %dma_start3A = arith.constant 1 : i32
      %dma_start3A_187 = arith.constant 0 : i32
      %dma_start3A_188 = arith.constant 0 : i32
      %dma_start3A_189 = tpu.memref_slice %arg8[%dma_start3A, %add3A_184, %dma_start3A_187, %dma_start3A_188] : memref<2x10x128x16xf32, #tpu.memory_space<vmem>> -> memref<1x1x128x16xf32, #tpu.memory_space<vmem>>
      %dma_start3A_190 = tpu.memref_squeeze %dma_start3A_189 : memref<1x1x128x16xf32, #tpu.memory_space<vmem>> -> memref<128x16xf32, #tpu.memory_space<vmem>>
      %dma_start3A_191 = arith.constant 0 : i32
      %dma_start3A_192 = tpu.memref_slice %arg6[%add3A_186, %dma_start3A_191] : memref<80x128xi32, #tpu.memory_space<vmem>> -> memref<1x128xi32, #tpu.memory_space<vmem>>
      %dma_start3A_193 = tpu.memref_squeeze %dma_start3A_192 : memref<1x128xi32, #tpu.memory_space<vmem>> -> memref<128xi32, #tpu.memory_space<vmem>>
      %dma_start3A_194 = arith.constant 0 : i32
      %dma_start3A_195 = arith.constant 0 : i32
      %dma_start3A_196 = tpu.memref_slice %arg11[%dma_start3A_194, %dma_start3A_195] : memref<10240x16xf32, #tpu.memory_space<vmem_shared>> -> memref<10240x16xf32, #tpu.memory_space<vmem_shared>>
      tpu.enqueue_indirect_dma source(%dma_start3A_196 : memref<10240x16xf32, #tpu.memory_space<vmem_shared>>) target(%dma_start3A_190 : memref<128x16xf32, #tpu.memory_space<vmem>>) offsets(%dma_start3A_193 : memref<128xi32, #tpu.memory_space<vmem>>) semaphore(%arg12 : memref<!tpu.dma_semaphore, #tpu.memory_space<semaphore_mem>>)
    }
    %scan3A_69 = arith.constant 10 : i32
    %scan3A_70 = arith.constant 0 : i32
    %scan3A_71 = arith.constant 10 : i32
    %scan3A_72 = arith.addi %scan3A_70, %scan3A_71 : i32
    %scan3A_73 = arith.constant 1 : i32
    scf.for %scan3A_180 = %scan3A_70 to %scan3A_72 step %scan3A_73  : i32 {
      %mul3A_181 = arith.constant 1 : i32
      %mul3A_182 = arith.muli %scan3A_180, %mul3A_181 : i32
      %add3A_183 = arith.constant 0 : i32
      %add3A_184 = arith.addi %add3A_183, %mul3A_182 : i32
      %add3A_185 = arith.constant 20 : i32
      %add3A_186 = arith.addi %add3A_185, %add3A_184 : i32
      %dma_start3A = arith.constant 0 : i32
      %dma_start3A_187 = arith.constant 0 : i32
      %dma_start3A_188 = arith.constant 0 : i32
      %dma_start3A_189 = tpu.memref_slice %arg8[%dma_start3A, %add3A_184, %dma_start3A_187, %dma_start3A_188] : memref<2x10x128x16xf32, #tpu.memory_space<vmem>> -> memref<1x1x128x16xf32, #tpu.memory_space<vmem>>
      %dma_start3A_190 = tpu.memref_squeeze %dma_start3A_189 : memref<1x1x128x16xf32, #tpu.memory_space<vmem>> -> memref<128x16xf32, #tpu.memory_space<vmem>>
      %dma_start3A_191 = arith.constant 0 : i32
      %dma_start3A_192 = tpu.memref_slice %arg7[%add3A_186, %dma_start3A_191] : memref<80x128xi32, #tpu.memory_space<vmem>> -> memref<1x128xi32, #tpu.memory_space<vmem>>
      %dma_start3A_193 = tpu.memref_squeeze %dma_start3A_192 : memref<1x128xi32, #tpu.memory_space<vmem>> -> memref<128xi32, #tpu.memory_space<vmem>>
      %dma_start3A_194 = arith.constant 0 : i32
      %dma_start3A_195 = arith.constant 0 : i32
      %dma_start3A_196 = tpu.memref_slice %arg10[%dma_start3A_194, %dma_start3A_195] : memref<10240x16xf32, #tpu.memory_space<vmem_shared>> -> memref<10240x16xf32, #tpu.memory_space<vmem_shared>>
      tpu.enqueue_indirect_dma source(%dma_start3A_190 : memref<128x16xf32, #tpu.memory_space<vmem>>) target(%dma_start3A_196 : memref<10240x16xf32, #tpu.memory_space<vmem_shared>>) offsets(%dma_start3A_193 : memref<128xi32, #tpu.memory_space<vmem>>) semaphore(%arg13 : memref<!tpu.dma_semaphore, #tpu.memory_space<semaphore_mem>>) {add = true}
    }
    %scan3A_74 = arith.constant 10 : i32
    %scan3A_75 = arith.constant 0 : i32
    %scan3A_76 = arith.constant 10 : i32
    %scan3A_77 = arith.addi %scan3A_75, %scan3A_76 : i32
    %scan3A_78 = arith.constant 1 : i32
    scf.for %scan3A_180 = %scan3A_75 to %scan3A_77 step %scan3A_78  : i32 {
      %mul3A_181 = arith.constant 1 : i32
      %mul3A_182 = arith.muli %scan3A_180, %mul3A_181 : i32
      %add3A_183 = arith.constant 0 : i32
      %add3A_184 = arith.addi %add3A_183, %mul3A_182 : i32
      %dma_wait3A = arith.constant 0 : i32
      %dma_wait3A_185 = arith.constant 0 : i32
      %dma_wait3A_186 = arith.constant 0 : i32
      %dma_wait3A_187 = arith.constant 0 : i32
      %dma_wait3A_188 = arith.constant 0 : i32
      %dma_wait3A_189 = tpu.memref_slice %arg8[%dma_wait3A_185, %dma_wait3A_186, %dma_wait3A_187, %dma_wait3A_188] : memref<2x10x128x16xf32, #tpu.memory_space<vmem>> -> memref<1x1x128x16xf32, #tpu.memory_space<vmem>>
      %dma_wait3A_190 = tpu.memref_squeeze %dma_wait3A_189 : memref<1x1x128x16xf32, #tpu.memory_space<vmem>> -> memref<128x16xf32, #tpu.memory_space<vmem>>
      %dma_wait3A_191 = arith.constant 0 : i32
      %dma_wait3A_192 = tpu.memref_slice %arg6[%dma_wait3A, %dma_wait3A_191] : memref<80x128xi32, #tpu.memory_space<vmem>> -> memref<1x128xi32, #tpu.memory_space<vmem>>
      %dma_wait3A_193 = tpu.memref_squeeze %dma_wait3A_192 : memref<1x128xi32, #tpu.memory_space<vmem>> -> memref<128xi32, #tpu.memory_space<vmem>>
      %dma_wait3A_194 = arith.constant 0 : i32
      %dma_wait3A_195 = arith.constant 0 : i32
      %dma_wait3A_196 = tpu.memref_slice %arg11[%dma_wait3A_194, %dma_wait3A_195] : memref<10240x16xf32, #tpu.memory_space<vmem_shared>> -> memref<10240x16xf32, #tpu.memory_space<vmem_shared>>
      tpu.wait_indirect_dma semaphore(%arg12 : memref<!tpu.dma_semaphore, #tpu.memory_space<semaphore_mem>>) src(%dma_wait3A_196 : memref<10240x16xf32, #tpu.memory_space<vmem_shared>>) dst(%dma_wait3A_190 : memref<128x16xf32, #tpu.memory_space<vmem>>)
    }
    %scan3A_79 = arith.constant 10 : i32
    %scan3A_80 = arith.constant 0 : i32
    %scan3A_81 = arith.constant 10 : i32
    %scan3A_82 = arith.addi %scan3A_80, %scan3A_81 : i32
    %scan3A_83 = arith.constant 1 : i32
    scf.for %scan3A_180 = %scan3A_80 to %scan3A_82 step %scan3A_83  : i32 {
      %mul3A_181 = arith.constant 1 : i32
      %mul3A_182 = arith.muli %scan3A_180, %mul3A_181 : i32
      %add3A_183 = arith.constant 0 : i32
      %add3A_184 = arith.addi %add3A_183, %mul3A_182 : i32
      %dma_wait3A = arith.constant 0 : i32
      %dma_wait3A_185 = arith.constant 0 : i32
      %dma_wait3A_186 = arith.constant 0 : i32
      %dma_wait3A_187 = arith.constant 0 : i32
      %dma_wait3A_188 = arith.constant 0 : i32
      %dma_wait3A_189 = tpu.memref_slice %arg8[%dma_wait3A, %dma_wait3A_185, %dma_wait3A_187, %dma_wait3A_188] : memref<2x10x128x16xf32, #tpu.memory_space<vmem>> -> memref<1x1x128x16xf32, #tpu.memory_space<vmem>>
      %dma_wait3A_190 = tpu.memref_squeeze %dma_wait3A_189 : memref<1x1x128x16xf32, #tpu.memory_space<vmem>> -> memref<128x16xf32, #tpu.memory_space<vmem>>
      %dma_wait3A_191 = arith.constant 0 : i32
      %dma_wait3A_192 = tpu.memref_slice %arg7[%dma_wait3A_186, %dma_wait3A_191] : memref<80x128xi32, #tpu.memory_space<vmem>> -> memref<1x128xi32, #tpu.memory_space<vmem>>
      %dma_wait3A_193 = tpu.memref_squeeze %dma_wait3A_192 : memref<1x128xi32, #tpu.memory_space<vmem>> -> memref<128xi32, #tpu.memory_space<vmem>>
      %dma_wait3A_194 = arith.constant 0 : i32
      %dma_wait3A_195 = arith.constant 0 : i32
      %dma_wait3A_196 = tpu.memref_slice %arg10[%dma_wait3A_194, %dma_wait3A_195] : memref<10240x16xf32, #tpu.memory_space<vmem_shared>> -> memref<10240x16xf32, #tpu.memory_space<vmem_shared>>
      tpu.wait_indirect_dma semaphore(%arg13 : memref<!tpu.dma_semaphore, #tpu.memory_space<semaphore_mem>>) src(%dma_wait3A_190 : memref<128x16xf32, #tpu.memory_space<vmem>>) dst(%dma_wait3A_196 : memref<10240x16xf32, #tpu.memory_space<vmem_shared>>)
    }
    %scan3A_84 = arith.constant 10 : i32
    %scan3A_85 = arith.constant 0 : i32
    %scan3A_86 = arith.constant 10 : i32
    %scan3A_87 = arith.addi %scan3A_85, %scan3A_86 : i32
    %scan3A_88 = arith.constant 1 : i32
    scf.for %scan3A_180 = %scan3A_85 to %scan3A_87 step %scan3A_88  : i32 {
      %mul3A_181 = arith.constant 1 : i32
      %mul3A_182 = arith.muli %scan3A_180, %mul3A_181 : i32
      %add3A_183 = arith.constant 0 : i32
      %add3A_184 = arith.addi %add3A_183, %mul3A_182 : i32
      %add3A_185 = arith.constant 40 : i32
      %add3A_186 = arith.addi %add3A_185, %add3A_184 : i32
      %dma_start3A = arith.constant 0 : i32
      %dma_start3A_187 = arith.constant 0 : i32
      %dma_start3A_188 = arith.constant 0 : i32
      %dma_start3A_189 = tpu.memref_slice %arg8[%dma_start3A, %add3A_184, %dma_start3A_187, %dma_start3A_188] : memref<2x10x128x16xf32, #tpu.memory_space<vmem>> -> memref<1x1x128x16xf32, #tpu.memory_space<vmem>>
      %dma_start3A_190 = tpu.memref_squeeze %dma_start3A_189 : memref<1x1x128x16xf32, #tpu.memory_space<vmem>> -> memref<128x16xf32, #tpu.memory_space<vmem>>
      %dma_start3A_191 = arith.constant 0 : i32
      %dma_start3A_192 = tpu.memref_slice %arg6[%add3A_186, %dma_start3A_191] : memref<80x128xi32, #tpu.memory_space<vmem>> -> memref<1x128xi32, #tpu.memory_space<vmem>>
      %dma_start3A_193 = tpu.memref_squeeze %dma_start3A_192 : memref<1x128xi32, #tpu.memory_space<vmem>> -> memref<128xi32, #tpu.memory_space<vmem>>
      %dma_start3A_194 = arith.constant 0 : i32
      %dma_start3A_195 = arith.constant 0 : i32
      %dma_start3A_196 = tpu.memref_slice %arg11[%dma_start3A_194, %dma_start3A_195] : memref<10240x16xf32, #tpu.memory_space<vmem_shared>> -> memref<10240x16xf32, #tpu.memory_space<vmem_shared>>
      tpu.enqueue_indirect_dma source(%dma_start3A_196 : memref<10240x16xf32, #tpu.memory_space<vmem_shared>>) target(%dma_start3A_190 : memref<128x16xf32, #tpu.memory_space<vmem>>) offsets(%dma_start3A_193 : memref<128xi32, #tpu.memory_space<vmem>>) semaphore(%arg12 : memref<!tpu.dma_semaphore, #tpu.memory_space<semaphore_mem>>)
    }
    %scan3A_89 = arith.constant 10 : i32
    %scan3A_90 = arith.constant 0 : i32
    %scan3A_91 = arith.constant 10 : i32
    %scan3A_92 = arith.addi %scan3A_90, %scan3A_91 : i32
    %scan3A_93 = arith.constant 1 : i32
    scf.for %scan3A_180 = %scan3A_90 to %scan3A_92 step %scan3A_93  : i32 {
      %mul3A_181 = arith.constant 1 : i32
      %mul3A_182 = arith.muli %scan3A_180, %mul3A_181 : i32
      %add3A_183 = arith.constant 0 : i32
      %add3A_184 = arith.addi %add3A_183, %mul3A_182 : i32
      %add3A_185 = arith.constant 30 : i32
      %add3A_186 = arith.addi %add3A_185, %add3A_184 : i32
      %dma_start3A = arith.constant 1 : i32
      %dma_start3A_187 = arith.constant 0 : i32
      %dma_start3A_188 = arith.constant 0 : i32
      %dma_start3A_189 = tpu.memref_slice %arg8[%dma_start3A, %add3A_184, %dma_start3A_187, %dma_start3A_188] : memref<2x10x128x16xf32, #tpu.memory_space<vmem>> -> memref<1x1x128x16xf32, #tpu.memory_space<vmem>>
      %dma_start3A_190 = tpu.memref_squeeze %dma_start3A_189 : memref<1x1x128x16xf32, #tpu.memory_space<vmem>> -> memref<128x16xf32, #tpu.memory_space<vmem>>
      %dma_start3A_191 = arith.constant 0 : i32
      %dma_start3A_192 = tpu.memref_slice %arg7[%add3A_186, %dma_start3A_191] : memref<80x128xi32, #tpu.memory_space<vmem>> -> memref<1x128xi32, #tpu.memory_space<vmem>>
      %dma_start3A_193 = tpu.memref_squeeze %dma_start3A_192 : memref<1x128xi32, #tpu.memory_space<vmem>> -> memref<128xi32, #tpu.memory_space<vmem>>
      %dma_start3A_194 = arith.constant 0 : i32
      %dma_start3A_195 = arith.constant 0 : i32
      %dma_start3A_196 = tpu.memref_slice %arg10[%dma_start3A_194, %dma_start3A_195] : memref<10240x16xf32, #tpu.memory_space<vmem_shared>> -> memref<10240x16xf32, #tpu.memory_space<vmem_shared>>
      tpu.enqueue_indirect_dma source(%dma_start3A_190 : memref<128x16xf32, #tpu.memory_space<vmem>>) target(%dma_start3A_196 : memref<10240x16xf32, #tpu.memory_space<vmem_shared>>) offsets(%dma_start3A_193 : memref<128xi32, #tpu.memory_space<vmem>>) semaphore(%arg13 : memref<!tpu.dma_semaphore, #tpu.memory_space<semaphore_mem>>) {add = true}
    }
    %scan3A_94 = arith.constant 10 : i32
    %scan3A_95 = arith.constant 0 : i32
    %scan3A_96 = arith.constant 10 : i32
    %scan3A_97 = arith.addi %scan3A_95, %scan3A_96 : i32
    %scan3A_98 = arith.constant 1 : i32
    scf.for %scan3A_180 = %scan3A_95 to %scan3A_97 step %scan3A_98  : i32 {
      %mul3A_181 = arith.constant 1 : i32
      %mul3A_182 = arith.muli %scan3A_180, %mul3A_181 : i32
      %add3A_183 = arith.constant 0 : i32
      %add3A_184 = arith.addi %add3A_183, %mul3A_182 : i32
      %dma_wait3A = arith.constant 0 : i32
      %dma_wait3A_185 = arith.constant 0 : i32
      %dma_wait3A_186 = arith.constant 0 : i32
      %dma_wait3A_187 = arith.constant 0 : i32
      %dma_wait3A_188 = arith.constant 0 : i32
      %dma_wait3A_189 = tpu.memref_slice %arg8[%dma_wait3A_185, %dma_wait3A_186, %dma_wait3A_187, %dma_wait3A_188] : memref<2x10x128x16xf32, #tpu.memory_space<vmem>> -> memref<1x1x128x16xf32, #tpu.memory_space<vmem>>
      %dma_wait3A_190 = tpu.memref_squeeze %dma_wait3A_189 : memref<1x1x128x16xf32, #tpu.memory_space<vmem>> -> memref<128x16xf32, #tpu.memory_space<vmem>>
      %dma_wait3A_191 = arith.constant 0 : i32
      %dma_wait3A_192 = tpu.memref_slice %arg6[%dma_wait3A, %dma_wait3A_191] : memref<80x128xi32, #tpu.memory_space<vmem>> -> memref<1x128xi32, #tpu.memory_space<vmem>>
      %dma_wait3A_193 = tpu.memref_squeeze %dma_wait3A_192 : memref<1x128xi32, #tpu.memory_space<vmem>> -> memref<128xi32, #tpu.memory_space<vmem>>
      %dma_wait3A_194 = arith.constant 0 : i32
      %dma_wait3A_195 = arith.constant 0 : i32
      %dma_wait3A_196 = tpu.memref_slice %arg11[%dma_wait3A_194, %dma_wait3A_195] : memref<10240x16xf32, #tpu.memory_space<vmem_shared>> -> memref<10240x16xf32, #tpu.memory_space<vmem_shared>>
      tpu.wait_indirect_dma semaphore(%arg12 : memref<!tpu.dma_semaphore, #tpu.memory_space<semaphore_mem>>) src(%dma_wait3A_196 : memref<10240x16xf32, #tpu.memory_space<vmem_shared>>) dst(%dma_wait3A_190 : memref<128x16xf32, #tpu.memory_space<vmem>>)
    }
    %scan3A_99 = arith.constant 10 : i32
    %scan3A_100 = arith.constant 0 : i32
    %scan3A_101 = arith.constant 10 : i32
    %scan3A_102 = arith.addi %scan3A_100, %scan3A_101 : i32
    %scan3A_103 = arith.constant 1 : i32
    scf.for %scan3A_180 = %scan3A_100 to %scan3A_102 step %scan3A_103  : i32 {
      %mul3A_181 = arith.constant 1 : i32
      %mul3A_182 = arith.muli %scan3A_180, %mul3A_181 : i32
      %add3A_183 = arith.constant 0 : i32
      %add3A_184 = arith.addi %add3A_183, %mul3A_182 : i32
      %dma_wait3A = arith.constant 0 : i32
      %dma_wait3A_185 = arith.constant 0 : i32
      %dma_wait3A_186 = arith.constant 0 : i32
      %dma_wait3A_187 = arith.constant 0 : i32
      %dma_wait3A_188 = arith.constant 0 : i32
      %dma_wait3A_189 = tpu.memref_slice %arg8[%dma_wait3A, %dma_wait3A_185, %dma_wait3A_187, %dma_wait3A_188] : memref<2x10x128x16xf32, #tpu.memory_space<vmem>> -> memref<1x1x128x16xf32, #tpu.memory_space<vmem>>
      %dma_wait3A_190 = tpu.memref_squeeze %dma_wait3A_189 : memref<1x1x128x16xf32, #tpu.memory_space<vmem>> -> memref<128x16xf32, #tpu.memory_space<vmem>>
      %dma_wait3A_191 = arith.constant 0 : i32
      %dma_wait3A_192 = tpu.memref_slice %arg7[%dma_wait3A_186, %dma_wait3A_191] : memref<80x128xi32, #tpu.memory_space<vmem>> -> memref<1x128xi32, #tpu.memory_space<vmem>>
      %dma_wait3A_193 = tpu.memref_squeeze %dma_wait3A_192 : memref<1x128xi32, #tpu.memory_space<vmem>> -> memref<128xi32, #tpu.memory_space<vmem>>
      %dma_wait3A_194 = arith.constant 0 : i32
      %dma_wait3A_195 = arith.constant 0 : i32
      %dma_wait3A_196 = tpu.memref_slice %arg10[%dma_wait3A_194, %dma_wait3A_195] : memref<10240x16xf32, #tpu.memory_space<vmem_shared>> -> memref<10240x16xf32, #tpu.memory_space<vmem_shared>>
      tpu.wait_indirect_dma semaphore(%arg13 : memref<!tpu.dma_semaphore, #tpu.memory_space<semaphore_mem>>) src(%dma_wait3A_190 : memref<128x16xf32, #tpu.memory_space<vmem>>) dst(%dma_wait3A_196 : memref<10240x16xf32, #tpu.memory_space<vmem_shared>>)
    }
    %scan3A_104 = arith.constant 10 : i32
    %scan3A_105 = arith.constant 0 : i32
    %scan3A_106 = arith.constant 10 : i32
    %scan3A_107 = arith.addi %scan3A_105, %scan3A_106 : i32
    %scan3A_108 = arith.constant 1 : i32
    scf.for %scan3A_180 = %scan3A_105 to %scan3A_107 step %scan3A_108  : i32 {
      %mul3A_181 = arith.constant 1 : i32
      %mul3A_182 = arith.muli %scan3A_180, %mul3A_181 : i32
      %add3A_183 = arith.constant 0 : i32
      %add3A_184 = arith.addi %add3A_183, %mul3A_182 : i32
      %add3A_185 = arith.constant 50 : i32
      %add3A_186 = arith.addi %add3A_185, %add3A_184 : i32
      %dma_start3A = arith.constant 1 : i32
      %dma_start3A_187 = arith.constant 0 : i32
      %dma_start3A_188 = arith.constant 0 : i32
      %dma_start3A_189 = tpu.memref_slice %arg8[%dma_start3A, %add3A_184, %dma_start3A_187, %dma_start3A_188] : memref<2x10x128x16xf32, #tpu.memory_space<vmem>> -> memref<1x1x128x16xf32, #tpu.memory_space<vmem>>
      %dma_start3A_190 = tpu.memref_squeeze %dma_start3A_189 : memref<1x1x128x16xf32, #tpu.memory_space<vmem>> -> memref<128x16xf32, #tpu.memory_space<vmem>>
      %dma_start3A_191 = arith.constant 0 : i32
      %dma_start3A_192 = tpu.memref_slice %arg6[%add3A_186, %dma_start3A_191] : memref<80x128xi32, #tpu.memory_space<vmem>> -> memref<1x128xi32, #tpu.memory_space<vmem>>
      %dma_start3A_193 = tpu.memref_squeeze %dma_start3A_192 : memref<1x128xi32, #tpu.memory_space<vmem>> -> memref<128xi32, #tpu.memory_space<vmem>>
      %dma_start3A_194 = arith.constant 0 : i32
      %dma_start3A_195 = arith.constant 0 : i32
      %dma_start3A_196 = tpu.memref_slice %arg11[%dma_start3A_194, %dma_start3A_195] : memref<10240x16xf32, #tpu.memory_space<vmem_shared>> -> memref<10240x16xf32, #tpu.memory_space<vmem_shared>>
      tpu.enqueue_indirect_dma source(%dma_start3A_196 : memref<10240x16xf32, #tpu.memory_space<vmem_shared>>) target(%dma_start3A_190 : memref<128x16xf32, #tpu.memory_space<vmem>>) offsets(%dma_start3A_193 : memref<128xi32, #tpu.memory_space<vmem>>) semaphore(%arg12 : memref<!tpu.dma_semaphore, #tpu.memory_space<semaphore_mem>>)
    }
    %scan3A_109 = arith.constant 10 : i32
    %scan3A_110 = arith.constant 0 : i32
    %scan3A_111 = arith.constant 10 : i32
    %scan3A_112 = arith.addi %scan3A_110, %scan3A_111 : i32
    %scan3A_113 = arith.constant 1 : i32
    scf.for %scan3A_180 = %scan3A_110 to %scan3A_112 step %scan3A_113  : i32 {
      %mul3A_181 = arith.constant 1 : i32
      %mul3A_182 = arith.muli %scan3A_180, %mul3A_181 : i32
      %add3A_183 = arith.constant 0 : i32
      %add3A_184 = arith.addi %add3A_183, %mul3A_182 : i32
      %add3A_185 = arith.constant 40 : i32
      %add3A_186 = arith.addi %add3A_185, %add3A_184 : i32
      %dma_start3A = arith.constant 0 : i32
      %dma_start3A_187 = arith.constant 0 : i32
      %dma_start3A_188 = arith.constant 0 : i32
      %dma_start3A_189 = tpu.memref_slice %arg8[%dma_start3A, %add3A_184, %dma_start3A_187, %dma_start3A_188] : memref<2x10x128x16xf32, #tpu.memory_space<vmem>> -> memref<1x1x128x16xf32, #tpu.memory_space<vmem>>
      %dma_start3A_190 = tpu.memref_squeeze %dma_start3A_189 : memref<1x1x128x16xf32, #tpu.memory_space<vmem>> -> memref<128x16xf32, #tpu.memory_space<vmem>>
      %dma_start3A_191 = arith.constant 0 : i32
      %dma_start3A_192 = tpu.memref_slice %arg7[%add3A_186, %dma_start3A_191] : memref<80x128xi32, #tpu.memory_space<vmem>> -> memref<1x128xi32, #tpu.memory_space<vmem>>
      %dma_start3A_193 = tpu.memref_squeeze %dma_start3A_192 : memref<1x128xi32, #tpu.memory_space<vmem>> -> memref<128xi32, #tpu.memory_space<vmem>>
      %dma_start3A_194 = arith.constant 0 : i32
      %dma_start3A_195 = arith.constant 0 : i32
      %dma_start3A_196 = tpu.memref_slice %arg10[%dma_start3A_194, %dma_start3A_195] : memref<10240x16xf32, #tpu.memory_space<vmem_shared>> -> memref<10240x16xf32, #tpu.memory_space<vmem_shared>>
      tpu.enqueue_indirect_dma source(%dma_start3A_190 : memref<128x16xf32, #tpu.memory_space<vmem>>) target(%dma_start3A_196 : memref<10240x16xf32, #tpu.memory_space<vmem_shared>>) offsets(%dma_start3A_193 : memref<128xi32, #tpu.memory_space<vmem>>) semaphore(%arg13 : memref<!tpu.dma_semaphore, #tpu.memory_space<semaphore_mem>>) {add = true}
    }
    %scan3A_114 = arith.constant 10 : i32
    %scan3A_115 = arith.constant 0 : i32
    %scan3A_116 = arith.constant 10 : i32
    %scan3A_117 = arith.addi %scan3A_115, %scan3A_116 : i32
    %scan3A_118 = arith.constant 1 : i32
    scf.for %scan3A_180 = %scan3A_115 to %scan3A_117 step %scan3A_118  : i32 {
      %mul3A_181 = arith.constant 1 : i32
      %mul3A_182 = arith.muli %scan3A_180, %mul3A_181 : i32
      %add3A_183 = arith.constant 0 : i32
      %add3A_184 = arith.addi %add3A_183, %mul3A_182 : i32
      %dma_wait3A = arith.constant 0 : i32
      %dma_wait3A_185 = arith.constant 0 : i32
      %dma_wait3A_186 = arith.constant 0 : i32
      %dma_wait3A_187 = arith.constant 0 : i32
      %dma_wait3A_188 = arith.constant 0 : i32
      %dma_wait3A_189 = tpu.memref_slice %arg8[%dma_wait3A_185, %dma_wait3A_186, %dma_wait3A_187, %dma_wait3A_188] : memref<2x10x128x16xf32, #tpu.memory_space<vmem>> -> memref<1x1x128x16xf32, #tpu.memory_space<vmem>>
      %dma_wait3A_190 = tpu.memref_squeeze %dma_wait3A_189 : memref<1x1x128x16xf32, #tpu.memory_space<vmem>> -> memref<128x16xf32, #tpu.memory_space<vmem>>
      %dma_wait3A_191 = arith.constant 0 : i32
      %dma_wait3A_192 = tpu.memref_slice %arg6[%dma_wait3A, %dma_wait3A_191] : memref<80x128xi32, #tpu.memory_space<vmem>> -> memref<1x128xi32, #tpu.memory_space<vmem>>
      %dma_wait3A_193 = tpu.memref_squeeze %dma_wait3A_192 : memref<1x128xi32, #tpu.memory_space<vmem>> -> memref<128xi32, #tpu.memory_space<vmem>>
      %dma_wait3A_194 = arith.constant 0 : i32
      %dma_wait3A_195 = arith.constant 0 : i32
      %dma_wait3A_196 = tpu.memref_slice %arg11[%dma_wait3A_194, %dma_wait3A_195] : memref<10240x16xf32, #tpu.memory_space<vmem_shared>> -> memref<10240x16xf32, #tpu.memory_space<vmem_shared>>
      tpu.wait_indirect_dma semaphore(%arg12 : memref<!tpu.dma_semaphore, #tpu.memory_space<semaphore_mem>>) src(%dma_wait3A_196 : memref<10240x16xf32, #tpu.memory_space<vmem_shared>>) dst(%dma_wait3A_190 : memref<128x16xf32, #tpu.memory_space<vmem>>)
    }
    %scan3A_119 = arith.constant 10 : i32
    %scan3A_120 = arith.constant 0 : i32
    %scan3A_121 = arith.constant 10 : i32
    %scan3A_122 = arith.addi %scan3A_120, %scan3A_121 : i32
    %scan3A_123 = arith.constant 1 : i32
    scf.for %scan3A_180 = %scan3A_120 to %scan3A_122 step %scan3A_123  : i32 {
      %mul3A_181 = arith.constant 1 : i32
      %mul3A_182 = arith.muli %scan3A_180, %mul3A_181 : i32
      %add3A_183 = arith.constant 0 : i32
      %add3A_184 = arith.addi %add3A_183, %mul3A_182 : i32
      %dma_wait3A = arith.constant 0 : i32
      %dma_wait3A_185 = arith.constant 0 : i32
      %dma_wait3A_186 = arith.constant 0 : i32
      %dma_wait3A_187 = arith.constant 0 : i32
      %dma_wait3A_188 = arith.constant 0 : i32
      %dma_wait3A_189 = tpu.memref_slice %arg8[%dma_wait3A, %dma_wait3A_185, %dma_wait3A_187, %dma_wait3A_188] : memref<2x10x128x16xf32, #tpu.memory_space<vmem>> -> memref<1x1x128x16xf32, #tpu.memory_space<vmem>>
      %dma_wait3A_190 = tpu.memref_squeeze %dma_wait3A_189 : memref<1x1x128x16xf32, #tpu.memory_space<vmem>> -> memref<128x16xf32, #tpu.memory_space<vmem>>
      %dma_wait3A_191 = arith.constant 0 : i32
      %dma_wait3A_192 = tpu.memref_slice %arg7[%dma_wait3A_186, %dma_wait3A_191] : memref<80x128xi32, #tpu.memory_space<vmem>> -> memref<1x128xi32, #tpu.memory_space<vmem>>
      %dma_wait3A_193 = tpu.memref_squeeze %dma_wait3A_192 : memref<1x128xi32, #tpu.memory_space<vmem>> -> memref<128xi32, #tpu.memory_space<vmem>>
      %dma_wait3A_194 = arith.constant 0 : i32
      %dma_wait3A_195 = arith.constant 0 : i32
      %dma_wait3A_196 = tpu.memref_slice %arg10[%dma_wait3A_194, %dma_wait3A_195] : memref<10240x16xf32, #tpu.memory_space<vmem_shared>> -> memref<10240x16xf32, #tpu.memory_space<vmem_shared>>
      tpu.wait_indirect_dma semaphore(%arg13 : memref<!tpu.dma_semaphore, #tpu.memory_space<semaphore_mem>>) src(%dma_wait3A_190 : memref<128x16xf32, #tpu.memory_space<vmem>>) dst(%dma_wait3A_196 : memref<10240x16xf32, #tpu.memory_space<vmem_shared>>)
    }
    %scan3A_124 = arith.constant 10 : i32
    %scan3A_125 = arith.constant 0 : i32
    %scan3A_126 = arith.constant 10 : i32
    %scan3A_127 = arith.addi %scan3A_125, %scan3A_126 : i32
    %scan3A_128 = arith.constant 1 : i32
    scf.for %scan3A_180 = %scan3A_125 to %scan3A_127 step %scan3A_128  : i32 {
      %mul3A_181 = arith.constant 1 : i32
      %mul3A_182 = arith.muli %scan3A_180, %mul3A_181 : i32
      %add3A_183 = arith.constant 0 : i32
      %add3A_184 = arith.addi %add3A_183, %mul3A_182 : i32
      %add3A_185 = arith.constant 60 : i32
      %add3A_186 = arith.addi %add3A_185, %add3A_184 : i32
      %dma_start3A = arith.constant 0 : i32
      %dma_start3A_187 = arith.constant 0 : i32
      %dma_start3A_188 = arith.constant 0 : i32
      %dma_start3A_189 = tpu.memref_slice %arg8[%dma_start3A, %add3A_184, %dma_start3A_187, %dma_start3A_188] : memref<2x10x128x16xf32, #tpu.memory_space<vmem>> -> memref<1x1x128x16xf32, #tpu.memory_space<vmem>>
      %dma_start3A_190 = tpu.memref_squeeze %dma_start3A_189 : memref<1x1x128x16xf32, #tpu.memory_space<vmem>> -> memref<128x16xf32, #tpu.memory_space<vmem>>
      %dma_start3A_191 = arith.constant 0 : i32
      %dma_start3A_192 = tpu.memref_slice %arg6[%add3A_186, %dma_start3A_191] : memref<80x128xi32, #tpu.memory_space<vmem>> -> memref<1x128xi32, #tpu.memory_space<vmem>>
      %dma_start3A_193 = tpu.memref_squeeze %dma_start3A_192 : memref<1x128xi32, #tpu.memory_space<vmem>> -> memref<128xi32, #tpu.memory_space<vmem>>
      %dma_start3A_194 = arith.constant 0 : i32
      %dma_start3A_195 = arith.constant 0 : i32
      %dma_start3A_196 = tpu.memref_slice %arg11[%dma_start3A_194, %dma_start3A_195] : memref<10240x16xf32, #tpu.memory_space<vmem_shared>> -> memref<10240x16xf32, #tpu.memory_space<vmem_shared>>
      tpu.enqueue_indirect_dma source(%dma_start3A_196 : memref<10240x16xf32, #tpu.memory_space<vmem_shared>>) target(%dma_start3A_190 : memref<128x16xf32, #tpu.memory_space<vmem>>) offsets(%dma_start3A_193 : memref<128xi32, #tpu.memory_space<vmem>>) semaphore(%arg12 : memref<!tpu.dma_semaphore, #tpu.memory_space<semaphore_mem>>)
    }
    %scan3A_129 = arith.constant 10 : i32
    %scan3A_130 = arith.constant 0 : i32
    %scan3A_131 = arith.constant 10 : i32
    %scan3A_132 = arith.addi %scan3A_130, %scan3A_131 : i32
    %scan3A_133 = arith.constant 1 : i32
    scf.for %scan3A_180 = %scan3A_130 to %scan3A_132 step %scan3A_133  : i32 {
      %mul3A_181 = arith.constant 1 : i32
      %mul3A_182 = arith.muli %scan3A_180, %mul3A_181 : i32
      %add3A_183 = arith.constant 0 : i32
      %add3A_184 = arith.addi %add3A_183, %mul3A_182 : i32
      %add3A_185 = arith.constant 50 : i32
      %add3A_186 = arith.addi %add3A_185, %add3A_184 : i32
      %dma_start3A = arith.constant 1 : i32
      %dma_start3A_187 = arith.constant 0 : i32
      %dma_start3A_188 = arith.constant 0 : i32
      %dma_start3A_189 = tpu.memref_slice %arg8[%dma_start3A, %add3A_184, %dma_start3A_187, %dma_start3A_188] : memref<2x10x128x16xf32, #tpu.memory_space<vmem>> -> memref<1x1x128x16xf32, #tpu.memory_space<vmem>>
      %dma_start3A_190 = tpu.memref_squeeze %dma_start3A_189 : memref<1x1x128x16xf32, #tpu.memory_space<vmem>> -> memref<128x16xf32, #tpu.memory_space<vmem>>
      %dma_start3A_191 = arith.constant 0 : i32
      %dma_start3A_192 = tpu.memref_slice %arg7[%add3A_186, %dma_start3A_191] : memref<80x128xi32, #tpu.memory_space<vmem>> -> memref<1x128xi32, #tpu.memory_space<vmem>>
      %dma_start3A_193 = tpu.memref_squeeze %dma_start3A_192 : memref<1x128xi32, #tpu.memory_space<vmem>> -> memref<128xi32, #tpu.memory_space<vmem>>
      %dma_start3A_194 = arith.constant 0 : i32
      %dma_start3A_195 = arith.constant 0 : i32
      %dma_start3A_196 = tpu.memref_slice %arg10[%dma_start3A_194, %dma_start3A_195] : memref<10240x16xf32, #tpu.memory_space<vmem_shared>> -> memref<10240x16xf32, #tpu.memory_space<vmem_shared>>
      tpu.enqueue_indirect_dma source(%dma_start3A_190 : memref<128x16xf32, #tpu.memory_space<vmem>>) target(%dma_start3A_196 : memref<10240x16xf32, #tpu.memory_space<vmem_shared>>) offsets(%dma_start3A_193 : memref<128xi32, #tpu.memory_space<vmem>>) semaphore(%arg13 : memref<!tpu.dma_semaphore, #tpu.memory_space<semaphore_mem>>) {add = true}
    }
    %scan3A_134 = arith.constant 10 : i32
    %scan3A_135 = arith.constant 0 : i32
    %scan3A_136 = arith.constant 10 : i32
    %scan3A_137 = arith.addi %scan3A_135, %scan3A_136 : i32
    %scan3A_138 = arith.constant 1 : i32
    scf.for %scan3A_180 = %scan3A_135 to %scan3A_137 step %scan3A_138  : i32 {
      %mul3A_181 = arith.constant 1 : i32
      %mul3A_182 = arith.muli %scan3A_180, %mul3A_181 : i32
      %add3A_183 = arith.constant 0 : i32
      %add3A_184 = arith.addi %add3A_183, %mul3A_182 : i32
      %dma_wait3A = arith.constant 0 : i32
      %dma_wait3A_185 = arith.constant 0 : i32
      %dma_wait3A_186 = arith.constant 0 : i32
      %dma_wait3A_187 = arith.constant 0 : i32
      %dma_wait3A_188 = arith.constant 0 : i32
      %dma_wait3A_189 = tpu.memref_slice %arg8[%dma_wait3A_185, %dma_wait3A_186, %dma_wait3A_187, %dma_wait3A_188] : memref<2x10x128x16xf32, #tpu.memory_space<vmem>> -> memref<1x1x128x16xf32, #tpu.memory_space<vmem>>
      %dma_wait3A_190 = tpu.memref_squeeze %dma_wait3A_189 : memref<1x1x128x16xf32, #tpu.memory_space<vmem>> -> memref<128x16xf32, #tpu.memory_space<vmem>>
      %dma_wait3A_191 = arith.constant 0 : i32
      %dma_wait3A_192 = tpu.memref_slice %arg6[%dma_wait3A, %dma_wait3A_191] : memref<80x128xi32, #tpu.memory_space<vmem>> -> memref<1x128xi32, #tpu.memory_space<vmem>>
      %dma_wait3A_193 = tpu.memref_squeeze %dma_wait3A_192 : memref<1x128xi32, #tpu.memory_space<vmem>> -> memref<128xi32, #tpu.memory_space<vmem>>
      %dma_wait3A_194 = arith.constant 0 : i32
      %dma_wait3A_195 = arith.constant 0 : i32
      %dma_wait3A_196 = tpu.memref_slice %arg11[%dma_wait3A_194, %dma_wait3A_195] : memref<10240x16xf32, #tpu.memory_space<vmem_shared>> -> memref<10240x16xf32, #tpu.memory_space<vmem_shared>>
      tpu.wait_indirect_dma semaphore(%arg12 : memref<!tpu.dma_semaphore, #tpu.memory_space<semaphore_mem>>) src(%dma_wait3A_196 : memref<10240x16xf32, #tpu.memory_space<vmem_shared>>) dst(%dma_wait3A_190 : memref<128x16xf32, #tpu.memory_space<vmem>>)
    }
    %scan3A_139 = arith.constant 10 : i32
    %scan3A_140 = arith.constant 0 : i32
    %scan3A_141 = arith.constant 10 : i32
    %scan3A_142 = arith.addi %scan3A_140, %scan3A_141 : i32
    %scan3A_143 = arith.constant 1 : i32
    scf.for %scan3A_180 = %scan3A_140 to %scan3A_142 step %scan3A_143  : i32 {
      %mul3A_181 = arith.constant 1 : i32
      %mul3A_182 = arith.muli %scan3A_180, %mul3A_181 : i32
      %add3A_183 = arith.constant 0 : i32
      %add3A_184 = arith.addi %add3A_183, %mul3A_182 : i32
      %dma_wait3A = arith.constant 0 : i32
      %dma_wait3A_185 = arith.constant 0 : i32
      %dma_wait3A_186 = arith.constant 0 : i32
      %dma_wait3A_187 = arith.constant 0 : i32
      %dma_wait3A_188 = arith.constant 0 : i32
      %dma_wait3A_189 = tpu.memref_slice %arg8[%dma_wait3A, %dma_wait3A_185, %dma_wait3A_187, %dma_wait3A_188] : memref<2x10x128x16xf32, #tpu.memory_space<vmem>> -> memref<1x1x128x16xf32, #tpu.memory_space<vmem>>
      %dma_wait3A_190 = tpu.memref_squeeze %dma_wait3A_189 : memref<1x1x128x16xf32, #tpu.memory_space<vmem>> -> memref<128x16xf32, #tpu.memory_space<vmem>>
      %dma_wait3A_191 = arith.constant 0 : i32
      %dma_wait3A_192 = tpu.memref_slice %arg7[%dma_wait3A_186, %dma_wait3A_191] : memref<80x128xi32, #tpu.memory_space<vmem>> -> memref<1x128xi32, #tpu.memory_space<vmem>>
      %dma_wait3A_193 = tpu.memref_squeeze %dma_wait3A_192 : memref<1x128xi32, #tpu.memory_space<vmem>> -> memref<128xi32, #tpu.memory_space<vmem>>
      %dma_wait3A_194 = arith.constant 0 : i32
      %dma_wait3A_195 = arith.constant 0 : i32
      %dma_wait3A_196 = tpu.memref_slice %arg10[%dma_wait3A_194, %dma_wait3A_195] : memref<10240x16xf32, #tpu.memory_space<vmem_shared>> -> memref<10240x16xf32, #tpu.memory_space<vmem_shared>>
      tpu.wait_indirect_dma semaphore(%arg13 : memref<!tpu.dma_semaphore, #tpu.memory_space<semaphore_mem>>) src(%dma_wait3A_190 : memref<128x16xf32, #tpu.memory_space<vmem>>) dst(%dma_wait3A_196 : memref<10240x16xf32, #tpu.memory_space<vmem_shared>>)
    }
    %scan3A_144 = arith.constant 10 : i32
    %scan3A_145 = arith.constant 0 : i32
    %scan3A_146 = arith.constant 10 : i32
    %scan3A_147 = arith.addi %scan3A_145, %scan3A_146 : i32
    %scan3A_148 = arith.constant 1 : i32
    scf.for %scan3A_180 = %scan3A_145 to %scan3A_147 step %scan3A_148  : i32 {
      %mul3A_181 = arith.constant 1 : i32
      %mul3A_182 = arith.muli %scan3A_180, %mul3A_181 : i32
      %add3A_183 = arith.constant 0 : i32
      %add3A_184 = arith.addi %add3A_183, %mul3A_182 : i32
      %add3A_185 = arith.constant 70 : i32
      %add3A_186 = arith.addi %add3A_185, %add3A_184 : i32
      %dma_start3A = arith.constant 1 : i32
      %dma_start3A_187 = arith.constant 0 : i32
      %dma_start3A_188 = arith.constant 0 : i32
      %dma_start3A_189 = tpu.memref_slice %arg8[%dma_start3A, %add3A_184, %dma_start3A_187, %dma_start3A_188] : memref<2x10x128x16xf32, #tpu.memory_space<vmem>> -> memref<1x1x128x16xf32, #tpu.memory_space<vmem>>
      %dma_start3A_190 = tpu.memref_squeeze %dma_start3A_189 : memref<1x1x128x16xf32, #tpu.memory_space<vmem>> -> memref<128x16xf32, #tpu.memory_space<vmem>>
      %dma_start3A_191 = arith.constant 0 : i32
      %dma_start3A_192 = tpu.memref_slice %arg6[%add3A_186, %dma_start3A_191] : memref<80x128xi32, #tpu.memory_space<vmem>> -> memref<1x128xi32, #tpu.memory_space<vmem>>
      %dma_start3A_193 = tpu.memref_squeeze %dma_start3A_192 : memref<1x128xi32, #tpu.memory_space<vmem>> -> memref<128xi32, #tpu.memory_space<vmem>>
      %dma_start3A_194 = arith.constant 0 : i32
      %dma_start3A_195 = arith.constant 0 : i32
      %dma_start3A_196 = tpu.memref_slice %arg11[%dma_start3A_194, %dma_start3A_195] : memref<10240x16xf32, #tpu.memory_space<vmem_shared>> -> memref<10240x16xf32, #tpu.memory_space<vmem_shared>>
      tpu.enqueue_indirect_dma source(%dma_start3A_196 : memref<10240x16xf32, #tpu.memory_space<vmem_shared>>) target(%dma_start3A_190 : memref<128x16xf32, #tpu.memory_space<vmem>>) offsets(%dma_start3A_193 : memref<128xi32, #tpu.memory_space<vmem>>) semaphore(%arg12 : memref<!tpu.dma_semaphore, #tpu.memory_space<semaphore_mem>>)
    }
    %scan3A_149 = arith.constant 10 : i32
    %scan3A_150 = arith.constant 0 : i32
    %scan3A_151 = arith.constant 10 : i32
    %scan3A_152 = arith.addi %scan3A_150, %scan3A_151 : i32
    %scan3A_153 = arith.constant 1 : i32
    scf.for %scan3A_180 = %scan3A_150 to %scan3A_152 step %scan3A_153  : i32 {
      %mul3A_181 = arith.constant 1 : i32
      %mul3A_182 = arith.muli %scan3A_180, %mul3A_181 : i32
      %add3A_183 = arith.constant 0 : i32
      %add3A_184 = arith.addi %add3A_183, %mul3A_182 : i32
      %add3A_185 = arith.constant 60 : i32
      %add3A_186 = arith.addi %add3A_185, %add3A_184 : i32
      %dma_start3A = arith.constant 0 : i32
      %dma_start3A_187 = arith.constant 0 : i32
      %dma_start3A_188 = arith.constant 0 : i32
      %dma_start3A_189 = tpu.memref_slice %arg8[%dma_start3A, %add3A_184, %dma_start3A_187, %dma_start3A_188] : memref<2x10x128x16xf32, #tpu.memory_space<vmem>> -> memref<1x1x128x16xf32, #tpu.memory_space<vmem>>
      %dma_start3A_190 = tpu.memref_squeeze %dma_start3A_189 : memref<1x1x128x16xf32, #tpu.memory_space<vmem>> -> memref<128x16xf32, #tpu.memory_space<vmem>>
      %dma_start3A_191 = arith.constant 0 : i32
      %dma_start3A_192 = tpu.memref_slice %arg7[%add3A_186, %dma_start3A_191] : memref<80x128xi32, #tpu.memory_space<vmem>> -> memref<1x128xi32, #tpu.memory_space<vmem>>
      %dma_start3A_193 = tpu.memref_squeeze %dma_start3A_192 : memref<1x128xi32, #tpu.memory_space<vmem>> -> memref<128xi32, #tpu.memory_space<vmem>>
      %dma_start3A_194 = arith.constant 0 : i32
      %dma_start3A_195 = arith.constant 0 : i32
      %dma_start3A_196 = tpu.memref_slice %arg10[%dma_start3A_194, %dma_start3A_195] : memref<10240x16xf32, #tpu.memory_space<vmem_shared>> -> memref<10240x16xf32, #tpu.memory_space<vmem_shared>>
      tpu.enqueue_indirect_dma source(%dma_start3A_190 : memref<128x16xf32, #tpu.memory_space<vmem>>) target(%dma_start3A_196 : memref<10240x16xf32, #tpu.memory_space<vmem_shared>>) offsets(%dma_start3A_193 : memref<128xi32, #tpu.memory_space<vmem>>) semaphore(%arg13 : memref<!tpu.dma_semaphore, #tpu.memory_space<semaphore_mem>>) {add = true}
    }
    %scan3A_154 = arith.constant 10 : i32
    %scan3A_155 = arith.constant 0 : i32
    %scan3A_156 = arith.constant 10 : i32
    %scan3A_157 = arith.addi %scan3A_155, %scan3A_156 : i32
    %scan3A_158 = arith.constant 1 : i32
    scf.for %scan3A_180 = %scan3A_155 to %scan3A_157 step %scan3A_158  : i32 {
      %mul3A_181 = arith.constant 1 : i32
      %mul3A_182 = arith.muli %scan3A_180, %mul3A_181 : i32
      %add3A_183 = arith.constant 0 : i32
      %add3A_184 = arith.addi %add3A_183, %mul3A_182 : i32
      %dma_wait3A = arith.constant 0 : i32
      %dma_wait3A_185 = arith.constant 0 : i32
      %dma_wait3A_186 = arith.constant 0 : i32
      %dma_wait3A_187 = arith.constant 0 : i32
      %dma_wait3A_188 = arith.constant 0 : i32
      %dma_wait3A_189 = tpu.memref_slice %arg8[%dma_wait3A_185, %dma_wait3A_186, %dma_wait3A_187, %dma_wait3A_188] : memref<2x10x128x16xf32, #tpu.memory_space<vmem>> -> memref<1x1x128x16xf32, #tpu.memory_space<vmem>>
      %dma_wait3A_190 = tpu.memref_squeeze %dma_wait3A_189 : memref<1x1x128x16xf32, #tpu.memory_space<vmem>> -> memref<128x16xf32, #tpu.memory_space<vmem>>
      %dma_wait3A_191 = arith.constant 0 : i32
      %dma_wait3A_192 = tpu.memref_slice %arg6[%dma_wait3A, %dma_wait3A_191] : memref<80x128xi32, #tpu.memory_space<vmem>> -> memref<1x128xi32, #tpu.memory_space<vmem>>
      %dma_wait3A_193 = tpu.memref_squeeze %dma_wait3A_192 : memref<1x128xi32, #tpu.memory_space<vmem>> -> memref<128xi32, #tpu.memory_space<vmem>>
      %dma_wait3A_194 = arith.constant 0 : i32
      %dma_wait3A_195 = arith.constant 0 : i32
      %dma_wait3A_196 = tpu.memref_slice %arg11[%dma_wait3A_194, %dma_wait3A_195] : memref<10240x16xf32, #tpu.memory_space<vmem_shared>> -> memref<10240x16xf32, #tpu.memory_space<vmem_shared>>
      tpu.wait_indirect_dma semaphore(%arg12 : memref<!tpu.dma_semaphore, #tpu.memory_space<semaphore_mem>>) src(%dma_wait3A_196 : memref<10240x16xf32, #tpu.memory_space<vmem_shared>>) dst(%dma_wait3A_190 : memref<128x16xf32, #tpu.memory_space<vmem>>)
    }
    %scan3A_159 = arith.constant 10 : i32
    %scan3A_160 = arith.constant 0 : i32
    %scan3A_161 = arith.constant 10 : i32
    %scan3A_162 = arith.addi %scan3A_160, %scan3A_161 : i32
    %scan3A_163 = arith.constant 1 : i32
    scf.for %scan3A_180 = %scan3A_160 to %scan3A_162 step %scan3A_163  : i32 {
      %mul3A_181 = arith.constant 1 : i32
      %mul3A_182 = arith.muli %scan3A_180, %mul3A_181 : i32
      %add3A_183 = arith.constant 0 : i32
      %add3A_184 = arith.addi %add3A_183, %mul3A_182 : i32
      %dma_wait3A = arith.constant 0 : i32
      %dma_wait3A_185 = arith.constant 0 : i32
      %dma_wait3A_186 = arith.constant 0 : i32
      %dma_wait3A_187 = arith.constant 0 : i32
      %dma_wait3A_188 = arith.constant 0 : i32
      %dma_wait3A_189 = tpu.memref_slice %arg8[%dma_wait3A, %dma_wait3A_185, %dma_wait3A_187, %dma_wait3A_188] : memref<2x10x128x16xf32, #tpu.memory_space<vmem>> -> memref<1x1x128x16xf32, #tpu.memory_space<vmem>>
      %dma_wait3A_190 = tpu.memref_squeeze %dma_wait3A_189 : memref<1x1x128x16xf32, #tpu.memory_space<vmem>> -> memref<128x16xf32, #tpu.memory_space<vmem>>
      %dma_wait3A_191 = arith.constant 0 : i32
      %dma_wait3A_192 = tpu.memref_slice %arg7[%dma_wait3A_186, %dma_wait3A_191] : memref<80x128xi32, #tpu.memory_space<vmem>> -> memref<1x128xi32, #tpu.memory_space<vmem>>
      %dma_wait3A_193 = tpu.memref_squeeze %dma_wait3A_192 : memref<1x128xi32, #tpu.memory_space<vmem>> -> memref<128xi32, #tpu.memory_space<vmem>>
      %dma_wait3A_194 = arith.constant 0 : i32
      %dma_wait3A_195 = arith.constant 0 : i32
      %dma_wait3A_196 = tpu.memref_slice %arg10[%dma_wait3A_194, %dma_wait3A_195] : memref<10240x16xf32, #tpu.memory_space<vmem_shared>> -> memref<10240x16xf32, #tpu.memory_space<vmem_shared>>
      tpu.wait_indirect_dma semaphore(%arg13 : memref<!tpu.dma_semaphore, #tpu.memory_space<semaphore_mem>>) src(%dma_wait3A_190 : memref<128x16xf32, #tpu.memory_space<vmem>>) dst(%dma_wait3A_196 : memref<10240x16xf32, #tpu.memory_space<vmem_shared>>)
    }
    %scan3A_164 = arith.constant 10 : i32
    %scan3A_165 = arith.constant 0 : i32
    %scan3A_166 = arith.constant 10 : i32
    %scan3A_167 = arith.addi %scan3A_165, %scan3A_166 : i32
    %scan3A_168 = arith.constant 1 : i32
    scf.for %scan3A_180 = %scan3A_165 to %scan3A_167 step %scan3A_168  : i32 {
      %mul3A_181 = arith.constant 1 : i32
      %mul3A_182 = arith.muli %scan3A_180, %mul3A_181 : i32
      %add3A_183 = arith.constant 0 : i32
      %add3A_184 = arith.addi %add3A_183, %mul3A_182 : i32
      %add3A_185 = arith.constant 70 : i32
      %add3A_186 = arith.addi %add3A_185, %add3A_184 : i32
      %dma_start3A = arith.constant 1 : i32
      %dma_start3A_187 = arith.constant 0 : i32
      %dma_start3A_188 = arith.constant 0 : i32
      %dma_start3A_189 = tpu.memref_slice %arg8[%dma_start3A, %add3A_184, %dma_start3A_187, %dma_start3A_188] : memref<2x10x128x16xf32, #tpu.memory_space<vmem>> -> memref<1x1x128x16xf32, #tpu.memory_space<vmem>>
      %dma_start3A_190 = tpu.memref_squeeze %dma_start3A_189 : memref<1x1x128x16xf32, #tpu.memory_space<vmem>> -> memref<128x16xf32, #tpu.memory_space<vmem>>
      %dma_start3A_191 = arith.constant 0 : i32
      %dma_start3A_192 = tpu.memref_slice %arg7[%add3A_186, %dma_start3A_191] : memref<80x128xi32, #tpu.memory_space<vmem>> -> memref<1x128xi32, #tpu.memory_space<vmem>>
      %dma_start3A_193 = tpu.memref_squeeze %dma_start3A_192 : memref<1x128xi32, #tpu.memory_space<vmem>> -> memref<128xi32, #tpu.memory_space<vmem>>
      %dma_start3A_194 = arith.constant 0 : i32
      %dma_start3A_195 = arith.constant 0 : i32
      %dma_start3A_196 = tpu.memref_slice %arg10[%dma_start3A_194, %dma_start3A_195] : memref<10240x16xf32, #tpu.memory_space<vmem_shared>> -> memref<10240x16xf32, #tpu.memory_space<vmem_shared>>
      tpu.enqueue_indirect_dma source(%dma_start3A_190 : memref<128x16xf32, #tpu.memory_space<vmem>>) target(%dma_start3A_196 : memref<10240x16xf32, #tpu.memory_space<vmem_shared>>) offsets(%dma_start3A_193 : memref<128xi32, #tpu.memory_space<vmem>>) semaphore(%arg13 : memref<!tpu.dma_semaphore, #tpu.memory_space<semaphore_mem>>) {add = true}
    }
    %scan3A_169 = arith.constant 10 : i32
    %scan3A_170 = arith.constant 0 : i32
    %scan3A_171 = arith.constant 10 : i32
    %scan3A_172 = arith.addi %scan3A_170, %scan3A_171 : i32
    %scan3A_173 = arith.constant 1 : i32
    scf.for %scan3A_180 = %scan3A_170 to %scan3A_172 step %scan3A_173  : i32 {
      %mul3A_181 = arith.constant 1 : i32
      %mul3A_182 = arith.muli %scan3A_180, %mul3A_181 : i32
      %add3A_183 = arith.constant 0 : i32
      %add3A_184 = arith.addi %add3A_183, %mul3A_182 : i32
      %dma_wait3A = arith.constant 0 : i32
      %dma_wait3A_185 = arith.constant 0 : i32
      %dma_wait3A_186 = arith.constant 0 : i32
      %dma_wait3A_187 = arith.constant 0 : i32
      %dma_wait3A_188 = arith.constant 0 : i32
      %dma_wait3A_189 = tpu.memref_slice %arg8[%dma_wait3A, %dma_wait3A_185, %dma_wait3A_187, %dma_wait3A_188] : memref<2x10x128x16xf32, #tpu.memory_space<vmem>> -> memref<1x1x128x16xf32, #tpu.memory_space<vmem>>
      %dma_wait3A_190 = tpu.memref_squeeze %dma_wait3A_189 : memref<1x1x128x16xf32, #tpu.memory_space<vmem>> -> memref<128x16xf32, #tpu.memory_space<vmem>>
      %dma_wait3A_191 = arith.constant 0 : i32
      %dma_wait3A_192 = tpu.memref_slice %arg7[%dma_wait3A_186, %dma_wait3A_191] : memref<80x128xi32, #tpu.memory_space<vmem>> -> memref<1x128xi32, #tpu.memory_space<vmem>>
      %dma_wait3A_193 = tpu.memref_squeeze %dma_wait3A_192 : memref<1x128xi32, #tpu.memory_space<vmem>> -> memref<128xi32, #tpu.memory_space<vmem>>
      %dma_wait3A_194 = arith.constant 0 : i32
      %dma_wait3A_195 = arith.constant 0 : i32
      %dma_wait3A_196 = tpu.memref_slice %arg10[%dma_wait3A_194, %dma_wait3A_195] : memref<10240x16xf32, #tpu.memory_space<vmem_shared>> -> memref<10240x16xf32, #tpu.memory_space<vmem_shared>>
      tpu.wait_indirect_dma semaphore(%arg13 : memref<!tpu.dma_semaphore, #tpu.memory_space<semaphore_mem>>) src(%dma_wait3A_190 : memref<128x16xf32, #tpu.memory_space<vmem>>) dst(%dma_wait3A_196 : memref<10240x16xf32, #tpu.memory_space<vmem_shared>>)
    }
    %scan3A_174 = arith.constant 10 : i32
    %barrier3A_175 = arith.constant 0 : index
    tpu.barrier barrier_id(%barrier3A_175)
    %mul3A_176 = arith.constant 640 : i32
    %mul3A_177 = arith.muli %arg1, %mul3A_176 : i32
    %mul3A_178 = arith.constant 640 : i32
    %mul3A_179 = arith.muli %arg1, %mul3A_178 : i32
    "tpu.region"() ({
      %run_scoped3A = tpu.sem_alloc : memref<!tpu.dma_semaphore, #tpu.memory_space<semaphore_mem>>
      %dma_start3A = arith.constant 0 : i32
      %dma_start3A_180 = tpu.memref_slice %arg5[%arg0, %mul3A_179, %dma_start3A] : memref<2x10240x16xf32, #tpu.memory_space<hbm>> -> memref<1x640x16xf32, #tpu.memory_space<hbm>>
      %dma_start3A_181 = tpu.memref_squeeze %dma_start3A_180 : memref<1x640x16xf32, #tpu.memory_space<hbm>> -> memref<640x16xf32, #tpu.memory_space<hbm>>
      %dma_start3A_182 = arith.constant 0 : i32
      %dma_start3A_183 = tpu.memref_slice %arg10[%mul3A_177, %dma_start3A_182] : memref<10240x16xf32, #tpu.memory_space<vmem_shared>> -> memref<640x16xf32, #tpu.memory_space<vmem_shared>>
      tpu.enqueue_dma source(%dma_start3A_183 : memref<640x16xf32, #tpu.memory_space<vmem_shared>>) target(%dma_start3A_181 : memref<640x16xf32, #tpu.memory_space<hbm>>) target_semaphore(%run_scoped3A : memref<!tpu.dma_semaphore, #tpu.memory_space<semaphore_mem>>)
      %dma_wait3A = arith.constant 0 : i32
      %dma_wait3A_184 = tpu.memref_slice %arg5[%arg0, %mul3A_179, %dma_wait3A] : memref<2x10240x16xf32, #tpu.memory_space<hbm>> -> memref<1x640x16xf32, #tpu.memory_space<hbm>>
      %dma_wait3A_185 = tpu.memref_squeeze %dma_wait3A_184 : memref<1x640x16xf32, #tpu.memory_space<hbm>> -> memref<640x16xf32, #tpu.memory_space<hbm>>
      %dma_wait3A_186 = arith.constant 0 : i32
      %dma_wait3A_187 = tpu.memref_slice %arg10[%mul3A_177, %dma_wait3A_186] : memref<10240x16xf32, #tpu.memory_space<vmem_shared>> -> memref<640x16xf32, #tpu.memory_space<vmem_shared>>
      tpu.wait_dma2 semaphore(%run_scoped3A : memref<!tpu.dma_semaphore, #tpu.memory_space<semaphore_mem>>) src(%dma_wait3A_187 : memref<640x16xf32, #tpu.memory_space<vmem_shared>>) dst(%dma_wait3A_185 : memref<640x16xf32, #tpu.memory_space<hbm>>)
      tpu.yield
    }) : () -> ()
    return
  }
}

module attributes {stable_mosaic.version = 14 : i64} {
  func.func @_mm1_body(%arg0: memref<1280x1024xf32, #tpu.memory_space<vmem>>, %arg1: memref<1024x128xf32, #tpu.memory_space<vmem>>, %arg2: memref<2x1280x128xf32, #tpu.memory_space<vmem>>, %arg3: memref<1280x128xf32, #tpu.memory_space<vmem>>, %arg4: memref<1280x128xf32, #tpu.memory_space<vmem>>) attributes {dimension_semantics = [], scalar_prefetch = 0 : i64, scratch_operands = 0 : i64, tpu.core_type = #tpu.core_type<tc>} {
    %get3A = arith.constant 0 : index
    %get3A_0 = arith.constant 0 : index
    %get3A_1 = arith.constant 0 : index
    %get3A_2 = vector.load %arg2[%get3A, %get3A_0, %get3A_1] : memref<2x1280x128xf32, #tpu.memory_space<vmem>>, vector<1x1280x128xf32>
    %get3A_3 = vector.shape_cast %get3A_2 : vector<1x1280x128xf32> to vector<1280x128xf32>
    %get3A_4 = arith.constant 1 : index
    %get3A_5 = arith.constant 0 : index
    %get3A_6 = arith.constant 0 : index
    %get3A_7 = vector.load %arg2[%get3A_4, %get3A_5, %get3A_6] : memref<2x1280x128xf32, #tpu.memory_space<vmem>>, vector<1x1280x128xf32>
    %get3A_8 = vector.shape_cast %get3A_7 : vector<1x1280x128xf32> to vector<1280x128xf32>
    %add3A = arith.addf %get3A_3, %get3A_8 : vector<1280x128xf32>
    %add3A_9 = arith.constant 1.000000e+00 : f32
    %add3A_10 = vector.broadcast %add3A_9 : f32 to vector<1280x128xf32>
    %add3A_11 = arith.addf %add3A, %add3A_10 : vector<1280x128xf32>
    %rsqrt3A = math.rsqrt %add3A_11 : vector<1280x128xf32>
    %swap3A = arith.constant 0 : index
    %swap3A_12 = arith.constant 0 : index
    %swap3A_13 = vector.load %arg4[%swap3A, %swap3A_12] : memref<1280x128xf32, #tpu.memory_space<vmem>>, vector<1280x128xf32>
    tpu.vector_store %arg4[%swap3A, %swap3A_12], %rsqrt3A {strides = array<i32>} : memref<1280x128xf32, #tpu.memory_space<vmem>>, vector<1280x128xf32>,
    %get3A_14 = arith.constant 0 : index
    %get3A_15 = arith.constant 0 : index
    %get3A_16 = vector.load %arg0[%get3A_14, %get3A_15] : memref<1280x1024xf32, #tpu.memory_space<vmem>>, vector<1280x1024xf32>
    %get3A_17 = arith.constant 0 : index
    %get3A_18 = arith.constant 0 : index
    %get3A_19 = vector.load %arg1[%get3A_17, %get3A_18] : memref<1024x128xf32, #tpu.memory_space<vmem>>, vector<1024x128xf32>
    %dot_general3A = arith.constant dense<0.000000e+00> : vector<1280x128xf32>
    %dot_general3A_20 = tpu.matmul %get3A_16, %get3A_19, %dot_general3A {dimension_numbers = #tpu.dot_dimension_numbers<[1], [0], [0], [1], [0, 0, 1, 1], [], []>, transpose_lhs_hint = false} : vector<1280x1024xf32>, vector<1024x128xf32>, vector<1280x128xf32> -> vector<1280x128xf32>
    %mul3A = arith.mulf %dot_general3A_20, %rsqrt3A : vector<1280x128xf32>
    %swap3A_21 = arith.constant 0 : index
    %swap3A_22 = arith.constant 0 : index
    %swap3A_23 = vector.load %arg3[%swap3A_21, %swap3A_22] : memref<1280x128xf32, #tpu.memory_space<vmem>>, vector<1280x128xf32>
    tpu.vector_store %arg3[%swap3A_21, %swap3A_22], %mul3A {strides = array<i32>} : memref<1280x128xf32, #tpu.memory_space<vmem>>, vector<1280x128xf32>,
    return
  }
}

module attributes {stable_mosaic.version = 14 : i64} {
  func.func @_relu_body(%arg0: memref<2x1280x128xf32, #tpu.memory_space<vmem>>, %arg1: memref<1280x128xf32, #tpu.memory_space<vmem>>, %arg2: memref<1280x128xf32, #tpu.memory_space<vmem>>, %arg3: memref<1x128xf32, #tpu.memory_space<vmem>>, %arg4: memref<1280x128xf32, #tpu.memory_space<vmem>>) attributes {dimension_semantics = [], scalar_prefetch = 0 : i64, scratch_operands = 0 : i64, tpu.core_type = #tpu.core_type<tc>} {
    %get3A = arith.constant 0 : index
    %get3A_0 = arith.constant 0 : index
    %get3A_1 = vector.load %arg2[%get3A, %get3A_0] : memref<1280x128xf32, #tpu.memory_space<vmem>>, vector<1280x128xf32>
    %get3A_2 = arith.constant 0 : index
    %get3A_3 = arith.constant 0 : index
    %get3A_4 = arith.constant 0 : index
    %get3A_5 = vector.load %arg0[%get3A_2, %get3A_3, %get3A_4] : memref<2x1280x128xf32, #tpu.memory_space<vmem>>, vector<1x1280x128xf32>
    %get3A_6 = vector.shape_cast %get3A_5 : vector<1x1280x128xf32> to vector<1280x128xf32>
    %get3A_7 = arith.constant 1 : index
    %get3A_8 = arith.constant 0 : index
    %get3A_9 = arith.constant 0 : index
    %get3A_10 = vector.load %arg0[%get3A_7, %get3A_8, %get3A_9] : memref<2x1280x128xf32, #tpu.memory_space<vmem>>, vector<1x1280x128xf32>
    %get3A_11 = vector.shape_cast %get3A_10 : vector<1x1280x128xf32> to vector<1280x128xf32>
    %add3A = arith.addf %get3A_6, %get3A_11 : vector<1280x128xf32>
    %get3A_12 = arith.constant 0 : index
    %get3A_13 = arith.constant 0 : index
    %get3A_14 = vector.load %arg1[%get3A_12, %get3A_13] : memref<1280x128xf32, #tpu.memory_space<vmem>>, vector<1280x128xf32>
    %add3A_15 = arith.addf %add3A, %get3A_14 : vector<1280x128xf32>
    %mul3A = arith.mulf %get3A_1, %add3A_15 : vector<1280x128xf32>
    %get3A_16 = arith.constant 0 : index
    %get3A_17 = arith.constant 0 : index
    %get3A_18 = vector.load %arg3[%get3A_16, %get3A_17] : memref<1x128xf32, #tpu.memory_space<vmem>>, vector<1x128xf32>
    %add3A_19 = vector.broadcast %get3A_18 : vector<1x128xf32> to vector<1280x128xf32>
    %add3A_20 = arith.addf %mul3A, %add3A_19 : vector<1280x128xf32>
    %max3A = arith.constant 0.000000e+00 : f32
    %max3A_21 = vector.broadcast %max3A : f32 to vector<1280x128xf32>
    %max3A_22 = arith.maximumf %add3A_20, %max3A_21 : vector<1280x128xf32>
    %mul3A_23 = arith.mulf %get3A_1, %max3A_22 : vector<1280x128xf32>
    %swap3A = arith.constant 0 : index
    %swap3A_24 = arith.constant 0 : index
    %swap3A_25 = vector.load %arg4[%swap3A, %swap3A_24] : memref<1280x128xf32, #tpu.memory_space<vmem>>, vector<1280x128xf32>
    tpu.vector_store %arg4[%swap3A, %swap3A_24], %mul3A_23 {strides = array<i32>} : memref<1280x128xf32, #tpu.memory_space<vmem>>, vector<1280x128xf32>,
    return
  }
}

module attributes {stable_mosaic.version = 14 : i64} {
  func.func @_final_body(%arg0: memref<2x1280x128xf32, #tpu.memory_space<vmem>>, %arg1: memref<1280x128xf32, #tpu.memory_space<vmem>>, %arg2: memref<1280x128xf32, #tpu.memory_space<vmem>>, %arg3: memref<128x320xf32, #tpu.memory_space<vmem>>, %arg4: memref<1x320xf32, #tpu.memory_space<vmem>>, %arg5: memref<1280x320xf32, #tpu.memory_space<vmem>>) attributes {dimension_semantics = [], scalar_prefetch = 0 : i64, scratch_operands = 0 : i64, tpu.core_type = #tpu.core_type<tc>} {
    %get3A = arith.constant 0 : index
    %get3A_0 = arith.constant 0 : index
    %get3A_1 = vector.load %arg2[%get3A, %get3A_0] : memref<1280x128xf32, #tpu.memory_space<vmem>>, vector<1280x128xf32>
    %get3A_2 = arith.constant 0 : index
    %get3A_3 = arith.constant 0 : index
    %get3A_4 = arith.constant 0 : index
    %get3A_5 = vector.load %arg0[%get3A_2, %get3A_3, %get3A_4] : memref<2x1280x128xf32, #tpu.memory_space<vmem>>, vector<1x1280x128xf32>
    %get3A_6 = vector.shape_cast %get3A_5 : vector<1x1280x128xf32> to vector<1280x128xf32>
    %get3A_7 = arith.constant 1 : index
    %get3A_8 = arith.constant 0 : index
    %get3A_9 = arith.constant 0 : index
    %get3A_10 = vector.load %arg0[%get3A_7, %get3A_8, %get3A_9] : memref<2x1280x128xf32, #tpu.memory_space<vmem>>, vector<1x1280x128xf32>
    %get3A_11 = vector.shape_cast %get3A_10 : vector<1x1280x128xf32> to vector<1280x128xf32>
    %add3A = arith.addf %get3A_6, %get3A_11 : vector<1280x128xf32>
    %get3A_12 = arith.constant 0 : index
    %get3A_13 = arith.constant 0 : index
    %get3A_14 = vector.load %arg1[%get3A_12, %get3A_13] : memref<1280x128xf32, #tpu.memory_space<vmem>>, vector<1280x128xf32>
    %add3A_15 = arith.addf %add3A, %get3A_14 : vector<1280x128xf32>
    %mul3A = arith.mulf %get3A_1, %add3A_15 : vector<1280x128xf32>
    %get3A_16 = arith.constant 0 : index
    %get3A_17 = arith.constant 0 : index
    %get3A_18 = vector.load %arg3[%get3A_16, %get3A_17] : memref<128x320xf32, #tpu.memory_space<vmem>>, vector<128x320xf32>
    %dot_general3A = arith.constant dense<0.000000e+00> : vector<1280x320xf32>
    %dot_general3A_19 = tpu.matmul %mul3A, %get3A_18, %dot_general3A {dimension_numbers = #tpu.dot_dimension_numbers<[1], [0], [0], [1], [0, 0, 1, 1], [], []>, transpose_lhs_hint = false} : vector<1280x128xf32>, vector<128x320xf32>, vector<1280x320xf32> -> vector<1280x320xf32>
    %get3A_20 = arith.constant 0 : index
    %get3A_21 = arith.constant 0 : index
    %get3A_22 = vector.load %arg4[%get3A_20, %get3A_21] : memref<1x320xf32, #tpu.memory_space<vmem>>, vector<1x320xf32>
    %add3A_23 = vector.broadcast %get3A_22 : vector<1x320xf32> to vector<1280x320xf32>
    %add3A_24 = arith.addf %dot_general3A_19, %add3A_23 : vector<1280x320xf32>
    %swap3A = arith.constant 0 : index
    %swap3A_25 = arith.constant 0 : index
    %swap3A_26 = vector.load %arg5[%swap3A, %swap3A_25] : memref<1280x320xf32, #tpu.memory_space<vmem>>, vector<1280x320xf32>
    tpu.vector_store %arg5[%swap3A, %swap3A_25], %add3A_24 {strides = array<i32>} : memref<1280x320xf32, #tpu.memory_space<vmem>>, vector<1280x320xf32>,
    return
  }
}

</mosaic_0001>

<sc_bundles>
// kernel: kernel.11.cloned.1.call-start
scs
__scs_entry_jumppad:
0x0: {  	(pc) =	sbr.rel $0x88, $3  }
0x1: {  	(tag) =	ssettag $0x0;
	lr =	simm.s32 $0x1  }
0x2: {  	[smem:$0x3F9B] =	sst lr;
	_ =	strace $0xD0000000  }
0x3: {  	_ = 	snop  }
0x4: {  	_ = 	snop  }
0x5: {  	_ = 	snop  }
0x6: {  	_ = 	snop  }
0x7: {  	_ = 	snop  }
__scs_overlays_trampoline_lowered:
0x8: {  	[smem:$0x3FAA] =	sst s0  }
0x9: {  	[smem:$0x3FAB] =	sst s1  }
0xa: {  	[smem:$0x3FAC] =	sst s2  }
0xb: {  	[smem:$0x3FAD] =	sst s3  }
0xc: {  	[smem:$0x3FAE] =	sst s4  }
0xd: {  	[smem:$0x3FAF] =	sst s5  }
0xe: {  	[smem:$0x3FB0] =	sst s6  }
0xf: {  	[smem:$0x3FB1] =	sst s7  }
0x10: {  	[smem:$0x3FB2] =	sst s8  }
0x11: {  	[smem:$0x3FB3] =	sst s9;
	s0 =	simm.s32 @!p0 $0x0  }
0x12: {  	s1 =	sld [smem:$0x3F99];
	s0 =	simm.s32 @p0 $0x1  }
0x13: {  	[smem:$0x3FB4] =	sst s0;
	s0 =	simm.s32 @!p1 $0x0  }
0x14: {  	s2 =	sld [smem:$0x3F98];
	s0 =	simm.s32 @p1 $0x1  }
0x15: {  	[smem:$0x3FB5] =	sst s0;
	s0 =	simm.s32 @!p2 $0x0  }
0x16: {  	s3 =	sld [smem:$0x3FDB];
	s0 =	simm.s32 @p2 $0x1  }
0x17: {  	s4 =	simm.s32 $0x1BF5;
	[smem:$0x3FB7] =	sst s0  }
0x18: {  	s0 =	sld [smem:$0x3F9A];
	_ =	swait.ge [sflag:s4], $0x0  }
0x19: {  	s7 =	sld [smem:$0x3F9B]  }
0x1a: {  	s8 =	sadd.s32 $0xFFFFE003, lr  }
0x1b: {  	s9 =	sadd.s32 $0xFFFFFEF7, lr;
	s5 =	simm.s32 $0xFFFFFFFF;
	p2 =	slt.u32 s8, $0xFFFFF086  }
0x1c: {  	p1 =	slt.u32 s9, $0xF7A;
	s5 =	simm.s32 @!p2 $0x0  }
0x1d: {  	s5 =	simm.s32 @p1 $0x1;
	p0 =	seq.s32 s7, s2  }
0x1e: {  	s7 =	smul.u32 @!p0 $0xF7A, s2;
	p2 =	seq.s32 @!p0 s5, $0x0  }
0x1f: {  	s9 =	smul.u32 $0xF7A, s1;
	s8 =	simm.s32 @!p0 $0x1BF5;
	p2 =	por !p2, p0  }
0x20: {  	[sflag:s8] =	ssyncset.s32 @!p0 $0xFFFFF086;
	s6 =	sadd.s32 @!p0 s3, s7;
	s7 =	simm.s32 @!p0 $0x108  }
0x21: {  	s3 =	sadd.s32 s3, s9;
	s6 =	sadd.s32 @!p0 $0x88, s6;
	s7 =	simm.s32 @p2 $0x1082  }
0x22: {  	[simem:s7], [sflag:s8] =	dma.local @!p0 [hbm:s6], $0xF7A  }
0x23: {  	s9 =	sor.u32 $0xD0000000, s2;
	s6 =	simm.s32 $0x108;
	_ =	swait.ge @!p0 [sflag:s8], $0x0  }
0x24: {  	s3 =	sadd.s32 $0x88, s3;
	s6 =	simm.s32 @!p1 $0x1082;
	[sflag:s4] =	ssyncset.s32 $0xFFFFF086  }
0x25: {  	[simem:s6], [sflag:s4] =	dma.local [hbm:s3], $0xF7A  }
0x26: {  	[smem:$0x3F9B] =	sst s1;
	(tag) =	ssettag s2;
	_ =	strace s9  }
0x27: {  	s1 =	sld [smem:$0x3FAB]  }
0x28: {  	s2 =	sld [smem:$0x3FAC]  }
0x29: {  	s4 =	sld [smem:$0x3FAE]  }
0x2a: {  	p0 =	seq.s32 s5, $0x0;
	s5 =	sld [smem:$0x3FAF]  }
0x2b: {  	s6 =	sld [smem:$0x3FB0]  }
0x2c: {  	s7 =	sld [smem:$0x3FB1]  }
0x2d: {  	s3 =	simm.s32 $0x108;
	s8 =	sld [smem:$0x3FB2]  }
0x2e: {  	s3 =	simm.s32 @!p0 $0x1082;
	s9 =	sld [smem:$0x3FB3]  }
0x2f: {  	lr =	sadd.s32 s0, s3;
	s0 =	sld [smem:$0x3FAA]  }
0x30: {  	s3 =	sld [smem:$0x3FAD]  }
0x31: {  	[smem:$0x3FB6] =	sst s10  }
0x32: {  	s10 =	sld [smem:$0x3FB4];
	_ =	sdelay $0x3  }
0x33: {  	p0 =	seq.s32 s10, $0x1;
	s10 =	sld [smem:$0x3FB6];
	_ =	sdelay $0x3  }
0x34: {  	[smem:$0x3FB6] =	sst s10  }
0x35: {  	s10 =	sld [smem:$0x3FB5];
	_ =	sdelay $0x3  }
0x36: {  	p1 =	seq.s32 s10, $0x1;
	s10 =	sld [smem:$0x3FB6];
	_ =	sdelay $0x3  }
0x37: {  	[smem:$0x3FB6] =	sst s10  }
0x38: {  	s10 =	sld [smem:$0x3FB7]  }
0x39: {  	_ = 	snop;
	(pc) =	sbr.ind lr, $3  }
0x3a: {  	_ = 	snop  }
0x3b: {  	_ = 	snop  }
0x3c: {  	p2 =	seq.s32 s10, $0x1;
	s10 =	sld [smem:$0x3FB6]  }
0x3d: {  	_ =	shalt  }
0x3e: {  	_ =	shalt  }
0x3f: {  	_ =	shalt  }
0x40: {  	_ =	shalt  }
0x41: {  	_ =	shalt  }
0x42: {  	_ =	shalt  }
0x43: {  	_ =	shalt  }
0x44: {  	_ =	shalt  }
0x45: {  	_ =	shalt  }
0x46: {  	_ =	shalt  }
0x47: {  	_ =	shalt  }
0x48: {  	_ =	shalt  }
0x49: {  	_ =	shalt  }
0x4a: {  	_ =	shalt  }
0x4b: {  	_ =	shalt  }
0x4c: {  	_ =	shalt  }
0x4d: {  	_ =	shalt  }
0x4e: {  	_ =	shalt  }
0x4f: {  	_ =	shalt  }
0x50: {  	_ =	shalt  }
0x51: {  	_ =	shalt  }
0x52: {  	_ =	shalt  }
0x53: {  	_ =	shalt  }
0x54: {  	_ =	shalt  }
0x55: {  	_ =	shalt  }
0x56: {  	_ =	shalt  }
0x57: {  	_ =	shalt  }
0x58: {  	_ =	shalt  }
0x59: {  	_ =	shalt  }
0x5a: {  	_ =	shalt  }
0x5b: {  	_ =	shalt  }
0x5c: {  	_ =	shalt  }
0x5d: {  	_ =	shalt  }
0x5e: {  	_ =	shalt  }
0x5f: {  	_ =	shalt  }
0x60: {  	_ =	shalt  }
0x61: {  	_ =	shalt  }
0x62: {  	_ =	shalt  }
0x63: {  	_ =	shalt  }
0x64: {  	_ =	shalt  }
0x65: {  	_ =	shalt  }
0x66: {  	_ =	shalt  }
0x67: {  	_ =	shalt  }
0x68: {  	_ =	shalt  }
0x69: {  	_ =	shalt  }
0x6a: {  	_ =	shalt  }
0x6b: {  	_ =	shalt  }
0x6c: {  	_ =	shalt  }
0x6d: {  	_ =	shalt  }
0x6e: {  	_ =	shalt  }
0x6f: {  	_ =	shalt  }
0x70: {  	_ =	shalt  }
0x71: {  	_ =	shalt  }
0x72: {  	_ =	shalt  }
0x73: {  	_ =	shalt  }
0x74: {  	_ =	shalt  }
0x75: {  	_ =	shalt  }
0x76: {  	_ =	shalt  }
0x77: {  	_ =	shalt  }
0x78: {  	_ =	shalt  }
0x79: {  	_ =	shalt  }
0x7a: {  	_ =	shalt  }
0x7b: {  	_ =	shalt  }
0x7c: {  	_ =	shalt  }
0x7d: {  	_ =	shalt  }
0x7e: {  	_ =	shalt  }
0x7f: {  	_ =	shalt  }
0x80: {  	_ =	shalt  }
0x81: {  	_ =	shalt  }
0x82: {  	_ =	shalt  }
0x83: {  	_ =	shalt  }
0x84: {  	_ =	shalt  }
0x85: {  	_ =	shalt  }
0x86: {  	_ =	shalt  }
0x87: {  	_ =	shalt  }
.Lfunc_end0:
.L_simem_size_0:
called_computation.1_lowered:
.L_overlay_start_0:
0x88: {  	s2 =	sld [smem:$0x3FD9]  }
0x89: {  	s3 =	sld [smem:$0x3FFE];
	_ =	sdelay $0x1  }
0x8a: {  	s1 =	srdreg.scid  }
0x8b: {  	s0 =	sand.u32 $0x1, s1  }
0x8c: {  	s17 =	sshll.u32 s0, $0xA;
	s2 =	sadd.s32 s3, s2  }
0x8d: {  	s2 =	sadd.s32 s2, s17  }
0x8e: {  	[smem:$0x3FC2] =	sst s2  }
0x8f: {  	_ = 	snop  }
0x90: {  	s2 =	sld [smem:$0x3FD0];
	(tm) =	ssettm $0x1  }
0x91: {  	s18 =	sld [smem:$0x3FFB];
	_ =	sdelay $0x3  }
0x92: {  	_ =	strace s18  }
0x93: {  	s3 =	sld [smem:$0x3FFC];
	_ =	sdelay $0x3  }
0x94: {  	_ =	strace s3  }
0x95: {  	s3 =	sld [smem:$0x3FFD];
	_ =	sdelay $0x3  }
0x96: {  	_ =	strace s3  }
0x97: {  	_ =	strace $0x8FFFFFFF  }
0x98: {  	s19 =	sld [smem:$0x3FDB];
	_ =	sdelay $0x1  }
0x99: {  	s4 =	simm.s32 $_scs_section_size  }
0x9a: {  	s5 =	simm.s32 $_size__tile_overlayer_lowered;
	s6 =	simm.s32 $_tile_overlayer_lowered  }
0x9b: {  	s22 =	simm.s32 $0x1BFF;
	s21 =	sshll.u32 s6, $0x1;
	s3 =	sadd.s32 s4, s19  }
0x9c: {  	s7 =	simm.s32 $0x0;
	s20 =	sshll.u32 s5, $0x1;
	s5 =	sadd.s32 s21, s3  }
0x9d: {  	[timem:s7], [sflag:s22] =	dma.local [hbm:s5], s20  }
0x9e: {  	_ =	swait.ge [sflag:s22], s20  }
0x9f: {  	s4 =	ssub.s32 $0x0, s20;
	[sflag:s22] =	ssyncset.done $0x0  }
0xa0: {  	[sflag:s22] =	ssyncadd.s32 s4;
	_ =	sdelay $0x1  }
0xa1: {  	s23 =	simm.s32 $0x1B8B  }
0xa2: {  	_ =	swait.ge [sflag:s23], $0x1  }
0xa3: {  	[sflag:s23] =	ssyncset.done $0x0  }
0xa4: {  	s25 =	simm.s32 $0x1B8E;
	s24 =	sld [smem:$0x3FFE];
	[sflag:s23] =	ssyncadd.s32 $0xFFFFFFFF  }
0xa5: {  	s26 =	simm.s32 $execute0_lowered;
	[smem:$0x3FD2] =	sst s25  }
0xa6: {  	s5 =	sshll.u32 s26, $0x1;
	_ =	strace $0x80000049;
	[dreg:$0x1] =	wrdreg $0xFFFFFFFF  }
0xa7: {  	s28 =	simm.s32 $_size_execute0_lowered;
	s3 =	sadd.s32 s3, s5;
	[dreg:$0x0] =	wrdreg $0x0  }
0xa8: {  	s5 =	sshll.u32 s28, $0x1;
	[dreg:$0x2] =	wrdreg s3  }
0xa9: {  	[dreg:$0x3] =	wrdreg s5  }
0xaa: {  	[dreg:$0x4] =	wrdreg $0xC0  }
0xab: {  	_ =	task [dreg:s7], $0x5FFFF  }
0xac: {  	[dreg:$0x1] =	wrdreg $0xFFFFFFFF  }
0xad: {  	[dreg:$0x0] =	wrdreg $0x60  }
0xae: {  	[dreg:$0x2] =	wrdreg s24  }
0xaf: {  	[dreg:$0x3] =	wrdreg s2  }
0xb0: {  	[dreg:$0x4] =	wrdreg $0x118000  }
0xb1: {  	[dreg:$0x5] =	wrdreg $0x140000  }
0xb2: {  	[dreg:$0x6] =	wrdreg $0x9  }
0xb3: {  	_ =	task.clear_ibuf [dreg:s7], $0x7FFFF;
	_ =	strace $0x90000049  }
0xb4: {  	s29 =	simm.s32 $0x9;
	_ =	strace $0x8000004B  }
0xb5: {  	_ =	swait.ge [sflag:s29], $0x1  }
0xb6: {  	[sflag:s29] =	ssyncadd.s32 $0xFFFFFFFF  }
0xb7: {  	_ =	strace $0x9000004B  }
0xb8: {  	_ =	sfence  }
0xb9: {  	s30 =	sld [smem:$0x0];
	_ =	sdelay $0x2  }
0xba: {  	s31 =	sshll.u32 s1, $0xD;
	s1 =	sshrl.u32 s1, $0x2  }
0xbb: {  	s3 =	sand.u32 $0x4000, s31;
	s1 =	sadd.s32 s1, s30  }
0xbc: {  	s0 =	sor.u32 s3, s0;
	s1 =	sshll.u32 s1, $0x11  }
0xbd: {  	s0 =	sor.u32 s1, s0  }
0xbe: {  	s0 =	sadd.s32 $0x8F2B, s0  }
0xbf: {  	[sflag:s0] =	ssyncadd.remote.s32 $0x1  }
0xc0: {  	_ =	sfence.sel $0xFFFF  }
0xc1: {  	[dreg:$0x0] =	wrdreg $0xFFFFFFFF;
	(pc) =	sbr.abs _section_cstart, $3  }
0xc2: {  	[dreg:$0x1] =	wrdreg $0xFFFFFFFF  }
0xc3: {  	_ =	task.clear_ibuf [dreg:s7], $0x2FFFF;
	_ =	strace $0x9FFFFFFF  }
0xc4: {  	(tm) =	ssettm $0x7FFFFFFF  }
0xc5: {  	_ =	shalt  }
tec
execute0_lowered:
.L_overlay_start_1:
0x0: {  	(tag) =	ssettag $0x1  }
0x1: {  	s0 =	rddreg [dreg:$0x0]  }
0x2: {  	s1 =	rddreg [dreg:$0x1]  }
0x3: {  	s2 =	rddreg [dreg:$0x2]  }
0x4: {  	s3 =	rddreg [dreg:$0x3]  }
0x5: {  	s10 =	stileid.u32;
	s4 =	srdreg.scid  }
0x6: {  	s5 =	simm.s32 $0x0;
	s12 =	simm.s32 $0x3;
	s29 =	simm.s32 $0x8000  }
0x7: {  	s31 =	simm.s32 $0x8800;
	s30 =	simm.s32 $0xA800;
	s11 =	simm.s32 $0xB000  }
0x8: {  	s28 =	simm.s32 $0xB800;
	s13 =	simm.s32 $0xD000;
	s6 =	smul.u32 $0x2800, s10  }
0x9: {  	s4 =	sand.u32 $0x1, s4;
	[smem:$0x7FF] =	sst s5;
	s25 =	sshll.u32 s10, $0x6  }
0xa: {  	s16 =	sshll.u32 s4, $0x4;
	s7 =	smul.u32 $0x28000, s4;
	_ =	strace $0x8000004A  }
0xb: {  	s4 =	ssub.s32 $0x2, s4;
	s5 =	sor.u32 s10, s16;
	s8 =	sshrl.u32 s6, $0x3  }
0xc: {  	s20 =	sshrl.u32 s4, $0x1;
	s21 =	sadd.s32 s6, s2;
	s22 =	sadd.s32 s6, s3  }
0xd: {  	s16 =	simm.s32 $0x80;
	s10 =	simm.s32 $0x0;
	s9 =	smul.u32 $0x500, s5  }
0xe: {  	s17 =	sadd.s32 s6, s7;
	s18 =	sadd.s32 s8, s0;
	s4 =	ssub.s32 s4, s20  }
0xf: {  	[dreg:$0xa] =	wrdreg s21;
	s26 =	sshrl.u32 s22, $0x3;
	s20 =	simm.s32 $0x6000  }
0x10: {  	s22 =	simm.s32 $0x6800;
	s21 =	simm.s32 $0x1;
	s6 =	simm.s32 $0xD800  }
0x11: {  	s7 =	simm.s32 $0xE000;
	s5 =	sshrl.u32 s17, $0x3;
	s23 =	sadd.s32 $0x2400, s18  }
0x12: {  	s24 =	smax.u32 s4, $0x1;
	[dreg:$0xc] =	wrdreg s26;
	s18 =	simm.s32 $0x5800  }
0x13: {  	s26 =	simm.s32 $0x7800;
	s19 =	sadd.s32 s9, s0;
	[dreg:$0x7] =	wrdreg s23  }
0x14: {  	s0 =	sadd.s32 s5, s0;
	s1 =	sadd.s32 s1, s9;
	[dreg:$0x9] =	wrdreg s24  }
0x15: {  	s24 =	simm.s32 $0x7000;
	s23 =	simm.s32 $0xC000;
	s9 =	simm.s32 $0x2  }
0x16: {  	s8 =	sadd.s32 $0xC400, s19;
	[dreg:$0x6] =	wrdreg s1;
	s0 =	sadd.s32 $0x16400, s0  }
0x17: {  	s1 =	simm.s32 $0x9000;
	s19 =	simm.s32 $0x9800;
	[dreg:$0x5] =	wrdreg s8  }
0x18: {  	[dreg:$0x8] =	wrdreg s0;
	s0 =	sor.u32 $0x1C03, s25;
	s25 =	simm.s32 $0xA000  }
0x19: {  	v0 =	vimm.f32 $0.0e+00;
	s8 =	simm.s32 $0xE800;
	[dreg:$0xb] =	wrdreg s0;
	s0 =	simm.s32 $0xC800  }
.LBB2_1:
0x1a: {  	s15 =	simm.s32 $0x40;
	s4 =	simm.s32 $0x0  }
.LBB2_2:
0x1b: {  	p0 =	sne.s32 s15, $0x9FC0;
	[tilespmem:s4+$0xF000] =	vst v0;
	s4 =	smov.u32 s15;
	s15 =	sadd.s32 $0x40, s15  }
.Ltmp0:
0x1c: {  	(pc) =	sbr.rel @p0 .LBB2_2-.Ltmp0, $2  }
0x1d: {  	_ =	sdelay $0x2  }
0x1e: {  	s4 =	sshra.s32 s4, $0x2  }
0x1f: {  	[tilespmem:s4+$0xF000] =	vst v0;
	s17 =	simm.s32 $0xF000;
	s5 =	rddreg [dreg:$0xa]  }
0x20: {  	[spmem:s5] =	stream.linear.scatter [tilespmem:s17], [sflag:$0x3], $0x2800, $0x38;
	[tilespmem:$0x16800] =	vst v63  }
0x21: {  	_ =	swait.ge [sflag:s12], $0x2800  }
0x22: {  	[sflag:s12] =	ssyncset.done $0x0  }
0x23: {  	s4 =	simm.s32 $0x0;
	[sflag:s12] =	ssyncadd.s32 $0xFFFFD800;
	s15 =	rddreg [dreg:$0x5]  }
0x24: {  	[tilespmem:s4], [sflag:$0x3] =	stream.linear.gather [hbm4b:s15+s4], $0x2800, $0x38;
	[tilespmem:$0x16800] =	vst v63  }
0x25: {  	_ =	swait.ge [sflag:s12], $0x2800  }
0x26: {  	[sflag:s12] =	ssyncset.done $0x0  }
0x27: {  	s5 =	simm.s32 $0x2800;
	s14 =	rddreg [dreg:$0x6];
	[sflag:s12] =	ssyncadd.s32 $0xFFFFD800  }
0x28: {  	[tilespmem:s5], [sflag:$0x3] =	stream.linear.gather [hbm4b:s14+s4], $0x2800, $0x38;
	[tilespmem:$0x16800] =	vst v63  }
0x29: {  	_ =	swait.ge [sflag:s12], $0x2800  }
0x2a: {  	s15 =	rddreg [dreg:$0x7]  }
0x2b: {  	[sflag:s12] =	ssyncset.done $0x0;
	s14 =	rddreg [dreg:$0xb]  }
0x2c: {  	s17 =	rddreg [dreg:$0xc];
	[sflag:s12] =	ssyncadd.s32 $0xFFFFD800  }
0x2d: {  	[spmem:s17], [sflag:s14] =	dma.local [hbm:s15], $0x500  }
0x2e: {  	_ =	swait.ge [sflag:s12], $0x500  }
0x2f: {  	[sflag:s12] =	ssyncset.done $0x0  }
0x30: {  	[sflag:s12] =	ssyncadd.s32 $0xFFFFFB00  }
0x31: {  	s15 =	simm.s32 $0x5000;
	[bflag:$0x0] =	sbarrier.arrive $0xFFFF  }
0x32: {  	[tilespmem:s15], [sflag:$0x1] =	stream.indirect.gather [spmem:s3], $0x10, s4, s16, $0xb8;
	[tilespmem:$0x16800] =	vst v63  }
0x33: {  	_ = 	snop  }
0x34: {  	[tilespmem:s18], [sflag:$0x1] =	stream.indirect.gather [spmem:s3], $0x10, s16, s16, $0xb8;
	[tilespmem:$0x16800] =	vst v63  }
0x35: {  	s17 =	simm.s32 $0x100  }
0x36: {  	[tilespmem:s20], [sflag:$0x1] =	stream.indirect.gather [spmem:s3], $0x10, s17, s16, $0xb8;
	[tilespmem:$0x16800] =	vst v63  }
0x37: {  	s17 =	simm.s32 $0x180  }
0x38: {  	[tilespmem:s22], [sflag:$0x1] =	stream.indirect.gather [spmem:s3], $0x10, s17, s16, $0xb8;
	[tilespmem:$0x16800] =	vst v63  }
0x39: {  	s17 =	simm.s32 $0x200  }
0x3a: {  	[tilespmem:s24], [sflag:$0x1] =	stream.indirect.gather [spmem:s3], $0x10, s17, s16, $0xb8;
	[tilespmem:$0x16800] =	vst v63  }
0x3b: {  	s17 =	simm.s32 $0x280  }
0x3c: {  	[tilespmem:s26], [sflag:$0x1] =	stream.indirect.gather [spmem:s3], $0x10, s17, s16, $0xb8;
	[tilespmem:$0x16800] =	vst v63  }
0x3d: {  	s17 =	simm.s32 $0x300  }
0x3e: {  	[tilespmem:s29], [sflag:$0x1] =	stream.indirect.gather [spmem:s3], $0x10, s17, s16, $0xb8;
	[tilespmem:$0x16800] =	vst v63  }
0x3f: {  	s17 =	simm.s32 $0x380  }
0x40: {  	[tilespmem:s31], [sflag:$0x1] =	stream.indirect.gather [spmem:s3], $0x10, s17, s16, $0xb8;
	[tilespmem:$0x16800] =	vst v63  }
0x41: {  	s17 =	simm.s32 $0x400  }
0x42: {  	[tilespmem:s1], [sflag:$0x1] =	stream.indirect.gather [spmem:s3], $0x10, s17, s16, $0xb8;
	[tilespmem:$0x16800] =	vst v63  }
0x43: {  	s17 =	simm.s32 $0x480  }
0x44: {  	[tilespmem:s19], [sflag:$0x1] =	stream.indirect.gather [spmem:s3], $0x10, s17, s16, $0xb8;
	[tilespmem:$0x16800] =	vst v63  }
0x45: {  	_ =	swait.ge [sflag:s21], $0x800  }
0x46: {  	[sflag:s21] =	ssyncset.done $0x0  }
0x47: {  	[sflag:s21] =	ssyncadd.s32 $0xFFFFF800  }
0x48: {  	_ =	swait.ge [sflag:s21], $0x800  }
0x49: {  	[sflag:s21] =	ssyncset.done $0x0  }
0x4a: {  	[sflag:s21] =	ssyncadd.s32 $0xFFFFF800  }
0x4b: {  	_ =	swait.ge [sflag:s21], $0x800  }
0x4c: {  	[sflag:s21] =	ssyncset.done $0x0  }
0x4d: {  	[sflag:s21] =	ssyncadd.s32 $0xFFFFF800  }
0x4e: {  	_ =	swait.ge [sflag:s21], $0x800  }
0x4f: {  	[sflag:s21] =	ssyncset.done $0x0  }
0x50: {  	[sflag:s21] =	ssyncadd.s32 $0xFFFFF800  }
0x51: {  	_ =	swait.ge [sflag:s21], $0x800  }
0x52: {  	[sflag:s21] =	ssyncset.done $0x0  }
0x53: {  	[sflag:s21] =	ssyncadd.s32 $0xFFFFF800  }
0x54: {  	_ =	swait.ge [sflag:s21], $0x800  }
0x55: {  	[sflag:s21] =	ssyncset.done $0x0  }
0x56: {  	[sflag:s21] =	ssyncadd.s32 $0xFFFFF800  }
0x57: {  	_ =	swait.ge [sflag:s21], $0x800  }
0x58: {  	[sflag:s21] =	ssyncset.done $0x0  }
0x59: {  	[sflag:s21] =	ssyncadd.s32 $0xFFFFF800  }
0x5a: {  	_ =	swait.ge [sflag:s21], $0x800  }
0x5b: {  	[sflag:s21] =	ssyncset.done $0x0  }
0x5c: {  	[sflag:s21] =	ssyncadd.s32 $0xFFFFF800  }
0x5d: {  	_ =	swait.ge [sflag:s21], $0x800  }
0x5e: {  	[sflag:s21] =	ssyncset.done $0x0  }
0x5f: {  	[sflag:s21] =	ssyncadd.s32 $0xFFFFF800  }
0x60: {  	_ =	swait.ge [sflag:s21], $0x800  }
0x61: {  	[sflag:s21] =	ssyncset.done $0x0  }
0x62: {  	s17 =	simm.s32 $0x500;
	[sflag:s21] =	ssyncadd.s32 $0xFFFFF800  }
0x63: {  	[tilespmem:s25], [sflag:$0x1] =	stream.indirect.gather [spmem:s3], $0x10, s17, s16, $0xb8;
	[tilespmem:$0x16800] =	vst v63  }
0x64: {  	s17 =	simm.s32 $0x580  }
0x65: {  	[tilespmem:s30], [sflag:$0x1] =	stream.indirect.gather [spmem:s3], $0x10, s17, s16, $0xb8;
	[tilespmem:$0x16800] =	vst v63  }
0x66: {  	s17 =	simm.s32 $0x600  }
0x67: {  	[tilespmem:s11], [sflag:$0x1] =	stream.indirect.gather [spmem:s3], $0x10, s17, s16, $0xb8;
	[tilespmem:$0x16800] =	vst v63  }
0x68: {  	s17 =	simm.s32 $0x680  }
0x69: {  	[tilespmem:s28], [sflag:$0x1] =	stream.indirect.gather [spmem:s3], $0x10, s17, s16, $0xb8;
	[tilespmem:$0x16800] =	vst v63  }
0x6a: {  	s17 =	simm.s32 $0x700  }
0x6b: {  	[tilespmem:s23], [sflag:$0x1] =	stream.indirect.gather [spmem:s3], $0x10, s17, s16, $0xb8;
	[tilespmem:$0x16800] =	vst v63  }
0x6c: {  	s17 =	simm.s32 $0x780  }
0x6d: {  	[tilespmem:s0], [sflag:$0x1] =	stream.indirect.gather [spmem:s3], $0x10, s17, s16, $0xb8;
	[tilespmem:$0x16800] =	vst v63  }
0x6e: {  	s17 =	simm.s32 $0x800  }
0x6f: {  	[tilespmem:s13], [sflag:$0x1] =	stream.indirect.gather [spmem:s3], $0x10, s17, s16, $0xb8;
	[tilespmem:$0x16800] =	vst v63  }
0x70: {  	s17 =	simm.s32 $0x880  }
0x71: {  	[tilespmem:s6], [sflag:$0x1] =	stream.indirect.gather [spmem:s3], $0x10, s17, s16, $0xb8;
	[tilespmem:$0x16800] =	vst v63  }
0x72: {  	s17 =	simm.s32 $0x900  }
0x73: {  	[tilespmem:s7], [sflag:$0x1] =	stream.indirect.gather [spmem:s3], $0x10, s17, s16, $0xb8;
	[tilespmem:$0x16800] =	vst v63  }
0x74: {  	s17 =	simm.s32 $0x980  }
0x75: {  	[tilespmem:s8], [sflag:$0x1] =	stream.indirect.gather [spmem:s3], $0x10, s17, s16, $0xb8;
	[tilespmem:$0x16800] =	vst v63  }
0x76: {  	_ = 	snop  }
0x77: {  	[spmem:s2] =	stream.indirect.scatter.add.f32 [tilespmem:s15], [sflag:$0x2], $0x10, s5, s16, $0xb8;
	[tilespmem:$0x16800] =	vst v63  }
0x78: {  	s17 =	simm.s32 $0x2880  }
0x79: {  	[spmem:s2] =	stream.indirect.scatter.add.f32 [tilespmem:s18], [sflag:$0x2], $0x10, s17, s16, $0xb8;
	[tilespmem:$0x16800] =	vst v63  }
0x7a: {  	s5 =	simm.s32 $0x2900  }
0x7b: {  	[spmem:s2] =	stream.indirect.scatter.add.f32 [tilespmem:s20], [sflag:$0x2], $0x10, s5, s16, $0xb8;
	[tilespmem:$0x16800] =	vst v63  }
0x7c: {  	s17 =	simm.s32 $0x2980  }
0x7d: {  	[spmem:s2] =	stream.indirect.scatter.add.f32 [tilespmem:s22], [sflag:$0x2], $0x10, s17, s16, $0xb8;
	[tilespmem:$0x16800] =	vst v63  }
0x7e: {  	s5 =	simm.s32 $0x2A00  }
0x7f: {  	[spmem:s2] =	stream.indirect.scatter.add.f32 [tilespmem:s24], [sflag:$0x2], $0x10, s5, s16, $0xb8;
	[tilespmem:$0x16800] =	vst v63  }
0x80: {  	s17 =	simm.s32 $0x2A80  }
0x81: {  	[spmem:s2] =	stream.indirect.scatter.add.f32 [tilespmem:s26], [sflag:$0x2], $0x10, s17, s16, $0xb8;
	[tilespmem:$0x16800] =	vst v63  }
0x82: {  	s5 =	simm.s32 $0x2B00  }
0x83: {  	[spmem:s2] =	stream.indirect.scatter.add.f32 [tilespmem:s29], [sflag:$0x2], $0x10, s5, s16, $0xb8;
	[tilespmem:$0x16800] =	vst v63  }
0x84: {  	s17 =	simm.s32 $0x2B80  }
0x85: {  	[spmem:s2] =	stream.indirect.scatter.add.f32 [tilespmem:s31], [sflag:$0x2], $0x10, s17, s16, $0xb8;
	[tilespmem:$0x16800] =	vst v63  }
0x86: {  	s5 =	simm.s32 $0x2C00  }
0x87: {  	[spmem:s2] =	stream.indirect.scatter.add.f32 [tilespmem:s1], [sflag:$0x2], $0x10, s5, s16, $0xb8;
	[tilespmem:$0x16800] =	vst v63  }
0x88: {  	s17 =	simm.s32 $0x2C80  }
0x89: {  	[spmem:s2] =	stream.indirect.scatter.add.f32 [tilespmem:s19], [sflag:$0x2], $0x10, s17, s16, $0xb8;
	[tilespmem:$0x16800] =	vst v63  }
0x8a: {  	_ =	swait.ge [sflag:s21], $0x800  }
0x8b: {  	[sflag:s21] =	ssyncset.done $0x0  }
0x8c: {  	[sflag:s21] =	ssyncadd.s32 $0xFFFFF800  }
0x8d: {  	_ =	swait.ge [sflag:s21], $0x800  }
0x8e: {  	[sflag:s21] =	ssyncset.done $0x0  }
0x8f: {  	[sflag:s21] =	ssyncadd.s32 $0xFFFFF800  }
0x90: {  	_ =	swait.ge [sflag:s21], $0x800  }
0x91: {  	[sflag:s21] =	ssyncset.done $0x0  }
0x92: {  	[sflag:s21] =	ssyncadd.s32 $0xFFFFF800  }
0x93: {  	_ =	swait.ge [sflag:s21], $0x800  }
0x94: {  	[sflag:s21] =	ssyncset.done $0x0  }
0x95: {  	[sflag:s21] =	ssyncadd.s32 $0xFFFFF800  }
0x96: {  	_ =	swait.ge [sflag:s21], $0x800  }
0x97: {  	[sflag:s21] =	ssyncset.done $0x0  }
0x98: {  	[sflag:s21] =	ssyncadd.s32 $0xFFFFF800  }
0x99: {  	_ =	swait.ge [sflag:s21], $0x800  }
0x9a: {  	[sflag:s21] =	ssyncset.done $0x0  }
0x9b: {  	[sflag:s21] =	ssyncadd.s32 $0xFFFFF800  }
0x9c: {  	_ =	swait.ge [sflag:s21], $0x800  }
0x9d: {  	[sflag:s21] =	ssyncset.done $0x0  }
0x9e: {  	[sflag:s21] =	ssyncadd.s32 $0xFFFFF800  }
0x9f: {  	_ =	swait.ge [sflag:s21], $0x800  }
0xa0: {  	[sflag:s21] =	ssyncset.done $0x0  }
0xa1: {  	[sflag:s21] =	ssyncadd.s32 $0xFFFFF800  }
0xa2: {  	_ =	swait.ge [sflag:s21], $0x800  }
0xa3: {  	[sflag:s21] =	ssyncset.done $0x0  }
0xa4: {  	[sflag:s21] =	ssyncadd.s32 $0xFFFFF800  }
0xa5: {  	_ =	swait.ge [sflag:s21], $0x800  }
0xa6: {  	[sflag:s21] =	ssyncset.done $0x0  }
0xa7: {  	[sflag:s21] =	ssyncadd.s32 $0xFFFFF800  }
0xa8: {  	_ =	swait.ge [sflag:s9], $0x800  }
0xa9: {  	[sflag:s9] =	ssyncset.done $0x0  }
0xaa: {  	[sflag:s9] =	ssyncadd.s32 $0xFFFFF800  }
0xab: {  	_ =	swait.ge [sflag:s9], $0x800  }
0xac: {  	[sflag:s9] =	ssyncset.done $0x0  }
0xad: {  	[sflag:s9] =	ssyncadd.s32 $0xFFFFF800  }
0xae: {  	_ =	swait.ge [sflag:s9], $0x800  }
0xaf: {  	[sflag:s9] =	ssyncset.done $0x0  }
0xb0: {  	[sflag:s9] =	ssyncadd.s32 $0xFFFFF800  }
0xb1: {  	_ =	swait.ge [sflag:s9], $0x800  }
0xb2: {  	[sflag:s9] =	ssyncset.done $0x0  }
0xb3: {  	[sflag:s9] =	ssyncadd.s32 $0xFFFFF800  }
0xb4: {  	_ =	swait.ge [sflag:s9], $0x800  }
0xb5: {  	[sflag:s9] =	ssyncset.done $0x0  }
0xb6: {  	[sflag:s9] =	ssyncadd.s32 $0xFFFFF800  }
0xb7: {  	_ =	swait.ge [sflag:s9], $0x800  }
0xb8: {  	[sflag:s9] =	ssyncset.done $0x0  }
0xb9: {  	[sflag:s9] =	ssyncadd.s32 $0xFFFFF800  }
0xba: {  	_ =	swait.ge [sflag:s9], $0x800  }
0xbb: {  	[sflag:s9] =	ssyncset.done $0x0  }
0xbc: {  	[sflag:s9] =	ssyncadd.s32 $0xFFFFF800  }
0xbd: {  	_ =	swait.ge [sflag:s9], $0x800  }
0xbe: {  	[sflag:s9] =	ssyncset.done $0x0  }
0xbf: {  	[sflag:s9] =	ssyncadd.s32 $0xFFFFF800  }
0xc0: {  	_ =	swait.ge [sflag:s9], $0x800  }
0xc1: {  	[sflag:s9] =	ssyncset.done $0x0  }
0xc2: {  	[sflag:s9] =	ssyncadd.s32 $0xFFFFF800  }
0xc3: {  	_ =	swait.ge [sflag:s9], $0x800  }
0xc4: {  	[sflag:s9] =	ssyncset.done $0x0  }
0xc5: {  	s5 =	simm.s32 $0xA00;
	[sflag:s9] =	ssyncadd.s32 $0xFFFFF800  }
0xc6: {  	[tilespmem:s15], [sflag:$0x1] =	stream.indirect.gather [spmem:s3], $0x10, s5, s16, $0xb8;
	[tilespmem:$0x16800] =	vst v63  }
0xc7: {  	s17 =	simm.s32 $0xA80  }
0xc8: {  	[tilespmem:s18], [sflag:$0x1] =	stream.indirect.gather [spmem:s3], $0x10, s17, s16, $0xb8;
	[tilespmem:$0x16800] =	vst v63  }
0xc9: {  	s5 =	simm.s32 $0xB00  }
0xca: {  	[tilespmem:s20], [sflag:$0x1] =	stream.indirect.gather [spmem:s3], $0x10, s5, s16, $0xb8;
	[tilespmem:$0x16800] =	vst v63  }
0xcb: {  	s17 =	simm.s32 $0xB80  }
0xcc: {  	[tilespmem:s22], [sflag:$0x1] =	stream.indirect.gather [spmem:s3], $0x10, s17, s16, $0xb8;
	[tilespmem:$0x16800] =	vst v63  }
0xcd: {  	s5 =	simm.s32 $0xC00  }
0xce: {  	[tilespmem:s24], [sflag:$0x1] =	stream.indirect.gather [spmem:s3], $0x10, s5, s16, $0xb8;
	[tilespmem:$0x16800] =	vst v63  }
0xcf: {  	s17 =	simm.s32 $0xC80  }
0xd0: {  	[tilespmem:s26], [sflag:$0x1] =	stream.indirect.gather [spmem:s3], $0x10, s17, s16, $0xb8;
	[tilespmem:$0x16800] =	vst v63  }
0xd1: {  	s5 =	simm.s32 $0xD00  }
0xd2: {  	[tilespmem:s29], [sflag:$0x1] =	stream.indirect.gather [spmem:s3], $0x10, s5, s16, $0xb8;
	[tilespmem:$0x16800] =	vst v63  }
0xd3: {  	s17 =	simm.s32 $0xD80  }
0xd4: {  	[tilespmem:s31], [sflag:$0x1] =	stream.indirect.gather [spmem:s3], $0x10, s17, s16, $0xb8;
	[tilespmem:$0x16800] =	vst v63  }
0xd5: {  	s5 =	simm.s32 $0xE00  }
0xd6: {  	[tilespmem:s1], [sflag:$0x1] =	stream.indirect.gather [spmem:s3], $0x10, s5, s16, $0xb8;
	[tilespmem:$0x16800] =	vst v63  }
0xd7: {  	s17 =	simm.s32 $0xE80  }
0xd8: {  	[tilespmem:s19], [sflag:$0x1] =	stream.indirect.gather [spmem:s3], $0x10, s17, s16, $0xb8;
	[tilespmem:$0x16800] =	vst v63  }
0xd9: {  	s5 =	simm.s32 $0x2D00  }
0xda: {  	[spmem:s2] =	stream.indirect.scatter.add.f32 [tilespmem:s25], [sflag:$0x2], $0x10, s5, s16, $0xb8;
	[tilespmem:$0x16800] =	vst v63  }
0xdb: {  	s17 =	simm.s32 $0x2D80  }
0xdc: {  	[spmem:s2] =	stream.indirect.scatter.add.f32 [tilespmem:s30], [sflag:$0x2], $0x10, s17, s16, $0xb8;
	[tilespmem:$0x16800] =	vst v63  }
0xdd: {  	s5 =	simm.s32 $0x2E00  }
0xde: {  	[spmem:s2] =	stream.indirect.scatter.add.f32 [tilespmem:s11], [sflag:$0x2], $0x10, s5, s16, $0xb8;
	[tilespmem:$0x16800] =	vst v63  }
0xdf: {  	s17 =	simm.s32 $0x2E80  }
0xe0: {  	[spmem:s2] =	stream.indirect.scatter.add.f32 [tilespmem:s28], [sflag:$0x2], $0x10, s17, s16, $0xb8;
	[tilespmem:$0x16800] =	vst v63  }
0xe1: {  	s5 =	simm.s32 $0x2F00  }
0xe2: {  	[spmem:s2] =	stream.indirect.scatter.add.f32 [tilespmem:s23], [sflag:$0x2], $0x10, s5, s16, $0xb8;
	[tilespmem:$0x16800] =	vst v63  }
0xe3: {  	s17 =	simm.s32 $0x2F80  }
0xe4: {  	[spmem:s2] =	stream.indirect.scatter.add.f32 [tilespmem:s0], [sflag:$0x2], $0x10, s17, s16, $0xb8;
	[tilespmem:$0x16800] =	vst v63  }
0xe5: {  	s5 =	simm.s32 $0x3000  }
0xe6: {  	[spmem:s2] =	stream.indirect.scatter.add.f32 [tilespmem:s13], [sflag:$0x2], $0x10, s5, s16, $0xb8;
	[tilespmem:$0x16800] =	vst v63  }
0xe7: {  	s17 =	simm.s32 $0x3080  }
0xe8: {  	[spmem:s2] =	stream.indirect.scatter.add.f32 [tilespmem:s6], [sflag:$0x2], $0x10, s17, s16, $0xb8;
	[tilespmem:$0x16800] =	vst v63  }
0xe9: {  	s5 =	simm.s32 $0x3100  }
0xea: {  	[spmem:s2] =	stream.indirect.scatter.add.f32 [tilespmem:s7], [sflag:$0x2], $0x10, s5, s16, $0xb8;
	[tilespmem:$0x16800] =	vst v63  }
0xeb: {  	s17 =	simm.s32 $0x3180  }
0xec: {  	[spmem:s2] =	stream.indirect.scatter.add.f32 [tilespmem:s8], [sflag:$0x2], $0x10, s17, s16, $0xb8;
	[tilespmem:$0x16800] =	vst v63  }
0xed: {  	_ =	swait.ge [sflag:s21], $0x800  }
0xee: {  	[sflag:s21] =	ssyncset.done $0x0  }
0xef: {  	[sflag:s21] =	ssyncadd.s32 $0xFFFFF800  }
0xf0: {  	_ =	swait.ge [sflag:s21], $0x800  }
0xf1: {  	[sflag:s21] =	ssyncset.done $0x0  }
0xf2: {  	[sflag:s21] =	ssyncadd.s32 $0xFFFFF800  }
0xf3: {  	_ =	swait.ge [sflag:s21], $0x800  }
0xf4: {  	[sflag:s21] =	ssyncset.done $0x0  }
0xf5: {  	[sflag:s21] =	ssyncadd.s32 $0xFFFFF800  }
0xf6: {  	_ =	swait.ge [sflag:s21], $0x800  }
0xf7: {  	[sflag:s21] =	ssyncset.done $0x0  }
0xf8: {  	[sflag:s21] =	ssyncadd.s32 $0xFFFFF800  }
0xf9: {  	_ =	swait.ge [sflag:s21], $0x800  }
0xfa: {  	[sflag:s21] =	ssyncset.done $0x0  }
0xfb: {  	[sflag:s21] =	ssyncadd.s32 $0xFFFFF800  }
0xfc: {  	_ =	swait.ge [sflag:s21], $0x800  }
0xfd: {  	[sflag:s21] =	ssyncset.done $0x0  }
0xfe: {  	[sflag:s21] =	ssyncadd.s32 $0xFFFFF800  }
0xff: {  	_ =	swait.ge [sflag:s21], $0x800  }
0x100: {  	[sflag:s21] =	ssyncset.done $0x0  }
0x101: {  	[sflag:s21] =	ssyncadd.s32 $0xFFFFF800  }
0x102: {  	_ =	swait.ge [sflag:s21], $0x800  }
0x103: {  	[sflag:s21] =	ssyncset.done $0x0  }
0x104: {  	[sflag:s21] =	ssyncadd.s32 $0xFFFFF800  }
0x105: {  	_ =	swait.ge [sflag:s21], $0x800  }
0x106: {  	[sflag:s21] =	ssyncset.done $0x0  }
0x107: {  	[sflag:s21] =	ssyncadd.s32 $0xFFFFF800  }
0x108: {  	_ =	swait.ge [sflag:s21], $0x800  }
0x109: {  	[sflag:s21] =	ssyncset.done $0x0  }
0x10a: {  	[sflag:s21] =	ssyncadd.s32 $0xFFFFF800  }
0x10b: {  	_ =	swait.ge [sflag:s9], $0x800  }
0x10c: {  	[sflag:s9] =	ssyncset.done $0x0  }
0x10d: {  	[sflag:s9] =	ssyncadd.s32 $0xFFFFF800  }
0x10e: {  	_ =	swait.ge [sflag:s9], $0x800  }
0x10f: {  	[sflag:s9] =	ssyncset.done $0x0  }
0x110: {  	[sflag:s9] =	ssyncadd.s32 $0xFFFFF800  }
0x111: {  	_ =	swait.ge [sflag:s9], $0x800  }
0x112: {  	[sflag:s9] =	ssyncset.done $0x0  }
0x113: {  	[sflag:s9] =	ssyncadd.s32 $0xFFFFF800  }
0x114: {  	_ =	swait.ge [sflag:s9], $0x800  }
0x115: {  	[sflag:s9] =	ssyncset.done $0x0  }
0x116: {  	[sflag:s9] =	ssyncadd.s32 $0xFFFFF800  }
0x117: {  	_ =	swait.ge [sflag:s9], $0x800  }
0x118: {  	[sflag:s9] =	ssyncset.done $0x0  }
0x119: {  	[sflag:s9] =	ssyncadd.s32 $0xFFFFF800  }
0x11a: {  	_ =	swait.ge [sflag:s9], $0x800  }
0x11b: {  	[sflag:s9] =	ssyncset.done $0x0  }
0x11c: {  	[sflag:s9] =	ssyncadd.s32 $0xFFFFF800  }
0x11d: {  	_ =	swait.ge [sflag:s9], $0x800  }
0x11e: {  	[sflag:s9] =	ssyncset.done $0x0  }
0x11f: {  	[sflag:s9] =	ssyncadd.s32 $0xFFFFF800  }
0x120: {  	_ =	swait.ge [sflag:s9], $0x800  }
0x121: {  	[sflag:s9] =	ssyncset.done $0x0  }
0x122: {  	[sflag:s9] =	ssyncadd.s32 $0xFFFFF800  }
0x123: {  	_ =	swait.ge [sflag:s9], $0x800  }
0x124: {  	[sflag:s9] =	ssyncset.done $0x0  }
0x125: {  	[sflag:s9] =	ssyncadd.s32 $0xFFFFF800  }
0x126: {  	_ =	swait.ge [sflag:s9], $0x800  }
0x127: {  	[sflag:s9] =	ssyncset.done $0x0  }
0x128: {  	s5 =	simm.s32 $0xF00;
	[sflag:s9] =	ssyncadd.s32 $0xFFFFF800  }
0x129: {  	[tilespmem:s25], [sflag:$0x1] =	stream.indirect.gather [spmem:s3], $0x10, s5, s16, $0xb8;
	[tilespmem:$0x16800] =	vst v63  }
0x12a: {  	s17 =	simm.s32 $0xF80  }
0x12b: {  	[tilespmem:s30], [sflag:$0x1] =	stream.indirect.gather [spmem:s3], $0x10, s17, s16, $0xb8;
	[tilespmem:$0x16800] =	vst v63  }
0x12c: {  	s5 =	simm.s32 $0x1000  }
0x12d: {  	[tilespmem:s11], [sflag:$0x1] =	stream.indirect.gather [spmem:s3], $0x10, s5, s16, $0xb8;
	[tilespmem:$0x16800] =	vst v63  }
0x12e: {  	s17 =	simm.s32 $0x1080  }
0x12f: {  	[tilespmem:s28], [sflag:$0x1] =	stream.indirect.gather [spmem:s3], $0x10, s17, s16, $0xb8;
	[tilespmem:$0x16800] =	vst v63  }
0x130: {  	s5 =	simm.s32 $0x1100  }
0x131: {  	[tilespmem:s23], [sflag:$0x1] =	stream.indirect.gather [spmem:s3], $0x10, s5, s16, $0xb8;
	[tilespmem:$0x16800] =	vst v63  }
0x132: {  	s17 =	simm.s32 $0x1180  }
0x133: {  	[tilespmem:s0], [sflag:$0x1] =	stream.indirect.gather [spmem:s3], $0x10, s17, s16, $0xb8;
	[tilespmem:$0x16800] =	vst v63  }
0x134: {  	s5 =	simm.s32 $0x1200  }
0x135: {  	[tilespmem:s13], [sflag:$0x1] =	stream.indirect.gather [spmem:s3], $0x10, s5, s16, $0xb8;
	[tilespmem:$0x16800] =	vst v63  }
0x136: {  	s17 =	simm.s32 $0x1280  }
0x137: {  	[tilespmem:s6], [sflag:$0x1] =	stream.indirect.gather [spmem:s3], $0x10, s17, s16, $0xb8;
	[tilespmem:$0x16800] =	vst v63  }
0x138: {  	s5 =	simm.s32 $0x1300  }
0x139: {  	[tilespmem:s7], [sflag:$0x1] =	stream.indirect.gather [spmem:s3], $0x10, s5, s16, $0xb8;
	[tilespmem:$0x16800] =	vst v63  }
0x13a: {  	s17 =	simm.s32 $0x1380  }
0x13b: {  	[tilespmem:s8], [sflag:$0x1] =	stream.indirect.gather [spmem:s3], $0x10, s17, s16, $0xb8;
	[tilespmem:$0x16800] =	vst v63  }
0x13c: {  	s5 =	simm.s32 $0x3200  }
0x13d: {  	[spmem:s2] =	stream.indirect.scatter.add.f32 [tilespmem:s15], [sflag:$0x2], $0x10, s5, s16, $0xb8;
	[tilespmem:$0x16800] =	vst v63  }
0x13e: {  	s17 =	simm.s32 $0x3280  }
0x13f: {  	[spmem:s2] =	stream.indirect.scatter.add.f32 [tilespmem:s18], [sflag:$0x2], $0x10, s17, s16, $0xb8;
	[tilespmem:$0x16800] =	vst v63  }
0x140: {  	s5 =	simm.s32 $0x3300  }
0x141: {  	[spmem:s2] =	stream.indirect.scatter.add.f32 [tilespmem:s20], [sflag:$0x2], $0x10, s5, s16, $0xb8;
	[tilespmem:$0x16800] =	vst v63  }
0x142: {  	s17 =	simm.s32 $0x3380  }
0x143: {  	[spmem:s2] =	stream.indirect.scatter.add.f32 [tilespmem:s22], [sflag:$0x2], $0x10, s17, s16, $0xb8;
	[tilespmem:$0x16800] =	vst v63  }
0x144: {  	s5 =	simm.s32 $0x3400  }
0x145: {  	[spmem:s2] =	stream.indirect.scatter.add.f32 [tilespmem:s24], [sflag:$0x2], $0x10, s5, s16, $0xb8;
	[tilespmem:$0x16800] =	vst v63  }
0x146: {  	s17 =	simm.s32 $0x3480  }
0x147: {  	[spmem:s2] =	stream.indirect.scatter.add.f32 [tilespmem:s26], [sflag:$0x2], $0x10, s17, s16, $0xb8;
	[tilespmem:$0x16800] =	vst v63  }
0x148: {  	s5 =	simm.s32 $0x3500  }
0x149: {  	[spmem:s2] =	stream.indirect.scatter.add.f32 [tilespmem:s29], [sflag:$0x2], $0x10, s5, s16, $0xb8;
	[tilespmem:$0x16800] =	vst v63  }
0x14a: {  	s17 =	simm.s32 $0x3580  }
0x14b: {  	[spmem:s2] =	stream.indirect.scatter.add.f32 [tilespmem:s31], [sflag:$0x2], $0x10, s17, s16, $0xb8;
	[tilespmem:$0x16800] =	vst v63  }
0x14c: {  	s5 =	simm.s32 $0x3600  }
0x14d: {  	[spmem:s2] =	stream.indirect.scatter.add.f32 [tilespmem:s1], [sflag:$0x2], $0x10, s5, s16, $0xb8;
	[tilespmem:$0x16800] =	vst v63  }
0x14e: {  	s17 =	simm.s32 $0x3680  }
0x14f: {  	[spmem:s2] =	stream.indirect.scatter.add.f32 [tilespmem:s19], [sflag:$0x2], $0x10, s17, s16, $0xb8;
	[tilespmem:$0x16800] =	vst v63  }
0x150: {  	_ =	swait.ge [sflag:s21], $0x800  }
0x151: {  	[sflag:s21] =	ssyncset.done $0x0  }
0x152: {  	[sflag:s21] =	ssyncadd.s32 $0xFFFFF800  }
0x153: {  	_ =	swait.ge [sflag:s21], $0x800  }
0x154: {  	[sflag:s21] =	ssyncset.done $0x0  }
0x155: {  	[sflag:s21] =	ssyncadd.s32 $0xFFFFF800  }
0x156: {  	_ =	swait.ge [sflag:s21], $0x800  }
0x157: {  	[sflag:s21] =	ssyncset.done $0x0  }
0x158: {  	[sflag:s21] =	ssyncadd.s32 $0xFFFFF800  }
0x159: {  	_ =	swait.ge [sflag:s21], $0x800  }
0x15a: {  	[sflag:s21] =	ssyncset.done $0x0  }
0x15b: {  	[sflag:s21] =	ssyncadd.s32 $0xFFFFF800  }
0x15c: {  	_ =	swait.ge [sflag:s21], $0x800  }
0x15d: {  	[sflag:s21] =	ssyncset.done $0x0  }
0x15e: {  	[sflag:s21] =	ssyncadd.s32 $0xFFFFF800  }
0x15f: {  	_ =	swait.ge [sflag:s21], $0x800  }
0x160: {  	[sflag:s21] =	ssyncset.done $0x0  }
0x161: {  	[sflag:s21] =	ssyncadd.s32 $0xFFFFF800  }
0x162: {  	_ =	swait.ge [sflag:s21], $0x800  }
0x163: {  	[sflag:s21] =	ssyncset.done $0x0  }
0x164: {  	[sflag:s21] =	ssyncadd.s32 $0xFFFFF800  }
0x165: {  	_ =	swait.ge [sflag:s21], $0x800  }
0x166: {  	[sflag:s21] =	ssyncset.done $0x0  }
0x167: {  	[sflag:s21] =	ssyncadd.s32 $0xFFFFF800  }
0x168: {  	_ =	swait.ge [sflag:s21], $0x800  }
0x169: {  	[sflag:s21] =	ssyncset.done $0x0  }
0x16a: {  	[sflag:s21] =	ssyncadd.s32 $0xFFFFF800  }
0x16b: {  	_ =	swait.ge [sflag:s21], $0x800  }
0x16c: {  	[sflag:s21] =	ssyncset.done $0x0  }
0x16d: {  	[sflag:s21] =	ssyncadd.s32 $0xFFFFF800  }
0x16e: {  	_ =	swait.ge [sflag:s9], $0x800  }
0x16f: {  	[sflag:s9] =	ssyncset.done $0x0  }
0x170: {  	[sflag:s9] =	ssyncadd.s32 $0xFFFFF800  }
0x171: {  	_ =	swait.ge [sflag:s9], $0x800  }
0x172: {  	[sflag:s9] =	ssyncset.done $0x0  }
0x173: {  	[sflag:s9] =	ssyncadd.s32 $0xFFFFF800  }
0x174: {  	_ =	swait.ge [sflag:s9], $0x800  }
0x175: {  	[sflag:s9] =	ssyncset.done $0x0  }
0x176: {  	[sflag:s9] =	ssyncadd.s32 $0xFFFFF800  }
0x177: {  	_ =	swait.ge [sflag:s9], $0x800  }
0x178: {  	[sflag:s9] =	ssyncset.done $0x0  }
0x179: {  	[sflag:s9] =	ssyncadd.s32 $0xFFFFF800  }
0x17a: {  	_ =	swait.ge [sflag:s9], $0x800  }
0x17b: {  	[sflag:s9] =	ssyncset.done $0x0  }
0x17c: {  	[sflag:s9] =	ssyncadd.s32 $0xFFFFF800  }
0x17d: {  	_ =	swait.ge [sflag:s9], $0x800  }
0x17e: {  	[sflag:s9] =	ssyncset.done $0x0  }
0x17f: {  	[sflag:s9] =	ssyncadd.s32 $0xFFFFF800  }
0x180: {  	_ =	swait.ge [sflag:s9], $0x800  }
0x181: {  	[sflag:s9] =	ssyncset.done $0x0  }
0x182: {  	[sflag:s9] =	ssyncadd.s32 $0xFFFFF800  }
0x183: {  	_ =	swait.ge [sflag:s9], $0x800  }
0x184: {  	[sflag:s9] =	ssyncset.done $0x0  }
0x185: {  	[sflag:s9] =	ssyncadd.s32 $0xFFFFF800  }
0x186: {  	_ =	swait.ge [sflag:s9], $0x800  }
0x187: {  	[sflag:s9] =	ssyncset.done $0x0  }
0x188: {  	[sflag:s9] =	ssyncadd.s32 $0xFFFFF800  }
0x189: {  	_ =	swait.ge [sflag:s9], $0x800  }
0x18a: {  	[sflag:s9] =	ssyncset.done $0x0  }
0x18b: {  	s5 =	simm.s32 $0x1400;
	[sflag:s9] =	ssyncadd.s32 $0xFFFFF800  }
0x18c: {  	[tilespmem:s15], [sflag:$0x1] =	stream.indirect.gather [spmem:s3], $0x10, s5, s16, $0xb8;
	[tilespmem:$0x16800] =	vst v63  }
0x18d: {  	s17 =	simm.s32 $0x1480  }
0x18e: {  	[tilespmem:s18], [sflag:$0x1] =	stream.indirect.gather [spmem:s3], $0x10, s17, s16, $0xb8;
	[tilespmem:$0x16800] =	vst v63  }
0x18f: {  	s5 =	simm.s32 $0x1500  }
0x190: {  	[tilespmem:s20], [sflag:$0x1] =	stream.indirect.gather [spmem:s3], $0x10, s5, s16, $0xb8;
	[tilespmem:$0x16800] =	vst v63  }
0x191: {  	s17 =	simm.s32 $0x1580  }
0x192: {  	[tilespmem:s22], [sflag:$0x1] =	stream.indirect.gather [spmem:s3], $0x10, s17, s16, $0xb8;
	[tilespmem:$0x16800] =	vst v63  }
0x193: {  	s5 =	simm.s32 $0x1600  }
0x194: {  	[tilespmem:s24], [sflag:$0x1] =	stream.indirect.gather [spmem:s3], $0x10, s5, s16, $0xb8;
	[tilespmem:$0x16800] =	vst v63  }
0x195: {  	s17 =	simm.s32 $0x1680  }
0x196: {  	[tilespmem:s26], [sflag:$0x1] =	stream.indirect.gather [spmem:s3], $0x10, s17, s16, $0xb8;
	[tilespmem:$0x16800] =	vst v63  }
0x197: {  	s5 =	simm.s32 $0x1700  }
0x198: {  	[tilespmem:s29], [sflag:$0x1] =	stream.indirect.gather [spmem:s3], $0x10, s5, s16, $0xb8;
	[tilespmem:$0x16800] =	vst v63  }
0x199: {  	s17 =	simm.s32 $0x1780  }
0x19a: {  	[tilespmem:s31], [sflag:$0x1] =	stream.indirect.gather [spmem:s3], $0x10, s17, s16, $0xb8;
	[tilespmem:$0x16800] =	vst v63  }
0x19b: {  	s5 =	simm.s32 $0x1800  }
0x19c: {  	[tilespmem:s1], [sflag:$0x1] =	stream.indirect.gather [spmem:s3], $0x10, s5, s16, $0xb8;
	[tilespmem:$0x16800] =	vst v63  }
0x19d: {  	s17 =	simm.s32 $0x1880  }
0x19e: {  	[tilespmem:s19], [sflag:$0x1] =	stream.indirect.gather [spmem:s3], $0x10, s17, s16, $0xb8;
	[tilespmem:$0x16800] =	vst v63  }
0x19f: {  	s5 =	simm.s32 $0x3700  }
0x1a0: {  	[spmem:s2] =	stream.indirect.scatter.add.f32 [tilespmem:s25], [sflag:$0x2], $0x10, s5, s16, $0xb8;
	[tilespmem:$0x16800] =	vst v63  }
0x1a1: {  	s17 =	simm.s32 $0x3780  }
0x1a2: {  	[spmem:s2] =	stream.indirect.scatter.add.f32 [tilespmem:s30], [sflag:$0x2], $0x10, s17, s16, $0xb8;
	[tilespmem:$0x16800] =	vst v63  }
0x1a3: {  	s5 =	simm.s32 $0x3800  }
0x1a4: {  	[spmem:s2] =	stream.indirect.scatter.add.f32 [tilespmem:s11], [sflag:$0x2], $0x10, s5, s16, $0xb8;
	[tilespmem:$0x16800] =	vst v63  }
0x1a5: {  	s17 =	simm.s32 $0x3880  }
0x1a6: {  	[spmem:s2] =	stream.indirect.scatter.add.f32 [tilespmem:s28], [sflag:$0x2], $0x10, s17, s16, $0xb8;
	[tilespmem:$0x16800] =	vst v63  }
0x1a7: {  	s5 =	simm.s32 $0x3900  }
0x1a8: {  	[spmem:s2] =	stream.indirect.scatter.add.f32 [tilespmem:s23], [sflag:$0x2], $0x10, s5, s16, $0xb8;
	[tilespmem:$0x16800] =	vst v63  }
0x1a9: {  	s17 =	simm.s32 $0x3980  }
0x1aa: {  	[spmem:s2] =	stream.indirect.scatter.add.f32 [tilespmem:s0], [sflag:$0x2], $0x10, s17, s16, $0xb8;
	[tilespmem:$0x16800] =	vst v63  }
0x1ab: {  	s5 =	simm.s32 $0x3A00  }
0x1ac: {  	[spmem:s2] =	stream.indirect.scatter.add.f32 [tilespmem:s13], [sflag:$0x2], $0x10, s5, s16, $0xb8;
	[tilespmem:$0x16800] =	vst v63  }
0x1ad: {  	s17 =	simm.s32 $0x3A80  }
0x1ae: {  	[spmem:s2] =	stream.indirect.scatter.add.f32 [tilespmem:s6], [sflag:$0x2], $0x10, s17, s16, $0xb8;
	[tilespmem:$0x16800] =	vst v63  }
0x1af: {  	s5 =	simm.s32 $0x3B00  }
0x1b0: {  	[spmem:s2] =	stream.indirect.scatter.add.f32 [tilespmem:s7], [sflag:$0x2], $0x10, s5, s16, $0xb8;
	[tilespmem:$0x16800] =	vst v63  }
0x1b1: {  	s17 =	simm.s32 $0x3B80  }
0x1b2: {  	[spmem:s2] =	stream.indirect.scatter.add.f32 [tilespmem:s8], [sflag:$0x2], $0x10, s17, s16, $0xb8;
	[tilespmem:$0x16800] =	vst v63  }
0x1b3: {  	_ =	swait.ge [sflag:s21], $0x800  }
0x1b4: {  	[sflag:s21] =	ssyncset.done $0x0  }
0x1b5: {  	[sflag:s21] =	ssyncadd.s32 $0xFFFFF800  }
0x1b6: {  	_ =	swait.ge [sflag:s21], $0x800  }
0x1b7: {  	[sflag:s21] =	ssyncset.done $0x0  }
0x1b8: {  	[sflag:s21] =	ssyncadd.s32 $0xFFFFF800  }
0x1b9: {  	_ =	swait.ge [sflag:s21], $0x800  }
0x1ba: {  	[sflag:s21] =	ssyncset.done $0x0  }
0x1bb: {  	[sflag:s21] =	ssyncadd.s32 $0xFFFFF800  }
0x1bc: {  	_ =	swait.ge [sflag:s21], $0x800  }
0x1bd: {  	[sflag:s21] =	ssyncset.done $0x0  }
0x1be: {  	[sflag:s21] =	ssyncadd.s32 $0xFFFFF800  }
0x1bf: {  	_ =	swait.ge [sflag:s21], $0x800  }
0x1c0: {  	[sflag:s21] =	ssyncset.done $0x0  }
0x1c1: {  	[sflag:s21] =	ssyncadd.s32 $0xFFFFF800  }
0x1c2: {  	_ =	swait.ge [sflag:s21], $0x800  }
0x1c3: {  	[sflag:s21] =	ssyncset.done $0x0  }
0x1c4: {  	[sflag:s21] =	ssyncadd.s32 $0xFFFFF800  }
0x1c5: {  	_ =	swait.ge [sflag:s21], $0x800  }
0x1c6: {  	[sflag:s21] =	ssyncset.done $0x0  }
0x1c7: {  	[sflag:s21] =	ssyncadd.s32 $0xFFFFF800  }
0x1c8: {  	_ =	swait.ge [sflag:s21], $0x800  }
0x1c9: {  	[sflag:s21] =	ssyncset.done $0x0  }
0x1ca: {  	[sflag:s21] =	ssyncadd.s32 $0xFFFFF800  }
0x1cb: {  	_ =	swait.ge [sflag:s21], $0x800  }
0x1cc: {  	[sflag:s21] =	ssyncset.done $0x0  }
0x1cd: {  	[sflag:s21] =	ssyncadd.s32 $0xFFFFF800  }
0x1ce: {  	_ =	swait.ge [sflag:s21], $0x800  }
0x1cf: {  	[sflag:s21] =	ssyncset.done $0x0  }
0x1d0: {  	[sflag:s21] =	ssyncadd.s32 $0xFFFFF800  }
0x1d1: {  	_ =	swait.ge [sflag:s9], $0x800  }
0x1d2: {  	[sflag:s9] =	ssyncset.done $0x0  }
0x1d3: {  	[sflag:s9] =	ssyncadd.s32 $0xFFFFF800  }
0x1d4: {  	_ =	swait.ge [sflag:s9], $0x800  }
0x1d5: {  	[sflag:s9] =	ssyncset.done $0x0  }
0x1d6: {  	[sflag:s9] =	ssyncadd.s32 $0xFFFFF800  }
0x1d7: {  	_ =	swait.ge [sflag:s9], $0x800  }
0x1d8: {  	[sflag:s9] =	ssyncset.done $0x0  }
0x1d9: {  	[sflag:s9] =	ssyncadd.s32 $0xFFFFF800  }
0x1da: {  	_ =	swait.ge [sflag:s9], $0x800  }
0x1db: {  	[sflag:s9] =	ssyncset.done $0x0  }
0x1dc: {  	[sflag:s9] =	ssyncadd.s32 $0xFFFFF800  }
0x1dd: {  	_ =	swait.ge [sflag:s9], $0x800  }
0x1de: {  	[sflag:s9] =	ssyncset.done $0x0  }
0x1df: {  	[sflag:s9] =	ssyncadd.s32 $0xFFFFF800  }
0x1e0: {  	_ =	swait.ge [sflag:s9], $0x800  }
0x1e1: {  	[sflag:s9] =	ssyncset.done $0x0  }
0x1e2: {  	[sflag:s9] =	ssyncadd.s32 $0xFFFFF800  }
0x1e3: {  	_ =	swait.ge [sflag:s9], $0x800  }
0x1e4: {  	[sflag:s9] =	ssyncset.done $0x0  }
0x1e5: {  	[sflag:s9] =	ssyncadd.s32 $0xFFFFF800  }
0x1e6: {  	_ =	swait.ge [sflag:s9], $0x800  }
0x1e7: {  	[sflag:s9] =	ssyncset.done $0x0  }
0x1e8: {  	[sflag:s9] =	ssyncadd.s32 $0xFFFFF800  }
0x1e9: {  	_ =	swait.ge [sflag:s9], $0x800  }
0x1ea: {  	[sflag:s9] =	ssyncset.done $0x0  }
0x1eb: {  	[sflag:s9] =	ssyncadd.s32 $0xFFFFF800  }
0x1ec: {  	_ =	swait.ge [sflag:s9], $0x800  }
0x1ed: {  	[sflag:s9] =	ssyncset.done $0x0  }
0x1ee: {  	s5 =	simm.s32 $0x1900;
	[sflag:s9] =	ssyncadd.s32 $0xFFFFF800  }
0x1ef: {  	[tilespmem:s25], [sflag:$0x1] =	stream.indirect.gather [spmem:s3], $0x10, s5, s16, $0xb8;
	[tilespmem:$0x16800] =	vst v63  }
0x1f0: {  	s17 =	simm.s32 $0x1980  }
0x1f1: {  	[tilespmem:s30], [sflag:$0x1] =	stream.indirect.gather [spmem:s3], $0x10, s17, s16, $0xb8;
	[tilespmem:$0x16800] =	vst v63  }
0x1f2: {  	s5 =	simm.s32 $0x1A00  }
0x1f3: {  	[tilespmem:s11], [sflag:$0x1] =	stream.indirect.gather [spmem:s3], $0x10, s5, s16, $0xb8;
	[tilespmem:$0x16800] =	vst v63  }
0x1f4: {  	s17 =	simm.s32 $0x1A80  }
0x1f5: {  	[tilespmem:s28], [sflag:$0x1] =	stream.indirect.gather [spmem:s3], $0x10, s17, s16, $0xb8;
	[tilespmem:$0x16800] =	vst v63  }
0x1f6: {  	s5 =	simm.s32 $0x1B00  }
0x1f7: {  	[tilespmem:s23], [sflag:$0x1] =	stream.indirect.gather [spmem:s3], $0x10, s5, s16, $0xb8;
	[tilespmem:$0x16800] =	vst v63  }
0x1f8: {  	s17 =	simm.s32 $0x1B80  }
0x1f9: {  	[tilespmem:s0], [sflag:$0x1] =	stream.indirect.gather [spmem:s3], $0x10, s17, s16, $0xb8;
	[tilespmem:$0x16800] =	vst v63  }
0x1fa: {  	s5 =	simm.s32 $0x1C00  }
0x1fb: {  	[tilespmem:s13], [sflag:$0x1] =	stream.indirect.gather [spmem:s3], $0x10, s5, s16, $0xb8;
	[tilespmem:$0x16800] =	vst v63  }
0x1fc: {  	s17 =	simm.s32 $0x1C80  }
0x1fd: {  	[tilespmem:s6], [sflag:$0x1] =	stream.indirect.gather [spmem:s3], $0x10, s17, s16, $0xb8;
	[tilespmem:$0x16800] =	vst v63  }
0x1fe: {  	s5 =	simm.s32 $0x1D00  }
0x1ff: {  	[tilespmem:s7], [sflag:$0x1] =	stream.indirect.gather [spmem:s3], $0x10, s5, s16, $0xb8;
	[tilespmem:$0x16800] =	vst v63  }
0x200: {  	s17 =	simm.s32 $0x1D80  }
0x201: {  	[tilespmem:s8], [sflag:$0x1] =	stream.indirect.gather [spmem:s3], $0x10, s17, s16, $0xb8;
	[tilespmem:$0x16800] =	vst v63  }
0x202: {  	s5 =	simm.s32 $0x3C00  }
0x203: {  	[spmem:s2] =	stream.indirect.scatter.add.f32 [tilespmem:s15], [sflag:$0x2], $0x10, s5, s16, $0xb8;
	[tilespmem:$0x16800] =	vst v63  }
0x204: {  	s17 =	simm.s32 $0x3C80  }
0x205: {  	[spmem:s2] =	stream.indirect.scatter.add.f32 [tilespmem:s18], [sflag:$0x2], $0x10, s17, s16, $0xb8;
	[tilespmem:$0x16800] =	vst v63  }
0x206: {  	s5 =	simm.s32 $0x3D00  }
0x207: {  	[spmem:s2] =	stream.indirect.scatter.add.f32 [tilespmem:s20], [sflag:$0x2], $0x10, s5, s16, $0xb8;
	[tilespmem:$0x16800] =	vst v63  }
0x208: {  	s17 =	simm.s32 $0x3D80  }
0x209: {  	[spmem:s2] =	stream.indirect.scatter.add.f32 [tilespmem:s22], [sflag:$0x2], $0x10, s17, s16, $0xb8;
	[tilespmem:$0x16800] =	vst v63  }
0x20a: {  	s5 =	simm.s32 $0x3E00  }
0x20b: {  	[spmem:s2] =	stream.indirect.scatter.add.f32 [tilespmem:s24], [sflag:$0x2], $0x10, s5, s16, $0xb8;
	[tilespmem:$0x16800] =	vst v63  }
0x20c: {  	s17 =	simm.s32 $0x3E80  }
0x20d: {  	[spmem:s2] =	stream.indirect.scatter.add.f32 [tilespmem:s26], [sflag:$0x2], $0x10, s17, s16, $0xb8;
	[tilespmem:$0x16800] =	vst v63  }
0x20e: {  	s5 =	simm.s32 $0x3F00  }
0x20f: {  	[spmem:s2] =	stream.indirect.scatter.add.f32 [tilespmem:s29], [sflag:$0x2], $0x10, s5, s16, $0xb8;
	[tilespmem:$0x16800] =	vst v63  }
0x210: {  	s17 =	simm.s32 $0x3F80  }
0x211: {  	[spmem:s2] =	stream.indirect.scatter.add.f32 [tilespmem:s31], [sflag:$0x2], $0x10, s17, s16, $0xb8;
	[tilespmem:$0x16800] =	vst v63  }
0x212: {  	s5 =	simm.s32 $0x4000  }
0x213: {  	[spmem:s2] =	stream.indirect.scatter.add.f32 [tilespmem:s1], [sflag:$0x2], $0x10, s5, s16, $0xb8;
	[tilespmem:$0x16800] =	vst v63  }
0x214: {  	s17 =	simm.s32 $0x4080  }
0x215: {  	[spmem:s2] =	stream.indirect.scatter.add.f32 [tilespmem:s19], [sflag:$0x2], $0x10, s17, s16, $0xb8;
	[tilespmem:$0x16800] =	vst v63  }
0x216: {  	_ =	swait.ge [sflag:s21], $0x800  }
0x217: {  	[sflag:s21] =	ssyncset.done $0x0  }
0x218: {  	[sflag:s21] =	ssyncadd.s32 $0xFFFFF800  }
0x219: {  	_ =	swait.ge [sflag:s21], $0x800  }
0x21a: {  	[sflag:s21] =	ssyncset.done $0x0  }
0x21b: {  	[sflag:s21] =	ssyncadd.s32 $0xFFFFF800  }
0x21c: {  	_ =	swait.ge [sflag:s21], $0x800  }
0x21d: {  	[sflag:s21] =	ssyncset.done $0x0  }
0x21e: {  	[sflag:s21] =	ssyncadd.s32 $0xFFFFF800  }
0x21f: {  	_ =	swait.ge [sflag:s21], $0x800  }
0x220: {  	[sflag:s21] =	ssyncset.done $0x0  }
0x221: {  	[sflag:s21] =	ssyncadd.s32 $0xFFFFF800  }
0x222: {  	_ =	swait.ge [sflag:s21], $0x800  }
0x223: {  	[sflag:s21] =	ssyncset.done $0x0  }
0x224: {  	[sflag:s21] =	ssyncadd.s32 $0xFFFFF800  }
0x225: {  	_ =	swait.ge [sflag:s21], $0x800  }
0x226: {  	[sflag:s21] =	ssyncset.done $0x0  }
0x227: {  	[sflag:s21] =	ssyncadd.s32 $0xFFFFF800  }
0x228: {  	_ =	swait.ge [sflag:s21], $0x800  }
0x229: {  	[sflag:s21] =	ssyncset.done $0x0  }
0x22a: {  	[sflag:s21] =	ssyncadd.s32 $0xFFFFF800  }
0x22b: {  	_ =	swait.ge [sflag:s21], $0x800  }
0x22c: {  	[sflag:s21] =	ssyncset.done $0x0  }
0x22d: {  	[sflag:s21] =	ssyncadd.s32 $0xFFFFF800  }
0x22e: {  	_ =	swait.ge [sflag:s21], $0x800  }
0x22f: {  	[sflag:s21] =	ssyncset.done $0x0  }
0x230: {  	[sflag:s21] =	ssyncadd.s32 $0xFFFFF800  }
0x231: {  	_ =	swait.ge [sflag:s21], $0x800  }
0x232: {  	[sflag:s21] =	ssyncset.done $0x0  }
0x233: {  	[sflag:s21] =	ssyncadd.s32 $0xFFFFF800  }
0x234: {  	_ =	swait.ge [sflag:s9], $0x800  }
0x235: {  	[sflag:s9] =	ssyncset.done $0x0  }
0x236: {  	[sflag:s9] =	ssyncadd.s32 $0xFFFFF800  }
0x237: {  	_ =	swait.ge [sflag:s9], $0x800  }
0x238: {  	[sflag:s9] =	ssyncset.done $0x0  }
0x239: {  	[sflag:s9] =	ssyncadd.s32 $0xFFFFF800  }
0x23a: {  	_ =	swait.ge [sflag:s9], $0x800  }
0x23b: {  	[sflag:s9] =	ssyncset.done $0x0  }
0x23c: {  	[sflag:s9] =	ssyncadd.s32 $0xFFFFF800  }
0x23d: {  	_ =	swait.ge [sflag:s9], $0x800  }
0x23e: {  	[sflag:s9] =	ssyncset.done $0x0  }
0x23f: {  	[sflag:s9] =	ssyncadd.s32 $0xFFFFF800  }
0x240: {  	_ =	swait.ge [sflag:s9], $0x800  }
0x241: {  	[sflag:s9] =	ssyncset.done $0x0  }
0x242: {  	[sflag:s9] =	ssyncadd.s32 $0xFFFFF800  }
0x243: {  	_ =	swait.ge [sflag:s9], $0x800  }
0x244: {  	[sflag:s9] =	ssyncset.done $0x0  }
0x245: {  	[sflag:s9] =	ssyncadd.s32 $0xFFFFF800  }
0x246: {  	_ =	swait.ge [sflag:s9], $0x800  }
0x247: {  	[sflag:s9] =	ssyncset.done $0x0  }
0x248: {  	[sflag:s9] =	ssyncadd.s32 $0xFFFFF800  }
0x249: {  	_ =	swait.ge [sflag:s9], $0x800  }
0x24a: {  	[sflag:s9] =	ssyncset.done $0x0  }
0x24b: {  	[sflag:s9] =	ssyncadd.s32 $0xFFFFF800  }
0x24c: {  	_ =	swait.ge [sflag:s9], $0x800  }
0x24d: {  	[sflag:s9] =	ssyncset.done $0x0  }
0x24e: {  	[sflag:s9] =	ssyncadd.s32 $0xFFFFF800  }
0x24f: {  	_ =	swait.ge [sflag:s9], $0x800  }
0x250: {  	[sflag:s9] =	ssyncset.done $0x0  }
0x251: {  	s5 =	simm.s32 $0x1E00;
	[sflag:s9] =	ssyncadd.s32 $0xFFFFF800  }
0x252: {  	[tilespmem:s15], [sflag:$0x1] =	stream.indirect.gather [spmem:s3], $0x10, s5, s16, $0xb8;
	[tilespmem:$0x16800] =	vst v63  }
0x253: {  	s17 =	simm.s32 $0x1E80  }
0x254: {  	[tilespmem:s18], [sflag:$0x1] =	stream.indirect.gather [spmem:s3], $0x10, s17, s16, $0xb8;
	[tilespmem:$0x16800] =	vst v63  }
0x255: {  	s5 =	simm.s32 $0x1F00  }
0x256: {  	[tilespmem:s20], [sflag:$0x1] =	stream.indirect.gather [spmem:s3], $0x10, s5, s16, $0xb8;
	[tilespmem:$0x16800] =	vst v63  }
0x257: {  	s17 =	simm.s32 $0x1F80  }
0x258: {  	[tilespmem:s22], [sflag:$0x1] =	stream.indirect.gather [spmem:s3], $0x10, s17, s16, $0xb8;
	[tilespmem:$0x16800] =	vst v63  }
0x259: {  	s5 =	simm.s32 $0x2000  }
0x25a: {  	[tilespmem:s24], [sflag:$0x1] =	stream.indirect.gather [spmem:s3], $0x10, s5, s16, $0xb8;
	[tilespmem:$0x16800] =	vst v63  }
0x25b: {  	s17 =	simm.s32 $0x2080  }
0x25c: {  	[tilespmem:s26], [sflag:$0x1] =	stream.indirect.gather [spmem:s3], $0x10, s17, s16, $0xb8;
	[tilespmem:$0x16800] =	vst v63  }
0x25d: {  	s5 =	simm.s32 $0x2100  }
0x25e: {  	[tilespmem:s29], [sflag:$0x1] =	stream.indirect.gather [spmem:s3], $0x10, s5, s16, $0xb8;
	[tilespmem:$0x16800] =	vst v63  }
0x25f: {  	s17 =	simm.s32 $0x2180  }
0x260: {  	[tilespmem:s31], [sflag:$0x1] =	stream.indirect.gather [spmem:s3], $0x10, s17, s16, $0xb8;
	[tilespmem:$0x16800] =	vst v63  }
0x261: {  	s5 =	simm.s32 $0x2200  }
0x262: {  	[tilespmem:s1], [sflag:$0x1] =	stream.indirect.gather [spmem:s3], $0x10, s5, s16, $0xb8;
	[tilespmem:$0x16800] =	vst v63  }
0x263: {  	s17 =	simm.s32 $0x2280  }
0x264: {  	[tilespmem:s19], [sflag:$0x1] =	stream.indirect.gather [spmem:s3], $0x10, s17, s16, $0xb8;
	[tilespmem:$0x16800] =	vst v63  }
0x265: {  	s5 =	simm.s32 $0x4100  }
0x266: {  	[spmem:s2] =	stream.indirect.scatter.add.f32 [tilespmem:s25], [sflag:$0x2], $0x10, s5, s16, $0xb8;
	[tilespmem:$0x16800] =	vst v63  }
0x267: {  	s17 =	simm.s32 $0x4180  }
0x268: {  	[spmem:s2] =	stream.indirect.scatter.add.f32 [tilespmem:s30], [sflag:$0x2], $0x10, s17, s16, $0xb8;
	[tilespmem:$0x16800] =	vst v63  }
0x269: {  	s5 =	simm.s32 $0x4200  }
0x26a: {  	[spmem:s2] =	stream.indirect.scatter.add.f32 [tilespmem:s11], [sflag:$0x2], $0x10, s5, s16, $0xb8;
	[tilespmem:$0x16800] =	vst v63  }
0x26b: {  	s17 =	simm.s32 $0x4280  }
0x26c: {  	[spmem:s2] =	stream.indirect.scatter.add.f32 [tilespmem:s28], [sflag:$0x2], $0x10, s17, s16, $0xb8;
	[tilespmem:$0x16800] =	vst v63  }
0x26d: {  	s5 =	simm.s32 $0x4300  }
0x26e: {  	[spmem:s2] =	stream.indirect.scatter.add.f32 [tilespmem:s23], [sflag:$0x2], $0x10, s5, s16, $0xb8;
	[tilespmem:$0x16800] =	vst v63  }
0x26f: {  	s17 =	simm.s32 $0x4380  }
0x270: {  	[spmem:s2] =	stream.indirect.scatter.add.f32 [tilespmem:s0], [sflag:$0x2], $0x10, s17, s16, $0xb8;
	[tilespmem:$0x16800] =	vst v63  }
0x271: {  	s5 =	simm.s32 $0x4400  }
0x272: {  	[spmem:s2] =	stream.indirect.scatter.add.f32 [tilespmem:s13], [sflag:$0x2], $0x10, s5, s16, $0xb8;
	[tilespmem:$0x16800] =	vst v63  }
0x273: {  	s17 =	simm.s32 $0x4480  }
0x274: {  	[spmem:s2] =	stream.indirect.scatter.add.f32 [tilespmem:s6], [sflag:$0x2], $0x10, s17, s16, $0xb8;
	[tilespmem:$0x16800] =	vst v63  }
0x275: {  	s5 =	simm.s32 $0x4500  }
0x276: {  	[spmem:s2] =	stream.indirect.scatter.add.f32 [tilespmem:s7], [sflag:$0x2], $0x10, s5, s16, $0xb8;
	[tilespmem:$0x16800] =	vst v63  }
0x277: {  	s17 =	simm.s32 $0x4580  }
0x278: {  	[spmem:s2] =	stream.indirect.scatter.add.f32 [tilespmem:s8], [sflag:$0x2], $0x10, s17, s16, $0xb8;
	[tilespmem:$0x16800] =	vst v63  }
0x279: {  	_ =	swait.ge [sflag:s21], $0x800  }
0x27a: {  	[sflag:s21] =	ssyncset.done $0x0  }
0x27b: {  	[sflag:s21] =	ssyncadd.s32 $0xFFFFF800  }
0x27c: {  	_ =	swait.ge [sflag:s21], $0x800  }
0x27d: {  	[sflag:s21] =	ssyncset.done $0x0  }
0x27e: {  	[sflag:s21] =	ssyncadd.s32 $0xFFFFF800  }
0x27f: {  	_ =	swait.ge [sflag:s21], $0x800  }
0x280: {  	[sflag:s21] =	ssyncset.done $0x0  }
0x281: {  	[sflag:s21] =	ssyncadd.s32 $0xFFFFF800  }
0x282: {  	_ =	swait.ge [sflag:s21], $0x800  }
0x283: {  	[sflag:s21] =	ssyncset.done $0x0  }
0x284: {  	[sflag:s21] =	ssyncadd.s32 $0xFFFFF800  }
0x285: {  	_ =	swait.ge [sflag:s21], $0x800  }
0x286: {  	[sflag:s21] =	ssyncset.done $0x0  }
0x287: {  	[sflag:s21] =	ssyncadd.s32 $0xFFFFF800  }
0x288: {  	_ =	swait.ge [sflag:s21], $0x800  }
0x289: {  	[sflag:s21] =	ssyncset.done $0x0  }
0x28a: {  	[sflag:s21] =	ssyncadd.s32 $0xFFFFF800  }
0x28b: {  	_ =	swait.ge [sflag:s21], $0x800  }
0x28c: {  	[sflag:s21] =	ssyncset.done $0x0  }
0x28d: {  	[sflag:s21] =	ssyncadd.s32 $0xFFFFF800  }
0x28e: {  	_ =	swait.ge [sflag:s21], $0x800  }
0x28f: {  	[sflag:s21] =	ssyncset.done $0x0  }
0x290: {  	[sflag:s21] =	ssyncadd.s32 $0xFFFFF800  }
0x291: {  	_ =	swait.ge [sflag:s21], $0x800  }
0x292: {  	[sflag:s21] =	ssyncset.done $0x0  }
0x293: {  	[sflag:s21] =	ssyncadd.s32 $0xFFFFF800  }
0x294: {  	_ =	swait.ge [sflag:s21], $0x800  }
0x295: {  	[sflag:s21] =	ssyncset.done $0x0  }
0x296: {  	[sflag:s21] =	ssyncadd.s32 $0xFFFFF800  }
0x297: {  	_ =	swait.ge [sflag:s9], $0x800  }
0x298: {  	[sflag:s9] =	ssyncset.done $0x0  }
0x299: {  	[sflag:s9] =	ssyncadd.s32 $0xFFFFF800  }
0x29a: {  	_ =	swait.ge [sflag:s9], $0x800  }
0x29b: {  	[sflag:s9] =	ssyncset.done $0x0  }
0x29c: {  	[sflag:s9] =	ssyncadd.s32 $0xFFFFF800  }
0x29d: {  	_ =	swait.ge [sflag:s9], $0x800  }
0x29e: {  	[sflag:s9] =	ssyncset.done $0x0  }
0x29f: {  	[sflag:s9] =	ssyncadd.s32 $0xFFFFF800  }
0x2a0: {  	_ =	swait.ge [sflag:s9], $0x800  }
0x2a1: {  	[sflag:s9] =	ssyncset.done $0x0  }
0x2a2: {  	[sflag:s9] =	ssyncadd.s32 $0xFFFFF800  }
0x2a3: {  	_ =	swait.ge [sflag:s9], $0x800  }
0x2a4: {  	[sflag:s9] =	ssyncset.done $0x0  }
0x2a5: {  	[sflag:s9] =	ssyncadd.s32 $0xFFFFF800  }
0x2a6: {  	_ =	swait.ge [sflag:s9], $0x800  }
0x2a7: {  	[sflag:s9] =	ssyncset.done $0x0  }
0x2a8: {  	[sflag:s9] =	ssyncadd.s32 $0xFFFFF800  }
0x2a9: {  	_ =	swait.ge [sflag:s9], $0x800  }
0x2aa: {  	[sflag:s9] =	ssyncset.done $0x0  }
0x2ab: {  	[sflag:s9] =	ssyncadd.s32 $0xFFFFF800  }
0x2ac: {  	_ =	swait.ge [sflag:s9], $0x800  }
0x2ad: {  	[sflag:s9] =	ssyncset.done $0x0  }
0x2ae: {  	[sflag:s9] =	ssyncadd.s32 $0xFFFFF800  }
0x2af: {  	_ =	swait.ge [sflag:s9], $0x800  }
0x2b0: {  	[sflag:s9] =	ssyncset.done $0x0  }
0x2b1: {  	[sflag:s9] =	ssyncadd.s32 $0xFFFFF800  }
0x2b2: {  	_ =	swait.ge [sflag:s9], $0x800  }
0x2b3: {  	[sflag:s9] =	ssyncset.done $0x0  }
0x2b4: {  	s5 =	simm.s32 $0x2300;
	[sflag:s9] =	ssyncadd.s32 $0xFFFFF800  }
0x2b5: {  	[tilespmem:s25], [sflag:$0x1] =	stream.indirect.gather [spmem:s3], $0x10, s5, s16, $0xb8;
	[tilespmem:$0x16800] =	vst v63  }
0x2b6: {  	s17 =	simm.s32 $0x2380  }
0x2b7: {  	[tilespmem:s30], [sflag:$0x1] =	stream.indirect.gather [spmem:s3], $0x10, s17, s16, $0xb8;
	[tilespmem:$0x16800] =	vst v63  }
0x2b8: {  	s5 =	simm.s32 $0x2400  }
0x2b9: {  	[tilespmem:s11], [sflag:$0x1] =	stream.indirect.gather [spmem:s3], $0x10, s5, s16, $0xb8;
	[tilespmem:$0x16800] =	vst v63  }
0x2ba: {  	s17 =	simm.s32 $0x2480  }
0x2bb: {  	[tilespmem:s28], [sflag:$0x1] =	stream.indirect.gather [spmem:s3], $0x10, s17, s16, $0xb8;
	[tilespmem:$0x16800] =	vst v63  }
0x2bc: {  	s5 =	simm.s32 $0x2500  }
0x2bd: {  	[tilespmem:s23], [sflag:$0x1] =	stream.indirect.gather [spmem:s3], $0x10, s5, s16, $0xb8;
	[tilespmem:$0x16800] =	vst v63  }
0x2be: {  	s17 =	simm.s32 $0x2580  }
0x2bf: {  	[tilespmem:s0], [sflag:$0x1] =	stream.indirect.gather [spmem:s3], $0x10, s17, s16, $0xb8;
	[tilespmem:$0x16800] =	vst v63  }
0x2c0: {  	s5 =	simm.s32 $0x2600  }
0x2c1: {  	[tilespmem:s13], [sflag:$0x1] =	stream.indirect.gather [spmem:s3], $0x10, s5, s16, $0xb8;
	[tilespmem:$0x16800] =	vst v63  }
0x2c2: {  	s17 =	simm.s32 $0x2680  }
0x2c3: {  	[tilespmem:s6], [sflag:$0x1] =	stream.indirect.gather [spmem:s3], $0x10, s17, s16, $0xb8;
	[tilespmem:$0x16800] =	vst v63  }
0x2c4: {  	s5 =	simm.s32 $0x2700  }
0x2c5: {  	[tilespmem:s7], [sflag:$0x1] =	stream.indirect.gather [spmem:s3], $0x10, s5, s16, $0xb8;
	[tilespmem:$0x16800] =	vst v63  }
0x2c6: {  	s17 =	simm.s32 $0x2780  }
0x2c7: {  	[tilespmem:s8], [sflag:$0x1] =	stream.indirect.gather [spmem:s3], $0x10, s17, s16, $0xb8;
	[tilespmem:$0x16800] =	vst v63  }
0x2c8: {  	s5 =	simm.s32 $0x4600  }
0x2c9: {  	[spmem:s2] =	stream.indirect.scatter.add.f32 [tilespmem:s15], [sflag:$0x2], $0x10, s5, s16, $0xb8;
	[tilespmem:$0x16800] =	vst v63  }
0x2ca: {  	s15 =	simm.s32 $0x4680  }
0x2cb: {  	[spmem:s2] =	stream.indirect.scatter.add.f32 [tilespmem:s18], [sflag:$0x2], $0x10, s15, s16, $0xb8;
	[tilespmem:$0x16800] =	vst v63  }
0x2cc: {  	s17 =	simm.s32 $0x4700  }
0x2cd: {  	[spmem:s2] =	stream.indirect.scatter.add.f32 [tilespmem:s20], [sflag:$0x2], $0x10, s17, s16, $0xb8;
	[tilespmem:$0x16800] =	vst v63  }
0x2ce: {  	s5 =	simm.s32 $0x4780  }
0x2cf: {  	[spmem:s2] =	stream.indirect.scatter.add.f32 [tilespmem:s22], [sflag:$0x2], $0x10, s5, s16, $0xb8;
	[tilespmem:$0x16800] =	vst v63  }
0x2d0: {  	s15 =	simm.s32 $0x4800  }
0x2d1: {  	[spmem:s2] =	stream.indirect.scatter.add.f32 [tilespmem:s24], [sflag:$0x2], $0x10, s15, s16, $0xb8;
	[tilespmem:$0x16800] =	vst v63  }
0x2d2: {  	s17 =	simm.s32 $0x4880  }
0x2d3: {  	[spmem:s2] =	stream.indirect.scatter.add.f32 [tilespmem:s26], [sflag:$0x2], $0x10, s17, s16, $0xb8;
	[tilespmem:$0x16800] =	vst v63  }
0x2d4: {  	s5 =	simm.s32 $0x4900  }
0x2d5: {  	[spmem:s2] =	stream.indirect.scatter.add.f32 [tilespmem:s29], [sflag:$0x2], $0x10, s5, s16, $0xb8;
	[tilespmem:$0x16800] =	vst v63  }
0x2d6: {  	s15 =	simm.s32 $0x4980  }
0x2d7: {  	[spmem:s2] =	stream.indirect.scatter.add.f32 [tilespmem:s31], [sflag:$0x2], $0x10, s15, s16, $0xb8;
	[tilespmem:$0x16800] =	vst v63  }
0x2d8: {  	s17 =	simm.s32 $0x4A00  }
0x2d9: {  	[spmem:s2] =	stream.indirect.scatter.add.f32 [tilespmem:s1], [sflag:$0x2], $0x10, s17, s16, $0xb8;
	[tilespmem:$0x16800] =	vst v63  }
0x2da: {  	s5 =	simm.s32 $0x4A80  }
0x2db: {  	[spmem:s2] =	stream.indirect.scatter.add.f32 [tilespmem:s19], [sflag:$0x2], $0x10, s5, s16, $0xb8;
	[tilespmem:$0x16800] =	vst v63  }
0x2dc: {  	_ =	swait.ge [sflag:s21], $0x800  }
0x2dd: {  	[sflag:s21] =	ssyncset.done $0x0  }
0x2de: {  	[sflag:s21] =	ssyncadd.s32 $0xFFFFF800  }
0x2df: {  	_ =	swait.ge [sflag:s21], $0x800  }
0x2e0: {  	[sflag:s21] =	ssyncset.done $0x0  }
0x2e1: {  	[sflag:s21] =	ssyncadd.s32 $0xFFFFF800  }
0x2e2: {  	_ =	swait.ge [sflag:s21], $0x800  }
0x2e3: {  	[sflag:s21] =	ssyncset.done $0x0  }
0x2e4: {  	[sflag:s21] =	ssyncadd.s32 $0xFFFFF800  }
0x2e5: {  	_ =	swait.ge [sflag:s21], $0x800  }
0x2e6: {  	[sflag:s21] =	ssyncset.done $0x0  }
0x2e7: {  	[sflag:s21] =	ssyncadd.s32 $0xFFFFF800  }
0x2e8: {  	_ =	swait.ge [sflag:s21], $0x800  }
0x2e9: {  	[sflag:s21] =	ssyncset.done $0x0  }
0x2ea: {  	[sflag:s21] =	ssyncadd.s32 $0xFFFFF800  }
0x2eb: {  	_ =	swait.ge [sflag:s21], $0x800  }
0x2ec: {  	[sflag:s21] =	ssyncset.done $0x0  }
0x2ed: {  	[sflag:s21] =	ssyncadd.s32 $0xFFFFF800  }
0x2ee: {  	_ =	swait.ge [sflag:s21], $0x800  }
0x2ef: {  	[sflag:s21] =	ssyncset.done $0x0  }
0x2f0: {  	[sflag:s21] =	ssyncadd.s32 $0xFFFFF800  }
0x2f1: {  	_ =	swait.ge [sflag:s21], $0x800  }
0x2f2: {  	[sflag:s21] =	ssyncset.done $0x0  }
0x2f3: {  	[sflag:s21] =	ssyncadd.s32 $0xFFFFF800  }
0x2f4: {  	_ =	swait.ge [sflag:s21], $0x800  }
0x2f5: {  	[sflag:s21] =	ssyncset.done $0x0  }
0x2f6: {  	[sflag:s21] =	ssyncadd.s32 $0xFFFFF800  }
0x2f7: {  	_ =	swait.ge [sflag:s21], $0x800  }
0x2f8: {  	[sflag:s21] =	ssyncset.done $0x0  }
0x2f9: {  	[sflag:s21] =	ssyncadd.s32 $0xFFFFF800  }
0x2fa: {  	_ =	swait.ge [sflag:s9], $0x800  }
0x2fb: {  	[sflag:s9] =	ssyncset.done $0x0  }
0x2fc: {  	[sflag:s9] =	ssyncadd.s32 $0xFFFFF800  }
0x2fd: {  	_ =	swait.ge [sflag:s9], $0x800  }
0x2fe: {  	[sflag:s9] =	ssyncset.done $0x0  }
0x2ff: {  	[sflag:s9] =	ssyncadd.s32 $0xFFFFF800  }
0x300: {  	_ =	swait.ge [sflag:s9], $0x800  }
0x301: {  	[sflag:s9] =	ssyncset.done $0x0  }
0x302: {  	[sflag:s9] =	ssyncadd.s32 $0xFFFFF800  }
0x303: {  	_ =	swait.ge [sflag:s9], $0x800  }
0x304: {  	[sflag:s9] =	ssyncset.done $0x0  }
0x305: {  	[sflag:s9] =	ssyncadd.s32 $0xFFFFF800  }
0x306: {  	_ =	swait.ge [sflag:s9], $0x800  }
0x307: {  	[sflag:s9] =	ssyncset.done $0x0  }
0x308: {  	[sflag:s9] =	ssyncadd.s32 $0xFFFFF800  }
0x309: {  	_ =	swait.ge [sflag:s9], $0x800  }
0x30a: {  	[sflag:s9] =	ssyncset.done $0x0  }
0x30b: {  	[sflag:s9] =	ssyncadd.s32 $0xFFFFF800  }
0x30c: {  	_ =	swait.ge [sflag:s9], $0x800  }
0x30d: {  	[sflag:s9] =	ssyncset.done $0x0  }
0x30e: {  	[sflag:s9] =	ssyncadd.s32 $0xFFFFF800  }
0x30f: {  	_ =	swait.ge [sflag:s9], $0x800  }
0x310: {  	[sflag:s9] =	ssyncset.done $0x0  }
0x311: {  	[sflag:s9] =	ssyncadd.s32 $0xFFFFF800  }
0x312: {  	_ =	swait.ge [sflag:s9], $0x800  }
0x313: {  	[sflag:s9] =	ssyncset.done $0x0  }
0x314: {  	[sflag:s9] =	ssyncadd.s32 $0xFFFFF800  }
0x315: {  	_ =	swait.ge [sflag:s9], $0x800  }
0x316: {  	[sflag:s9] =	ssyncset.done $0x0  }
0x317: {  	s15 =	simm.s32 $0x4B00;
	[sflag:s9] =	ssyncadd.s32 $0xFFFFF800  }
0x318: {  	[spmem:s2] =	stream.indirect.scatter.add.f32 [tilespmem:s25], [sflag:$0x2], $0x10, s15, s16, $0xb8;
	[tilespmem:$0x16800] =	vst v63  }
0x319: {  	s17 =	simm.s32 $0x4B80  }
0x31a: {  	[spmem:s2] =	stream.indirect.scatter.add.f32 [tilespmem:s30], [sflag:$0x2], $0x10, s17, s16, $0xb8;
	[tilespmem:$0x16800] =	vst v63  }
0x31b: {  	s5 =	simm.s32 $0x4C00  }
0x31c: {  	[spmem:s2] =	stream.indirect.scatter.add.f32 [tilespmem:s11], [sflag:$0x2], $0x10, s5, s16, $0xb8;
	[tilespmem:$0x16800] =	vst v63  }
0x31d: {  	s15 =	simm.s32 $0x4C80  }
0x31e: {  	[spmem:s2] =	stream.indirect.scatter.add.f32 [tilespmem:s28], [sflag:$0x2], $0x10, s15, s16, $0xb8;
	[tilespmem:$0x16800] =	vst v63  }
0x31f: {  	s17 =	simm.s32 $0x4D00  }
0x320: {  	[spmem:s2] =	stream.indirect.scatter.add.f32 [tilespmem:s23], [sflag:$0x2], $0x10, s17, s16, $0xb8;
	[tilespmem:$0x16800] =	vst v63  }
0x321: {  	s5 =	simm.s32 $0x4D80  }
0x322: {  	[spmem:s2] =	stream.indirect.scatter.add.f32 [tilespmem:s0], [sflag:$0x2], $0x10, s5, s16, $0xb8;
	[tilespmem:$0x16800] =	vst v63  }
0x323: {  	s15 =	simm.s32 $0x4E00  }
0x324: {  	[spmem:s2] =	stream.indirect.scatter.add.f32 [tilespmem:s13], [sflag:$0x2], $0x10, s15, s16, $0xb8;
	[tilespmem:$0x16800] =	vst v63  }
0x325: {  	s17 =	simm.s32 $0x4E80  }
0x326: {  	[spmem:s2] =	stream.indirect.scatter.add.f32 [tilespmem:s6], [sflag:$0x2], $0x10, s17, s16, $0xb8;
	[tilespmem:$0x16800] =	vst v63  }
0x327: {  	s5 =	simm.s32 $0x4F00  }
0x328: {  	[spmem:s2] =	stream.indirect.scatter.add.f32 [tilespmem:s7], [sflag:$0x2], $0x10, s5, s16, $0xb8;
	[tilespmem:$0x16800] =	vst v63  }
0x329: {  	s15 =	simm.s32 $0x4F80  }
0x32a: {  	[spmem:s2] =	stream.indirect.scatter.add.f32 [tilespmem:s8], [sflag:$0x2], $0x10, s15, s16, $0xb8;
	[tilespmem:$0x16800] =	vst v63  }
0x32b: {  	_ =	swait.ge [sflag:s9], $0x800  }
0x32c: {  	[sflag:s9] =	ssyncset.done $0x0  }
0x32d: {  	[sflag:s9] =	ssyncadd.s32 $0xFFFFF800  }
0x32e: {  	_ =	swait.ge [sflag:s9], $0x800  }
0x32f: {  	[sflag:s9] =	ssyncset.done $0x0  }
0x330: {  	[sflag:s9] =	ssyncadd.s32 $0xFFFFF800  }
0x331: {  	_ =	swait.ge [sflag:s9], $0x800  }
0x332: {  	[sflag:s9] =	ssyncset.done $0x0  }
0x333: {  	[sflag:s9] =	ssyncadd.s32 $0xFFFFF800  }
0x334: {  	_ =	swait.ge [sflag:s9], $0x800  }
0x335: {  	[sflag:s9] =	ssyncset.done $0x0  }
0x336: {  	[sflag:s9] =	ssyncadd.s32 $0xFFFFF800  }
0x337: {  	_ =	swait.ge [sflag:s9], $0x800  }
0x338: {  	[sflag:s9] =	ssyncset.done $0x0  }
0x339: {  	[sflag:s9] =	ssyncadd.s32 $0xFFFFF800  }
0x33a: {  	_ =	swait.ge [sflag:s9], $0x800  }
0x33b: {  	[sflag:s9] =	ssyncset.done $0x0  }
0x33c: {  	[sflag:s9] =	ssyncadd.s32 $0xFFFFF800  }
0x33d: {  	_ =	swait.ge [sflag:s9], $0x800  }
0x33e: {  	[sflag:s9] =	ssyncset.done $0x0  }
0x33f: {  	[sflag:s9] =	ssyncadd.s32 $0xFFFFF800  }
0x340: {  	_ =	swait.ge [sflag:s9], $0x800  }
0x341: {  	[sflag:s9] =	ssyncset.done $0x0  }
0x342: {  	[sflag:s9] =	ssyncadd.s32 $0xFFFFF800  }
0x343: {  	_ =	swait.ge [sflag:s9], $0x800  }
0x344: {  	[sflag:s9] =	ssyncset.done $0x0  }
0x345: {  	[sflag:s9] =	ssyncadd.s32 $0xFFFFF800  }
0x346: {  	_ =	swait.ge [sflag:s9], $0x800  }
0x347: {  	[sflag:s9] =	ssyncset.done $0x0  }
0x348: {  	[sflag:s9] =	ssyncadd.s32 $0xFFFFF800  }
0x349: {  	[bflag:$0x0] =	sbarrier.arrive $0xFFFF  }
0x34a: {  	s17 =	rddreg [dreg:$0xa]  }
0x34b: {  	s5 =	rddreg [dreg:$0x8];
	s4 =	sshrl.u32 s17, $0x3  }
0x34c: {  	[hbm:s5], [sflag:s14] =	dma.local [spmem:s4], $0x500  }
0x34d: {  	_ =	swait.ge [sflag:s12], $0x500  }
0x34e: {  	s10 =	sadd.s32 $0x1, s10;
	s17 =	rddreg [dreg:$0x9]  }
0x34f: {  	p0 =	sne.s32 s10, s17  }
.Ltmp1:
0x350: {  	_ = 	snop;
	(pc) =	sbr.rel @p0 .LBB2_1-.Ltmp1, $3  }
0x351: {  	_ =	sdelay $0x1  }
0x352: {  	[sflag:s12] =	ssyncset.done $0x0  }
0x353: {  	[sflag:s12] =	ssyncadd.s32 $0xFFFFFB00  }
0x354: {  	_ =	sfence.sel $0x180000  }
0x355: {  	[bflag:$0x0] =	sbarrier.arrive $0xFFFF  }
0x356: {  	_ =	strace $0x9000004A  }
0x357: {  	s0 =	stileid.u32;
	[bflag:$0x2] =	sbarrier.arrive $0xFFFF  }
0x358: {  	p0 =	sne.s32 s0, $0x0;
	s0 =	rddreg [dreg:$0x4]  }
0x359: {  	s0 =	sadd.s32 @!p0 $0x100000, s0  }
0x35a: {  	[sflag:s0] =	ssyncadd.tile.s32 @!p0 $0x1;
	_ =	shalt  }
.Lfunc_end2:
_tile_overlayer_lowered:
.L_overlay_start_2:
0x35b: {  	(tag) =	ssettag $0x2  }
0x35c: {  	s0 =	rddreg [dreg:$0x0];
	s2 =	stileid.u32  }
0x35d: {  	s1 =	rddreg [dreg:$0x1];
	p0 =	sne.s32 s2, $0x0  }
0x35e: {  	s3 =	rddreg [dreg:$0x2];
	[bflag:$0x3] =	sbarrier.arrive $0xFFFF;
	s2 =	simm.s32 @!p0 $0x1C03  }
0x35f: {  	[timem:s3], [sflag:s2] =	dma.local @!p0 [hbm:s0], s1  }
0x360: {  	s0 =	simm.s32 @!p0 $0x3  }
0x361: {  	_ =	swait.ge @!p0 [sflag:s0], s1  }
0x362: {  	s1 =	ssub.s32 @!p0 $0x0, s1;
	[sflag:s0] =	ssyncset.done @!p0 $0x0  }
0x363: {  	[sflag:s0] =	ssyncadd.s32 @!p0 s1  }
0x364: {  	[bflag:$0x3] =	sbarrier.arrive $0xFFFF  }
0x365: {  	_ =	shalt  }

// kernel: kernel.14.cloned.1.call-start
scs
__scs_entry_jumppad:
0x0: {  	(pc) =	sbr.rel $0x88, $3  }
0x1: {  	(tag) =	ssettag $0x0;
	lr =	simm.s32 $0x1  }
0x2: {  	[smem:$0x3F9B] =	sst lr;
	_ =	strace $0xD0000000  }
0x3: {  	_ = 	snop  }
0x4: {  	_ = 	snop  }
0x5: {  	_ = 	snop  }
0x6: {  	_ = 	snop  }
0x7: {  	_ = 	snop  }
__scs_overlays_trampoline_lowered:
0x8: {  	[smem:$0x3FAA] =	sst s0  }
0x9: {  	[smem:$0x3FAB] =	sst s1  }
0xa: {  	[smem:$0x3FAC] =	sst s2  }
0xb: {  	[smem:$0x3FAD] =	sst s3  }
0xc: {  	[smem:$0x3FAE] =	sst s4  }
0xd: {  	[smem:$0x3FAF] =	sst s5  }
0xe: {  	[smem:$0x3FB0] =	sst s6  }
0xf: {  	[smem:$0x3FB1] =	sst s7  }
0x10: {  	[smem:$0x3FB2] =	sst s8  }
0x11: {  	[smem:$0x3FB3] =	sst s9;
	s0 =	simm.s32 @!p0 $0x0  }
0x12: {  	s1 =	sld [smem:$0x3F99];
	s0 =	simm.s32 @p0 $0x1  }
0x13: {  	[smem:$0x3FB4] =	sst s0;
	s0 =	simm.s32 @!p1 $0x0  }
0x14: {  	s2 =	sld [smem:$0x3F98];
	s0 =	simm.s32 @p1 $0x1  }
0x15: {  	[smem:$0x3FB5] =	sst s0;
	s0 =	simm.s32 @!p2 $0x0  }
0x16: {  	s3 =	sld [smem:$0x3FDB];
	s0 =	simm.s32 @p2 $0x1  }
0x17: {  	s4 =	simm.s32 $0x1BF5;
	[smem:$0x3FB7] =	sst s0  }
0x18: {  	s0 =	sld [smem:$0x3F9A];
	_ =	swait.ge [sflag:s4], $0x0  }
0x19: {  	s7 =	sld [smem:$0x3F9B]  }
0x1a: {  	s8 =	sadd.s32 $0xFFFFE003, lr  }
0x1b: {  	s9 =	sadd.s32 $0xFFFFFEF7, lr;
	s5 =	simm.s32 $0xFFFFFFFF;
	p2 =	slt.u32 s8, $0xFFFFF086  }
0x1c: {  	p1 =	slt.u32 s9, $0xF7A;
	s5 =	simm.s32 @!p2 $0x0  }
0x1d: {  	s5 =	simm.s32 @p1 $0x1;
	p0 =	seq.s32 s7, s2  }
0x1e: {  	s7 =	smul.u32 @!p0 $0xF7A, s2;
	p2 =	seq.s32 @!p0 s5, $0x0  }
0x1f: {  	s9 =	smul.u32 $0xF7A, s1;
	s8 =	simm.s32 @!p0 $0x1BF5;
	p2 =	por !p2, p0  }
0x20: {  	[sflag:s8] =	ssyncset.s32 @!p0 $0xFFFFF086;
	s6 =	sadd.s32 @!p0 s3, s7;
	s7 =	simm.s32 @!p0 $0x108  }
0x21: {  	s3 =	sadd.s32 s3, s9;
	s6 =	sadd.s32 @!p0 $0x88, s6;
	s7 =	simm.s32 @p2 $0x1082  }
0x22: {  	[simem:s7], [sflag:s8] =	dma.local @!p0 [hbm:s6], $0xF7A  }
0x23: {  	s9 =	sor.u32 $0xD0000000, s2;
	s6 =	simm.s32 $0x108;
	_ =	swait.ge @!p0 [sflag:s8], $0x0  }
0x24: {  	s3 =	sadd.s32 $0x88, s3;
	s6 =	simm.s32 @!p1 $0x1082;
	[sflag:s4] =	ssyncset.s32 $0xFFFFF086  }
0x25: {  	[simem:s6], [sflag:s4] =	dma.local [hbm:s3], $0xF7A  }
0x26: {  	[smem:$0x3F9B] =	sst s1;
	(tag) =	ssettag s2;
	_ =	strace s9  }
0x27: {  	s1 =	sld [smem:$0x3FAB]  }
0x28: {  	s2 =	sld [smem:$0x3FAC]  }
0x29: {  	s4 =	sld [smem:$0x3FAE]  }
0x2a: {  	p0 =	seq.s32 s5, $0x0;
	s5 =	sld [smem:$0x3FAF]  }
0x2b: {  	s6 =	sld [smem:$0x3FB0]  }
0x2c: {  	s7 =	sld [smem:$0x3FB1]  }
0x2d: {  	s3 =	simm.s32 $0x108;
	s8 =	sld [smem:$0x3FB2]  }
0x2e: {  	s3 =	simm.s32 @!p0 $0x1082;
	s9 =	sld [smem:$0x3FB3]  }
0x2f: {  	lr =	sadd.s32 s0, s3;
	s0 =	sld [smem:$0x3FAA]  }
0x30: {  	s3 =	sld [smem:$0x3FAD]  }
0x31: {  	[smem:$0x3FB6] =	sst s10  }
0x32: {  	s10 =	sld [smem:$0x3FB4];
	_ =	sdelay $0x3  }
0x33: {  	p0 =	seq.s32 s10, $0x1;
	s10 =	sld [smem:$0x3FB6];
	_ =	sdelay $0x3  }
0x34: {  	[smem:$0x3FB6] =	sst s10  }
0x35: {  	s10 =	sld [smem:$0x3FB5];
	_ =	sdelay $0x3  }
0x36: {  	p1 =	seq.s32 s10, $0x1;
	s10 =	sld [smem:$0x3FB6];
	_ =	sdelay $0x3  }
0x37: {  	[smem:$0x3FB6] =	sst s10  }
0x38: {  	s10 =	sld [smem:$0x3FB7]  }
0x39: {  	_ = 	snop;
	(pc) =	sbr.ind lr, $3  }
0x3a: {  	_ = 	snop  }
0x3b: {  	_ = 	snop  }
0x3c: {  	p2 =	seq.s32 s10, $0x1;
	s10 =	sld [smem:$0x3FB6]  }
0x3d: {  	_ =	shalt  }
0x3e: {  	_ =	shalt  }
0x3f: {  	_ =	shalt  }
0x40: {  	_ =	shalt  }
0x41: {  	_ =	shalt  }
0x42: {  	_ =	shalt  }
0x43: {  	_ =	shalt  }
0x44: {  	_ =	shalt  }
0x45: {  	_ =	shalt  }
0x46: {  	_ =	shalt  }
0x47: {  	_ =	shalt  }
0x48: {  	_ =	shalt  }
0x49: {  	_ =	shalt  }
0x4a: {  	_ =	shalt  }
0x4b: {  	_ =	shalt  }
0x4c: {  	_ =	shalt  }
0x4d: {  	_ =	shalt  }
0x4e: {  	_ =	shalt  }
0x4f: {  	_ =	shalt  }
0x50: {  	_ =	shalt  }
0x51: {  	_ =	shalt  }
0x52: {  	_ =	shalt  }
0x53: {  	_ =	shalt  }
0x54: {  	_ =	shalt  }
0x55: {  	_ =	shalt  }
0x56: {  	_ =	shalt  }
0x57: {  	_ =	shalt  }
0x58: {  	_ =	shalt  }
0x59: {  	_ =	shalt  }
0x5a: {  	_ =	shalt  }
0x5b: {  	_ =	shalt  }
0x5c: {  	_ =	shalt  }
0x5d: {  	_ =	shalt  }
0x5e: {  	_ =	shalt  }
0x5f: {  	_ =	shalt  }
0x60: {  	_ =	shalt  }
0x61: {  	_ =	shalt  }
0x62: {  	_ =	shalt  }
0x63: {  	_ =	shalt  }
0x64: {  	_ =	shalt  }
0x65: {  	_ =	shalt  }
0x66: {  	_ =	shalt  }
0x67: {  	_ =	shalt  }
0x68: {  	_ =	shalt  }
0x69: {  	_ =	shalt  }
0x6a: {  	_ =	shalt  }
0x6b: {  	_ =	shalt  }
0x6c: {  	_ =	shalt  }
0x6d: {  	_ =	shalt  }
0x6e: {  	_ =	shalt  }
0x6f: {  	_ =	shalt  }
0x70: {  	_ =	shalt  }
0x71: {  	_ =	shalt  }
0x72: {  	_ =	shalt  }
0x73: {  	_ =	shalt  }
0x74: {  	_ =	shalt  }
0x75: {  	_ =	shalt  }
0x76: {  	_ =	shalt  }
0x77: {  	_ =	shalt  }
0x78: {  	_ =	shalt  }
0x79: {  	_ =	shalt  }
0x7a: {  	_ =	shalt  }
0x7b: {  	_ =	shalt  }
0x7c: {  	_ =	shalt  }
0x7d: {  	_ =	shalt  }
0x7e: {  	_ =	shalt  }
0x7f: {  	_ =	shalt  }
0x80: {  	_ =	shalt  }
0x81: {  	_ =	shalt  }
0x82: {  	_ =	shalt  }
0x83: {  	_ =	shalt  }
0x84: {  	_ =	shalt  }
0x85: {  	_ =	shalt  }
0x86: {  	_ =	shalt  }
0x87: {  	_ =	shalt  }
.Lfunc_end0:
.L_simem_size_0:
called_computation.2_lowered:
.L_overlay_start_0:
0x88: {  	s2 =	sld [smem:$0x3FD9]  }
0x89: {  	s3 =	sld [smem:$0x3FFE];
	_ =	sdelay $0x1  }
0x8a: {  	s1 =	srdreg.scid  }
0x8b: {  	s0 =	sand.u32 $0x1, s1  }
0x8c: {  	s17 =	sshll.u32 s0, $0xA;
	s2 =	sadd.s32 s3, s2  }
0x8d: {  	s2 =	sadd.s32 s2, s17  }
0x8e: {  	[smem:$0x3FC2] =	sst s2  }
0x8f: {  	_ = 	snop  }
0x90: {  	s2 =	sld [smem:$0x3FD0];
	(tm) =	ssettm $0x1  }
0x91: {  	s18 =	sld [smem:$0x3FFB];
	_ =	sdelay $0x3  }
0x92: {  	_ =	strace s18  }
0x93: {  	s3 =	sld [smem:$0x3FFC];
	_ =	sdelay $0x3  }
0x94: {  	_ =	strace s3  }
0x95: {  	s3 =	sld [smem:$0x3FFD];
	_ =	sdelay $0x3  }
0x96: {  	_ =	strace s3  }
0x97: {  	_ =	strace $0x8FFFFFFF  }
0x98: {  	s19 =	sld [smem:$0x3FDB];
	_ =	sdelay $0x1  }
0x99: {  	s4 =	simm.s32 $_scs_section_size  }
0x9a: {  	s5 =	simm.s32 $_size__tile_overlayer_lowered;
	s6 =	simm.s32 $_tile_overlayer_lowered  }
0x9b: {  	s22 =	simm.s32 $0x1BFF;
	s21 =	sshll.u32 s6, $0x1;
	s3 =	sadd.s32 s4, s19  }
0x9c: {  	s7 =	simm.s32 $0x0;
	s20 =	sshll.u32 s5, $0x1;
	s5 =	sadd.s32 s21, s3  }
0x9d: {  	[timem:s7], [sflag:s22] =	dma.local [hbm:s5], s20  }
0x9e: {  	_ =	swait.ge [sflag:s22], s20  }
0x9f: {  	s4 =	ssub.s32 $0x0, s20;
	[sflag:s22] =	ssyncset.done $0x0  }
0xa0: {  	[sflag:s22] =	ssyncadd.s32 s4;
	_ =	sdelay $0x1  }
0xa1: {  	s23 =	simm.s32 $0x1B8B  }
0xa2: {  	_ =	swait.ge [sflag:s23], $0x1  }
0xa3: {  	[sflag:s23] =	ssyncset.done $0x0  }
0xa4: {  	s25 =	simm.s32 $0x1B8E;
	s24 =	sld [smem:$0x3FFE];
	[sflag:s23] =	ssyncadd.s32 $0xFFFFFFFF  }
0xa5: {  	s26 =	simm.s32 $execute0_lowered;
	[smem:$0x3FD2] =	sst s25  }
0xa6: {  	s5 =	sshll.u32 s26, $0x1;
	_ =	strace $0x8000004C;
	[dreg:$0x1] =	wrdreg $0xFFFFFFFF  }
0xa7: {  	s28 =	simm.s32 $_size_execute0_lowered;
	s3 =	sadd.s32 s3, s5;
	[dreg:$0x0] =	wrdreg $0x0  }
0xa8: {  	s5 =	sshll.u32 s28, $0x1;
	[dreg:$0x2] =	wrdreg s3  }
0xa9: {  	[dreg:$0x3] =	wrdreg s5  }
0xaa: {  	[dreg:$0x4] =	wrdreg $0xC0  }
0xab: {  	_ =	task [dreg:s7], $0x5FFFF  }
0xac: {  	[dreg:$0x1] =	wrdreg $0xFFFFFFFF  }
0xad: {  	[dreg:$0x0] =	wrdreg $0x60  }
0xae: {  	[dreg:$0x2] =	wrdreg s24  }
0xaf: {  	[dreg:$0x3] =	wrdreg s2  }
0xb0: {  	[dreg:$0x4] =	wrdreg $0x118000  }
0xb1: {  	[dreg:$0x5] =	wrdreg $0x140000  }
0xb2: {  	[dreg:$0x6] =	wrdreg $0x9  }
0xb3: {  	_ =	task.clear_ibuf [dreg:s7], $0x7FFFF;
	_ =	strace $0x9000004C  }
0xb4: {  	s29 =	simm.s32 $0x9;
	_ =	strace $0x8000004E  }
0xb5: {  	_ =	swait.ge [sflag:s29], $0x1  }
0xb6: {  	[sflag:s29] =	ssyncadd.s32 $0xFFFFFFFF  }
0xb7: {  	_ =	strace $0x9000004E  }
0xb8: {  	_ =	sfence  }
0xb9: {  	s30 =	sld [smem:$0x0];
	_ =	sdelay $0x2  }
0xba: {  	s31 =	sshll.u32 s1, $0xD;
	s1 =	sshrl.u32 s1, $0x2  }
0xbb: {  	s3 =	sand.u32 $0x4000, s31;
	s1 =	sadd.s32 s1, s30  }
0xbc: {  	s0 =	sor.u32 s3, s0;
	s1 =	sshll.u32 s1, $0x11  }
0xbd: {  	s0 =	sor.u32 s1, s0  }
0xbe: {  	s0 =	sadd.s32 $0x8F2B, s0  }
0xbf: {  	[sflag:s0] =	ssyncadd.remote.s32 $0x1  }
0xc0: {  	_ =	sfence.sel $0xFFFF  }
0xc1: {  	[dreg:$0x0] =	wrdreg $0xFFFFFFFF;
	(pc) =	sbr.abs _section_cstart, $3  }
0xc2: {  	[dreg:$0x1] =	wrdreg $0xFFFFFFFF  }
0xc3: {  	_ =	task.clear_ibuf [dreg:s7], $0x2FFFF;
	_ =	strace $0x9FFFFFFF  }
0xc4: {  	(tm) =	ssettm $0x7FFFFFFF  }
0xc5: {  	_ =	shalt  }
tec
execute0_lowered:
.L_overlay_start_1:
0x0: {  	(tag) =	ssettag $0x1  }
0x1: {  	s0 =	rddreg [dreg:$0x0]  }
0x2: {  	s1 =	rddreg [dreg:$0x1]  }
0x3: {  	s2 =	rddreg [dreg:$0x2]  }
0x4: {  	s3 =	rddreg [dreg:$0x3]  }
0x5: {  	s10 =	stileid.u32;
	s4 =	srdreg.scid  }
0x6: {  	s5 =	simm.s32 $0x0;
	s12 =	simm.s32 $0x3;
	s29 =	simm.s32 $0x8000  }
0x7: {  	s31 =	simm.s32 $0x8800;
	s30 =	simm.s32 $0xA800;
	s11 =	simm.s32 $0xB000  }
0x8: {  	s28 =	simm.s32 $0xB800;
	s13 =	simm.s32 $0xD000;
	s6 =	smul.u32 $0x2800, s10  }
0x9: {  	s4 =	sand.u32 $0x1, s4;
	[smem:$0x7FF] =	sst s5;
	s25 =	sshll.u32 s10, $0x6  }
0xa: {  	s16 =	sshll.u32 s4, $0x4;
	s7 =	smul.u32 $0x28000, s4;
	_ =	strace $0x8000004D  }
0xb: {  	s4 =	ssub.s32 $0x2, s4;
	s5 =	sor.u32 s10, s16;
	s8 =	sshrl.u32 s6, $0x3  }
0xc: {  	s20 =	sshrl.u32 s4, $0x1;
	s21 =	sadd.s32 s6, s2;
	s22 =	sadd.s32 s6, s3  }
0xd: {  	s16 =	simm.s32 $0x80;
	s10 =	simm.s32 $0x0;
	s9 =	smul.u32 $0x500, s5  }
0xe: {  	s17 =	sadd.s32 s6, s7;
	s18 =	sadd.s32 s8, s0;
	s4 =	ssub.s32 s4, s20  }
0xf: {  	[dreg:$0xa] =	wrdreg s21;
	s26 =	sshrl.u32 s22, $0x3;
	s20 =	simm.s32 $0x6000  }
0x10: {  	s22 =	simm.s32 $0x6800;
	s21 =	simm.s32 $0x1;
	s6 =	simm.s32 $0xD800  }
0x11: {  	s7 =	simm.s32 $0xE000;
	s5 =	sshrl.u32 s17, $0x3;
	s23 =	sadd.s32 $0x2400, s18  }
0x12: {  	s24 =	smax.u32 s4, $0x1;
	[dreg:$0xc] =	wrdreg s26;
	s18 =	simm.s32 $0x5800  }
0x13: {  	s26 =	simm.s32 $0x7800;
	s19 =	sadd.s32 s9, s0;
	[dreg:$0x7] =	wrdreg s23  }
0x14: {  	s0 =	sadd.s32 s5, s0;
	s1 =	sadd.s32 s1, s9;
	[dreg:$0x9] =	wrdreg s24  }
0x15: {  	s24 =	simm.s32 $0x7000;
	s23 =	simm.s32 $0xC000;
	s9 =	simm.s32 $0x2  }
0x16: {  	s8 =	sadd.s32 $0xC400, s19;
	[dreg:$0x6] =	wrdreg s1;
	s0 =	sadd.s32 $0x16400, s0  }
0x17: {  	s1 =	simm.s32 $0x9000;
	s19 =	simm.s32 $0x9800;
	[dreg:$0x5] =	wrdreg s8  }
0x18: {  	[dreg:$0x8] =	wrdreg s0;
	s0 =	sor.u32 $0x1C03, s25;
	s25 =	simm.s32 $0xA000  }
0x19: {  	v0 =	vimm.f32 $0.0e+00;
	s8 =	simm.s32 $0xE800;
	[dreg:$0xb] =	wrdreg s0;
	s0 =	simm.s32 $0xC800  }
.LBB2_1:
0x1a: {  	s15 =	simm.s32 $0x40;
	s4 =	simm.s32 $0x0  }
.LBB2_2:
0x1b: {  	p0 =	sne.s32 s15, $0x9FC0;
	[tilespmem:s4+$0xF000] =	vst v0;
	s4 =	smov.u32 s15;
	s15 =	sadd.s32 $0x40, s15  }
.Ltmp0:
0x1c: {  	(pc) =	sbr.rel @p0 .LBB2_2-.Ltmp0, $2  }
0x1d: {  	_ =	sdelay $0x2  }
0x1e: {  	s4 =	sshra.s32 s4, $0x2  }
0x1f: {  	[tilespmem:s4+$0xF000] =	vst v0;
	s17 =	simm.s32 $0xF000;
	s5 =	rddreg [dreg:$0xa]  }
0x20: {  	[spmem:s5] =	stream.linear.scatter [tilespmem:s17], [sflag:$0x3], $0x2800, $0x38;
	[tilespmem:$0x16800] =	vst v63  }
0x21: {  	_ =	swait.ge [sflag:s12], $0x2800  }
0x22: {  	[sflag:s12] =	ssyncset.done $0x0  }
0x23: {  	s4 =	simm.s32 $0x0;
	[sflag:s12] =	ssyncadd.s32 $0xFFFFD800;
	s15 =	rddreg [dreg:$0x5]  }
0x24: {  	[tilespmem:s4], [sflag:$0x3] =	stream.linear.gather [hbm4b:s15+s4], $0x2800, $0x38;
	[tilespmem:$0x16800] =	vst v63  }
0x25: {  	_ =	swait.ge [sflag:s12], $0x2800  }
0x26: {  	[sflag:s12] =	ssyncset.done $0x0  }
0x27: {  	s5 =	simm.s32 $0x2800;
	s14 =	rddreg [dreg:$0x6];
	[sflag:s12] =	ssyncadd.s32 $0xFFFFD800  }
0x28: {  	[tilespmem:s5], [sflag:$0x3] =	stream.linear.gather [hbm4b:s14+s4], $0x2800, $0x38;
	[tilespmem:$0x16800] =	vst v63  }
0x29: {  	_ =	swait.ge [sflag:s12], $0x2800  }
0x2a: {  	s15 =	rddreg [dreg:$0x7]  }
0x2b: {  	[sflag:s12] =	ssyncset.done $0x0;
	s14 =	rddreg [dreg:$0xb]  }
0x2c: {  	s17 =	rddreg [dreg:$0xc];
	[sflag:s12] =	ssyncadd.s32 $0xFFFFD800  }
0x2d: {  	[spmem:s17], [sflag:s14] =	dma.local [hbm:s15], $0x500  }
0x2e: {  	_ =	swait.ge [sflag:s12], $0x500  }
0x2f: {  	[sflag:s12] =	ssyncset.done $0x0  }
0x30: {  	[sflag:s12] =	ssyncadd.s32 $0xFFFFFB00  }
0x31: {  	s15 =	simm.s32 $0x5000;
	[bflag:$0x0] =	sbarrier.arrive $0xFFFF  }
0x32: {  	[tilespmem:s15], [sflag:$0x1] =	stream.indirect.gather [spmem:s3], $0x10, s4, s16, $0xb8;
	[tilespmem:$0x16800] =	vst v63  }
0x33: {  	_ = 	snop  }
0x34: {  	[tilespmem:s18], [sflag:$0x1] =	stream.indirect.gather [spmem:s3], $0x10, s16, s16, $0xb8;
	[tilespmem:$0x16800] =	vst v63  }
0x35: {  	s17 =	simm.s32 $0x100  }
0x36: {  	[tilespmem:s20], [sflag:$0x1] =	stream.indirect.gather [spmem:s3], $0x10, s17, s16, $0xb8;
	[tilespmem:$0x16800] =	vst v63  }
0x37: {  	s17 =	simm.s32 $0x180  }
0x38: {  	[tilespmem:s22], [sflag:$0x1] =	stream.indirect.gather [spmem:s3], $0x10, s17, s16, $0xb8;
	[tilespmem:$0x16800] =	vst v63  }
0x39: {  	s17 =	simm.s32 $0x200  }
0x3a: {  	[tilespmem:s24], [sflag:$0x1] =	stream.indirect.gather [spmem:s3], $0x10, s17, s16, $0xb8;
	[tilespmem:$0x16800] =	vst v63  }
0x3b: {  	s17 =	simm.s32 $0x280  }
0x3c: {  	[tilespmem:s26], [sflag:$0x1] =	stream.indirect.gather [spmem:s3], $0x10, s17, s16, $0xb8;
	[tilespmem:$0x16800] =	vst v63  }
0x3d: {  	s17 =	simm.s32 $0x300  }
0x3e: {  	[tilespmem:s29], [sflag:$0x1] =	stream.indirect.gather [spmem:s3], $0x10, s17, s16, $0xb8;
	[tilespmem:$0x16800] =	vst v63  }
0x3f: {  	s17 =	simm.s32 $0x380  }
0x40: {  	[tilespmem:s31], [sflag:$0x1] =	stream.indirect.gather [spmem:s3], $0x10, s17, s16, $0xb8;
	[tilespmem:$0x16800] =	vst v63  }
0x41: {  	s17 =	simm.s32 $0x400  }
0x42: {  	[tilespmem:s1], [sflag:$0x1] =	stream.indirect.gather [spmem:s3], $0x10, s17, s16, $0xb8;
	[tilespmem:$0x16800] =	vst v63  }
0x43: {  	s17 =	simm.s32 $0x480  }
0x44: {  	[tilespmem:s19], [sflag:$0x1] =	stream.indirect.gather [spmem:s3], $0x10, s17, s16, $0xb8;
	[tilespmem:$0x16800] =	vst v63  }
0x45: {  	_ =	swait.ge [sflag:s21], $0x800  }
0x46: {  	[sflag:s21] =	ssyncset.done $0x0  }
0x47: {  	[sflag:s21] =	ssyncadd.s32 $0xFFFFF800  }
0x48: {  	_ =	swait.ge [sflag:s21], $0x800  }
0x49: {  	[sflag:s21] =	ssyncset.done $0x0  }
0x4a: {  	[sflag:s21] =	ssyncadd.s32 $0xFFFFF800  }
0x4b: {  	_ =	swait.ge [sflag:s21], $0x800  }
0x4c: {  	[sflag:s21] =	ssyncset.done $0x0  }
0x4d: {  	[sflag:s21] =	ssyncadd.s32 $0xFFFFF800  }
0x4e: {  	_ =	swait.ge [sflag:s21], $0x800  }
0x4f: {  	[sflag:s21] =	ssyncset.done $0x0  }
0x50: {  	[sflag:s21] =	ssyncadd.s32 $0xFFFFF800  }
0x51: {  	_ =	swait.ge [sflag:s21], $0x800  }
0x52: {  	[sflag:s21] =	ssyncset.done $0x0  }
0x53: {  	[sflag:s21] =	ssyncadd.s32 $0xFFFFF800  }
0x54: {  	_ =	swait.ge [sflag:s21], $0x800  }
0x55: {  	[sflag:s21] =	ssyncset.done $0x0  }
0x56: {  	[sflag:s21] =	ssyncadd.s32 $0xFFFFF800  }
0x57: {  	_ =	swait.ge [sflag:s21], $0x800  }
0x58: {  	[sflag:s21] =	ssyncset.done $0x0  }
0x59: {  	[sflag:s21] =	ssyncadd.s32 $0xFFFFF800  }
0x5a: {  	_ =	swait.ge [sflag:s21], $0x800  }
0x5b: {  	[sflag:s21] =	ssyncset.done $0x0  }
0x5c: {  	[sflag:s21] =	ssyncadd.s32 $0xFFFFF800  }
0x5d: {  	_ =	swait.ge [sflag:s21], $0x800  }
0x5e: {  	[sflag:s21] =	ssyncset.done $0x0  }
0x5f: {  	[sflag:s21] =	ssyncadd.s32 $0xFFFFF800  }
0x60: {  	_ =	swait.ge [sflag:s21], $0x800  }
0x61: {  	[sflag:s21] =	ssyncset.done $0x0  }
0x62: {  	s17 =	simm.s32 $0x500;
	[sflag:s21] =	ssyncadd.s32 $0xFFFFF800  }
0x63: {  	[tilespmem:s25], [sflag:$0x1] =	stream.indirect.gather [spmem:s3], $0x10, s17, s16, $0xb8;
	[tilespmem:$0x16800] =	vst v63  }
0x64: {  	s17 =	simm.s32 $0x580  }
0x65: {  	[tilespmem:s30], [sflag:$0x1] =	stream.indirect.gather [spmem:s3], $0x10, s17, s16, $0xb8;
	[tilespmem:$0x16800] =	vst v63  }
0x66: {  	s17 =	simm.s32 $0x600  }
0x67: {  	[tilespmem:s11], [sflag:$0x1] =	stream.indirect.gather [spmem:s3], $0x10, s17, s16, $0xb8;
	[tilespmem:$0x16800] =	vst v63  }
0x68: {  	s17 =	simm.s32 $0x680  }
0x69: {  	[tilespmem:s28], [sflag:$0x1] =	stream.indirect.gather [spmem:s3], $0x10, s17, s16, $0xb8;
	[tilespmem:$0x16800] =	vst v63  }
0x6a: {  	s17 =	simm.s32 $0x700  }
0x6b: {  	[tilespmem:s23], [sflag:$0x1] =	stream.indirect.gather [spmem:s3], $0x10, s17, s16, $0xb8;
	[tilespmem:$0x16800] =	vst v63  }
0x6c: {  	s17 =	simm.s32 $0x780  }
0x6d: {  	[tilespmem:s0], [sflag:$0x1] =	stream.indirect.gather [spmem:s3], $0x10, s17, s16, $0xb8;
	[tilespmem:$0x16800] =	vst v63  }
0x6e: {  	s17 =	simm.s32 $0x800  }
0x6f: {  	[tilespmem:s13], [sflag:$0x1] =	stream.indirect.gather [spmem:s3], $0x10, s17, s16, $0xb8;
	[tilespmem:$0x16800] =	vst v63  }
0x70: {  	s17 =	simm.s32 $0x880  }
0x71: {  	[tilespmem:s6], [sflag:$0x1] =	stream.indirect.gather [spmem:s3], $0x10, s17, s16, $0xb8;
	[tilespmem:$0x16800] =	vst v63  }
0x72: {  	s17 =	simm.s32 $0x900  }
0x73: {  	[tilespmem:s7], [sflag:$0x1] =	stream.indirect.gather [spmem:s3], $0x10, s17, s16, $0xb8;
	[tilespmem:$0x16800] =	vst v63  }
0x74: {  	s17 =	simm.s32 $0x980  }
0x75: {  	[tilespmem:s8], [sflag:$0x1] =	stream.indirect.gather [spmem:s3], $0x10, s17, s16, $0xb8;
	[tilespmem:$0x16800] =	vst v63  }
0x76: {  	_ = 	snop  }
0x77: {  	[spmem:s2] =	stream.indirect.scatter.add.f32 [tilespmem:s15], [sflag:$0x2], $0x10, s5, s16, $0xb8;
	[tilespmem:$0x16800] =	vst v63  }
0x78: {  	s17 =	simm.s32 $0x2880  }
0x79: {  	[spmem:s2] =	stream.indirect.scatter.add.f32 [tilespmem:s18], [sflag:$0x2], $0x10, s17, s16, $0xb8;
	[tilespmem:$0x16800] =	vst v63  }
0x7a: {  	s5 =	simm.s32 $0x2900  }
0x7b: {  	[spmem:s2] =	stream.indirect.scatter.add.f32 [tilespmem:s20], [sflag:$0x2], $0x10, s5, s16, $0xb8;
	[tilespmem:$0x16800] =	vst v63  }
0x7c: {  	s17 =	simm.s32 $0x2980  }
0x7d: {  	[spmem:s2] =	stream.indirect.scatter.add.f32 [tilespmem:s22], [sflag:$0x2], $0x10, s17, s16, $0xb8;
	[tilespmem:$0x16800] =	vst v63  }
0x7e: {  	s5 =	simm.s32 $0x2A00  }
0x7f: {  	[spmem:s2] =	stream.indirect.scatter.add.f32 [tilespmem:s24], [sflag:$0x2], $0x10, s5, s16, $0xb8;
	[tilespmem:$0x16800] =	vst v63  }
0x80: {  	s17 =	simm.s32 $0x2A80  }
0x81: {  	[spmem:s2] =	stream.indirect.scatter.add.f32 [tilespmem:s26], [sflag:$0x2], $0x10, s17, s16, $0xb8;
	[tilespmem:$0x16800] =	vst v63  }
0x82: {  	s5 =	simm.s32 $0x2B00  }
0x83: {  	[spmem:s2] =	stream.indirect.scatter.add.f32 [tilespmem:s29], [sflag:$0x2], $0x10, s5, s16, $0xb8;
	[tilespmem:$0x16800] =	vst v63  }
0x84: {  	s17 =	simm.s32 $0x2B80  }
0x85: {  	[spmem:s2] =	stream.indirect.scatter.add.f32 [tilespmem:s31], [sflag:$0x2], $0x10, s17, s16, $0xb8;
	[tilespmem:$0x16800] =	vst v63  }
0x86: {  	s5 =	simm.s32 $0x2C00  }
0x87: {  	[spmem:s2] =	stream.indirect.scatter.add.f32 [tilespmem:s1], [sflag:$0x2], $0x10, s5, s16, $0xb8;
	[tilespmem:$0x16800] =	vst v63  }
0x88: {  	s17 =	simm.s32 $0x2C80  }
0x89: {  	[spmem:s2] =	stream.indirect.scatter.add.f32 [tilespmem:s19], [sflag:$0x2], $0x10, s17, s16, $0xb8;
	[tilespmem:$0x16800] =	vst v63  }
0x8a: {  	_ =	swait.ge [sflag:s21], $0x800  }
0x8b: {  	[sflag:s21] =	ssyncset.done $0x0  }
0x8c: {  	[sflag:s21] =	ssyncadd.s32 $0xFFFFF800  }
0x8d: {  	_ =	swait.ge [sflag:s21], $0x800  }
0x8e: {  	[sflag:s21] =	ssyncset.done $0x0  }
0x8f: {  	[sflag:s21] =	ssyncadd.s32 $0xFFFFF800  }
0x90: {  	_ =	swait.ge [sflag:s21], $0x800  }
0x91: {  	[sflag:s21] =	ssyncset.done $0x0  }
0x92: {  	[sflag:s21] =	ssyncadd.s32 $0xFFFFF800  }
0x93: {  	_ =	swait.ge [sflag:s21], $0x800  }
0x94: {  	[sflag:s21] =	ssyncset.done $0x0  }
0x95: {  	[sflag:s21] =	ssyncadd.s32 $0xFFFFF800  }
0x96: {  	_ =	swait.ge [sflag:s21], $0x800  }
0x97: {  	[sflag:s21] =	ssyncset.done $0x0  }
0x98: {  	[sflag:s21] =	ssyncadd.s32 $0xFFFFF800  }
0x99: {  	_ =	swait.ge [sflag:s21], $0x800  }
0x9a: {  	[sflag:s21] =	ssyncset.done $0x0  }
0x9b: {  	[sflag:s21] =	ssyncadd.s32 $0xFFFFF800  }
0x9c: {  	_ =	swait.ge [sflag:s21], $0x800  }
0x9d: {  	[sflag:s21] =	ssyncset.done $0x0  }
0x9e: {  	[sflag:s21] =	ssyncadd.s32 $0xFFFFF800  }
0x9f: {  	_ =	swait.ge [sflag:s21], $0x800  }
0xa0: {  	[sflag:s21] =	ssyncset.done $0x0  }
0xa1: {  	[sflag:s21] =	ssyncadd.s32 $0xFFFFF800  }
0xa2: {  	_ =	swait.ge [sflag:s21], $0x800  }
0xa3: {  	[sflag:s21] =	ssyncset.done $0x0  }
0xa4: {  	[sflag:s21] =	ssyncadd.s32 $0xFFFFF800  }
0xa5: {  	_ =	swait.ge [sflag:s21], $0x800  }
0xa6: {  	[sflag:s21] =	ssyncset.done $0x0  }
0xa7: {  	[sflag:s21] =	ssyncadd.s32 $0xFFFFF800  }
0xa8: {  	_ =	swait.ge [sflag:s9], $0x800  }
0xa9: {  	[sflag:s9] =	ssyncset.done $0x0  }
0xaa: {  	[sflag:s9] =	ssyncadd.s32 $0xFFFFF800  }
0xab: {  	_ =	swait.ge [sflag:s9], $0x800  }
0xac: {  	[sflag:s9] =	ssyncset.done $0x0  }
0xad: {  	[sflag:s9] =	ssyncadd.s32 $0xFFFFF800  }
0xae: {  	_ =	swait.ge [sflag:s9], $0x800  }
0xaf: {  	[sflag:s9] =	ssyncset.done $0x0  }
0xb0: {  	[sflag:s9] =	ssyncadd.s32 $0xFFFFF800  }
0xb1: {  	_ =	swait.ge [sflag:s9], $0x800  }
0xb2: {  	[sflag:s9] =	ssyncset.done $0x0  }
0xb3: {  	[sflag:s9] =	ssyncadd.s32 $0xFFFFF800  }
0xb4: {  	_ =	swait.ge [sflag:s9], $0x800  }
0xb5: {  	[sflag:s9] =	ssyncset.done $0x0  }
0xb6: {  	[sflag:s9] =	ssyncadd.s32 $0xFFFFF800  }
0xb7: {  	_ =	swait.ge [sflag:s9], $0x800  }
0xb8: {  	[sflag:s9] =	ssyncset.done $0x0  }
0xb9: {  	[sflag:s9] =	ssyncadd.s32 $0xFFFFF800  }
0xba: {  	_ =	swait.ge [sflag:s9], $0x800  }
0xbb: {  	[sflag:s9] =	ssyncset.done $0x0  }
0xbc: {  	[sflag:s9] =	ssyncadd.s32 $0xFFFFF800  }
0xbd: {  	_ =	swait.ge [sflag:s9], $0x800  }
0xbe: {  	[sflag:s9] =	ssyncset.done $0x0  }
0xbf: {  	[sflag:s9] =	ssyncadd.s32 $0xFFFFF800  }
0xc0: {  	_ =	swait.ge [sflag:s9], $0x800  }
0xc1: {  	[sflag:s9] =	ssyncset.done $0x0  }
0xc2: {  	[sflag:s9] =	ssyncadd.s32 $0xFFFFF800  }
0xc3: {  	_ =	swait.ge [sflag:s9], $0x800  }
0xc4: {  	[sflag:s9] =	ssyncset.done $0x0  }
0xc5: {  	s5 =	simm.s32 $0xA00;
	[sflag:s9] =	ssyncadd.s32 $0xFFFFF800  }
0xc6: {  	[tilespmem:s15], [sflag:$0x1] =	stream.indirect.gather [spmem:s3], $0x10, s5, s16, $0xb8;
	[tilespmem:$0x16800] =	vst v63  }
0xc7: {  	s17 =	simm.s32 $0xA80  }
0xc8: {  	[tilespmem:s18], [sflag:$0x1] =	stream.indirect.gather [spmem:s3], $0x10, s17, s16, $0xb8;
	[tilespmem:$0x16800] =	vst v63  }
0xc9: {  	s5 =	simm.s32 $0xB00  }
0xca: {  	[tilespmem:s20], [sflag:$0x1] =	stream.indirect.gather [spmem:s3], $0x10, s5, s16, $0xb8;
	[tilespmem:$0x16800] =	vst v63  }
0xcb: {  	s17 =	simm.s32 $0xB80  }
0xcc: {  	[tilespmem:s22], [sflag:$0x1] =	stream.indirect.gather [spmem:s3], $0x10, s17, s16, $0xb8;
	[tilespmem:$0x16800] =	vst v63  }
0xcd: {  	s5 =	simm.s32 $0xC00  }
0xce: {  	[tilespmem:s24], [sflag:$0x1] =	stream.indirect.gather [spmem:s3], $0x10, s5, s16, $0xb8;
	[tilespmem:$0x16800] =	vst v63  }
0xcf: {  	s17 =	simm.s32 $0xC80  }
0xd0: {  	[tilespmem:s26], [sflag:$0x1] =	stream.indirect.gather [spmem:s3], $0x10, s17, s16, $0xb8;
	[tilespmem:$0x16800] =	vst v63  }
0xd1: {  	s5 =	simm.s32 $0xD00  }
0xd2: {  	[tilespmem:s29], [sflag:$0x1] =	stream.indirect.gather [spmem:s3], $0x10, s5, s16, $0xb8;
	[tilespmem:$0x16800] =	vst v63  }
0xd3: {  	s17 =	simm.s32 $0xD80  }
0xd4: {  	[tilespmem:s31], [sflag:$0x1] =	stream.indirect.gather [spmem:s3], $0x10, s17, s16, $0xb8;
	[tilespmem:$0x16800] =	vst v63  }
0xd5: {  	s5 =	simm.s32 $0xE00  }
0xd6: {  	[tilespmem:s1], [sflag:$0x1] =	stream.indirect.gather [spmem:s3], $0x10, s5, s16, $0xb8;
	[tilespmem:$0x16800] =	vst v63  }
0xd7: {  	s17 =	simm.s32 $0xE80  }
0xd8: {  	[tilespmem:s19], [sflag:$0x1] =	stream.indirect.gather [spmem:s3], $0x10, s17, s16, $0xb8;
	[tilespmem:$0x16800] =	vst v63  }
0xd9: {  	s5 =	simm.s32 $0x2D00  }
0xda: {  	[spmem:s2] =	stream.indirect.scatter.add.f32 [tilespmem:s25], [sflag:$0x2], $0x10, s5, s16, $0xb8;
	[tilespmem:$0x16800] =	vst v63  }
0xdb: {  	s17 =	simm.s32 $0x2D80  }
0xdc: {  	[spmem:s2] =	stream.indirect.scatter.add.f32 [tilespmem:s30], [sflag:$0x2], $0x10, s17, s16, $0xb8;
	[tilespmem:$0x16800] =	vst v63  }
0xdd: {  	s5 =	simm.s32 $0x2E00  }
0xde: {  	[spmem:s2] =	stream.indirect.scatter.add.f32 [tilespmem:s11], [sflag:$0x2], $0x10, s5, s16, $0xb8;
	[tilespmem:$0x16800] =	vst v63  }
0xdf: {  	s17 =	simm.s32 $0x2E80  }
0xe0: {  	[spmem:s2] =	stream.indirect.scatter.add.f32 [tilespmem:s28], [sflag:$0x2], $0x10, s17, s16, $0xb8;
	[tilespmem:$0x16800] =	vst v63  }
0xe1: {  	s5 =	simm.s32 $0x2F00  }
0xe2: {  	[spmem:s2] =	stream.indirect.scatter.add.f32 [tilespmem:s23], [sflag:$0x2], $0x10, s5, s16, $0xb8;
	[tilespmem:$0x16800] =	vst v63  }
0xe3: {  	s17 =	simm.s32 $0x2F80  }
0xe4: {  	[spmem:s2] =	stream.indirect.scatter.add.f32 [tilespmem:s0], [sflag:$0x2], $0x10, s17, s16, $0xb8;
	[tilespmem:$0x16800] =	vst v63  }
0xe5: {  	s5 =	simm.s32 $0x3000  }
0xe6: {  	[spmem:s2] =	stream.indirect.scatter.add.f32 [tilespmem:s13], [sflag:$0x2], $0x10, s5, s16, $0xb8;
	[tilespmem:$0x16800] =	vst v63  }
0xe7: {  	s17 =	simm.s32 $0x3080  }
0xe8: {  	[spmem:s2] =	stream.indirect.scatter.add.f32 [tilespmem:s6], [sflag:$0x2], $0x10, s17, s16, $0xb8;
	[tilespmem:$0x16800] =	vst v63  }
0xe9: {  	s5 =	simm.s32 $0x3100  }
0xea: {  	[spmem:s2] =	stream.indirect.scatter.add.f32 [tilespmem:s7], [sflag:$0x2], $0x10, s5, s16, $0xb8;
	[tilespmem:$0x16800] =	vst v63  }
0xeb: {  	s17 =	simm.s32 $0x3180  }
0xec: {  	[spmem:s2] =	stream.indirect.scatter.add.f32 [tilespmem:s8], [sflag:$0x2], $0x10, s17, s16, $0xb8;
	[tilespmem:$0x16800] =	vst v63  }
0xed: {  	_ =	swait.ge [sflag:s21], $0x800  }
0xee: {  	[sflag:s21] =	ssyncset.done $0x0  }
0xef: {  	[sflag:s21] =	ssyncadd.s32 $0xFFFFF800  }
0xf0: {  	_ =	swait.ge [sflag:s21], $0x800  }
0xf1: {  	[sflag:s21] =	ssyncset.done $0x0  }
0xf2: {  	[sflag:s21] =	ssyncadd.s32 $0xFFFFF800  }
0xf3: {  	_ =	swait.ge [sflag:s21], $0x800  }
0xf4: {  	[sflag:s21] =	ssyncset.done $0x0  }
0xf5: {  	[sflag:s21] =	ssyncadd.s32 $0xFFFFF800  }
0xf6: {  	_ =	swait.ge [sflag:s21], $0x800  }
0xf7: {  	[sflag:s21] =	ssyncset.done $0x0  }
0xf8: {  	[sflag:s21] =	ssyncadd.s32 $0xFFFFF800  }
0xf9: {  	_ =	swait.ge [sflag:s21], $0x800  }
0xfa: {  	[sflag:s21] =	ssyncset.done $0x0  }
0xfb: {  	[sflag:s21] =	ssyncadd.s32 $0xFFFFF800  }
0xfc: {  	_ =	swait.ge [sflag:s21], $0x800  }
0xfd: {  	[sflag:s21] =	ssyncset.done $0x0  }
0xfe: {  	[sflag:s21] =	ssyncadd.s32 $0xFFFFF800  }
0xff: {  	_ =	swait.ge [sflag:s21], $0x800  }
0x100: {  	[sflag:s21] =	ssyncset.done $0x0  }
0x101: {  	[sflag:s21] =	ssyncadd.s32 $0xFFFFF800  }
0x102: {  	_ =	swait.ge [sflag:s21], $0x800  }
0x103: {  	[sflag:s21] =	ssyncset.done $0x0  }
0x104: {  	[sflag:s21] =	ssyncadd.s32 $0xFFFFF800  }
0x105: {  	_ =	swait.ge [sflag:s21], $0x800  }
0x106: {  	[sflag:s21] =	ssyncset.done $0x0  }
0x107: {  	[sflag:s21] =	ssyncadd.s32 $0xFFFFF800  }
0x108: {  	_ =	swait.ge [sflag:s21], $0x800  }
0x109: {  	[sflag:s21] =	ssyncset.done $0x0  }
0x10a: {  	[sflag:s21] =	ssyncadd.s32 $0xFFFFF800  }
0x10b: {  	_ =	swait.ge [sflag:s9], $0x800  }
0x10c: {  	[sflag:s9] =	ssyncset.done $0x0  }
0x10d: {  	[sflag:s9] =	ssyncadd.s32 $0xFFFFF800  }
0x10e: {  	_ =	swait.ge [sflag:s9], $0x800  }
0x10f: {  	[sflag:s9] =	ssyncset.done $0x0  }
0x110: {  	[sflag:s9] =	ssyncadd.s32 $0xFFFFF800  }
0x111: {  	_ =	swait.ge [sflag:s9], $0x800  }
0x112: {  	[sflag:s9] =	ssyncset.done $0x0  }
0x113: {  	[sflag:s9] =	ssyncadd.s32 $0xFFFFF800  }
0x114: {  	_ =	swait.ge [sflag:s9], $0x800  }
0x115: {  	[sflag:s9] =	ssyncset.done $0x0  }
0x116: {  	[sflag:s9] =	ssyncadd.s32 $0xFFFFF800  }
0x117: {  	_ =	swait.ge [sflag:s9], $0x800  }
0x118: {  	[sflag:s9] =	ssyncset.done $0x0  }
0x119: {  	[sflag:s9] =	ssyncadd.s32 $0xFFFFF800  }
0x11a: {  	_ =	swait.ge [sflag:s9], $0x800  }
0x11b: {  	[sflag:s9] =	ssyncset.done $0x0  }
0x11c: {  	[sflag:s9] =	ssyncadd.s32 $0xFFFFF800  }
0x11d: {  	_ =	swait.ge [sflag:s9], $0x800  }
0x11e: {  	[sflag:s9] =	ssyncset.done $0x0  }
0x11f: {  	[sflag:s9] =	ssyncadd.s32 $0xFFFFF800  }
0x120: {  	_ =	swait.ge [sflag:s9], $0x800  }
0x121: {  	[sflag:s9] =	ssyncset.done $0x0  }
0x122: {  	[sflag:s9] =	ssyncadd.s32 $0xFFFFF800  }
0x123: {  	_ =	swait.ge [sflag:s9], $0x800  }
0x124: {  	[sflag:s9] =	ssyncset.done $0x0  }
0x125: {  	[sflag:s9] =	ssyncadd.s32 $0xFFFFF800  }
0x126: {  	_ =	swait.ge [sflag:s9], $0x800  }
0x127: {  	[sflag:s9] =	ssyncset.done $0x0  }
0x128: {  	s5 =	simm.s32 $0xF00;
	[sflag:s9] =	ssyncadd.s32 $0xFFFFF800  }
0x129: {  	[tilespmem:s25], [sflag:$0x1] =	stream.indirect.gather [spmem:s3], $0x10, s5, s16, $0xb8;
	[tilespmem:$0x16800] =	vst v63  }
0x12a: {  	s17 =	simm.s32 $0xF80  }
0x12b: {  	[tilespmem:s30], [sflag:$0x1] =	stream.indirect.gather [spmem:s3], $0x10, s17, s16, $0xb8;
	[tilespmem:$0x16800] =	vst v63  }
0x12c: {  	s5 =	simm.s32 $0x1000  }
0x12d: {  	[tilespmem:s11], [sflag:$0x1] =	stream.indirect.gather [spmem:s3], $0x10, s5, s16, $0xb8;
	[tilespmem:$0x16800] =	vst v63  }
0x12e: {  	s17 =	simm.s32 $0x1080  }
0x12f: {  	[tilespmem:s28], [sflag:$0x1] =	stream.indirect.gather [spmem:s3], $0x10, s17, s16, $0xb8;
	[tilespmem:$0x16800] =	vst v63  }
0x130: {  	s5 =	simm.s32 $0x1100  }
0x131: {  	[tilespmem:s23], [sflag:$0x1] =	stream.indirect.gather [spmem:s3], $0x10, s5, s16, $0xb8;
	[tilespmem:$0x16800] =	vst v63  }
0x132: {  	s17 =	simm.s32 $0x1180  }
0x133: {  	[tilespmem:s0], [sflag:$0x1] =	stream.indirect.gather [spmem:s3], $0x10, s17, s16, $0xb8;
	[tilespmem:$0x16800] =	vst v63  }
0x134: {  	s5 =	simm.s32 $0x1200  }
0x135: {  	[tilespmem:s13], [sflag:$0x1] =	stream.indirect.gather [spmem:s3], $0x10, s5, s16, $0xb8;
	[tilespmem:$0x16800] =	vst v63  }
0x136: {  	s17 =	simm.s32 $0x1280  }
0x137: {  	[tilespmem:s6], [sflag:$0x1] =	stream.indirect.gather [spmem:s3], $0x10, s17, s16, $0xb8;
	[tilespmem:$0x16800] =	vst v63  }
0x138: {  	s5 =	simm.s32 $0x1300  }
0x139: {  	[tilespmem:s7], [sflag:$0x1] =	stream.indirect.gather [spmem:s3], $0x10, s5, s16, $0xb8;
	[tilespmem:$0x16800] =	vst v63  }
0x13a: {  	s17 =	simm.s32 $0x1380  }
0x13b: {  	[tilespmem:s8], [sflag:$0x1] =	stream.indirect.gather [spmem:s3], $0x10, s17, s16, $0xb8;
	[tilespmem:$0x16800] =	vst v63  }
0x13c: {  	s5 =	simm.s32 $0x3200  }
0x13d: {  	[spmem:s2] =	stream.indirect.scatter.add.f32 [tilespmem:s15], [sflag:$0x2], $0x10, s5, s16, $0xb8;
	[tilespmem:$0x16800] =	vst v63  }
0x13e: {  	s17 =	simm.s32 $0x3280  }
0x13f: {  	[spmem:s2] =	stream.indirect.scatter.add.f32 [tilespmem:s18], [sflag:$0x2], $0x10, s17, s16, $0xb8;
	[tilespmem:$0x16800] =	vst v63  }
0x140: {  	s5 =	simm.s32 $0x3300  }
0x141: {  	[spmem:s2] =	stream.indirect.scatter.add.f32 [tilespmem:s20], [sflag:$0x2], $0x10, s5, s16, $0xb8;
	[tilespmem:$0x16800] =	vst v63  }
0x142: {  	s17 =	simm.s32 $0x3380  }
0x143: {  	[spmem:s2] =	stream.indirect.scatter.add.f32 [tilespmem:s22], [sflag:$0x2], $0x10, s17, s16, $0xb8;
	[tilespmem:$0x16800] =	vst v63  }
0x144: {  	s5 =	simm.s32 $0x3400  }
0x145: {  	[spmem:s2] =	stream.indirect.scatter.add.f32 [tilespmem:s24], [sflag:$0x2], $0x10, s5, s16, $0xb8;
	[tilespmem:$0x16800] =	vst v63  }
0x146: {  	s17 =	simm.s32 $0x3480  }
0x147: {  	[spmem:s2] =	stream.indirect.scatter.add.f32 [tilespmem:s26], [sflag:$0x2], $0x10, s17, s16, $0xb8;
	[tilespmem:$0x16800] =	vst v63  }
0x148: {  	s5 =	simm.s32 $0x3500  }
0x149: {  	[spmem:s2] =	stream.indirect.scatter.add.f32 [tilespmem:s29], [sflag:$0x2], $0x10, s5, s16, $0xb8;
	[tilespmem:$0x16800] =	vst v63  }
0x14a: {  	s17 =	simm.s32 $0x3580  }
0x14b: {  	[spmem:s2] =	stream.indirect.scatter.add.f32 [tilespmem:s31], [sflag:$0x2], $0x10, s17, s16, $0xb8;
	[tilespmem:$0x16800] =	vst v63  }
0x14c: {  	s5 =	simm.s32 $0x3600  }
0x14d: {  	[spmem:s2] =	stream.indirect.scatter.add.f32 [tilespmem:s1], [sflag:$0x2], $0x10, s5, s16, $0xb8;
	[tilespmem:$0x16800] =	vst v63  }
0x14e: {  	s17 =	simm.s32 $0x3680  }
0x14f: {  	[spmem:s2] =	stream.indirect.scatter.add.f32 [tilespmem:s19], [sflag:$0x2], $0x10, s17, s16, $0xb8;
	[tilespmem:$0x16800] =	vst v63  }
0x150: {  	_ =	swait.ge [sflag:s21], $0x800  }
0x151: {  	[sflag:s21] =	ssyncset.done $0x0  }
0x152: {  	[sflag:s21] =	ssyncadd.s32 $0xFFFFF800  }
0x153: {  	_ =	swait.ge [sflag:s21], $0x800  }
0x154: {  	[sflag:s21] =	ssyncset.done $0x0  }
0x155: {  	[sflag:s21] =	ssyncadd.s32 $0xFFFFF800  }
0x156: {  	_ =	swait.ge [sflag:s21], $0x800  }
0x157: {  	[sflag:s21] =	ssyncset.done $0x0  }
0x158: {  	[sflag:s21] =	ssyncadd.s32 $0xFFFFF800  }
0x159: {  	_ =	swait.ge [sflag:s21], $0x800  }
0x15a: {  	[sflag:s21] =	ssyncset.done $0x0  }
0x15b: {  	[sflag:s21] =	ssyncadd.s32 $0xFFFFF800  }
0x15c: {  	_ =	swait.ge [sflag:s21], $0x800  }
0x15d: {  	[sflag:s21] =	ssyncset.done $0x0  }
0x15e: {  	[sflag:s21] =	ssyncadd.s32 $0xFFFFF800  }
0x15f: {  	_ =	swait.ge [sflag:s21], $0x800  }
0x160: {  	[sflag:s21] =	ssyncset.done $0x0  }
0x161: {  	[sflag:s21] =	ssyncadd.s32 $0xFFFFF800  }
0x162: {  	_ =	swait.ge [sflag:s21], $0x800  }
0x163: {  	[sflag:s21] =	ssyncset.done $0x0  }
0x164: {  	[sflag:s21] =	ssyncadd.s32 $0xFFFFF800  }
0x165: {  	_ =	swait.ge [sflag:s21], $0x800  }
0x166: {  	[sflag:s21] =	ssyncset.done $0x0  }
0x167: {  	[sflag:s21] =	ssyncadd.s32 $0xFFFFF800  }
0x168: {  	_ =	swait.ge [sflag:s21], $0x800  }
0x169: {  	[sflag:s21] =	ssyncset.done $0x0  }
0x16a: {  	[sflag:s21] =	ssyncadd.s32 $0xFFFFF800  }
0x16b: {  	_ =	swait.ge [sflag:s21], $0x800  }
0x16c: {  	[sflag:s21] =	ssyncset.done $0x0  }
0x16d: {  	[sflag:s21] =	ssyncadd.s32 $0xFFFFF800  }
0x16e: {  	_ =	swait.ge [sflag:s9], $0x800  }
0x16f: {  	[sflag:s9] =	ssyncset.done $0x0  }
0x170: {  	[sflag:s9] =	ssyncadd.s32 $0xFFFFF800  }
0x171: {  	_ =	swait.ge [sflag:s9], $0x800  }
0x172: {  	[sflag:s9] =	ssyncset.done $0x0  }
0x173: {  	[sflag:s9] =	ssyncadd.s32 $0xFFFFF800  }
0x174: {  	_ =	swait.ge [sflag:s9], $0x800  }
0x175: {  	[sflag:s9] =	ssyncset.done $0x0  }
0x176: {  	[sflag:s9] =	ssyncadd.s32 $0xFFFFF800  }
0x177: {  	_ =	swait.ge [sflag:s9], $0x800  }
0x178: {  	[sflag:s9] =	ssyncset.done $0x0  }
0x179: {  	[sflag:s9] =	ssyncadd.s32 $0xFFFFF800  }
0x17a: {  	_ =	swait.ge [sflag:s9], $0x800  }
0x17b: {  	[sflag:s9] =	ssyncset.done $0x0  }
0x17c: {  	[sflag:s9] =	ssyncadd.s32 $0xFFFFF800  }
0x17d: {  	_ =	swait.ge [sflag:s9], $0x800  }
0x17e: {  	[sflag:s9] =	ssyncset.done $0x0  }
0x17f: {  	[sflag:s9] =	ssyncadd.s32 $0xFFFFF800  }
0x180: {  	_ =	swait.ge [sflag:s9], $0x800  }
0x181: {  	[sflag:s9] =	ssyncset.done $0x0  }
0x182: {  	[sflag:s9] =	ssyncadd.s32 $0xFFFFF800  }
0x183: {  	_ =	swait.ge [sflag:s9], $0x800  }
0x184: {  	[sflag:s9] =	ssyncset.done $0x0  }
0x185: {  	[sflag:s9] =	ssyncadd.s32 $0xFFFFF800  }
0x186: {  	_ =	swait.ge [sflag:s9], $0x800  }
0x187: {  	[sflag:s9] =	ssyncset.done $0x0  }
0x188: {  	[sflag:s9] =	ssyncadd.s32 $0xFFFFF800  }
0x189: {  	_ =	swait.ge [sflag:s9], $0x800  }
0x18a: {  	[sflag:s9] =	ssyncset.done $0x0  }
0x18b: {  	s5 =	simm.s32 $0x1400;
	[sflag:s9] =	ssyncadd.s32 $0xFFFFF800  }
0x18c: {  	[tilespmem:s15], [sflag:$0x1] =	stream.indirect.gather [spmem:s3], $0x10, s5, s16, $0xb8;
	[tilespmem:$0x16800] =	vst v63  }
0x18d: {  	s17 =	simm.s32 $0x1480  }
0x18e: {  	[tilespmem:s18], [sflag:$0x1] =	stream.indirect.gather [spmem:s3], $0x10, s17, s16, $0xb8;
	[tilespmem:$0x16800] =	vst v63  }
0x18f: {  	s5 =	simm.s32 $0x1500  }
0x190: {  	[tilespmem:s20], [sflag:$0x1] =	stream.indirect.gather [spmem:s3], $0x10, s5, s16, $0xb8;
	[tilespmem:$0x16800] =	vst v63  }
0x191: {  	s17 =	simm.s32 $0x1580  }
0x192: {  	[tilespmem:s22], [sflag:$0x1] =	stream.indirect.gather [spmem:s3], $0x10, s17, s16, $0xb8;
	[tilespmem:$0x16800] =	vst v63  }
0x193: {  	s5 =	simm.s32 $0x1600  }
0x194: {  	[tilespmem:s24], [sflag:$0x1] =	stream.indirect.gather [spmem:s3], $0x10, s5, s16, $0xb8;
	[tilespmem:$0x16800] =	vst v63  }
0x195: {  	s17 =	simm.s32 $0x1680  }
0x196: {  	[tilespmem:s26], [sflag:$0x1] =	stream.indirect.gather [spmem:s3], $0x10, s17, s16, $0xb8;
	[tilespmem:$0x16800] =	vst v63  }
0x197: {  	s5 =	simm.s32 $0x1700  }
0x198: {  	[tilespmem:s29], [sflag:$0x1] =	stream.indirect.gather [spmem:s3], $0x10, s5, s16, $0xb8;
	[tilespmem:$0x16800] =	vst v63  }
0x199: {  	s17 =	simm.s32 $0x1780  }
0x19a: {  	[tilespmem:s31], [sflag:$0x1] =	stream.indirect.gather [spmem:s3], $0x10, s17, s16, $0xb8;
	[tilespmem:$0x16800] =	vst v63  }
0x19b: {  	s5 =	simm.s32 $0x1800  }
0x19c: {  	[tilespmem:s1], [sflag:$0x1] =	stream.indirect.gather [spmem:s3], $0x10, s5, s16, $0xb8;
	[tilespmem:$0x16800] =	vst v63  }
0x19d: {  	s17 =	simm.s32 $0x1880  }
0x19e: {  	[tilespmem:s19], [sflag:$0x1] =	stream.indirect.gather [spmem:s3], $0x10, s17, s16, $0xb8;
	[tilespmem:$0x16800] =	vst v63  }
0x19f: {  	s5 =	simm.s32 $0x3700  }
0x1a0: {  	[spmem:s2] =	stream.indirect.scatter.add.f32 [tilespmem:s25], [sflag:$0x2], $0x10, s5, s16, $0xb8;
	[tilespmem:$0x16800] =	vst v63  }
0x1a1: {  	s17 =	simm.s32 $0x3780  }
0x1a2: {  	[spmem:s2] =	stream.indirect.scatter.add.f32 [tilespmem:s30], [sflag:$0x2], $0x10, s17, s16, $0xb8;
	[tilespmem:$0x16800] =	vst v63  }
0x1a3: {  	s5 =	simm.s32 $0x3800  }
0x1a4: {  	[spmem:s2] =	stream.indirect.scatter.add.f32 [tilespmem:s11], [sflag:$0x2], $0x10, s5, s16, $0xb8;
	[tilespmem:$0x16800] =	vst v63  }
0x1a5: {  	s17 =	simm.s32 $0x3880  }
0x1a6: {  	[spmem:s2] =	stream.indirect.scatter.add.f32 [tilespmem:s28], [sflag:$0x2], $0x10, s17, s16, $0xb8;
	[tilespmem:$0x16800] =	vst v63  }
0x1a7: {  	s5 =	simm.s32 $0x3900  }
0x1a8: {  	[spmem:s2] =	stream.indirect.scatter.add.f32 [tilespmem:s23], [sflag:$0x2], $0x10, s5, s16, $0xb8;
	[tilespmem:$0x16800] =	vst v63  }
0x1a9: {  	s17 =	simm.s32 $0x3980  }
0x1aa: {  	[spmem:s2] =	stream.indirect.scatter.add.f32 [tilespmem:s0], [sflag:$0x2], $0x10, s17, s16, $0xb8;
	[tilespmem:$0x16800] =	vst v63  }
0x1ab: {  	s5 =	simm.s32 $0x3A00  }
0x1ac: {  	[spmem:s2] =	stream.indirect.scatter.add.f32 [tilespmem:s13], [sflag:$0x2], $0x10, s5, s16, $0xb8;
	[tilespmem:$0x16800] =	vst v63  }
0x1ad: {  	s17 =	simm.s32 $0x3A80  }
0x1ae: {  	[spmem:s2] =	stream.indirect.scatter.add.f32 [tilespmem:s6], [sflag:$0x2], $0x10, s17, s16, $0xb8;
	[tilespmem:$0x16800] =	vst v63  }
0x1af: {  	s5 =	simm.s32 $0x3B00  }
0x1b0: {  	[spmem:s2] =	stream.indirect.scatter.add.f32 [tilespmem:s7], [sflag:$0x2], $0x10, s5, s16, $0xb8;
	[tilespmem:$0x16800] =	vst v63  }
0x1b1: {  	s17 =	simm.s32 $0x3B80  }
0x1b2: {  	[spmem:s2] =	stream.indirect.scatter.add.f32 [tilespmem:s8], [sflag:$0x2], $0x10, s17, s16, $0xb8;
	[tilespmem:$0x16800] =	vst v63  }
0x1b3: {  	_ =	swait.ge [sflag:s21], $0x800  }
0x1b4: {  	[sflag:s21] =	ssyncset.done $0x0  }
0x1b5: {  	[sflag:s21] =	ssyncadd.s32 $0xFFFFF800  }
0x1b6: {  	_ =	swait.ge [sflag:s21], $0x800  }
0x1b7: {  	[sflag:s21] =	ssyncset.done $0x0  }
0x1b8: {  	[sflag:s21] =	ssyncadd.s32 $0xFFFFF800  }
0x1b9: {  	_ =	swait.ge [sflag:s21], $0x800  }
0x1ba: {  	[sflag:s21] =	ssyncset.done $0x0  }
0x1bb: {  	[sflag:s21] =	ssyncadd.s32 $0xFFFFF800  }
0x1bc: {  	_ =	swait.ge [sflag:s21], $0x800  }
0x1bd: {  	[sflag:s21] =	ssyncset.done $0x0  }
0x1be: {  	[sflag:s21] =	ssyncadd.s32 $0xFFFFF800  }
0x1bf: {  	_ =	swait.ge [sflag:s21], $0x800  }
0x1c0: {  	[sflag:s21] =	ssyncset.done $0x0  }
0x1c1: {  	[sflag:s21] =	ssyncadd.s32 $0xFFFFF800  }
0x1c2: {  	_ =	swait.ge [sflag:s21], $0x800  }
0x1c3: {  	[sflag:s21] =	ssyncset.done $0x0  }
0x1c4: {  	[sflag:s21] =	ssyncadd.s32 $0xFFFFF800  }
0x1c5: {  	_ =	swait.ge [sflag:s21], $0x800  }
0x1c6: {  	[sflag:s21] =	ssyncset.done $0x0  }
0x1c7: {  	[sflag:s21] =	ssyncadd.s32 $0xFFFFF800  }
0x1c8: {  	_ =	swait.ge [sflag:s21], $0x800  }
0x1c9: {  	[sflag:s21] =	ssyncset.done $0x0  }
0x1ca: {  	[sflag:s21] =	ssyncadd.s32 $0xFFFFF800  }
0x1cb: {  	_ =	swait.ge [sflag:s21], $0x800  }
0x1cc: {  	[sflag:s21] =	ssyncset.done $0x0  }
0x1cd: {  	[sflag:s21] =	ssyncadd.s32 $0xFFFFF800  }
0x1ce: {  	_ =	swait.ge [sflag:s21], $0x800  }
0x1cf: {  	[sflag:s21] =	ssyncset.done $0x0  }
0x1d0: {  	[sflag:s21] =	ssyncadd.s32 $0xFFFFF800  }
0x1d1: {  	_ =	swait.ge [sflag:s9], $0x800  }
0x1d2: {  	[sflag:s9] =	ssyncset.done $0x0  }
0x1d3: {  	[sflag:s9] =	ssyncadd.s32 $0xFFFFF800  }
0x1d4: {  	_ =	swait.ge [sflag:s9], $0x800  }
0x1d5: {  	[sflag:s9] =	ssyncset.done $0x0  }
0x1d6: {  	[sflag:s9] =	ssyncadd.s32 $0xFFFFF800  }
0x1d7: {  	_ =	swait.ge [sflag:s9], $0x800  }
0x1d8: {  	[sflag:s9] =	ssyncset.done $0x0  }
0x1d9: {  	[sflag:s9] =	ssyncadd.s32 $0xFFFFF800  }
0x1da: {  	_ =	swait.ge [sflag:s9], $0x800  }
0x1db: {  	[sflag:s9] =	ssyncset.done $0x0  }
0x1dc: {  	[sflag:s9] =	ssyncadd.s32 $0xFFFFF800  }
0x1dd: {  	_ =	swait.ge [sflag:s9], $0x800  }
0x1de: {  	[sflag:s9] =	ssyncset.done $0x0  }
0x1df: {  	[sflag:s9] =	ssyncadd.s32 $0xFFFFF800  }
0x1e0: {  	_ =	swait.ge [sflag:s9], $0x800  }
0x1e1: {  	[sflag:s9] =	ssyncset.done $0x0  }
0x1e2: {  	[sflag:s9] =	ssyncadd.s32 $0xFFFFF800  }
0x1e3: {  	_ =	swait.ge [sflag:s9], $0x800  }
0x1e4: {  	[sflag:s9] =	ssyncset.done $0x0  }
0x1e5: {  	[sflag:s9] =	ssyncadd.s32 $0xFFFFF800  }
0x1e6: {  	_ =	swait.ge [sflag:s9], $0x800  }
0x1e7: {  	[sflag:s9] =	ssyncset.done $0x0  }
0x1e8: {  	[sflag:s9] =	ssyncadd.s32 $0xFFFFF800  }
0x1e9: {  	_ =	swait.ge [sflag:s9], $0x800  }
0x1ea: {  	[sflag:s9] =	ssyncset.done $0x0  }
0x1eb: {  	[sflag:s9] =	ssyncadd.s32 $0xFFFFF800  }
0x1ec: {  	_ =	swait.ge [sflag:s9], $0x800  }
0x1ed: {  	[sflag:s9] =	ssyncset.done $0x0  }
0x1ee: {  	s5 =	simm.s32 $0x1900;
	[sflag:s9] =	ssyncadd.s32 $0xFFFFF800  }
0x1ef: {  	[tilespmem:s25], [sflag:$0x1] =	stream.indirect.gather [spmem:s3], $0x10, s5, s16, $0xb8;
	[tilespmem:$0x16800] =	vst v63  }
0x1f0: {  	s17 =	simm.s32 $0x1980  }
0x1f1: {  	[tilespmem:s30], [sflag:$0x1] =	stream.indirect.gather [spmem:s3], $0x10, s17, s16, $0xb8;
	[tilespmem:$0x16800] =	vst v63  }
0x1f2: {  	s5 =	simm.s32 $0x1A00  }
0x1f3: {  	[tilespmem:s11], [sflag:$0x1] =	stream.indirect.gather [spmem:s3], $0x10, s5, s16, $0xb8;
	[tilespmem:$0x16800] =	vst v63  }
0x1f4: {  	s17 =	simm.s32 $0x1A80  }
0x1f5: {  	[tilespmem:s28], [sflag:$0x1] =	stream.indirect.gather [spmem:s3], $0x10, s17, s16, $0xb8;
	[tilespmem:$0x16800] =	vst v63  }
0x1f6: {  	s5 =	simm.s32 $0x1B00  }
0x1f7: {  	[tilespmem:s23], [sflag:$0x1] =	stream.indirect.gather [spmem:s3], $0x10, s5, s16, $0xb8;
	[tilespmem:$0x16800] =	vst v63  }
0x1f8: {  	s17 =	simm.s32 $0x1B80  }
0x1f9: {  	[tilespmem:s0], [sflag:$0x1] =	stream.indirect.gather [spmem:s3], $0x10, s17, s16, $0xb8;
	[tilespmem:$0x16800] =	vst v63  }
0x1fa: {  	s5 =	simm.s32 $0x1C00  }
0x1fb: {  	[tilespmem:s13], [sflag:$0x1] =	stream.indirect.gather [spmem:s3], $0x10, s5, s16, $0xb8;
	[tilespmem:$0x16800] =	vst v63  }
0x1fc: {  	s17 =	simm.s32 $0x1C80  }
0x1fd: {  	[tilespmem:s6], [sflag:$0x1] =	stream.indirect.gather [spmem:s3], $0x10, s17, s16, $0xb8;
	[tilespmem:$0x16800] =	vst v63  }
0x1fe: {  	s5 =	simm.s32 $0x1D00  }
0x1ff: {  	[tilespmem:s7], [sflag:$0x1] =	stream.indirect.gather [spmem:s3], $0x10, s5, s16, $0xb8;
	[tilespmem:$0x16800] =	vst v63  }
0x200: {  	s17 =	simm.s32 $0x1D80  }
0x201: {  	[tilespmem:s8], [sflag:$0x1] =	stream.indirect.gather [spmem:s3], $0x10, s17, s16, $0xb8;
	[tilespmem:$0x16800] =	vst v63  }
0x202: {  	s5 =	simm.s32 $0x3C00  }
0x203: {  	[spmem:s2] =	stream.indirect.scatter.add.f32 [tilespmem:s15], [sflag:$0x2], $0x10, s5, s16, $0xb8;
	[tilespmem:$0x16800] =	vst v63  }
0x204: {  	s17 =	simm.s32 $0x3C80  }
0x205: {  	[spmem:s2] =	stream.indirect.scatter.add.f32 [tilespmem:s18], [sflag:$0x2], $0x10, s17, s16, $0xb8;
	[tilespmem:$0x16800] =	vst v63  }
0x206: {  	s5 =	simm.s32 $0x3D00  }
0x207: {  	[spmem:s2] =	stream.indirect.scatter.add.f32 [tilespmem:s20], [sflag:$0x2], $0x10, s5, s16, $0xb8;
	[tilespmem:$0x16800] =	vst v63  }
0x208: {  	s17 =	simm.s32 $0x3D80  }
0x209: {  	[spmem:s2] =	stream.indirect.scatter.add.f32 [tilespmem:s22], [sflag:$0x2], $0x10, s17, s16, $0xb8;
	[tilespmem:$0x16800] =	vst v63  }
0x20a: {  	s5 =	simm.s32 $0x3E00  }
0x20b: {  	[spmem:s2] =	stream.indirect.scatter.add.f32 [tilespmem:s24], [sflag:$0x2], $0x10, s5, s16, $0xb8;
	[tilespmem:$0x16800] =	vst v63  }
0x20c: {  	s17 =	simm.s32 $0x3E80  }
0x20d: {  	[spmem:s2] =	stream.indirect.scatter.add.f32 [tilespmem:s26], [sflag:$0x2], $0x10, s17, s16, $0xb8;
	[tilespmem:$0x16800] =	vst v63  }
0x20e: {  	s5 =	simm.s32 $0x3F00  }
0x20f: {  	[spmem:s2] =	stream.indirect.scatter.add.f32 [tilespmem:s29], [sflag:$0x2], $0x10, s5, s16, $0xb8;
	[tilespmem:$0x16800] =	vst v63  }
0x210: {  	s17 =	simm.s32 $0x3F80  }
0x211: {  	[spmem:s2] =	stream.indirect.scatter.add.f32 [tilespmem:s31], [sflag:$0x2], $0x10, s17, s16, $0xb8;
	[tilespmem:$0x16800] =	vst v63  }
0x212: {  	s5 =	simm.s32 $0x4000  }
0x213: {  	[spmem:s2] =	stream.indirect.scatter.add.f32 [tilespmem:s1], [sflag:$0x2], $0x10, s5, s16, $0xb8;
	[tilespmem:$0x16800] =	vst v63  }
0x214: {  	s17 =	simm.s32 $0x4080  }
0x215: {  	[spmem:s2] =	stream.indirect.scatter.add.f32 [tilespmem:s19], [sflag:$0x2], $0x10, s17, s16, $0xb8;
	[tilespmem:$0x16800] =	vst v63  }
0x216: {  	_ =	swait.ge [sflag:s21], $0x800  }
0x217: {  	[sflag:s21] =	ssyncset.done $0x0  }
0x218: {  	[sflag:s21] =	ssyncadd.s32 $0xFFFFF800  }
0x219: {  	_ =	swait.ge [sflag:s21], $0x800  }
0x21a: {  	[sflag:s21] =	ssyncset.done $0x0  }
0x21b: {  	[sflag:s21] =	ssyncadd.s32 $0xFFFFF800  }
0x21c: {  	_ =	swait.ge [sflag:s21], $0x800  }
0x21d: {  	[sflag:s21] =	ssyncset.done $0x0  }
0x21e: {  	[sflag:s21] =	ssyncadd.s32 $0xFFFFF800  }
0x21f: {  	_ =	swait.ge [sflag:s21], $0x800  }
0x220: {  	[sflag:s21] =	ssyncset.done $0x0  }
0x221: {  	[sflag:s21] =	ssyncadd.s32 $0xFFFFF800  }
0x222: {  	_ =	swait.ge [sflag:s21], $0x800  }
0x223: {  	[sflag:s21] =	ssyncset.done $0x0  }
0x224: {  	[sflag:s21] =	ssyncadd.s32 $0xFFFFF800  }
0x225: {  	_ =	swait.ge [sflag:s21], $0x800  }
0x226: {  	[sflag:s21] =	ssyncset.done $0x0  }
0x227: {  	[sflag:s21] =	ssyncadd.s32 $0xFFFFF800  }
0x228: {  	_ =	swait.ge [sflag:s21], $0x800  }
0x229: {  	[sflag:s21] =	ssyncset.done $0x0  }
0x22a: {  	[sflag:s21] =	ssyncadd.s32 $0xFFFFF800  }
0x22b: {  	_ =	swait.ge [sflag:s21], $0x800  }
0x22c: {  	[sflag:s21] =	ssyncset.done $0x0  }
0x22d: {  	[sflag:s21] =	ssyncadd.s32 $0xFFFFF800  }
0x22e: {  	_ =	swait.ge [sflag:s21], $0x800  }
0x22f: {  	[sflag:s21] =	ssyncset.done $0x0  }
0x230: {  	[sflag:s21] =	ssyncadd.s32 $0xFFFFF800  }
0x231: {  	_ =	swait.ge [sflag:s21], $0x800  }
0x232: {  	[sflag:s21] =	ssyncset.done $0x0  }
0x233: {  	[sflag:s21] =	ssyncadd.s32 $0xFFFFF800  }
0x234: {  	_ =	swait.ge [sflag:s9], $0x800  }
0x235: {  	[sflag:s9] =	ssyncset.done $0x0  }
0x236: {  	[sflag:s9] =	ssyncadd.s32 $0xFFFFF800  }
0x237: {  	_ =	swait.ge [sflag:s9], $0x800  }
0x238: {  	[sflag:s9] =	ssyncset.done $0x0  }
0x239: {  	[sflag:s9] =	ssyncadd.s32 $0xFFFFF800  }
0x23a: {  	_ =	swait.ge [sflag:s9], $0x800  }
0x23b: {  	[sflag:s9] =	ssyncset.done $0x0  }
0x23c: {  	[sflag:s9] =	ssyncadd.s32 $0xFFFFF800  }
0x23d: {  	_ =	swait.ge [sflag:s9], $0x800  }
0x23e: {  	[sflag:s9] =	ssyncset.done $0x0  }
0x23f: {  	[sflag:s9] =	ssyncadd.s32 $0xFFFFF800  }
0x240: {  	_ =	swait.ge [sflag:s9], $0x800  }
0x241: {  	[sflag:s9] =	ssyncset.done $0x0  }
0x242: {  	[sflag:s9] =	ssyncadd.s32 $0xFFFFF800  }
0x243: {  	_ =	swait.ge [sflag:s9], $0x800  }
0x244: {  	[sflag:s9] =	ssyncset.done $0x0  }
0x245: {  	[sflag:s9] =	ssyncadd.s32 $0xFFFFF800  }
0x246: {  	_ =	swait.ge [sflag:s9], $0x800  }
0x247: {  	[sflag:s9] =	ssyncset.done $0x0  }
0x248: {  	[sflag:s9] =	ssyncadd.s32 $0xFFFFF800  }
0x249: {  	_ =	swait.ge [sflag:s9], $0x800  }
0x24a: {  	[sflag:s9] =	ssyncset.done $0x0  }
0x24b: {  	[sflag:s9] =	ssyncadd.s32 $0xFFFFF800  }
0x24c: {  	_ =	swait.ge [sflag:s9], $0x800  }
0x24d: {  	[sflag:s9] =	ssyncset.done $0x0  }
0x24e: {  	[sflag:s9] =	ssyncadd.s32 $0xFFFFF800  }
0x24f: {  	_ =	swait.ge [sflag:s9], $0x800  }
0x250: {  	[sflag:s9] =	ssyncset.done $0x0  }
0x251: {  	s5 =	simm.s32 $0x1E00;
	[sflag:s9] =	ssyncadd.s32 $0xFFFFF800  }
0x252: {  	[tilespmem:s15], [sflag:$0x1] =	stream.indirect.gather [spmem:s3], $0x10, s5, s16, $0xb8;
	[tilespmem:$0x16800] =	vst v63  }
0x253: {  	s17 =	simm.s32 $0x1E80  }
0x254: {  	[tilespmem:s18], [sflag:$0x1] =	stream.indirect.gather [spmem:s3], $0x10, s17, s16, $0xb8;
	[tilespmem:$0x16800] =	vst v63  }
0x255: {  	s5 =	simm.s32 $0x1F00  }
0x256: {  	[tilespmem:s20], [sflag:$0x1] =	stream.indirect.gather [spmem:s3], $0x10, s5, s16, $0xb8;
	[tilespmem:$0x16800] =	vst v63  }
0x257: {  	s17 =	simm.s32 $0x1F80  }
0x258: {  	[tilespmem:s22], [sflag:$0x1] =	stream.indirect.gather [spmem:s3], $0x10, s17, s16, $0xb8;
	[tilespmem:$0x16800] =	vst v63  }
0x259: {  	s5 =	simm.s32 $0x2000  }
0x25a: {  	[tilespmem:s24], [sflag:$0x1] =	stream.indirect.gather [spmem:s3], $0x10, s5, s16, $0xb8;
	[tilespmem:$0x16800] =	vst v63  }
0x25b: {  	s17 =	simm.s32 $0x2080  }
0x25c: {  	[tilespmem:s26], [sflag:$0x1] =	stream.indirect.gather [spmem:s3], $0x10, s17, s16, $0xb8;
	[tilespmem:$0x16800] =	vst v63  }
0x25d: {  	s5 =	simm.s32 $0x2100  }
0x25e: {  	[tilespmem:s29], [sflag:$0x1] =	stream.indirect.gather [spmem:s3], $0x10, s5, s16, $0xb8;
	[tilespmem:$0x16800] =	vst v63  }
0x25f: {  	s17 =	simm.s32 $0x2180  }
0x260: {  	[tilespmem:s31], [sflag:$0x1] =	stream.indirect.gather [spmem:s3], $0x10, s17, s16, $0xb8;
	[tilespmem:$0x16800] =	vst v63  }
0x261: {  	s5 =	simm.s32 $0x2200  }
0x262: {  	[tilespmem:s1], [sflag:$0x1] =	stream.indirect.gather [spmem:s3], $0x10, s5, s16, $0xb8;
	[tilespmem:$0x16800] =	vst v63  }
0x263: {  	s17 =	simm.s32 $0x2280  }
0x264: {  	[tilespmem:s19], [sflag:$0x1] =	stream.indirect.gather [spmem:s3], $0x10, s17, s16, $0xb8;
	[tilespmem:$0x16800] =	vst v63  }
0x265: {  	s5 =	simm.s32 $0x4100  }
0x266: {  	[spmem:s2] =	stream.indirect.scatter.add.f32 [tilespmem:s25], [sflag:$0x2], $0x10, s5, s16, $0xb8;
	[tilespmem:$0x16800] =	vst v63  }
0x267: {  	s17 =	simm.s32 $0x4180  }
0x268: {  	[spmem:s2] =	stream.indirect.scatter.add.f32 [tilespmem:s30], [sflag:$0x2], $0x10, s17, s16, $0xb8;
	[tilespmem:$0x16800] =	vst v63  }
0x269: {  	s5 =	simm.s32 $0x4200  }
0x26a: {  	[spmem:s2] =	stream.indirect.scatter.add.f32 [tilespmem:s11], [sflag:$0x2], $0x10, s5, s16, $0xb8;
	[tilespmem:$0x16800] =	vst v63  }
0x26b: {  	s17 =	simm.s32 $0x4280  }
0x26c: {  	[spmem:s2] =	stream.indirect.scatter.add.f32 [tilespmem:s28], [sflag:$0x2], $0x10, s17, s16, $0xb8;
	[tilespmem:$0x16800] =	vst v63  }
0x26d: {  	s5 =	simm.s32 $0x4300  }
0x26e: {  	[spmem:s2] =	stream.indirect.scatter.add.f32 [tilespmem:s23], [sflag:$0x2], $0x10, s5, s16, $0xb8;
	[tilespmem:$0x16800] =	vst v63  }
0x26f: {  	s17 =	simm.s32 $0x4380  }
0x270: {  	[spmem:s2] =	stream.indirect.scatter.add.f32 [tilespmem:s0], [sflag:$0x2], $0x10, s17, s16, $0xb8;
	[tilespmem:$0x16800] =	vst v63  }
0x271: {  	s5 =	simm.s32 $0x4400  }
0x272: {  	[spmem:s2] =	stream.indirect.scatter.add.f32 [tilespmem:s13], [sflag:$0x2], $0x10, s5, s16, $0xb8;
	[tilespmem:$0x16800] =	vst v63  }
0x273: {  	s17 =	simm.s32 $0x4480  }
0x274: {  	[spmem:s2] =	stream.indirect.scatter.add.f32 [tilespmem:s6], [sflag:$0x2], $0x10, s17, s16, $0xb8;
	[tilespmem:$0x16800] =	vst v63  }
0x275: {  	s5 =	simm.s32 $0x4500  }
0x276: {  	[spmem:s2] =	stream.indirect.scatter.add.f32 [tilespmem:s7], [sflag:$0x2], $0x10, s5, s16, $0xb8;
	[tilespmem:$0x16800] =	vst v63  }
0x277: {  	s17 =	simm.s32 $0x4580  }
0x278: {  	[spmem:s2] =	stream.indirect.scatter.add.f32 [tilespmem:s8], [sflag:$0x2], $0x10, s17, s16, $0xb8;
	[tilespmem:$0x16800] =	vst v63  }
0x279: {  	_ =	swait.ge [sflag:s21], $0x800  }
0x27a: {  	[sflag:s21] =	ssyncset.done $0x0  }
0x27b: {  	[sflag:s21] =	ssyncadd.s32 $0xFFFFF800  }
0x27c: {  	_ =	swait.ge [sflag:s21], $0x800  }
0x27d: {  	[sflag:s21] =	ssyncset.done $0x0  }
0x27e: {  	[sflag:s21] =	ssyncadd.s32 $0xFFFFF800  }
0x27f: {  	_ =	swait.ge [sflag:s21], $0x800  }
0x280: {  	[sflag:s21] =	ssyncset.done $0x0  }
0x281: {  	[sflag:s21] =	ssyncadd.s32 $0xFFFFF800  }
0x282: {  	_ =	swait.ge [sflag:s21], $0x800  }
0x283: {  	[sflag:s21] =	ssyncset.done $0x0  }
0x284: {  	[sflag:s21] =	ssyncadd.s32 $0xFFFFF800  }
0x285: {  	_ =	swait.ge [sflag:s21], $0x800  }
0x286: {  	[sflag:s21] =	ssyncset.done $0x0  }
0x287: {  	[sflag:s21] =	ssyncadd.s32 $0xFFFFF800  }
0x288: {  	_ =	swait.ge [sflag:s21], $0x800  }
0x289: {  	[sflag:s21] =	ssyncset.done $0x0  }
0x28a: {  	[sflag:s21] =	ssyncadd.s32 $0xFFFFF800  }
0x28b: {  	_ =	swait.ge [sflag:s21], $0x800  }
0x28c: {  	[sflag:s21] =	ssyncset.done $0x0  }
0x28d: {  	[sflag:s21] =	ssyncadd.s32 $0xFFFFF800  }
0x28e: {  	_ =	swait.ge [sflag:s21], $0x800  }
0x28f: {  	[sflag:s21] =	ssyncset.done $0x0  }
0x290: {  	[sflag:s21] =	ssyncadd.s32 $0xFFFFF800  }
0x291: {  	_ =	swait.ge [sflag:s21], $0x800  }
0x292: {  	[sflag:s21] =	ssyncset.done $0x0  }
0x293: {  	[sflag:s21] =	ssyncadd.s32 $0xFFFFF800  }
0x294: {  	_ =	swait.ge [sflag:s21], $0x800  }
0x295: {  	[sflag:s21] =	ssyncset.done $0x0  }
0x296: {  	[sflag:s21] =	ssyncadd.s32 $0xFFFFF800  }
0x297: {  	_ =	swait.ge [sflag:s9], $0x800  }
0x298: {  	[sflag:s9] =	ssyncset.done $0x0  }
0x299: {  	[sflag:s9] =	ssyncadd.s32 $0xFFFFF800  }
0x29a: {  	_ =	swait.ge [sflag:s9], $0x800  }
0x29b: {  	[sflag:s9] =	ssyncset.done $0x0  }
0x29c: {  	[sflag:s9] =	ssyncadd.s32 $0xFFFFF800  }
0x29d: {  	_ =	swait.ge [sflag:s9], $0x800  }
0x29e: {  	[sflag:s9] =	ssyncset.done $0x0  }
0x29f: {  	[sflag:s9] =	ssyncadd.s32 $0xFFFFF800  }
0x2a0: {  	_ =	swait.ge [sflag:s9], $0x800  }
0x2a1: {  	[sflag:s9] =	ssyncset.done $0x0  }
0x2a2: {  	[sflag:s9] =	ssyncadd.s32 $0xFFFFF800  }
0x2a3: {  	_ =	swait.ge [sflag:s9], $0x800  }
0x2a4: {  	[sflag:s9] =	ssyncset.done $0x0  }
0x2a5: {  	[sflag:s9] =	ssyncadd.s32 $0xFFFFF800  }
0x2a6: {  	_ =	swait.ge [sflag:s9], $0x800  }
0x2a7: {  	[sflag:s9] =	ssyncset.done $0x0  }
0x2a8: {  	[sflag:s9] =	ssyncadd.s32 $0xFFFFF800  }
0x2a9: {  	_ =	swait.ge [sflag:s9], $0x800  }
0x2aa: {  	[sflag:s9] =	ssyncset.done $0x0  }
0x2ab: {  	[sflag:s9] =	ssyncadd.s32 $0xFFFFF800  }
0x2ac: {  	_ =	swait.ge [sflag:s9], $0x800  }
0x2ad: {  	[sflag:s9] =	ssyncset.done $0x0  }
0x2ae: {  	[sflag:s9] =	ssyncadd.s32 $0xFFFFF800  }
0x2af: {  	_ =	swait.ge [sflag:s9], $0x800  }
0x2b0: {  	[sflag:s9] =	ssyncset.done $0x0  }
0x2b1: {  	[sflag:s9] =	ssyncadd.s32 $0xFFFFF800  }
0x2b2: {  	_ =	swait.ge [sflag:s9], $0x800  }
0x2b3: {  	[sflag:s9] =	ssyncset.done $0x0  }
0x2b4: {  	s5 =	simm.s32 $0x2300;
	[sflag:s9] =	ssyncadd.s32 $0xFFFFF800  }
0x2b5: {  	[tilespmem:s25], [sflag:$0x1] =	stream.indirect.gather [spmem:s3], $0x10, s5, s16, $0xb8;
	[tilespmem:$0x16800] =	vst v63  }
0x2b6: {  	s17 =	simm.s32 $0x2380  }
0x2b7: {  	[tilespmem:s30], [sflag:$0x1] =	stream.indirect.gather [spmem:s3], $0x10, s17, s16, $0xb8;
	[tilespmem:$0x16800] =	vst v63  }
0x2b8: {  	s5 =	simm.s32 $0x2400  }
0x2b9: {  	[tilespmem:s11], [sflag:$0x1] =	stream.indirect.gather [spmem:s3], $0x10, s5, s16, $0xb8;
	[tilespmem:$0x16800] =	vst v63  }
0x2ba: {  	s17 =	simm.s32 $0x2480  }
0x2bb: {  	[tilespmem:s28], [sflag:$0x1] =	stream.indirect.gather [spmem:s3], $0x10, s17, s16, $0xb8;
	[tilespmem:$0x16800] =	vst v63  }
0x2bc: {  	s5 =	simm.s32 $0x2500  }
0x2bd: {  	[tilespmem:s23], [sflag:$0x1] =	stream.indirect.gather [spmem:s3], $0x10, s5, s16, $0xb8;
	[tilespmem:$0x16800] =	vst v63  }
0x2be: {  	s17 =	simm.s32 $0x2580  }
0x2bf: {  	[tilespmem:s0], [sflag:$0x1] =	stream.indirect.gather [spmem:s3], $0x10, s17, s16, $0xb8;
	[tilespmem:$0x16800] =	vst v63  }
0x2c0: {  	s5 =	simm.s32 $0x2600  }
0x2c1: {  	[tilespmem:s13], [sflag:$0x1] =	stream.indirect.gather [spmem:s3], $0x10, s5, s16, $0xb8;
	[tilespmem:$0x16800] =	vst v63  }
0x2c2: {  	s17 =	simm.s32 $0x2680  }
0x2c3: {  	[tilespmem:s6], [sflag:$0x1] =	stream.indirect.gather [spmem:s3], $0x10, s17, s16, $0xb8;
	[tilespmem:$0x16800] =	vst v63  }
0x2c4: {  	s5 =	simm.s32 $0x2700  }
0x2c5: {  	[tilespmem:s7], [sflag:$0x1] =	stream.indirect.gather [spmem:s3], $0x10, s5, s16, $0xb8;
	[tilespmem:$0x16800] =	vst v63  }
0x2c6: {  	s17 =	simm.s32 $0x2780  }
0x2c7: {  	[tilespmem:s8], [sflag:$0x1] =	stream.indirect.gather [spmem:s3], $0x10, s17, s16, $0xb8;
	[tilespmem:$0x16800] =	vst v63  }
0x2c8: {  	s5 =	simm.s32 $0x4600  }
0x2c9: {  	[spmem:s2] =	stream.indirect.scatter.add.f32 [tilespmem:s15], [sflag:$0x2], $0x10, s5, s16, $0xb8;
	[tilespmem:$0x16800] =	vst v63  }
0x2ca: {  	s15 =	simm.s32 $0x4680  }
0x2cb: {  	[spmem:s2] =	stream.indirect.scatter.add.f32 [tilespmem:s18], [sflag:$0x2], $0x10, s15, s16, $0xb8;
	[tilespmem:$0x16800] =	vst v63  }
0x2cc: {  	s17 =	simm.s32 $0x4700  }
0x2cd: {  	[spmem:s2] =	stream.indirect.scatter.add.f32 [tilespmem:s20], [sflag:$0x2], $0x10, s17, s16, $0xb8;
	[tilespmem:$0x16800] =	vst v63  }
0x2ce: {  	s5 =	simm.s32 $0x4780  }
0x2cf: {  	[spmem:s2] =	stream.indirect.scatter.add.f32 [tilespmem:s22], [sflag:$0x2], $0x10, s5, s16, $0xb8;
	[tilespmem:$0x16800] =	vst v63  }
0x2d0: {  	s15 =	simm.s32 $0x4800  }
0x2d1: {  	[spmem:s2] =	stream.indirect.scatter.add.f32 [tilespmem:s24], [sflag:$0x2], $0x10, s15, s16, $0xb8;
	[tilespmem:$0x16800] =	vst v63  }
0x2d2: {  	s17 =	simm.s32 $0x4880  }
0x2d3: {  	[spmem:s2] =	stream.indirect.scatter.add.f32 [tilespmem:s26], [sflag:$0x2], $0x10, s17, s16, $0xb8;
	[tilespmem:$0x16800] =	vst v63  }
0x2d4: {  	s5 =	simm.s32 $0x4900  }
0x2d5: {  	[spmem:s2] =	stream.indirect.scatter.add.f32 [tilespmem:s29], [sflag:$0x2], $0x10, s5, s16, $0xb8;
	[tilespmem:$0x16800] =	vst v63  }
0x2d6: {  	s15 =	simm.s32 $0x4980  }
0x2d7: {  	[spmem:s2] =	stream.indirect.scatter.add.f32 [tilespmem:s31], [sflag:$0x2], $0x10, s15, s16, $0xb8;
	[tilespmem:$0x16800] =	vst v63  }
0x2d8: {  	s17 =	simm.s32 $0x4A00  }
0x2d9: {  	[spmem:s2] =	stream.indirect.scatter.add.f32 [tilespmem:s1], [sflag:$0x2], $0x10, s17, s16, $0xb8;
	[tilespmem:$0x16800] =	vst v63  }
0x2da: {  	s5 =	simm.s32 $0x4A80  }
0x2db: {  	[spmem:s2] =	stream.indirect.scatter.add.f32 [tilespmem:s19], [sflag:$0x2], $0x10, s5, s16, $0xb8;
	[tilespmem:$0x16800] =	vst v63  }
0x2dc: {  	_ =	swait.ge [sflag:s21], $0x800  }
0x2dd: {  	[sflag:s21] =	ssyncset.done $0x0  }
0x2de: {  	[sflag:s21] =	ssyncadd.s32 $0xFFFFF800  }
0x2df: {  	_ =	swait.ge [sflag:s21], $0x800  }
0x2e0: {  	[sflag:s21] =	ssyncset.done $0x0  }
0x2e1: {  	[sflag:s21] =	ssyncadd.s32 $0xFFFFF800  }
0x2e2: {  	_ =	swait.ge [sflag:s21], $0x800  }
0x2e3: {  	[sflag:s21] =	ssyncset.done $0x0  }
0x2e4: {  	[sflag:s21] =	ssyncadd.s32 $0xFFFFF800  }
0x2e5: {  	_ =	swait.ge [sflag:s21], $0x800  }
0x2e6: {  	[sflag:s21] =	ssyncset.done $0x0  }
0x2e7: {  	[sflag:s21] =	ssyncadd.s32 $0xFFFFF800  }
0x2e8: {  	_ =	swait.ge [sflag:s21], $0x800  }
0x2e9: {  	[sflag:s21] =	ssyncset.done $0x0  }
0x2ea: {  	[sflag:s21] =	ssyncadd.s32 $0xFFFFF800  }
0x2eb: {  	_ =	swait.ge [sflag:s21], $0x800  }
0x2ec: {  	[sflag:s21] =	ssyncset.done $0x0  }
0x2ed: {  	[sflag:s21] =	ssyncadd.s32 $0xFFFFF800  }
0x2ee: {  	_ =	swait.ge [sflag:s21], $0x800  }
0x2ef: {  	[sflag:s21] =	ssyncset.done $0x0  }
0x2f0: {  	[sflag:s21] =	ssyncadd.s32 $0xFFFFF800  }
0x2f1: {  	_ =	swait.ge [sflag:s21], $0x800  }
0x2f2: {  	[sflag:s21] =	ssyncset.done $0x0  }
0x2f3: {  	[sflag:s21] =	ssyncadd.s32 $0xFFFFF800  }
0x2f4: {  	_ =	swait.ge [sflag:s21], $0x800  }
0x2f5: {  	[sflag:s21] =	ssyncset.done $0x0  }
0x2f6: {  	[sflag:s21] =	ssyncadd.s32 $0xFFFFF800  }
0x2f7: {  	_ =	swait.ge [sflag:s21], $0x800  }
0x2f8: {  	[sflag:s21] =	ssyncset.done $0x0  }
0x2f9: {  	[sflag:s21] =	ssyncadd.s32 $0xFFFFF800  }
0x2fa: {  	_ =	swait.ge [sflag:s9], $0x800  }
0x2fb: {  	[sflag:s9] =	ssyncset.done $0x0  }
0x2fc: {  	[sflag:s9] =	ssyncadd.s32 $0xFFFFF800  }
0x2fd: {  	_ =	swait.ge [sflag:s9], $0x800  }
0x2fe: {  	[sflag:s9] =	ssyncset.done $0x0  }
0x2ff: {  	[sflag:s9] =	ssyncadd.s32 $0xFFFFF800  }
0x300: {  	_ =	swait.ge [sflag:s9], $0x800  }
0x301: {  	[sflag:s9] =	ssyncset.done $0x0  }
0x302: {  	[sflag:s9] =	ssyncadd.s32 $0xFFFFF800  }
0x303: {  	_ =	swait.ge [sflag:s9], $0x800  }
0x304: {  	[sflag:s9] =	ssyncset.done $0x0  }
0x305: {  	[sflag:s9] =	ssyncadd.s32 $0xFFFFF800  }
0x306: {  	_ =	swait.ge [sflag:s9], $0x800  }
0x307: {  	[sflag:s9] =	ssyncset.done $0x0  }
0x308: {  	[sflag:s9] =	ssyncadd.s32 $0xFFFFF800  }
0x309: {  	_ =	swait.ge [sflag:s9], $0x800  }
0x30a: {  	[sflag:s9] =	ssyncset.done $0x0  }
0x30b: {  	[sflag:s9] =	ssyncadd.s32 $0xFFFFF800  }
0x30c: {  	_ =	swait.ge [sflag:s9], $0x800  }
0x30d: {  	[sflag:s9] =	ssyncset.done $0x0  }
0x30e: {  	[sflag:s9] =	ssyncadd.s32 $0xFFFFF800  }
0x30f: {  	_ =	swait.ge [sflag:s9], $0x800  }
0x310: {  	[sflag:s9] =	ssyncset.done $0x0  }
0x311: {  	[sflag:s9] =	ssyncadd.s32 $0xFFFFF800  }
0x312: {  	_ =	swait.ge [sflag:s9], $0x800  }
0x313: {  	[sflag:s9] =	ssyncset.done $0x0  }
0x314: {  	[sflag:s9] =	ssyncadd.s32 $0xFFFFF800  }
0x315: {  	_ =	swait.ge [sflag:s9], $0x800  }
0x316: {  	[sflag:s9] =	ssyncset.done $0x0  }
0x317: {  	s15 =	simm.s32 $0x4B00;
	[sflag:s9] =	ssyncadd.s32 $0xFFFFF800  }
0x318: {  	[spmem:s2] =	stream.indirect.scatter.add.f32 [tilespmem:s25], [sflag:$0x2], $0x10, s15, s16, $0xb8;
	[tilespmem:$0x16800] =	vst v63  }
0x319: {  	s17 =	simm.s32 $0x4B80  }
0x31a: {  	[spmem:s2] =	stream.indirect.scatter.add.f32 [tilespmem:s30], [sflag:$0x2], $0x10, s17, s16, $0xb8;
	[tilespmem:$0x16800] =	vst v63  }
0x31b: {  	s5 =	simm.s32 $0x4C00  }
0x31c: {  	[spmem:s2] =	stream.indirect.scatter.add.f32 [tilespmem:s11], [sflag:$0x2], $0x10, s5, s16, $0xb8;
	[tilespmem:$0x16800] =	vst v63  }
0x31d: {  	s15 =	simm.s32 $0x4C80  }
0x31e: {  	[spmem:s2] =	stream.indirect.scatter.add.f32 [tilespmem:s28], [sflag:$0x2], $0x10, s15, s16, $0xb8;
	[tilespmem:$0x16800] =	vst v63  }
0x31f: {  	s17 =	simm.s32 $0x4D00  }
0x320: {  	[spmem:s2] =	stream.indirect.scatter.add.f32 [tilespmem:s23], [sflag:$0x2], $0x10, s17, s16, $0xb8;
	[tilespmem:$0x16800] =	vst v63  }
0x321: {  	s5 =	simm.s32 $0x4D80  }
0x322: {  	[spmem:s2] =	stream.indirect.scatter.add.f32 [tilespmem:s0], [sflag:$0x2], $0x10, s5, s16, $0xb8;
	[tilespmem:$0x16800] =	vst v63  }
0x323: {  	s15 =	simm.s32 $0x4E00  }
0x324: {  	[spmem:s2] =	stream.indirect.scatter.add.f32 [tilespmem:s13], [sflag:$0x2], $0x10, s15, s16, $0xb8;
	[tilespmem:$0x16800] =	vst v63  }
0x325: {  	s17 =	simm.s32 $0x4E80  }
0x326: {  	[spmem:s2] =	stream.indirect.scatter.add.f32 [tilespmem:s6], [sflag:$0x2], $0x10, s17, s16, $0xb8;
	[tilespmem:$0x16800] =	vst v63  }
0x327: {  	s5 =	simm.s32 $0x4F00  }
0x328: {  	[spmem:s2] =	stream.indirect.scatter.add.f32 [tilespmem:s7], [sflag:$0x2], $0x10, s5, s16, $0xb8;
	[tilespmem:$0x16800] =	vst v63  }
0x329: {  	s15 =	simm.s32 $0x4F80  }
0x32a: {  	[spmem:s2] =	stream.indirect.scatter.add.f32 [tilespmem:s8], [sflag:$0x2], $0x10, s15, s16, $0xb8;
	[tilespmem:$0x16800] =	vst v63  }
0x32b: {  	_ =	swait.ge [sflag:s9], $0x800  }
0x32c: {  	[sflag:s9] =	ssyncset.done $0x0  }
0x32d: {  	[sflag:s9] =	ssyncadd.s32 $0xFFFFF800  }
0x32e: {  	_ =	swait.ge [sflag:s9], $0x800  }
0x32f: {  	[sflag:s9] =	ssyncset.done $0x0  }
0x330: {  	[sflag:s9] =	ssyncadd.s32 $0xFFFFF800  }
0x331: {  	_ =	swait.ge [sflag:s9], $0x800  }
0x332: {  	[sflag:s9] =	ssyncset.done $0x0  }
0x333: {  	[sflag:s9] =	ssyncadd.s32 $0xFFFFF800  }
0x334: {  	_ =	swait.ge [sflag:s9], $0x800  }
0x335: {  	[sflag:s9] =	ssyncset.done $0x0  }
0x336: {  	[sflag:s9] =	ssyncadd.s32 $0xFFFFF800  }
0x337: {  	_ =	swait.ge [sflag:s9], $0x800  }
0x338: {  	[sflag:s9] =	ssyncset.done $0x0  }
0x339: {  	[sflag:s9] =	ssyncadd.s32 $0xFFFFF800  }
0x33a: {  	_ =	swait.ge [sflag:s9], $0x800  }
0x33b: {  	[sflag:s9] =	ssyncset.done $0x0  }
0x33c: {  	[sflag:s9] =	ssyncadd.s32 $0xFFFFF800  }
0x33d: {  	_ =	swait.ge [sflag:s9], $0x800  }
0x33e: {  	[sflag:s9] =	ssyncset.done $0x0  }
0x33f: {  	[sflag:s9] =	ssyncadd.s32 $0xFFFFF800  }
0x340: {  	_ =	swait.ge [sflag:s9], $0x800  }
0x341: {  	[sflag:s9] =	ssyncset.done $0x0  }
0x342: {  	[sflag:s9] =	ssyncadd.s32 $0xFFFFF800  }
0x343: {  	_ =	swait.ge [sflag:s9], $0x800  }
0x344: {  	[sflag:s9] =	ssyncset.done $0x0  }
0x345: {  	[sflag:s9] =	ssyncadd.s32 $0xFFFFF800  }
0x346: {  	_ =	swait.ge [sflag:s9], $0x800  }
0x347: {  	[sflag:s9] =	ssyncset.done $0x0  }
0x348: {  	[sflag:s9] =	ssyncadd.s32 $0xFFFFF800  }
0x349: {  	[bflag:$0x0] =	sbarrier.arrive $0xFFFF  }
0x34a: {  	s17 =	rddreg [dreg:$0xa]  }
0x34b: {  	s5 =	rddreg [dreg:$0x8];
	s4 =	sshrl.u32 s17, $0x3  }
0x34c: {  	[hbm:s5], [sflag:s14] =	dma.local [spmem:s4], $0x500  }
0x34d: {  	_ =	swait.ge [sflag:s12], $0x500  }
0x34e: {  	s10 =	sadd.s32 $0x1, s10;
	s17 =	rddreg [dreg:$0x9]  }
0x34f: {  	p0 =	sne.s32 s10, s17  }
.Ltmp1:
0x350: {  	_ = 	snop;
	(pc) =	sbr.rel @p0 .LBB2_1-.Ltmp1, $3  }
0x351: {  	_ =	sdelay $0x1  }
0x352: {  	[sflag:s12] =	ssyncset.done $0x0  }
0x353: {  	[sflag:s12] =	ssyncadd.s32 $0xFFFFFB00  }
0x354: {  	_ =	sfence.sel $0x180000  }
0x355: {  	[bflag:$0x0] =	sbarrier.arrive $0xFFFF  }
0x356: {  	_ =	strace $0x9000004D  }
0x357: {  	s0 =	stileid.u32;
	[bflag:$0x2] =	sbarrier.arrive $0xFFFF  }
0x358: {  	p0 =	sne.s32 s0, $0x0;
	s0 =	rddreg [dreg:$0x4]  }
0x359: {  	s0 =	sadd.s32 @!p0 $0x100000, s0  }
0x35a: {  	[sflag:s0] =	ssyncadd.tile.s32 @!p0 $0x1;
	_ =	shalt  }
.Lfunc_end2:
_tile_overlayer_lowered:
.L_overlay_start_2:
0x35b: {  	(tag) =	ssettag $0x2  }
0x35c: {  	s0 =	rddreg [dreg:$0x0];
	s2 =	stileid.u32  }
0x35d: {  	s1 =	rddreg [dreg:$0x1];
	p0 =	sne.s32 s2, $0x0  }
0x35e: {  	s3 =	rddreg [dreg:$0x2];
	[bflag:$0x3] =	sbarrier.arrive $0xFFFF;
	s2 =	simm.s32 @!p0 $0x1C03  }
0x35f: {  	[timem:s3], [sflag:s2] =	dma.local @!p0 [hbm:s0], s1  }
0x360: {  	s0 =	simm.s32 @!p0 $0x3  }
0x361: {  	_ =	swait.ge @!p0 [sflag:s0], s1  }
0x362: {  	s1 =	ssub.s32 @!p0 $0x0, s1;
	[sflag:s0] =	ssyncset.done @!p0 $0x0  }
0x363: {  	[sflag:s0] =	ssyncadd.s32 @!p0 s1  }
0x364: {  	[bflag:$0x3] =	sbarrier.arrive $0xFFFF  }
0x365: {  	_ =	shalt  }

// kernel: kernel.8.cloned.1.call-start
scs
__scs_entry_jumppad:
0x0: {  	(pc) =	sbr.rel $0x88, $3  }
0x1: {  	(tag) =	ssettag $0x0;
	lr =	simm.s32 $0x1  }
0x2: {  	[smem:$0x3F9B] =	sst lr;
	_ =	strace $0xD0000000  }
0x3: {  	_ = 	snop  }
0x4: {  	_ = 	snop  }
0x5: {  	_ = 	snop  }
0x6: {  	_ = 	snop  }
0x7: {  	_ = 	snop  }
__scs_overlays_trampoline_lowered:
0x8: {  	[smem:$0x3FAA] =	sst s0  }
0x9: {  	[smem:$0x3FAB] =	sst s1  }
0xa: {  	[smem:$0x3FAC] =	sst s2  }
0xb: {  	[smem:$0x3FAD] =	sst s3  }
0xc: {  	[smem:$0x3FAE] =	sst s4  }
0xd: {  	[smem:$0x3FAF] =	sst s5  }
0xe: {  	[smem:$0x3FB0] =	sst s6  }
0xf: {  	[smem:$0x3FB1] =	sst s7  }
0x10: {  	[smem:$0x3FB2] =	sst s8  }
0x11: {  	[smem:$0x3FB3] =	sst s9;
	s0 =	simm.s32 @!p0 $0x0  }
0x12: {  	s1 =	sld [smem:$0x3F99];
	s0 =	simm.s32 @p0 $0x1  }
0x13: {  	[smem:$0x3FB4] =	sst s0;
	s0 =	simm.s32 @!p1 $0x0  }
0x14: {  	s2 =	sld [smem:$0x3F98];
	s0 =	simm.s32 @p1 $0x1  }
0x15: {  	[smem:$0x3FB5] =	sst s0;
	s0 =	simm.s32 @!p2 $0x0  }
0x16: {  	s3 =	sld [smem:$0x3FDB];
	s0 =	simm.s32 @p2 $0x1  }
0x17: {  	s4 =	simm.s32 $0x1BF5;
	[smem:$0x3FB7] =	sst s0  }
0x18: {  	s0 =	sld [smem:$0x3F9A];
	_ =	swait.ge [sflag:s4], $0x0  }
0x19: {  	s7 =	sld [smem:$0x3F9B]  }
0x1a: {  	s8 =	sadd.s32 $0xFFFFE003, lr  }
0x1b: {  	s9 =	sadd.s32 $0xFFFFFEF7, lr;
	s5 =	simm.s32 $0xFFFFFFFF;
	p2 =	slt.u32 s8, $0xFFFFF086  }
0x1c: {  	p1 =	slt.u32 s9, $0xF7A;
	s5 =	simm.s32 @!p2 $0x0  }
0x1d: {  	s5 =	simm.s32 @p1 $0x1;
	p0 =	seq.s32 s7, s2  }
0x1e: {  	s7 =	smul.u32 @!p0 $0xF7A, s2;
	p2 =	seq.s32 @!p0 s5, $0x0  }
0x1f: {  	s9 =	smul.u32 $0xF7A, s1;
	s8 =	simm.s32 @!p0 $0x1BF5;
	p2 =	por !p2, p0  }
0x20: {  	[sflag:s8] =	ssyncset.s32 @!p0 $0xFFFFF086;
	s6 =	sadd.s32 @!p0 s3, s7;
	s7 =	simm.s32 @!p0 $0x108  }
0x21: {  	s3 =	sadd.s32 s3, s9;
	s6 =	sadd.s32 @!p0 $0x88, s6;
	s7 =	simm.s32 @p2 $0x1082  }
0x22: {  	[simem:s7], [sflag:s8] =	dma.local @!p0 [hbm:s6], $0xF7A  }
0x23: {  	s9 =	sor.u32 $0xD0000000, s2;
	s6 =	simm.s32 $0x108;
	_ =	swait.ge @!p0 [sflag:s8], $0x0  }
0x24: {  	s3 =	sadd.s32 $0x88, s3;
	s6 =	simm.s32 @!p1 $0x1082;
	[sflag:s4] =	ssyncset.s32 $0xFFFFF086  }
0x25: {  	[simem:s6], [sflag:s4] =	dma.local [hbm:s3], $0xF7A  }
0x26: {  	[smem:$0x3F9B] =	sst s1;
	(tag) =	ssettag s2;
	_ =	strace s9  }
0x27: {  	s1 =	sld [smem:$0x3FAB]  }
0x28: {  	s2 =	sld [smem:$0x3FAC]  }
0x29: {  	s4 =	sld [smem:$0x3FAE]  }
0x2a: {  	p0 =	seq.s32 s5, $0x0;
	s5 =	sld [smem:$0x3FAF]  }
0x2b: {  	s6 =	sld [smem:$0x3FB0]  }
0x2c: {  	s7 =	sld [smem:$0x3FB1]  }
0x2d: {  	s3 =	simm.s32 $0x108;
	s8 =	sld [smem:$0x3FB2]  }
0x2e: {  	s3 =	simm.s32 @!p0 $0x1082;
	s9 =	sld [smem:$0x3FB3]  }
0x2f: {  	lr =	sadd.s32 s0, s3;
	s0 =	sld [smem:$0x3FAA]  }
0x30: {  	s3 =	sld [smem:$0x3FAD]  }
0x31: {  	[smem:$0x3FB6] =	sst s10  }
0x32: {  	s10 =	sld [smem:$0x3FB4];
	_ =	sdelay $0x3  }
0x33: {  	p0 =	seq.s32 s10, $0x1;
	s10 =	sld [smem:$0x3FB6];
	_ =	sdelay $0x3  }
0x34: {  	[smem:$0x3FB6] =	sst s10  }
0x35: {  	s10 =	sld [smem:$0x3FB5];
	_ =	sdelay $0x3  }
0x36: {  	p1 =	seq.s32 s10, $0x1;
	s10 =	sld [smem:$0x3FB6];
	_ =	sdelay $0x3  }
0x37: {  	[smem:$0x3FB6] =	sst s10  }
0x38: {  	s10 =	sld [smem:$0x3FB7]  }
0x39: {  	_ = 	snop;
	(pc) =	sbr.ind lr, $3  }
0x3a: {  	_ = 	snop  }
0x3b: {  	_ = 	snop  }
0x3c: {  	p2 =	seq.s32 s10, $0x1;
	s10 =	sld [smem:$0x3FB6]  }
0x3d: {  	_ =	shalt  }
0x3e: {  	_ =	shalt  }
0x3f: {  	_ =	shalt  }
0x40: {  	_ =	shalt  }
0x41: {  	_ =	shalt  }
0x42: {  	_ =	shalt  }
0x43: {  	_ =	shalt  }
0x44: {  	_ =	shalt  }
0x45: {  	_ =	shalt  }
0x46: {  	_ =	shalt  }
0x47: {  	_ =	shalt  }
0x48: {  	_ =	shalt  }
0x49: {  	_ =	shalt  }
0x4a: {  	_ =	shalt  }
0x4b: {  	_ =	shalt  }
0x4c: {  	_ =	shalt  }
0x4d: {  	_ =	shalt  }
0x4e: {  	_ =	shalt  }
0x4f: {  	_ =	shalt  }
0x50: {  	_ =	shalt  }
0x51: {  	_ =	shalt  }
0x52: {  	_ =	shalt  }
0x53: {  	_ =	shalt  }
0x54: {  	_ =	shalt  }
0x55: {  	_ =	shalt  }
0x56: {  	_ =	shalt  }
0x57: {  	_ =	shalt  }
0x58: {  	_ =	shalt  }
0x59: {  	_ =	shalt  }
0x5a: {  	_ =	shalt  }
0x5b: {  	_ =	shalt  }
0x5c: {  	_ =	shalt  }
0x5d: {  	_ =	shalt  }
0x5e: {  	_ =	shalt  }
0x5f: {  	_ =	shalt  }
0x60: {  	_ =	shalt  }
0x61: {  	_ =	shalt  }
0x62: {  	_ =	shalt  }
0x63: {  	_ =	shalt  }
0x64: {  	_ =	shalt  }
0x65: {  	_ =	shalt  }
0x66: {  	_ =	shalt  }
0x67: {  	_ =	shalt  }
0x68: {  	_ =	shalt  }
0x69: {  	_ =	shalt  }
0x6a: {  	_ =	shalt  }
0x6b: {  	_ =	shalt  }
0x6c: {  	_ =	shalt  }
0x6d: {  	_ =	shalt  }
0x6e: {  	_ =	shalt  }
0x6f: {  	_ =	shalt  }
0x70: {  	_ =	shalt  }
0x71: {  	_ =	shalt  }
0x72: {  	_ =	shalt  }
0x73: {  	_ =	shalt  }
0x74: {  	_ =	shalt  }
0x75: {  	_ =	shalt  }
0x76: {  	_ =	shalt  }
0x77: {  	_ =	shalt  }
0x78: {  	_ =	shalt  }
0x79: {  	_ =	shalt  }
0x7a: {  	_ =	shalt  }
0x7b: {  	_ =	shalt  }
0x7c: {  	_ =	shalt  }
0x7d: {  	_ =	shalt  }
0x7e: {  	_ =	shalt  }
0x7f: {  	_ =	shalt  }
0x80: {  	_ =	shalt  }
0x81: {  	_ =	shalt  }
0x82: {  	_ =	shalt  }
0x83: {  	_ =	shalt  }
0x84: {  	_ =	shalt  }
0x85: {  	_ =	shalt  }
0x86: {  	_ =	shalt  }
0x87: {  	_ =	shalt  }
.Lfunc_end0:
.L_simem_size_0:
called_computation_lowered:
.L_overlay_start_0:
0x88: {  	s2 =	sld [smem:$0x3FD9]  }
0x89: {  	s3 =	sld [smem:$0x3FFE];
	_ =	sdelay $0x1  }
0x8a: {  	s1 =	srdreg.scid  }
0x8b: {  	s0 =	sand.u32 $0x1, s1  }
0x8c: {  	s17 =	sshll.u32 s0, $0xA;
	s2 =	sadd.s32 s3, s2  }
0x8d: {  	s2 =	sadd.s32 s2, s17  }
0x8e: {  	[smem:$0x3FC2] =	sst s2  }
0x8f: {  	_ = 	snop  }
0x90: {  	s2 =	sld [smem:$0x3FD0];
	(tm) =	ssettm $0x1  }
0x91: {  	s18 =	sld [smem:$0x3FFB];
	_ =	sdelay $0x3  }
0x92: {  	_ =	strace s18  }
0x93: {  	s3 =	sld [smem:$0x3FFC];
	_ =	sdelay $0x3  }
0x94: {  	_ =	strace s3  }
0x95: {  	s3 =	sld [smem:$0x3FFD];
	_ =	sdelay $0x3  }
0x96: {  	_ =	strace s3  }
0x97: {  	_ =	strace $0x8FFFFFFF  }
0x98: {  	s19 =	sld [smem:$0x3FDB];
	_ =	sdelay $0x1  }
0x99: {  	s4 =	simm.s32 $_scs_section_size  }
0x9a: {  	s5 =	simm.s32 $_size__tile_overlayer_lowered;
	s6 =	simm.s32 $_tile_overlayer_lowered  }
0x9b: {  	s22 =	simm.s32 $0x1BFF;
	s21 =	sshll.u32 s6, $0x1;
	s3 =	sadd.s32 s4, s19  }
0x9c: {  	s7 =	simm.s32 $0x0;
	s20 =	sshll.u32 s5, $0x1;
	s5 =	sadd.s32 s21, s3  }
0x9d: {  	[timem:s7], [sflag:s22] =	dma.local [hbm:s5], s20  }
0x9e: {  	_ =	swait.ge [sflag:s22], s20  }
0x9f: {  	s4 =	ssub.s32 $0x0, s20;
	[sflag:s22] =	ssyncset.done $0x0  }
0xa0: {  	[sflag:s22] =	ssyncadd.s32 s4;
	_ =	sdelay $0x1  }
0xa1: {  	s23 =	simm.s32 $0x1B8B  }
0xa2: {  	_ =	swait.ge [sflag:s23], $0x1  }
0xa3: {  	[sflag:s23] =	ssyncset.done $0x0  }
0xa4: {  	s25 =	simm.s32 $0x1B8E;
	s24 =	sld [smem:$0x3FFE];
	[sflag:s23] =	ssyncadd.s32 $0xFFFFFFFF  }
0xa5: {  	s26 =	simm.s32 $execute0_lowered;
	[smem:$0x3FD2] =	sst s25  }
0xa6: {  	s5 =	sshll.u32 s26, $0x1;
	_ =	strace $0x80000046;
	[dreg:$0x1] =	wrdreg $0xFFFFFFFF  }
0xa7: {  	s28 =	simm.s32 $_size_execute0_lowered;
	s3 =	sadd.s32 s3, s5;
	[dreg:$0x0] =	wrdreg $0x0  }
0xa8: {  	s5 =	sshll.u32 s28, $0x1;
	[dreg:$0x2] =	wrdreg s3  }
0xa9: {  	[dreg:$0x3] =	wrdreg s5  }
0xaa: {  	[dreg:$0x4] =	wrdreg $0xC0  }
0xab: {  	_ =	task [dreg:s7], $0x5FFFF  }
0xac: {  	[dreg:$0x1] =	wrdreg $0xFFFFFFFF  }
0xad: {  	[dreg:$0x0] =	wrdreg $0x60  }
0xae: {  	[dreg:$0x2] =	wrdreg s2  }
0xaf: {  	[dreg:$0x3] =	wrdreg s24  }
0xb0: {  	[dreg:$0x4] =	wrdreg $0x58000  }
0xb1: {  	[dreg:$0x5] =	wrdreg $0x9  }
0xb2: {  	_ =	task.clear_ibuf [dreg:s7], $0x6FFFF;
	_ =	strace $0x90000046  }
0xb3: {  	s29 =	simm.s32 $0x9;
	_ =	strace $0x80000048  }
0xb4: {  	_ =	swait.ge [sflag:s29], $0x1  }
0xb5: {  	[sflag:s29] =	ssyncadd.s32 $0xFFFFFFFF  }
0xb6: {  	_ =	strace $0x90000048  }
0xb7: {  	_ =	sfence  }
0xb8: {  	s30 =	sld [smem:$0x0];
	_ =	sdelay $0x2  }
0xb9: {  	s31 =	sshll.u32 s1, $0xD;
	s1 =	sshrl.u32 s1, $0x2  }
0xba: {  	s3 =	sand.u32 $0x4000, s31;
	s1 =	sadd.s32 s1, s30  }
0xbb: {  	s0 =	sor.u32 s3, s0;
	s1 =	sshll.u32 s1, $0x11  }
0xbc: {  	s0 =	sor.u32 s1, s0  }
0xbd: {  	s0 =	sadd.s32 $0x8F2B, s0  }
0xbe: {  	[sflag:s0] =	ssyncadd.remote.s32 $0x1  }
0xbf: {  	_ =	sfence.sel $0xFFFF  }
0xc0: {  	[dreg:$0x0] =	wrdreg $0xFFFFFFFF;
	(pc) =	sbr.abs _section_cstart, $3  }
0xc1: {  	[dreg:$0x1] =	wrdreg $0xFFFFFFFF  }
0xc2: {  	_ =	task.clear_ibuf [dreg:s7], $0x2FFFF;
	_ =	strace $0x9FFFFFFF  }
0xc3: {  	(tm) =	ssettm $0x7FFFFFFF  }
tec
execute0_lowered:
.L_overlay_start_1:
0x0: {  	(tag) =	ssettag $0x1  }
0x1: {  	s5 =	rddreg [dreg:$0x0]  }
0x2: {  	s4 =	rddreg [dreg:$0x1];
	s1 =	srdreg.scid  }
0x3: {  	s0 =	stileid.u32;
	s2 =	rddreg [dreg:$0x2];
	s3 =	simm.s32 $0x0  }
0x4: {  	s11 =	simm.s32 $0x2800;
	s6 =	sand.u32 $0x1, s1;
	s1 =	rddreg [dreg:$0x3]  }
0x5: {  	s12 =	simm.s32 $0x1;
	s7 =	smul.u32 $0x2800, s0;
	[smem:$0x7FF] =	sst s3  }
0x6: {  	s13 =	sshll.u32 s0, $0x6;
	s8 =	smul.u32 $0x28000, s6;
	s9 =	sshll.u32 s6, $0x4  }
0x7: {  	s6 =	ssub.s32 $0x2, s6;
	_ =	strace $0x80000047;
	s9 =	sor.u32 s0, s9  }
0x8: {  	s10 =	sshrl.u32 s6, $0x1;
	s8 =	sadd.s32 s7, s8;
	s9 =	smul.u32 $0x500, s9  }
0x9: {  	s13 =	sor.u32 $0x1C02, s13;
	s10 =	ssub.s32 s6, s10;
	s8 =	sshrl.u32 s8, $0x3  }
0xa: {  	s8 =	sadd.s32 s8, s4;
	s4 =	sadd.s32 s7, s2;
	s5 =	sadd.s32 s5, s9  }
0xb: {  	s7 =	smax.u32 s10, $0x1;
	s9 =	simm.s32 $0x2;
	s10 =	simm.s32 $0x80  }
0xc: {  	v0 =	vimm.f32 $1.000000000e+00;
	v1 =	vimm.f32 $0.0e+00;
	s6 =	sadd.s32 $0x2400, s8;
	s8 =	simm.s32 $0x3000;
	s14 =	sshrl.u32 s4, $0x3  }
.LBB2_1:
0xd: {  	s15 =	simm.s32 $0x0  }
.LBB2_2:
0xe: {  	p0 =	sne.s32 s15, $0x1FC0  }
.Ltmp0:
0xf: {  	_ = 	snop;
	(pc) =	sbr.rel @p0 .LBB2_2-.Ltmp0, $3  }
0x10: {  	_ =	sdelay $0x1  }
0x11: {  	s16 =	sshra.s32 s15, $0x2  }
0x12: {  	s15 =	sadd.s32 $0x40, s15;
	[tilespmem:s16+$0x2800] =	vst v0  }
0x13: {  	s15 =	simm.s32 $0x40;
	s16 =	simm.s32 $0x0  }
.LBB2_4:
0x14: {  	p0 =	sne.s32 s15, $0x9FC0;
	[tilespmem:s16+$0x3000] =	vst v1;
	s16 =	smov.u32 s15;
	s15 =	sadd.s32 $0x40, s15  }
.Ltmp1:
0x15: {  	(pc) =	sbr.rel @p0 .LBB2_4-.Ltmp1, $2  }
0x16: {  	_ =	sdelay $0x2  }
0x17: {  	s16 =	sshra.s32 s16, $0x2  }
0x18: {  	[tilespmem:s16+$0x3000] =	vst v1  }
0x19: {  	[spmem:s4] =	stream.linear.scatter [tilespmem:s8], [sflag:$0x2], $0x2800, $0x38;
	[tilespmem:$0x8000] =	vst v63  }
0x1a: {  	_ =	swait.ge [sflag:s9], $0x2800  }
0x1b: {  	[sflag:s9] =	ssyncset.done $0x0  }
0x1c: {  	s15 =	simm.s32 $0x0;
	[sflag:s9] =	ssyncadd.s32 $0xFFFFD800  }
0x1d: {  	[tilespmem:s15], [sflag:$0x2] =	stream.linear.gather [hbm4b:s5+s15], $0x2800, $0x38;
	[tilespmem:$0x8000] =	vst v63  }
0x1e: {  	_ =	swait.ge [sflag:s9], $0x2800  }
0x1f: {  	[sflag:s9] =	ssyncset.done $0x0  }
0x20: {  	[sflag:s9] =	ssyncadd.s32 $0xFFFFD800  }
0x21: {  	[bflag:$0x0] =	sbarrier.arrive $0xFFFF  }
.LBB2_6:
0x22: {  	p0 =	sne.s32 s15, $0x9E00  }
.Ltmp2:
0x23: {  	_ = 	snop;
	(pc) =	sbr.rel @p0 .LBB2_6-.Ltmp2, $3  }
0x24: {  	_ =	sdelay $0x1  }
0x25: {  	s16 =	sshra.s32 s15, $0x2;
	s15 =	sadd.s32 $0x200, s15  }
0x26: {  	[spmem:s2] =	stream.indirect.scatter.add.f32 [tilespmem:s11], [sflag:$0x1], $0x10, s16, s10, $0xb8;
	[tilespmem:$0x8000] =	vst v63  }
0x27: {  	_ =	swait.ge [sflag:s12], $0x800  }
0x28: {  	s15 =	simm.s32 $0x4F;
	[sflag:s12] =	ssyncset.done $0x0  }
.LBB2_8:
0x29: {  	p0 =	sne.s32 s15, $0x1;
	s15 =	sadd.s32 $0xFFFFFFFF, s15;
	[sflag:s12] =	ssyncadd.s32 $0xFFFFF800  }
.Ltmp3:
0x2a: {  	(pc) =	sbr.rel @p0 .LBB2_8-.Ltmp3, $3  }
0x2b: {  	_ =	sdelay $0x1  }
0x2c: {  	_ =	swait.ge [sflag:s12], $0x800  }
0x2d: {  	[sflag:s12] =	ssyncset.done $0x0  }
0x2e: {  	s3 =	sadd.s32 $0x1, s3  }
0x2f: {  	[sflag:s12] =	ssyncadd.s32 $0xFFFFF800;
	p0 =	sne.s32 s3, s7  }
.Ltmp4:
0x30: {  	[bflag:$0x0] =	sbarrier.arrive $0xFFFF;
	(pc) =	sbr.rel @p0 .LBB2_1-.Ltmp4, $4  }
0x31: {  	[hbm:s6], [sflag:s13] =	dma.local [spmem:s14], $0x500  }
0x32: {  	_ =	swait.ge [sflag:s9], $0x500  }
0x33: {  	[sflag:s9] =	ssyncset.done $0x0  }
0x34: {  	[sflag:s9] =	ssyncadd.s32 $0xFFFFFB00  }
0x35: {  	_ =	sfence.sel $0x180000  }
0x36: {  	[bflag:$0x0] =	sbarrier.arrive $0xFFFF  }
0x37: {  	p0 =	sne.s32 s0, $0x0;
	_ =	strace $0x90000047  }
0x38: {  	s0 =	sadd.s32 @!p0 $0x100000, s1;
	[bflag:$0x2] =	sbarrier.arrive $0xFFFF  }
0x39: {  	[sflag:s0] =	ssyncadd.tile.s32 @!p0 $0x1;
	_ =	shalt  }
.Lfunc_end2:
_tile_overlayer_lowered:
.L_overlay_start_2:
0x3a: {  	(tag) =	ssettag $0x2  }
0x3b: {  	s0 =	rddreg [dreg:$0x0];
	s2 =	stileid.u32  }
0x3c: {  	s1 =	rddreg [dreg:$0x1];
	p0 =	sne.s32 s2, $0x0  }
0x3d: {  	s3 =	rddreg [dreg:$0x2];
	[bflag:$0x3] =	sbarrier.arrive $0xFFFF;
	s2 =	simm.s32 @!p0 $0x1C02  }
0x3e: {  	[timem:s3], [sflag:s2] =	dma.local @!p0 [hbm:s0], s1  }
0x3f: {  	s0 =	simm.s32 @!p0 $0x2  }
0x40: {  	_ =	swait.ge @!p0 [sflag:s0], s1  }
0x41: {  	s1 =	ssub.s32 @!p0 $0x0, s1;
	[sflag:s0] =	ssyncset.done @!p0 $0x0  }
0x42: {  	[sflag:s0] =	ssyncadd.s32 @!p0 s1  }
0x43: {  	[bflag:$0x3] =	sbarrier.arrive $0xFFFF  }
0x44: {  	_ =	shalt  }

</sc_bundles>
